<compile_context>
chip_gen: v7x
topology: tpu7x:2x2x1
jax: 0.10.2.dev20260603
libtpu: 0.0.44.dev20260713+nightly
codegen_flags: <defaults>
</compile_context>

<pallas_src>
import functools

import jax
import jax.numpy as jnp
from jax import lax
from jax.experimental import pallas as pl
from jax.experimental.pallas import tpu as pltpu
from jax.experimental.pallas import tpu_sc as plsc

NUM_EMB = 1000000
HALF = NUM_EMB // 2
DIM = 32
ROWS, COLS = 16384, 50
PAD_COLS, PAD_DIM = 56, 128
B = ROWS * COLS
NC, NS = 2, 16
NW = NC * NS
R_PER_W = ROWS // NW
T_PER_C = 32
CHUNK = T_PER_C * COLS
N_CHUNKS = R_PER_W // T_PER_C
L = 16
K_GROUPS = CHUNK // L
SENT = -1


@functools.partial(
    pl.kernel,
    mesh=plsc.VectorSubcoreMesh(core_axis_name="c", subcore_axis_name="s"),
    out_type=jax.ShapeDtypeStruct((ROWS, PAD_COLS, PAD_DIM), jnp.float32),
    compiler_params=pltpu.CompilerParams(use_tc_tiling_on_sc=False),
    scratch_types=[
        pltpu.VMEM((2, CHUNK), jnp.int32),
        pltpu.VMEM((2, 2, CHUNK), jnp.int32),
        pltpu.VMEM((CHUNK, DIM), jnp.float32),
        pltpu.VMEM((CHUNK, DIM), jnp.float32),
        pltpu.SemaphoreType.DMA,
        pltpu.SemaphoreType.DMA,
        pltpu.SemaphoreType.DMA,
        pltpu.SemaphoreType.DMA,
        pltpu.SemaphoreType.DMA,
    ],
)
def _gather_sc(lo_hbm, hi_hbm, idx_hbm, out_hbm,
               idx_v, flt_v, row0, row1,
               sem_i, sem_g0, sem_g1, sem_w0, sem_w1):
    wid = lax.axis_index("s") * NC + lax.axis_index("c")
    base = wid * R_PER_W * COLS
    halves = (lo_hbm, hi_hbm)
    rows = (row0, row1)
    gsems = (sem_g0, sem_g1)
    wsems = (sem_w0, sem_w1)

    def compute_flt(p):
        def body(k, carry):
            ids = idx_v[p, pl.ds(k * L, L)]
            in_hi = ids >= HALF
            sent = jnp.full((L,), SENT, jnp.int32)
            flt_v[p, 0, pl.ds(k * L, L)] = lax.select(in_hi, sent, ids)
            flt_v[p, 1, pl.ds(k * L, L)] = lax.select(in_hi, ids - HALF, sent)
            return carry
        lax.fori_loop(0, K_GROUPS, body, 0)

    def issue_idx(c, p):
        return pltpu.async_copy(
            idx_hbm.at[pl.ds(base + c * CHUNK, CHUNK)], idx_v.at[p], sem_i
        )

    def drain_idx(c, p):
        pltpu.make_async_copy(
            idx_hbm.at[pl.ds(base + c * CHUNK, CHUNK)], idx_v.at[p], sem_i
        ).wait()

    def issue_gathers(p):
        for h in range(2):
            pltpu.async_copy(
                halves[h].at[plsc.Indices(flt_v.at[p, h], ignored_value=SENT)],
                rows[p],
                gsems[p],
            )

    def drain_gathers(p):
        for h in range(2):
            pltpu.make_async_copy(
                halves[h].at[plsc.Indices(flt_v.at[p, h], ignored_value=SENT)],
                rows[p],
                gsems[p],
            ).wait()

    def issue_writes(c, p):
        t0 = wid * R_PER_W + c * T_PER_C
        for j in range(T_PER_C):
            pltpu.async_copy(
                rows[p].at[pl.ds(j * COLS, COLS), :],
                out_hbm.at[t0 + j, pl.ds(0, COLS), pl.ds(0, DIM)],
                wsems[p],
            )

    def drain_writes(c, p):
        t0 = wid * R_PER_W + c * T_PER_C
        for j in range(T_PER_C):
            pltpu.make_async_copy(
                rows[p].at[pl.ds(j * COLS, COLS), :],
                out_hbm.at[t0 + j, pl.ds(0, COLS), pl.ds(0, DIM)],
                wsems[p],
            ).wait()

    pltpu.sync_copy(idx_hbm.at[pl.ds(base, CHUNK)], idx_v.at[0])
    issue_idx(1, 1)
    compute_flt(0)
    issue_gathers(0)

    def subchunk(c, p):
        @pl.when(c + 1 < N_CHUNKS)
        def _():
            drain_idx(c + 1, 1 - p)
            compute_flt(1 - p)
            @pl.when(c >= 1)
            def _():
                drain_writes(c - 1, 1 - p)
            issue_gathers(1 - p)
        drain_gathers(p)
        issue_writes(c, p)
        @pl.when(c + 2 < N_CHUNKS)
        def _():
            issue_idx(c + 2, p)

    def outer(g, carry):
        subchunk(2 * g, 0)
        subchunk(2 * g + 1, 1)
        return carry

    lax.fori_loop(0, N_CHUNKS // 2, outer, 0)
    drain_writes(N_CHUNKS - 2, 0)
    drain_writes(N_CHUNKS - 1, 1)


def kernel(token_ids, weight):
    idx = jnp.minimum(token_ids.reshape(-1), NUM_EMB - 1).astype(jnp.int32)
    out = _gather_sc(weight[:HALF], weight[HALF:], idx)
    return out[:, :COLS, :DIM]

# --- scband reference (transcript-rebuilt; emitter-appended) ---
"""Pipeline reference for scband-embedding-74964359185075 (READ-ONLY COPY).

The authoritative reference and input builder live on the scoring server;
editing this copy changes nothing except your own understanding.
"""

import jax, jax.numpy as jnp
import numpy as np

NUM_EMBEDDINGS = 1000000
EMBEDDING_DIM = 32

def setup_inputs(seed: int = 0) -> dict:
    key = jax.random.key(seed)
    k_idx, k_w = jax.random.split(key)
    token_ids = jax.random.randint(k_idx, (16384, 50), 0, NUM_EMBEDDINGS, dtype=jnp.int64 if jax.config.jax_enable_x64 else jnp.int32)
    # trunc_normal_(mean=0, std=1, a=-3, b=3)
    weight = jax.random.truncated_normal(k_w, -3.0, 3.0, (NUM_EMBEDDINGS, EMBEDDING_DIM), dtype=jnp.float32)
    return {"token_ids": token_ids, "weight": weight}

def reference(token_ids, weight):
    # self.weight[token_ids]
    return jnp.take(weight, token_ids, axis=0)

if __name__ == "__main__":
    import jax
    _d = setup_inputs()
    print(jax.jit(kernel)(*tuple(_d.values())))

</pallas_src>

<mosaic_0001>
#map = affine_map<(d0, d1) -> (0, 0)>
#map1 = affine_map<(d0, d1) -> (0)>
#map2 = affine_map<(d0, d1) -> (0, 0, 0)>
module attributes {stable_mosaic.version = 14 : i64} {
  func.func @_gather_sc(%arg0: i32, %arg1: i32, %arg2: memref<500000x32xf32, #tpu.memory_space<hbm>>, %arg3: memref<500000x32xf32, #tpu.memory_space<hbm>>, %arg4: memref<819200xi32, #tpu.memory_space<hbm>>, %arg5: memref<16384x56x128xf32, #tpu.memory_space<hbm>>, %arg6: memref<2x1600xi32, #tpu.memory_space<vmem>>, %arg7: memref<2x2x1600xi32, #tpu.memory_space<vmem>>, %arg8: memref<1600x32xf32, #tpu.memory_space<vmem>>, %arg9: memref<1600x32xf32, #tpu.memory_space<vmem>>, %arg10: memref<!tpu.dma_semaphore, #tpu.memory_space<semaphore_mem>>, %arg11: memref<!tpu.dma_semaphore, #tpu.memory_space<semaphore_mem>>, %arg12: memref<!tpu.dma_semaphore, #tpu.memory_space<semaphore_mem>>, %arg13: memref<!tpu.dma_semaphore, #tpu.memory_space<semaphore_mem>>, %arg14: memref<!tpu.dma_semaphore, #tpu.memory_space<semaphore_mem>>) attributes {dimension_semantics = [#tpu.dimension_semantics<core_parallel>, #tpu.dimension_semantics<subcore_parallel>], iteration_bounds = array<i64: 2, 16>, scalar_prefetch = 0 : i64, scratch_operands = 9 : i64, tpu.core_type = #tpu.core_type<sc_vector_subcore>, window_params = [{transform_indices = #map}, {transform_indices = #map}, {transform_indices = #map1}, {transform_indices = #map2}]} {
    %mul3A = arith.constant 2 : i32
    %mul3A_0 = arith.muli %arg1, %mul3A : i32
    %add3A = arith.addi %mul3A_0, %arg0 : i32
    %mul3A_1 = arith.constant 512 : i32
    %mul3A_2 = arith.muli %add3A, %mul3A_1 : i32
    %mul3A_3 = arith.constant 50 : i32
    %mul3A_4 = arith.muli %mul3A_2, %mul3A_3 : i32
    %run_scoped3A = arith.constant 0 : i32
    "tpu.region"() ({
      %run_scoped3A_1075 = tpu.sem_alloc : memref<!tpu.dma_semaphore, #tpu.memory_space<semaphore_mem>>
      %dma_start3A_1076 = arith.constant 0 : i32
      %dma_start3A_1077 = tpu.memref_slice %arg6[%run_scoped3A, %dma_start3A_1076] : memref<2x1600xi32, #tpu.memory_space<vmem>> -> memref<1x1600xi32, #tpu.memory_space<vmem>>
      %dma_start3A_1078 = tpu.memref_squeeze %dma_start3A_1077 : memref<1x1600xi32, #tpu.memory_space<vmem>> -> memref<1600xi32, #tpu.memory_space<vmem>>
      %dma_start3A_1079 = tpu.memref_slice %arg4[%mul3A_4] : memref<819200xi32, #tpu.memory_space<hbm>> -> memref<1600xi32, #tpu.memory_space<hbm>>
      %dma_start3A_1080 = arith.constant 0 : i32
      %dma_start3A_1081 = tpu.memref_slice %arg6[%run_scoped3A, %dma_start3A_1080] : memref<2x1600xi32, #tpu.memory_space<vmem>> -> memref<1x1600xi32, #tpu.memory_space<vmem>>
      %dma_start3A_1082 = tpu.memref_squeeze %dma_start3A_1081 : memref<1x1600xi32, #tpu.memory_space<vmem>> -> memref<1600xi32, #tpu.memory_space<vmem>>
      %dma_start3A_1083 = tpu.memref_slice %arg4[%mul3A_4] : memref<819200xi32, #tpu.memory_space<hbm>> -> memref<1600xi32, #tpu.memory_space<hbm>>
      tpu.enqueue_dma source(%dma_start3A_1083 : memref<1600xi32, #tpu.memory_space<hbm>>) target(%dma_start3A_1082 : memref<1600xi32, #tpu.memory_space<vmem>>) target_semaphore(%run_scoped3A_1075 : memref<!tpu.dma_semaphore, #tpu.memory_space<semaphore_mem>>)
      %dma_wait3A_1084 = arith.constant 0 : i32
      %dma_wait3A_1085 = tpu.memref_slice %arg6[%run_scoped3A, %dma_wait3A_1084] : memref<2x1600xi32, #tpu.memory_space<vmem>> -> memref<1x1600xi32, #tpu.memory_space<vmem>>
      %dma_wait3A_1086 = tpu.memref_squeeze %dma_wait3A_1085 : memref<1x1600xi32, #tpu.memory_space<vmem>> -> memref<1600xi32, #tpu.memory_space<vmem>>
      %dma_wait3A_1087 = tpu.memref_slice %arg4[%mul3A_4] : memref<819200xi32, #tpu.memory_space<hbm>> -> memref<1600xi32, #tpu.memory_space<hbm>>
      %dma_wait3A_1088 = arith.constant 0 : i32
      %dma_wait3A_1089 = tpu.memref_slice %arg6[%run_scoped3A, %dma_wait3A_1088] : memref<2x1600xi32, #tpu.memory_space<vmem>> -> memref<1x1600xi32, #tpu.memory_space<vmem>>
      %dma_wait3A_1090 = tpu.memref_squeeze %dma_wait3A_1089 : memref<1x1600xi32, #tpu.memory_space<vmem>> -> memref<1600xi32, #tpu.memory_space<vmem>>
      %dma_wait3A_1091 = tpu.memref_slice %arg4[%mul3A_4] : memref<819200xi32, #tpu.memory_space<hbm>> -> memref<1600xi32, #tpu.memory_space<hbm>>
      tpu.wait_dma2 semaphore(%run_scoped3A_1075 : memref<!tpu.dma_semaphore, #tpu.memory_space<semaphore_mem>>) src(%dma_wait3A_1091 : memref<1600xi32, #tpu.memory_space<hbm>>) dst(%dma_wait3A_1090 : memref<1600xi32, #tpu.memory_space<vmem>>)
      tpu.yield
    }) : () -> ()
    %add3A_5 = arith.constant 1600 : i32
    %add3A_6 = arith.addi %mul3A_4, %add3A_5 : i32
    %dma_start3A = arith.constant 1 : i32
    %dma_start3A_7 = arith.constant 0 : i32
    %dma_start3A_8 = tpu.memref_slice %arg6[%dma_start3A, %dma_start3A_7] : memref<2x1600xi32, #tpu.memory_space<vmem>> -> memref<1x1600xi32, #tpu.memory_space<vmem>>
    %dma_start3A_9 = tpu.memref_squeeze %dma_start3A_8 : memref<1x1600xi32, #tpu.memory_space<vmem>> -> memref<1600xi32, #tpu.memory_space<vmem>>
    %dma_start3A_10 = tpu.memref_slice %arg4[%add3A_6] : memref<819200xi32, #tpu.memory_space<hbm>> -> memref<1600xi32, #tpu.memory_space<hbm>>
    %dma_start3A_11 = arith.constant 0 : i32
    %dma_start3A_12 = tpu.memref_slice %arg6[%dma_start3A, %dma_start3A_11] : memref<2x1600xi32, #tpu.memory_space<vmem>> -> memref<1x1600xi32, #tpu.memory_space<vmem>>
    %dma_start3A_13 = tpu.memref_squeeze %dma_start3A_12 : memref<1x1600xi32, #tpu.memory_space<vmem>> -> memref<1600xi32, #tpu.memory_space<vmem>>
    %dma_start3A_14 = tpu.memref_slice %arg4[%add3A_6] : memref<819200xi32, #tpu.memory_space<hbm>> -> memref<1600xi32, #tpu.memory_space<hbm>>
    tpu.enqueue_dma source(%dma_start3A_14 : memref<1600xi32, #tpu.memory_space<hbm>>) target(%dma_start3A_13 : memref<1600xi32, #tpu.memory_space<vmem>>) target_semaphore(%arg10 : memref<!tpu.dma_semaphore, #tpu.memory_space<semaphore_mem>>)
    %scan3A = arith.constant 0 : i32
    %scan3A_15 = arith.constant 0 : i32
    %scan3A_16 = arith.constant 100 : i32
    %scan3A_17 = arith.addi %scan3A_15, %scan3A_16 : i32
    %scan3A_18 = arith.constant 1 : i32
    scf.for %scan3A_1075 = %scan3A_15 to %scan3A_17 step %scan3A_18  : i32 {
      %mul3A_1076 = arith.constant 16 : i32
      %mul3A_1077 = arith.muli %scan3A_1075, %mul3A_1076 : i32
      %get3A = arith.constant 0 : i32
      %get3A_1078 = arith.index_cast %get3A : i32 to index
      %get3A_1079 = arith.index_cast %mul3A_1077 : i32 to index
      %get3A_1080 = tpu.vector_load %arg6[%get3A_1078, %get3A_1079] {strides = array<i32>} : memref<2x1600xi32, #tpu.memory_space<vmem>>, vector<1x16xi32>,
      %get3A_1081 = vector.shape_cast %get3A_1080 : vector<1x16xi32> to vector<16xi32>
      %ge3A = arith.constant 500000 : i32
      %ge3A_1082 = vector.broadcast %ge3A : i32 to vector<16xi32>
      %ge3A_1083 = arith.cmpi sge, %get3A_1081, %ge3A_1082 : vector<16xi32>
      %broadcast_in_dim3A = arith.constant -1 : i32
      %broadcast_in_dim3A_1084 = vector.broadcast %broadcast_in_dim3A : i32 to vector<16xi32>
      %select_n3A = arith.select %ge3A_1083, %broadcast_in_dim3A_1084, %get3A_1081 : vector<16xi1>, vector<16xi32>
      %mul3A_1085 = arith.constant 16 : i32
      %mul3A_1086 = arith.muli %scan3A_1075, %mul3A_1085 : i32
      %swap3A = arith.constant 0 : i32
      %swap3A_1087 = arith.constant 0 : i32
      %swap3A_1088 = arith.index_cast %swap3A : i32 to index
      %swap3A_1089 = arith.index_cast %swap3A_1087 : i32 to index
      %swap3A_1090 = arith.index_cast %mul3A_1086 : i32 to index
      %swap3A_1091 = tpu.vector_load %arg7[%swap3A_1088, %swap3A_1089, %swap3A_1090] {strides = array<i32>} : memref<2x2x1600xi32, #tpu.memory_space<vmem>>, vector<1x1x16xi32>,
      %swap3A_1092 = vector.shape_cast %swap3A_1091 : vector<1x1x16xi32> to vector<16xi32>
      %swap3A_1093 = vector.shape_cast %select_n3A : vector<16xi32> to vector<1x1x16xi32>
      tpu.vector_store %arg7[%swap3A_1088, %swap3A_1089, %swap3A_1090], %swap3A_1093 {strides = array<i32>} : memref<2x2x1600xi32, #tpu.memory_space<vmem>>, vector<1x1x16xi32>,
      %sub3A = arith.constant 500000 : i32
      %sub3A_1094 = vector.broadcast %sub3A : i32 to vector<16xi32>
      %sub3A_1095 = arith.subi %get3A_1081, %sub3A_1094 : vector<16xi32>
      %select_n3A_1096 = arith.select %ge3A_1083, %sub3A_1095, %broadcast_in_dim3A_1084 : vector<16xi1>, vector<16xi32>
      %mul3A_1097 = arith.constant 16 : i32
      %mul3A_1098 = arith.muli %scan3A_1075, %mul3A_1097 : i32
      %swap3A_1099 = arith.constant 0 : i32
      %swap3A_1100 = arith.constant 1 : i32
      %swap3A_1101 = arith.index_cast %swap3A_1099 : i32 to index
      %swap3A_1102 = arith.index_cast %swap3A_1100 : i32 to index
      %swap3A_1103 = arith.index_cast %mul3A_1098 : i32 to index
      %swap3A_1104 = tpu.vector_load %arg7[%swap3A_1101, %swap3A_1102, %swap3A_1103] {strides = array<i32>} : memref<2x2x1600xi32, #tpu.memory_space<vmem>>, vector<1x1x16xi32>,
      %swap3A_1105 = vector.shape_cast %swap3A_1104 : vector<1x1x16xi32> to vector<16xi32>
      %swap3A_1106 = vector.shape_cast %select_n3A_1096 : vector<16xi32> to vector<1x1x16xi32>
      tpu.vector_store %arg7[%swap3A_1101, %swap3A_1102, %swap3A_1103], %swap3A_1106 {strides = array<i32>} : memref<2x2x1600xi32, #tpu.memory_space<vmem>>, vector<1x1x16xi32>,
    }
    %scan3A_19 = arith.constant 100 : i32
    %dma_start3A_20 = arith.constant 0 : i32
    %dma_start3A_21 = arith.constant 0 : i32
    %dma_start3A_22 = arith.constant 0 : i32
    %dma_start3A_23 = tpu.memref_slice %arg7[%dma_start3A_20, %dma_start3A_21, %dma_start3A_22] : memref<2x2x1600xi32, #tpu.memory_space<vmem>> -> memref<1x1x1600xi32, #tpu.memory_space<vmem>>
    %dma_start3A_24 = tpu.memref_squeeze %dma_start3A_23 : memref<1x1x1600xi32, #tpu.memory_space<vmem>> -> memref<1600xi32, #tpu.memory_space<vmem>>
    %dma_start3A_25 = arith.constant 0 : i32
    %dma_start3A_26 = arith.constant 0 : i32
    %dma_start3A_27 = tpu.memref_slice %arg2[%dma_start3A_25, %dma_start3A_26] : memref<500000x32xf32, #tpu.memory_space<hbm>> -> memref<500000x32xf32, #tpu.memory_space<hbm>>
    %dma_start3A_28 = arith.constant -1 : i32
    tpu.enqueue_indirect_dma source(%dma_start3A_27 : memref<500000x32xf32, #tpu.memory_space<hbm>>) target(%arg8 : memref<1600x32xf32, #tpu.memory_space<vmem>>) offsets(%dma_start3A_24 : memref<1600xi32, #tpu.memory_space<vmem>>) offset_filter(%dma_start3A_28) semaphore(%arg11 : memref<!tpu.dma_semaphore, #tpu.memory_space<semaphore_mem>>)
    %dma_start3A_29 = arith.constant 0 : i32
    %dma_start3A_30 = arith.constant 1 : i32
    %dma_start3A_31 = arith.constant 0 : i32
    %dma_start3A_32 = tpu.memref_slice %arg7[%dma_start3A_29, %dma_start3A_30, %dma_start3A_31] : memref<2x2x1600xi32, #tpu.memory_space<vmem>> -> memref<1x1x1600xi32, #tpu.memory_space<vmem>>
    %dma_start3A_33 = tpu.memref_squeeze %dma_start3A_32 : memref<1x1x1600xi32, #tpu.memory_space<vmem>> -> memref<1600xi32, #tpu.memory_space<vmem>>
    %dma_start3A_34 = arith.constant 0 : i32
    %dma_start3A_35 = arith.constant 0 : i32
    %dma_start3A_36 = tpu.memref_slice %arg3[%dma_start3A_34, %dma_start3A_35] : memref<500000x32xf32, #tpu.memory_space<hbm>> -> memref<500000x32xf32, #tpu.memory_space<hbm>>
    %dma_start3A_37 = arith.constant -1 : i32
    tpu.enqueue_indirect_dma source(%dma_start3A_36 : memref<500000x32xf32, #tpu.memory_space<hbm>>) target(%arg8 : memref<1600x32xf32, #tpu.memory_space<vmem>>) offsets(%dma_start3A_33 : memref<1600xi32, #tpu.memory_space<vmem>>) offset_filter(%dma_start3A_37) semaphore(%arg11 : memref<!tpu.dma_semaphore, #tpu.memory_space<semaphore_mem>>)
    %scan3A_38 = arith.constant 0 : i32
    %scan3A_39 = arith.constant 0 : i32
    %scan3A_40 = arith.constant 8 : i32
    %scan3A_41 = arith.addi %scan3A_39, %scan3A_40 : i32
    %scan3A_42 = arith.constant 1 : i32
    scf.for %scan3A_1075 = %scan3A_39 to %scan3A_41 step %scan3A_42  : i32 {
      %mul3A_1076 = arith.constant 2 : i32
      %mul3A_1077 = arith.muli %mul3A_1076, %scan3A_1075 : i32
      %add3A_1078 = arith.constant 1 : i32
      %add3A_1079 = arith.addi %mul3A_1077, %add3A_1078 : i32
      %lt3A = arith.constant 16 : i32
      %lt3A_1080 = arith.cmpi slt, %add3A_1079, %lt3A : i32
      %convert_element_type3A = arith.extui %lt3A_1080 : i1 to i32
      %cond3A = arith.constant 0 : i32
      %cond3A_1081 = arith.cmpi ne, %convert_element_type3A, %cond3A : i32
      scf.if %cond3A_1081 {
        %add3A_2173 = arith.constant 1 : i32
        %add3A_2174 = arith.addi %mul3A_1077, %add3A_2173 : i32
        %mul3A_2175 = arith.constant 1600 : i32
        %mul3A_2176 = arith.muli %add3A_2174, %mul3A_2175 : i32
        %add3A_2177 = arith.addi %mul3A_4, %mul3A_2176 : i32
        %dma_wait3A_2178 = arith.constant 1 : i32
        %dma_wait3A_2179 = arith.constant 0 : i32
        %dma_wait3A_2180 = tpu.memref_slice %arg6[%dma_wait3A_2178, %dma_wait3A_2179] : memref<2x1600xi32, #tpu.memory_space<vmem>> -> memref<1x1600xi32, #tpu.memory_space<vmem>>
        %dma_wait3A_2181 = tpu.memref_squeeze %dma_wait3A_2180 : memref<1x1600xi32, #tpu.memory_space<vmem>> -> memref<1600xi32, #tpu.memory_space<vmem>>
        %dma_wait3A_2182 = tpu.memref_slice %arg4[%add3A_2177] : memref<819200xi32, #tpu.memory_space<hbm>> -> memref<1600xi32, #tpu.memory_space<hbm>>
        %dma_wait3A_2183 = arith.constant 0 : i32
        %dma_wait3A_2184 = tpu.memref_slice %arg6[%dma_wait3A_2178, %dma_wait3A_2183] : memref<2x1600xi32, #tpu.memory_space<vmem>> -> memref<1x1600xi32, #tpu.memory_space<vmem>>
        %dma_wait3A_2185 = tpu.memref_squeeze %dma_wait3A_2184 : memref<1x1600xi32, #tpu.memory_space<vmem>> -> memref<1600xi32, #tpu.memory_space<vmem>>
        %dma_wait3A_2186 = tpu.memref_slice %arg4[%add3A_2177] : memref<819200xi32, #tpu.memory_space<hbm>> -> memref<1600xi32, #tpu.memory_space<hbm>>
        tpu.wait_dma2 semaphore(%arg10 : memref<!tpu.dma_semaphore, #tpu.memory_space<semaphore_mem>>) src(%dma_wait3A_2186 : memref<1600xi32, #tpu.memory_space<hbm>>) dst(%dma_wait3A_2185 : memref<1600xi32, #tpu.memory_space<vmem>>)
        %scan3A_2187 = arith.constant 0 : i32
        %scan3A_2188 = arith.constant 0 : i32
        %scan3A_2189 = arith.constant 100 : i32
        %scan3A_2190 = arith.addi %scan3A_2188, %scan3A_2189 : i32
        %scan3A_2191 = arith.constant 1 : i32
        scf.for %scan3A_2215 = %scan3A_2188 to %scan3A_2190 step %scan3A_2191  : i32 {
          %mul3A_2216 = arith.constant 16 : i32
          %mul3A_2217 = arith.muli %scan3A_2215, %mul3A_2216 : i32
          %get3A = arith.constant 1 : i32
          %get3A_2218 = arith.index_cast %get3A : i32 to index
          %get3A_2219 = arith.index_cast %mul3A_2217 : i32 to index
          %get3A_2220 = tpu.vector_load %arg6[%get3A_2218, %get3A_2219] {strides = array<i32>} : memref<2x1600xi32, #tpu.memory_space<vmem>>, vector<1x16xi32>,
          %get3A_2221 = vector.shape_cast %get3A_2220 : vector<1x16xi32> to vector<16xi32>
          %ge3A_2222 = arith.constant 500000 : i32
          %ge3A_2223 = vector.broadcast %ge3A_2222 : i32 to vector<16xi32>
          %ge3A_2224 = arith.cmpi sge, %get3A_2221, %ge3A_2223 : vector<16xi32>
          %broadcast_in_dim3A = arith.constant -1 : i32
          %broadcast_in_dim3A_2225 = vector.broadcast %broadcast_in_dim3A : i32 to vector<16xi32>
          %select_n3A = arith.select %ge3A_2224, %broadcast_in_dim3A_2225, %get3A_2221 : vector<16xi1>, vector<16xi32>
          %mul3A_2226 = arith.constant 16 : i32
          %mul3A_2227 = arith.muli %scan3A_2215, %mul3A_2226 : i32
          %swap3A = arith.constant 1 : i32
          %swap3A_2228 = arith.constant 0 : i32
          %swap3A_2229 = arith.index_cast %swap3A : i32 to index
          %swap3A_2230 = arith.index_cast %swap3A_2228 : i32 to index
          %swap3A_2231 = arith.index_cast %mul3A_2227 : i32 to index
          %swap3A_2232 = tpu.vector_load %arg7[%swap3A_2229, %swap3A_2230, %swap3A_2231] {strides = array<i32>} : memref<2x2x1600xi32, #tpu.memory_space<vmem>>, vector<1x1x16xi32>,
          %swap3A_2233 = vector.shape_cast %swap3A_2232 : vector<1x1x16xi32> to vector<16xi32>
          %swap3A_2234 = vector.shape_cast %select_n3A : vector<16xi32> to vector<1x1x16xi32>
          tpu.vector_store %arg7[%swap3A_2229, %swap3A_2230, %swap3A_2231], %swap3A_2234 {strides = array<i32>} : memref<2x2x1600xi32, #tpu.memory_space<vmem>>, vector<1x1x16xi32>,
          %sub3A = arith.constant 500000 : i32
          %sub3A_2235 = vector.broadcast %sub3A : i32 to vector<16xi32>
          %sub3A_2236 = arith.subi %get3A_2221, %sub3A_2235 : vector<16xi32>
          %select_n3A_2237 = arith.select %ge3A_2224, %sub3A_2236, %broadcast_in_dim3A_2225 : vector<16xi1>, vector<16xi32>
          %mul3A_2238 = arith.constant 16 : i32
          %mul3A_2239 = arith.muli %scan3A_2215, %mul3A_2238 : i32
          %swap3A_2240 = arith.constant 1 : i32
          %swap3A_2241 = arith.constant 1 : i32
          %swap3A_2242 = arith.index_cast %swap3A_2240 : i32 to index
          %swap3A_2243 = arith.index_cast %swap3A_2241 : i32 to index
          %swap3A_2244 = arith.index_cast %mul3A_2239 : i32 to index
          %swap3A_2245 = tpu.vector_load %arg7[%swap3A_2242, %swap3A_2243, %swap3A_2244] {strides = array<i32>} : memref<2x2x1600xi32, #tpu.memory_space<vmem>>, vector<1x1x16xi32>,
          %swap3A_2246 = vector.shape_cast %swap3A_2245 : vector<1x1x16xi32> to vector<16xi32>
          %swap3A_2247 = vector.shape_cast %select_n3A_2237 : vector<16xi32> to vector<1x1x16xi32>
          tpu.vector_store %arg7[%swap3A_2242, %swap3A_2243, %swap3A_2244], %swap3A_2247 {strides = array<i32>} : memref<2x2x1600xi32, #tpu.memory_space<vmem>>, vector<1x1x16xi32>,
        }
        %scan3A_2192 = arith.constant 100 : i32
        %ge3A = arith.constant 1 : i32
        %ge3A_2193 = arith.cmpi sge, %mul3A_1077, %ge3A : i32
        %convert_element_type3A_2194 = arith.extui %ge3A_2193 : i1 to i32
        %cond3A_2195 = arith.constant 0 : i32
        %cond3A_2196 = arith.cmpi ne, %convert_element_type3A_2194, %cond3A_2195 : i32
        scf.if %cond3A_2196 {
          %sub3A = arith.constant 1 : i32
          %sub3A_2215 = arith.subi %mul3A_1077, %sub3A : i32
          %mul3A_2216 = arith.constant 512 : i32
          %mul3A_2217 = arith.muli %add3A, %mul3A_2216 : i32
          %mul3A_2218 = arith.constant 32 : i32
          %mul3A_2219 = arith.muli %sub3A_2215, %mul3A_2218 : i32
          %add3A_2220 = arith.addi %mul3A_2217, %mul3A_2219 : i32
          %add3A_2221 = arith.constant 0 : i32
          %add3A_2222 = arith.addi %add3A_2220, %add3A_2221 : i32
          %dma_wait3A_2223 = arith.constant 0 : i32
          %dma_wait3A_2224 = arith.constant 0 : i32
          %dma_wait3A_2225 = tpu.memref_slice %arg9[%dma_wait3A_2223, %dma_wait3A_2224] : memref<1600x32xf32, #tpu.memory_space<vmem>> -> memref<50x32xf32, #tpu.memory_space<vmem>>
          %dma_wait3A_2226 = arith.constant 0 : i32
          %dma_wait3A_2227 = arith.constant 0 : i32
          %dma_wait3A_2228 = tpu.memref_slice %arg5[%add3A_2222, %dma_wait3A_2226, %dma_wait3A_2227] : memref<16384x56x128xf32, #tpu.memory_space<hbm>> -> memref<1x50x32xf32, #tpu.memory_space<hbm>>
          %dma_wait3A_2229 = tpu.memref_squeeze %dma_wait3A_2228 : memref<1x50x32xf32, #tpu.memory_space<hbm>> -> memref<50x32xf32, #tpu.memory_space<hbm>>
          %dma_wait3A_2230 = arith.constant 0 : i32
          %dma_wait3A_2231 = arith.constant 0 : i32
          %dma_wait3A_2232 = tpu.memref_slice %arg5[%add3A_2222, %dma_wait3A_2230, %dma_wait3A_2231] : memref<16384x56x128xf32, #tpu.memory_space<hbm>> -> memref<1x50x32xf32, #tpu.memory_space<hbm>>
          %dma_wait3A_2233 = tpu.memref_squeeze %dma_wait3A_2232 : memref<1x50x32xf32, #tpu.memory_space<hbm>> -> memref<50x32xf32, #tpu.memory_space<hbm>>
          %dma_wait3A_2234 = arith.constant 0 : i32
          %dma_wait3A_2235 = arith.constant 0 : i32
          %dma_wait3A_2236 = tpu.memref_slice %arg9[%dma_wait3A_2234, %dma_wait3A_2235] : memref<1600x32xf32, #tpu.memory_space<vmem>> -> memref<50x32xf32, #tpu.memory_space<vmem>>
          tpu.wait_dma2 semaphore(%arg14 : memref<!tpu.dma_semaphore, #tpu.memory_space<semaphore_mem>>) src(%dma_wait3A_2236 : memref<50x32xf32, #tpu.memory_space<vmem>>) dst(%dma_wait3A_2233 : memref<50x32xf32, #tpu.memory_space<hbm>>)
          %add3A_2237 = arith.constant 1 : i32
          %add3A_2238 = arith.addi %add3A_2220, %add3A_2237 : i32
          %dma_wait3A_2239 = arith.constant 50 : i32
          %dma_wait3A_2240 = arith.constant 0 : i32
          %dma_wait3A_2241 = tpu.memref_slice %arg9[%dma_wait3A_2239, %dma_wait3A_2240] : memref<1600x32xf32, #tpu.memory_space<vmem>> -> memref<50x32xf32, #tpu.memory_space<vmem>>
          %dma_wait3A_2242 = arith.constant 0 : i32
          %dma_wait3A_2243 = arith.constant 0 : i32
          %dma_wait3A_2244 = tpu.memref_slice %arg5[%add3A_2238, %dma_wait3A_2242, %dma_wait3A_2243] : memref<16384x56x128xf32, #tpu.memory_space<hbm>> -> memref<1x50x32xf32, #tpu.memory_space<hbm>>
          %dma_wait3A_2245 = tpu.memref_squeeze %dma_wait3A_2244 : memref<1x50x32xf32, #tpu.memory_space<hbm>> -> memref<50x32xf32, #tpu.memory_space<hbm>>
          %dma_wait3A_2246 = arith.constant 0 : i32
          %dma_wait3A_2247 = arith.constant 0 : i32
          %dma_wait3A_2248 = tpu.memref_slice %arg5[%add3A_2238, %dma_wait3A_2246, %dma_wait3A_2247] : memref<16384x56x128xf32, #tpu.memory_space<hbm>> -> memref<1x50x32xf32, #tpu.memory_space<hbm>>
          %dma_wait3A_2249 = tpu.memref_squeeze %dma_wait3A_2248 : memref<1x50x32xf32, #tpu.memory_space<hbm>> -> memref<50x32xf32, #tpu.memory_space<hbm>>
          %dma_wait3A_2250 = arith.constant 50 : i32
          %dma_wait3A_2251 = arith.constant 0 : i32
          %dma_wait3A_2252 = tpu.memref_slice %arg9[%dma_wait3A_2250, %dma_wait3A_2251] : memref<1600x32xf32, #tpu.memory_space<vmem>> -> memref<50x32xf32, #tpu.memory_space<vmem>>
          tpu.wait_dma2 semaphore(%arg14 : memref<!tpu.dma_semaphore, #tpu.memory_space<semaphore_mem>>) src(%dma_wait3A_2252 : memref<50x32xf32, #tpu.memory_space<vmem>>) dst(%dma_wait3A_2249 : memref<50x32xf32, #tpu.memory_space<hbm>>)
          %add3A_2253 = arith.constant 2 : i32
          %add3A_2254 = arith.addi %add3A_2220, %add3A_2253 : i32
          %dma_wait3A_2255 = arith.constant 100 : i32
          %dma_wait3A_2256 = arith.constant 0 : i32
          %dma_wait3A_2257 = tpu.memref_slice %arg9[%dma_wait3A_2255, %dma_wait3A_2256] : memref<1600x32xf32, #tpu.memory_space<vmem>> -> memref<50x32xf32, #tpu.memory_space<vmem>>
          %dma_wait3A_2258 = arith.constant 0 : i32
          %dma_wait3A_2259 = arith.constant 0 : i32
          %dma_wait3A_2260 = tpu.memref_slice %arg5[%add3A_2254, %dma_wait3A_2258, %dma_wait3A_2259] : memref<16384x56x128xf32, #tpu.memory_space<hbm>> -> memref<1x50x32xf32, #tpu.memory_space<hbm>>
          %dma_wait3A_2261 = tpu.memref_squeeze %dma_wait3A_2260 : memref<1x50x32xf32, #tpu.memory_space<hbm>> -> memref<50x32xf32, #tpu.memory_space<hbm>>
          %dma_wait3A_2262 = arith.constant 0 : i32
          %dma_wait3A_2263 = arith.constant 0 : i32
          %dma_wait3A_2264 = tpu.memref_slice %arg5[%add3A_2254, %dma_wait3A_2262, %dma_wait3A_2263] : memref<16384x56x128xf32, #tpu.memory_space<hbm>> -> memref<1x50x32xf32, #tpu.memory_space<hbm>>
          %dma_wait3A_2265 = tpu.memref_squeeze %dma_wait3A_2264 : memref<1x50x32xf32, #tpu.memory_space<hbm>> -> memref<50x32xf32, #tpu.memory_space<hbm>>
          %dma_wait3A_2266 = arith.constant 100 : i32
          %dma_wait3A_2267 = arith.constant 0 : i32
          %dma_wait3A_2268 = tpu.memref_slice %arg9[%dma_wait3A_2266, %dma_wait3A_2267] : memref<1600x32xf32, #tpu.memory_space<vmem>> -> memref<50x32xf32, #tpu.memory_space<vmem>>
          tpu.wait_dma2 semaphore(%arg14 : memref<!tpu.dma_semaphore, #tpu.memory_space<semaphore_mem>>) src(%dma_wait3A_2268 : memref<50x32xf32, #tpu.memory_space<vmem>>) dst(%dma_wait3A_2265 : memref<50x32xf32, #tpu.memory_space<hbm>>)
          %add3A_2269 = arith.constant 3 : i32
          %add3A_2270 = arith.addi %add3A_2220, %add3A_2269 : i32
          %dma_wait3A_2271 = arith.constant 150 : i32
          %dma_wait3A_2272 = arith.constant 0 : i32
          %dma_wait3A_2273 = tpu.memref_slice %arg9[%dma_wait3A_2271, %dma_wait3A_2272] : memref<1600x32xf32, #tpu.memory_space<vmem>> -> memref<50x32xf32, #tpu.memory_space<vmem>>
          %dma_wait3A_2274 = arith.constant 0 : i32
          %dma_wait3A_2275 = arith.constant 0 : i32
          %dma_wait3A_2276 = tpu.memref_slice %arg5[%add3A_2270, %dma_wait3A_2274, %dma_wait3A_2275] : memref<16384x56x128xf32, #tpu.memory_space<hbm>> -> memref<1x50x32xf32, #tpu.memory_space<hbm>>
          %dma_wait3A_2277 = tpu.memref_squeeze %dma_wait3A_2276 : memref<1x50x32xf32, #tpu.memory_space<hbm>> -> memref<50x32xf32, #tpu.memory_space<hbm>>
          %dma_wait3A_2278 = arith.constant 0 : i32
          %dma_wait3A_2279 = arith.constant 0 : i32
          %dma_wait3A_2280 = tpu.memref_slice %arg5[%add3A_2270, %dma_wait3A_2278, %dma_wait3A_2279] : memref<16384x56x128xf32, #tpu.memory_space<hbm>> -> memref<1x50x32xf32, #tpu.memory_space<hbm>>
          %dma_wait3A_2281 = tpu.memref_squeeze %dma_wait3A_2280 : memref<1x50x32xf32, #tpu.memory_space<hbm>> -> memref<50x32xf32, #tpu.memory_space<hbm>>
          %dma_wait3A_2282 = arith.constant 150 : i32
          %dma_wait3A_2283 = arith.constant 0 : i32
          %dma_wait3A_2284 = tpu.memref_slice %arg9[%dma_wait3A_2282, %dma_wait3A_2283] : memref<1600x32xf32, #tpu.memory_space<vmem>> -> memref<50x32xf32, #tpu.memory_space<vmem>>
          tpu.wait_dma2 semaphore(%arg14 : memref<!tpu.dma_semaphore, #tpu.memory_space<semaphore_mem>>) src(%dma_wait3A_2284 : memref<50x32xf32, #tpu.memory_space<vmem>>) dst(%dma_wait3A_2281 : memref<50x32xf32, #tpu.memory_space<hbm>>)
          %add3A_2285 = arith.constant 4 : i32
          %add3A_2286 = arith.addi %add3A_2220, %add3A_2285 : i32
          %dma_wait3A_2287 = arith.constant 200 : i32
          %dma_wait3A_2288 = arith.constant 0 : i32
          %dma_wait3A_2289 = tpu.memref_slice %arg9[%dma_wait3A_2287, %dma_wait3A_2288] : memref<1600x32xf32, #tpu.memory_space<vmem>> -> memref<50x32xf32, #tpu.memory_space<vmem>>
          %dma_wait3A_2290 = arith.constant 0 : i32
          %dma_wait3A_2291 = arith.constant 0 : i32
          %dma_wait3A_2292 = tpu.memref_slice %arg5[%add3A_2286, %dma_wait3A_2290, %dma_wait3A_2291] : memref<16384x56x128xf32, #tpu.memory_space<hbm>> -> memref<1x50x32xf32, #tpu.memory_space<hbm>>
          %dma_wait3A_2293 = tpu.memref_squeeze %dma_wait3A_2292 : memref<1x50x32xf32, #tpu.memory_space<hbm>> -> memref<50x32xf32, #tpu.memory_space<hbm>>
          %dma_wait3A_2294 = arith.constant 0 : i32
          %dma_wait3A_2295 = arith.constant 0 : i32
          %dma_wait3A_2296 = tpu.memref_slice %arg5[%add3A_2286, %dma_wait3A_2294, %dma_wait3A_2295] : memref<16384x56x128xf32, #tpu.memory_space<hbm>> -> memref<1x50x32xf32, #tpu.memory_space<hbm>>
          %dma_wait3A_2297 = tpu.memref_squeeze %dma_wait3A_2296 : memref<1x50x32xf32, #tpu.memory_space<hbm>> -> memref<50x32xf32, #tpu.memory_space<hbm>>
          %dma_wait3A_2298 = arith.constant 200 : i32
          %dma_wait3A_2299 = arith.constant 0 : i32
          %dma_wait3A_2300 = tpu.memref_slice %arg9[%dma_wait3A_2298, %dma_wait3A_2299] : memref<1600x32xf32, #tpu.memory_space<vmem>> -> memref<50x32xf32, #tpu.memory_space<vmem>>
          tpu.wait_dma2 semaphore(%arg14 : memref<!tpu.dma_semaphore, #tpu.memory_space<semaphore_mem>>) src(%dma_wait3A_2300 : memref<50x32xf32, #tpu.memory_space<vmem>>) dst(%dma_wait3A_2297 : memref<50x32xf32, #tpu.memory_space<hbm>>)
          %add3A_2301 = arith.constant 5 : i32
          %add3A_2302 = arith.addi %add3A_2220, %add3A_2301 : i32
          %dma_wait3A_2303 = arith.constant 250 : i32
          %dma_wait3A_2304 = arith.constant 0 : i32
          %dma_wait3A_2305 = tpu.memref_slice %arg9[%dma_wait3A_2303, %dma_wait3A_2304] : memref<1600x32xf32, #tpu.memory_space<vmem>> -> memref<50x32xf32, #tpu.memory_space<vmem>>
          %dma_wait3A_2306 = arith.constant 0 : i32
          %dma_wait3A_2307 = arith.constant 0 : i32
          %dma_wait3A_2308 = tpu.memref_slice %arg5[%add3A_2302, %dma_wait3A_2306, %dma_wait3A_2307] : memref<16384x56x128xf32, #tpu.memory_space<hbm>> -> memref<1x50x32xf32, #tpu.memory_space<hbm>>
          %dma_wait3A_2309 = tpu.memref_squeeze %dma_wait3A_2308 : memref<1x50x32xf32, #tpu.memory_space<hbm>> -> memref<50x32xf32, #tpu.memory_space<hbm>>
          %dma_wait3A_2310 = arith.constant 0 : i32
          %dma_wait3A_2311 = arith.constant 0 : i32
          %dma_wait3A_2312 = tpu.memref_slice %arg5[%add3A_2302, %dma_wait3A_2310, %dma_wait3A_2311] : memref<16384x56x128xf32, #tpu.memory_space<hbm>> -> memref<1x50x32xf32, #tpu.memory_space<hbm>>
          %dma_wait3A_2313 = tpu.memref_squeeze %dma_wait3A_2312 : memref<1x50x32xf32, #tpu.memory_space<hbm>> -> memref<50x32xf32, #tpu.memory_space<hbm>>
          %dma_wait3A_2314 = arith.constant 250 : i32
          %dma_wait3A_2315 = arith.constant 0 : i32
          %dma_wait3A_2316 = tpu.memref_slice %arg9[%dma_wait3A_2314, %dma_wait3A_2315] : memref<1600x32xf32, #tpu.memory_space<vmem>> -> memref<50x32xf32, #tpu.memory_space<vmem>>
          tpu.wait_dma2 semaphore(%arg14 : memref<!tpu.dma_semaphore, #tpu.memory_space<semaphore_mem>>) src(%dma_wait3A_2316 : memref<50x32xf32, #tpu.memory_space<vmem>>) dst(%dma_wait3A_2313 : memref<50x32xf32, #tpu.memory_space<hbm>>)
          %add3A_2317 = arith.constant 6 : i32
          %add3A_2318 = arith.addi %add3A_2220, %add3A_2317 : i32
          %dma_wait3A_2319 = arith.constant 300 : i32
          %dma_wait3A_2320 = arith.constant 0 : i32
          %dma_wait3A_2321 = tpu.memref_slice %arg9[%dma_wait3A_2319, %dma_wait3A_2320] : memref<1600x32xf32, #tpu.memory_space<vmem>> -> memref<50x32xf32, #tpu.memory_space<vmem>>
          %dma_wait3A_2322 = arith.constant 0 : i32
          %dma_wait3A_2323 = arith.constant 0 : i32
          %dma_wait3A_2324 = tpu.memref_slice %arg5[%add3A_2318, %dma_wait3A_2322, %dma_wait3A_2323] : memref<16384x56x128xf32, #tpu.memory_space<hbm>> -> memref<1x50x32xf32, #tpu.memory_space<hbm>>
          %dma_wait3A_2325 = tpu.memref_squeeze %dma_wait3A_2324 : memref<1x50x32xf32, #tpu.memory_space<hbm>> -> memref<50x32xf32, #tpu.memory_space<hbm>>
          %dma_wait3A_2326 = arith.constant 0 : i32
          %dma_wait3A_2327 = arith.constant 0 : i32
          %dma_wait3A_2328 = tpu.memref_slice %arg5[%add3A_2318, %dma_wait3A_2326, %dma_wait3A_2327] : memref<16384x56x128xf32, #tpu.memory_space<hbm>> -> memref<1x50x32xf32, #tpu.memory_space<hbm>>
          %dma_wait3A_2329 = tpu.memref_squeeze %dma_wait3A_2328 : memref<1x50x32xf32, #tpu.memory_space<hbm>> -> memref<50x32xf32, #tpu.memory_space<hbm>>
          %dma_wait3A_2330 = arith.constant 300 : i32
          %dma_wait3A_2331 = arith.constant 0 : i32
          %dma_wait3A_2332 = tpu.memref_slice %arg9[%dma_wait3A_2330, %dma_wait3A_2331] : memref<1600x32xf32, #tpu.memory_space<vmem>> -> memref<50x32xf32, #tpu.memory_space<vmem>>
          tpu.wait_dma2 semaphore(%arg14 : memref<!tpu.dma_semaphore, #tpu.memory_space<semaphore_mem>>) src(%dma_wait3A_2332 : memref<50x32xf32, #tpu.memory_space<vmem>>) dst(%dma_wait3A_2329 : memref<50x32xf32, #tpu.memory_space<hbm>>)
          %add3A_2333 = arith.constant 7 : i32
          %add3A_2334 = arith.addi %add3A_2220, %add3A_2333 : i32
          %dma_wait3A_2335 = arith.constant 350 : i32
          %dma_wait3A_2336 = arith.constant 0 : i32
          %dma_wait3A_2337 = tpu.memref_slice %arg9[%dma_wait3A_2335, %dma_wait3A_2336] : memref<1600x32xf32, #tpu.memory_space<vmem>> -> memref<50x32xf32, #tpu.memory_space<vmem>>
          %dma_wait3A_2338 = arith.constant 0 : i32
          %dma_wait3A_2339 = arith.constant 0 : i32
          %dma_wait3A_2340 = tpu.memref_slice %arg5[%add3A_2334, %dma_wait3A_2338, %dma_wait3A_2339] : memref<16384x56x128xf32, #tpu.memory_space<hbm>> -> memref<1x50x32xf32, #tpu.memory_space<hbm>>
          %dma_wait3A_2341 = tpu.memref_squeeze %dma_wait3A_2340 : memref<1x50x32xf32, #tpu.memory_space<hbm>> -> memref<50x32xf32, #tpu.memory_space<hbm>>
          %dma_wait3A_2342 = arith.constant 0 : i32
          %dma_wait3A_2343 = arith.constant 0 : i32
          %dma_wait3A_2344 = tpu.memref_slice %arg5[%add3A_2334, %dma_wait3A_2342, %dma_wait3A_2343] : memref<16384x56x128xf32, #tpu.memory_space<hbm>> -> memref<1x50x32xf32, #tpu.memory_space<hbm>>
          %dma_wait3A_2345 = tpu.memref_squeeze %dma_wait3A_2344 : memref<1x50x32xf32, #tpu.memory_space<hbm>> -> memref<50x32xf32, #tpu.memory_space<hbm>>
          %dma_wait3A_2346 = arith.constant 350 : i32
          %dma_wait3A_2347 = arith.constant 0 : i32
          %dma_wait3A_2348 = tpu.memref_slice %arg9[%dma_wait3A_2346, %dma_wait3A_2347] : memref<1600x32xf32, #tpu.memory_space<vmem>> -> memref<50x32xf32, #tpu.memory_space<vmem>>
          tpu.wait_dma2 semaphore(%arg14 : memref<!tpu.dma_semaphore, #tpu.memory_space<semaphore_mem>>) src(%dma_wait3A_2348 : memref<50x32xf32, #tpu.memory_space<vmem>>) dst(%dma_wait3A_2345 : memref<50x32xf32, #tpu.memory_space<hbm>>)
          %add3A_2349 = arith.constant 8 : i32
          %add3A_2350 = arith.addi %add3A_2220, %add3A_2349 : i32
          %dma_wait3A_2351 = arith.constant 400 : i32
          %dma_wait3A_2352 = arith.constant 0 : i32
          %dma_wait3A_2353 = tpu.memref_slice %arg9[%dma_wait3A_2351, %dma_wait3A_2352] : memref<1600x32xf32, #tpu.memory_space<vmem>> -> memref<50x32xf32, #tpu.memory_space<vmem>>
          %dma_wait3A_2354 = arith.constant 0 : i32
          %dma_wait3A_2355 = arith.constant 0 : i32
          %dma_wait3A_2356 = tpu.memref_slice %arg5[%add3A_2350, %dma_wait3A_2354, %dma_wait3A_2355] : memref<16384x56x128xf32, #tpu.memory_space<hbm>> -> memref<1x50x32xf32, #tpu.memory_space<hbm>>
          %dma_wait3A_2357 = tpu.memref_squeeze %dma_wait3A_2356 : memref<1x50x32xf32, #tpu.memory_space<hbm>> -> memref<50x32xf32, #tpu.memory_space<hbm>>
          %dma_wait3A_2358 = arith.constant 0 : i32
          %dma_wait3A_2359 = arith.constant 0 : i32
          %dma_wait3A_2360 = tpu.memref_slice %arg5[%add3A_2350, %dma_wait3A_2358, %dma_wait3A_2359] : memref<16384x56x128xf32, #tpu.memory_space<hbm>> -> memref<1x50x32xf32, #tpu.memory_space<hbm>>
          %dma_wait3A_2361 = tpu.memref_squeeze %dma_wait3A_2360 : memref<1x50x32xf32, #tpu.memory_space<hbm>> -> memref<50x32xf32, #tpu.memory_space<hbm>>
          %dma_wait3A_2362 = arith.constant 400 : i32
          %dma_wait3A_2363 = arith.constant 0 : i32
          %dma_wait3A_2364 = tpu.memref_slice %arg9[%dma_wait3A_2362, %dma_wait3A_2363] : memref<1600x32xf32, #tpu.memory_space<vmem>> -> memref<50x32xf32, #tpu.memory_space<vmem>>
          tpu.wait_dma2 semaphore(%arg14 : memref<!tpu.dma_semaphore, #tpu.memory_space<semaphore_mem>>) src(%dma_wait3A_2364 : memref<50x32xf32, #tpu.memory_space<vmem>>) dst(%dma_wait3A_2361 : memref<50x32xf32, #tpu.memory_space<hbm>>)
          %add3A_2365 = arith.constant 9 : i32
          %add3A_2366 = arith.addi %add3A_2220, %add3A_2365 : i32
          %dma_wait3A_2367 = arith.constant 450 : i32
          %dma_wait3A_2368 = arith.constant 0 : i32
          %dma_wait3A_2369 = tpu.memref_slice %arg9[%dma_wait3A_2367, %dma_wait3A_2368] : memref<1600x32xf32, #tpu.memory_space<vmem>> -> memref<50x32xf32, #tpu.memory_space<vmem>>
          %dma_wait3A_2370 = arith.constant 0 : i32
          %dma_wait3A_2371 = arith.constant 0 : i32
          %dma_wait3A_2372 = tpu.memref_slice %arg5[%add3A_2366, %dma_wait3A_2370, %dma_wait3A_2371] : memref<16384x56x128xf32, #tpu.memory_space<hbm>> -> memref<1x50x32xf32, #tpu.memory_space<hbm>>
          %dma_wait3A_2373 = tpu.memref_squeeze %dma_wait3A_2372 : memref<1x50x32xf32, #tpu.memory_space<hbm>> -> memref<50x32xf32, #tpu.memory_space<hbm>>
          %dma_wait3A_2374 = arith.constant 0 : i32
          %dma_wait3A_2375 = arith.constant 0 : i32
          %dma_wait3A_2376 = tpu.memref_slice %arg5[%add3A_2366, %dma_wait3A_2374, %dma_wait3A_2375] : memref<16384x56x128xf32, #tpu.memory_space<hbm>> -> memref<1x50x32xf32, #tpu.memory_space<hbm>>
          %dma_wait3A_2377 = tpu.memref_squeeze %dma_wait3A_2376 : memref<1x50x32xf32, #tpu.memory_space<hbm>> -> memref<50x32xf32, #tpu.memory_space<hbm>>
          %dma_wait3A_2378 = arith.constant 450 : i32
          %dma_wait3A_2379 = arith.constant 0 : i32
          %dma_wait3A_2380 = tpu.memref_slice %arg9[%dma_wait3A_2378, %dma_wait3A_2379] : memref<1600x32xf32, #tpu.memory_space<vmem>> -> memref<50x32xf32, #tpu.memory_space<vmem>>
          tpu.wait_dma2 semaphore(%arg14 : memref<!tpu.dma_semaphore, #tpu.memory_space<semaphore_mem>>) src(%dma_wait3A_2380 : memref<50x32xf32, #tpu.memory_space<vmem>>) dst(%dma_wait3A_2377 : memref<50x32xf32, #tpu.memory_space<hbm>>)
          %add3A_2381 = arith.constant 10 : i32
          %add3A_2382 = arith.addi %add3A_2220, %add3A_2381 : i32
          %dma_wait3A_2383 = arith.constant 500 : i32
          %dma_wait3A_2384 = arith.constant 0 : i32
          %dma_wait3A_2385 = tpu.memref_slice %arg9[%dma_wait3A_2383, %dma_wait3A_2384] : memref<1600x32xf32, #tpu.memory_space<vmem>> -> memref<50x32xf32, #tpu.memory_space<vmem>>
          %dma_wait3A_2386 = arith.constant 0 : i32
          %dma_wait3A_2387 = arith.constant 0 : i32
          %dma_wait3A_2388 = tpu.memref_slice %arg5[%add3A_2382, %dma_wait3A_2386, %dma_wait3A_2387] : memref<16384x56x128xf32, #tpu.memory_space<hbm>> -> memref<1x50x32xf32, #tpu.memory_space<hbm>>
          %dma_wait3A_2389 = tpu.memref_squeeze %dma_wait3A_2388 : memref<1x50x32xf32, #tpu.memory_space<hbm>> -> memref<50x32xf32, #tpu.memory_space<hbm>>
          %dma_wait3A_2390 = arith.constant 0 : i32
          %dma_wait3A_2391 = arith.constant 0 : i32
          %dma_wait3A_2392 = tpu.memref_slice %arg5[%add3A_2382, %dma_wait3A_2390, %dma_wait3A_2391] : memref<16384x56x128xf32, #tpu.memory_space<hbm>> -> memref<1x50x32xf32, #tpu.memory_space<hbm>>
          %dma_wait3A_2393 = tpu.memref_squeeze %dma_wait3A_2392 : memref<1x50x32xf32, #tpu.memory_space<hbm>> -> memref<50x32xf32, #tpu.memory_space<hbm>>
          %dma_wait3A_2394 = arith.constant 500 : i32
          %dma_wait3A_2395 = arith.constant 0 : i32
          %dma_wait3A_2396 = tpu.memref_slice %arg9[%dma_wait3A_2394, %dma_wait3A_2395] : memref<1600x32xf32, #tpu.memory_space<vmem>> -> memref<50x32xf32, #tpu.memory_space<vmem>>
          tpu.wait_dma2 semaphore(%arg14 : memref<!tpu.dma_semaphore, #tpu.memory_space<semaphore_mem>>) src(%dma_wait3A_2396 : memref<50x32xf32, #tpu.memory_space<vmem>>) dst(%dma_wait3A_2393 : memref<50x32xf32, #tpu.memory_space<hbm>>)
          %add3A_2397 = arith.constant 11 : i32
          %add3A_2398 = arith.addi %add3A_2220, %add3A_2397 : i32
          %dma_wait3A_2399 = arith.constant 550 : i32
          %dma_wait3A_2400 = arith.constant 0 : i32
          %dma_wait3A_2401 = tpu.memref_slice %arg9[%dma_wait3A_2399, %dma_wait3A_2400] : memref<1600x32xf32, #tpu.memory_space<vmem>> -> memref<50x32xf32, #tpu.memory_space<vmem>>
          %dma_wait3A_2402 = arith.constant 0 : i32
          %dma_wait3A_2403 = arith.constant 0 : i32
          %dma_wait3A_2404 = tpu.memref_slice %arg5[%add3A_2398, %dma_wait3A_2402, %dma_wait3A_2403] : memref<16384x56x128xf32, #tpu.memory_space<hbm>> -> memref<1x50x32xf32, #tpu.memory_space<hbm>>
          %dma_wait3A_2405 = tpu.memref_squeeze %dma_wait3A_2404 : memref<1x50x32xf32, #tpu.memory_space<hbm>> -> memref<50x32xf32, #tpu.memory_space<hbm>>
          %dma_wait3A_2406 = arith.constant 0 : i32
          %dma_wait3A_2407 = arith.constant 0 : i32
          %dma_wait3A_2408 = tpu.memref_slice %arg5[%add3A_2398, %dma_wait3A_2406, %dma_wait3A_2407] : memref<16384x56x128xf32, #tpu.memory_space<hbm>> -> memref<1x50x32xf32, #tpu.memory_space<hbm>>
          %dma_wait3A_2409 = tpu.memref_squeeze %dma_wait3A_2408 : memref<1x50x32xf32, #tpu.memory_space<hbm>> -> memref<50x32xf32, #tpu.memory_space<hbm>>
          %dma_wait3A_2410 = arith.constant 550 : i32
          %dma_wait3A_2411 = arith.constant 0 : i32
          %dma_wait3A_2412 = tpu.memref_slice %arg9[%dma_wait3A_2410, %dma_wait3A_2411] : memref<1600x32xf32, #tpu.memory_space<vmem>> -> memref<50x32xf32, #tpu.memory_space<vmem>>
          tpu.wait_dma2 semaphore(%arg14 : memref<!tpu.dma_semaphore, #tpu.memory_space<semaphore_mem>>) src(%dma_wait3A_2412 : memref<50x32xf32, #tpu.memory_space<vmem>>) dst(%dma_wait3A_2409 : memref<50x32xf32, #tpu.memory_space<hbm>>)
          %add3A_2413 = arith.constant 12 : i32
          %add3A_2414 = arith.addi %add3A_2220, %add3A_2413 : i32
          %dma_wait3A_2415 = arith.constant 600 : i32
          %dma_wait3A_2416 = arith.constant 0 : i32
          %dma_wait3A_2417 = tpu.memref_slice %arg9[%dma_wait3A_2415, %dma_wait3A_2416] : memref<1600x32xf32, #tpu.memory_space<vmem>> -> memref<50x32xf32, #tpu.memory_space<vmem>>
          %dma_wait3A_2418 = arith.constant 0 : i32
          %dma_wait3A_2419 = arith.constant 0 : i32
          %dma_wait3A_2420 = tpu.memref_slice %arg5[%add3A_2414, %dma_wait3A_2418, %dma_wait3A_2419] : memref<16384x56x128xf32, #tpu.memory_space<hbm>> -> memref<1x50x32xf32, #tpu.memory_space<hbm>>
          %dma_wait3A_2421 = tpu.memref_squeeze %dma_wait3A_2420 : memref<1x50x32xf32, #tpu.memory_space<hbm>> -> memref<50x32xf32, #tpu.memory_space<hbm>>
          %dma_wait3A_2422 = arith.constant 0 : i32
          %dma_wait3A_2423 = arith.constant 0 : i32
          %dma_wait3A_2424 = tpu.memref_slice %arg5[%add3A_2414, %dma_wait3A_2422, %dma_wait3A_2423] : memref<16384x56x128xf32, #tpu.memory_space<hbm>> -> memref<1x50x32xf32, #tpu.memory_space<hbm>>
          %dma_wait3A_2425 = tpu.memref_squeeze %dma_wait3A_2424 : memref<1x50x32xf32, #tpu.memory_space<hbm>> -> memref<50x32xf32, #tpu.memory_space<hbm>>
          %dma_wait3A_2426 = arith.constant 600 : i32
          %dma_wait3A_2427 = arith.constant 0 : i32
          %dma_wait3A_2428 = tpu.memref_slice %arg9[%dma_wait3A_2426, %dma_wait3A_2427] : memref<1600x32xf32, #tpu.memory_space<vmem>> -> memref<50x32xf32, #tpu.memory_space<vmem>>
          tpu.wait_dma2 semaphore(%arg14 : memref<!tpu.dma_semaphore, #tpu.memory_space<semaphore_mem>>) src(%dma_wait3A_2428 : memref<50x32xf32, #tpu.memory_space<vmem>>) dst(%dma_wait3A_2425 : memref<50x32xf32, #tpu.memory_space<hbm>>)
          %add3A_2429 = arith.constant 13 : i32
          %add3A_2430 = arith.addi %add3A_2220, %add3A_2429 : i32
          %dma_wait3A_2431 = arith.constant 650 : i32
          %dma_wait3A_2432 = arith.constant 0 : i32
          %dma_wait3A_2433 = tpu.memref_slice %arg9[%dma_wait3A_2431, %dma_wait3A_2432] : memref<1600x32xf32, #tpu.memory_space<vmem>> -> memref<50x32xf32, #tpu.memory_space<vmem>>
          %dma_wait3A_2434 = arith.constant 0 : i32
          %dma_wait3A_2435 = arith.constant 0 : i32
          %dma_wait3A_2436 = tpu.memref_slice %arg5[%add3A_2430, %dma_wait3A_2434, %dma_wait3A_2435] : memref<16384x56x128xf32, #tpu.memory_space<hbm>> -> memref<1x50x32xf32, #tpu.memory_space<hbm>>
          %dma_wait3A_2437 = tpu.memref_squeeze %dma_wait3A_2436 : memref<1x50x32xf32, #tpu.memory_space<hbm>> -> memref<50x32xf32, #tpu.memory_space<hbm>>
          %dma_wait3A_2438 = arith.constant 0 : i32
          %dma_wait3A_2439 = arith.constant 0 : i32
          %dma_wait3A_2440 = tpu.memref_slice %arg5[%add3A_2430, %dma_wait3A_2438, %dma_wait3A_2439] : memref<16384x56x128xf32, #tpu.memory_space<hbm>> -> memref<1x50x32xf32, #tpu.memory_space<hbm>>
          %dma_wait3A_2441 = tpu.memref_squeeze %dma_wait3A_2440 : memref<1x50x32xf32, #tpu.memory_space<hbm>> -> memref<50x32xf32, #tpu.memory_space<hbm>>
          %dma_wait3A_2442 = arith.constant 650 : i32
          %dma_wait3A_2443 = arith.constant 0 : i32
          %dma_wait3A_2444 = tpu.memref_slice %arg9[%dma_wait3A_2442, %dma_wait3A_2443] : memref<1600x32xf32, #tpu.memory_space<vmem>> -> memref<50x32xf32, #tpu.memory_space<vmem>>
          tpu.wait_dma2 semaphore(%arg14 : memref<!tpu.dma_semaphore, #tpu.memory_space<semaphore_mem>>) src(%dma_wait3A_2444 : memref<50x32xf32, #tpu.memory_space<vmem>>) dst(%dma_wait3A_2441 : memref<50x32xf32, #tpu.memory_space<hbm>>)
          %add3A_2445 = arith.constant 14 : i32
          %add3A_2446 = arith.addi %add3A_2220, %add3A_2445 : i32
          %dma_wait3A_2447 = arith.constant 700 : i32
          %dma_wait3A_2448 = arith.constant 0 : i32
          %dma_wait3A_2449 = tpu.memref_slice %arg9[%dma_wait3A_2447, %dma_wait3A_2448] : memref<1600x32xf32, #tpu.memory_space<vmem>> -> memref<50x32xf32, #tpu.memory_space<vmem>>
          %dma_wait3A_2450 = arith.constant 0 : i32
          %dma_wait3A_2451 = arith.constant 0 : i32
          %dma_wait3A_2452 = tpu.memref_slice %arg5[%add3A_2446, %dma_wait3A_2450, %dma_wait3A_2451] : memref<16384x56x128xf32, #tpu.memory_space<hbm>> -> memref<1x50x32xf32, #tpu.memory_space<hbm>>
          %dma_wait3A_2453 = tpu.memref_squeeze %dma_wait3A_2452 : memref<1x50x32xf32, #tpu.memory_space<hbm>> -> memref<50x32xf32, #tpu.memory_space<hbm>>
          %dma_wait3A_2454 = arith.constant 0 : i32
          %dma_wait3A_2455 = arith.constant 0 : i32
          %dma_wait3A_2456 = tpu.memref_slice %arg5[%add3A_2446, %dma_wait3A_2454, %dma_wait3A_2455] : memref<16384x56x128xf32, #tpu.memory_space<hbm>> -> memref<1x50x32xf32, #tpu.memory_space<hbm>>
          %dma_wait3A_2457 = tpu.memref_squeeze %dma_wait3A_2456 : memref<1x50x32xf32, #tpu.memory_space<hbm>> -> memref<50x32xf32, #tpu.memory_space<hbm>>
          %dma_wait3A_2458 = arith.constant 700 : i32
          %dma_wait3A_2459 = arith.constant 0 : i32
          %dma_wait3A_2460 = tpu.memref_slice %arg9[%dma_wait3A_2458, %dma_wait3A_2459] : memref<1600x32xf32, #tpu.memory_space<vmem>> -> memref<50x32xf32, #tpu.memory_space<vmem>>
          tpu.wait_dma2 semaphore(%arg14 : memref<!tpu.dma_semaphore, #tpu.memory_space<semaphore_mem>>) src(%dma_wait3A_2460 : memref<50x32xf32, #tpu.memory_space<vmem>>) dst(%dma_wait3A_2457 : memref<50x32xf32, #tpu.memory_space<hbm>>)
          %add3A_2461 = arith.constant 15 : i32
          %add3A_2462 = arith.addi %add3A_2220, %add3A_2461 : i32
          %dma_wait3A_2463 = arith.constant 750 : i32
          %dma_wait3A_2464 = arith.constant 0 : i32
          %dma_wait3A_2465 = tpu.memref_slice %arg9[%dma_wait3A_2463, %dma_wait3A_2464] : memref<1600x32xf32, #tpu.memory_space<vmem>> -> memref<50x32xf32, #tpu.memory_space<vmem>>
          %dma_wait3A_2466 = arith.constant 0 : i32
          %dma_wait3A_2467 = arith.constant 0 : i32
          %dma_wait3A_2468 = tpu.memref_slice %arg5[%add3A_2462, %dma_wait3A_2466, %dma_wait3A_2467] : memref<16384x56x128xf32, #tpu.memory_space<hbm>> -> memref<1x50x32xf32, #tpu.memory_space<hbm>>
          %dma_wait3A_2469 = tpu.memref_squeeze %dma_wait3A_2468 : memref<1x50x32xf32, #tpu.memory_space<hbm>> -> memref<50x32xf32, #tpu.memory_space<hbm>>
          %dma_wait3A_2470 = arith.constant 0 : i32
          %dma_wait3A_2471 = arith.constant 0 : i32
          %dma_wait3A_2472 = tpu.memref_slice %arg5[%add3A_2462, %dma_wait3A_2470, %dma_wait3A_2471] : memref<16384x56x128xf32, #tpu.memory_space<hbm>> -> memref<1x50x32xf32, #tpu.memory_space<hbm>>
          %dma_wait3A_2473 = tpu.memref_squeeze %dma_wait3A_2472 : memref<1x50x32xf32, #tpu.memory_space<hbm>> -> memref<50x32xf32, #tpu.memory_space<hbm>>
          %dma_wait3A_2474 = arith.constant 750 : i32
          %dma_wait3A_2475 = arith.constant 0 : i32
          %dma_wait3A_2476 = tpu.memref_slice %arg9[%dma_wait3A_2474, %dma_wait3A_2475] : memref<1600x32xf32, #tpu.memory_space<vmem>> -> memref<50x32xf32, #tpu.memory_space<vmem>>
          tpu.wait_dma2 semaphore(%arg14 : memref<!tpu.dma_semaphore, #tpu.memory_space<semaphore_mem>>) src(%dma_wait3A_2476 : memref<50x32xf32, #tpu.memory_space<vmem>>) dst(%dma_wait3A_2473 : memref<50x32xf32, #tpu.memory_space<hbm>>)
          %add3A_2477 = arith.constant 16 : i32
          %add3A_2478 = arith.addi %add3A_2220, %add3A_2477 : i32
          %dma_wait3A_2479 = arith.constant 800 : i32
          %dma_wait3A_2480 = arith.constant 0 : i32
          %dma_wait3A_2481 = tpu.memref_slice %arg9[%dma_wait3A_2479, %dma_wait3A_2480] : memref<1600x32xf32, #tpu.memory_space<vmem>> -> memref<50x32xf32, #tpu.memory_space<vmem>>
          %dma_wait3A_2482 = arith.constant 0 : i32
          %dma_wait3A_2483 = arith.constant 0 : i32
          %dma_wait3A_2484 = tpu.memref_slice %arg5[%add3A_2478, %dma_wait3A_2482, %dma_wait3A_2483] : memref<16384x56x128xf32, #tpu.memory_space<hbm>> -> memref<1x50x32xf32, #tpu.memory_space<hbm>>
          %dma_wait3A_2485 = tpu.memref_squeeze %dma_wait3A_2484 : memref<1x50x32xf32, #tpu.memory_space<hbm>> -> memref<50x32xf32, #tpu.memory_space<hbm>>
          %dma_wait3A_2486 = arith.constant 0 : i32
          %dma_wait3A_2487 = arith.constant 0 : i32
          %dma_wait3A_2488 = tpu.memref_slice %arg5[%add3A_2478, %dma_wait3A_2486, %dma_wait3A_2487] : memref<16384x56x128xf32, #tpu.memory_space<hbm>> -> memref<1x50x32xf32, #tpu.memory_space<hbm>>
          %dma_wait3A_2489 = tpu.memref_squeeze %dma_wait3A_2488 : memref<1x50x32xf32, #tpu.memory_space<hbm>> -> memref<50x32xf32, #tpu.memory_space<hbm>>
          %dma_wait3A_2490 = arith.constant 800 : i32
          %dma_wait3A_2491 = arith.constant 0 : i32
          %dma_wait3A_2492 = tpu.memref_slice %arg9[%dma_wait3A_2490, %dma_wait3A_2491] : memref<1600x32xf32, #tpu.memory_space<vmem>> -> memref<50x32xf32, #tpu.memory_space<vmem>>
          tpu.wait_dma2 semaphore(%arg14 : memref<!tpu.dma_semaphore, #tpu.memory_space<semaphore_mem>>) src(%dma_wait3A_2492 : memref<50x32xf32, #tpu.memory_space<vmem>>) dst(%dma_wait3A_2489 : memref<50x32xf32, #tpu.memory_space<hbm>>)
          %add3A_2493 = arith.constant 17 : i32
          %add3A_2494 = arith.addi %add3A_2220, %add3A_2493 : i32
          %dma_wait3A_2495 = arith.constant 850 : i32
          %dma_wait3A_2496 = arith.constant 0 : i32
          %dma_wait3A_2497 = tpu.memref_slice %arg9[%dma_wait3A_2495, %dma_wait3A_2496] : memref<1600x32xf32, #tpu.memory_space<vmem>> -> memref<50x32xf32, #tpu.memory_space<vmem>>
          %dma_wait3A_2498 = arith.constant 0 : i32
          %dma_wait3A_2499 = arith.constant 0 : i32
          %dma_wait3A_2500 = tpu.memref_slice %arg5[%add3A_2494, %dma_wait3A_2498, %dma_wait3A_2499] : memref<16384x56x128xf32, #tpu.memory_space<hbm>> -> memref<1x50x32xf32, #tpu.memory_space<hbm>>
          %dma_wait3A_2501 = tpu.memref_squeeze %dma_wait3A_2500 : memref<1x50x32xf32, #tpu.memory_space<hbm>> -> memref<50x32xf32, #tpu.memory_space<hbm>>
          %dma_wait3A_2502 = arith.constant 0 : i32
          %dma_wait3A_2503 = arith.constant 0 : i32
          %dma_wait3A_2504 = tpu.memref_slice %arg5[%add3A_2494, %dma_wait3A_2502, %dma_wait3A_2503] : memref<16384x56x128xf32, #tpu.memory_space<hbm>> -> memref<1x50x32xf32, #tpu.memory_space<hbm>>
          %dma_wait3A_2505 = tpu.memref_squeeze %dma_wait3A_2504 : memref<1x50x32xf32, #tpu.memory_space<hbm>> -> memref<50x32xf32, #tpu.memory_space<hbm>>
          %dma_wait3A_2506 = arith.constant 850 : i32
          %dma_wait3A_2507 = arith.constant 0 : i32
          %dma_wait3A_2508 = tpu.memref_slice %arg9[%dma_wait3A_2506, %dma_wait3A_2507] : memref<1600x32xf32, #tpu.memory_space<vmem>> -> memref<50x32xf32, #tpu.memory_space<vmem>>
          tpu.wait_dma2 semaphore(%arg14 : memref<!tpu.dma_semaphore, #tpu.memory_space<semaphore_mem>>) src(%dma_wait3A_2508 : memref<50x32xf32, #tpu.memory_space<vmem>>) dst(%dma_wait3A_2505 : memref<50x32xf32, #tpu.memory_space<hbm>>)
          %add3A_2509 = arith.constant 18 : i32
          %add3A_2510 = arith.addi %add3A_2220, %add3A_2509 : i32
          %dma_wait3A_2511 = arith.constant 900 : i32
          %dma_wait3A_2512 = arith.constant 0 : i32
          %dma_wait3A_2513 = tpu.memref_slice %arg9[%dma_wait3A_2511, %dma_wait3A_2512] : memref<1600x32xf32, #tpu.memory_space<vmem>> -> memref<50x32xf32, #tpu.memory_space<vmem>>
          %dma_wait3A_2514 = arith.constant 0 : i32
          %dma_wait3A_2515 = arith.constant 0 : i32
          %dma_wait3A_2516 = tpu.memref_slice %arg5[%add3A_2510, %dma_wait3A_2514, %dma_wait3A_2515] : memref<16384x56x128xf32, #tpu.memory_space<hbm>> -> memref<1x50x32xf32, #tpu.memory_space<hbm>>
          %dma_wait3A_2517 = tpu.memref_squeeze %dma_wait3A_2516 : memref<1x50x32xf32, #tpu.memory_space<hbm>> -> memref<50x32xf32, #tpu.memory_space<hbm>>
          %dma_wait3A_2518 = arith.constant 0 : i32
          %dma_wait3A_2519 = arith.constant 0 : i32
          %dma_wait3A_2520 = tpu.memref_slice %arg5[%add3A_2510, %dma_wait3A_2518, %dma_wait3A_2519] : memref<16384x56x128xf32, #tpu.memory_space<hbm>> -> memref<1x50x32xf32, #tpu.memory_space<hbm>>
          %dma_wait3A_2521 = tpu.memref_squeeze %dma_wait3A_2520 : memref<1x50x32xf32, #tpu.memory_space<hbm>> -> memref<50x32xf32, #tpu.memory_space<hbm>>
          %dma_wait3A_2522 = arith.constant 900 : i32
          %dma_wait3A_2523 = arith.constant 0 : i32
          %dma_wait3A_2524 = tpu.memref_slice %arg9[%dma_wait3A_2522, %dma_wait3A_2523] : memref<1600x32xf32, #tpu.memory_space<vmem>> -> memref<50x32xf32, #tpu.memory_space<vmem>>
          tpu.wait_dma2 semaphore(%arg14 : memref<!tpu.dma_semaphore, #tpu.memory_space<semaphore_mem>>) src(%dma_wait3A_2524 : memref<50x32xf32, #tpu.memory_space<vmem>>) dst(%dma_wait3A_2521 : memref<50x32xf32, #tpu.memory_space<hbm>>)
          %add3A_2525 = arith.constant 19 : i32
          %add3A_2526 = arith.addi %add3A_2220, %add3A_2525 : i32
          %dma_wait3A_2527 = arith.constant 950 : i32
          %dma_wait3A_2528 = arith.constant 0 : i32
          %dma_wait3A_2529 = tpu.memref_slice %arg9[%dma_wait3A_2527, %dma_wait3A_2528] : memref<1600x32xf32, #tpu.memory_space<vmem>> -> memref<50x32xf32, #tpu.memory_space<vmem>>
          %dma_wait3A_2530 = arith.constant 0 : i32
          %dma_wait3A_2531 = arith.constant 0 : i32
          %dma_wait3A_2532 = tpu.memref_slice %arg5[%add3A_2526, %dma_wait3A_2530, %dma_wait3A_2531] : memref<16384x56x128xf32, #tpu.memory_space<hbm>> -> memref<1x50x32xf32, #tpu.memory_space<hbm>>
          %dma_wait3A_2533 = tpu.memref_squeeze %dma_wait3A_2532 : memref<1x50x32xf32, #tpu.memory_space<hbm>> -> memref<50x32xf32, #tpu.memory_space<hbm>>
          %dma_wait3A_2534 = arith.constant 0 : i32
          %dma_wait3A_2535 = arith.constant 0 : i32
          %dma_wait3A_2536 = tpu.memref_slice %arg5[%add3A_2526, %dma_wait3A_2534, %dma_wait3A_2535] : memref<16384x56x128xf32, #tpu.memory_space<hbm>> -> memref<1x50x32xf32, #tpu.memory_space<hbm>>
          %dma_wait3A_2537 = tpu.memref_squeeze %dma_wait3A_2536 : memref<1x50x32xf32, #tpu.memory_space<hbm>> -> memref<50x32xf32, #tpu.memory_space<hbm>>
          %dma_wait3A_2538 = arith.constant 950 : i32
          %dma_wait3A_2539 = arith.constant 0 : i32
          %dma_wait3A_2540 = tpu.memref_slice %arg9[%dma_wait3A_2538, %dma_wait3A_2539] : memref<1600x32xf32, #tpu.memory_space<vmem>> -> memref<50x32xf32, #tpu.memory_space<vmem>>
          tpu.wait_dma2 semaphore(%arg14 : memref<!tpu.dma_semaphore, #tpu.memory_space<semaphore_mem>>) src(%dma_wait3A_2540 : memref<50x32xf32, #tpu.memory_space<vmem>>) dst(%dma_wait3A_2537 : memref<50x32xf32, #tpu.memory_space<hbm>>)
          %add3A_2541 = arith.constant 20 : i32
          %add3A_2542 = arith.addi %add3A_2220, %add3A_2541 : i32
          %dma_wait3A_2543 = arith.constant 1000 : i32
          %dma_wait3A_2544 = arith.constant 0 : i32
          %dma_wait3A_2545 = tpu.memref_slice %arg9[%dma_wait3A_2543, %dma_wait3A_2544] : memref<1600x32xf32, #tpu.memory_space<vmem>> -> memref<50x32xf32, #tpu.memory_space<vmem>>
          %dma_wait3A_2546 = arith.constant 0 : i32
          %dma_wait3A_2547 = arith.constant 0 : i32
          %dma_wait3A_2548 = tpu.memref_slice %arg5[%add3A_2542, %dma_wait3A_2546, %dma_wait3A_2547] : memref<16384x56x128xf32, #tpu.memory_space<hbm>> -> memref<1x50x32xf32, #tpu.memory_space<hbm>>
          %dma_wait3A_2549 = tpu.memref_squeeze %dma_wait3A_2548 : memref<1x50x32xf32, #tpu.memory_space<hbm>> -> memref<50x32xf32, #tpu.memory_space<hbm>>
          %dma_wait3A_2550 = arith.constant 0 : i32
          %dma_wait3A_2551 = arith.constant 0 : i32
          %dma_wait3A_2552 = tpu.memref_slice %arg5[%add3A_2542, %dma_wait3A_2550, %dma_wait3A_2551] : memref<16384x56x128xf32, #tpu.memory_space<hbm>> -> memref<1x50x32xf32, #tpu.memory_space<hbm>>
          %dma_wait3A_2553 = tpu.memref_squeeze %dma_wait3A_2552 : memref<1x50x32xf32, #tpu.memory_space<hbm>> -> memref<50x32xf32, #tpu.memory_space<hbm>>
          %dma_wait3A_2554 = arith.constant 1000 : i32
          %dma_wait3A_2555 = arith.constant 0 : i32
          %dma_wait3A_2556 = tpu.memref_slice %arg9[%dma_wait3A_2554, %dma_wait3A_2555] : memref<1600x32xf32, #tpu.memory_space<vmem>> -> memref<50x32xf32, #tpu.memory_space<vmem>>
          tpu.wait_dma2 semaphore(%arg14 : memref<!tpu.dma_semaphore, #tpu.memory_space<semaphore_mem>>) src(%dma_wait3A_2556 : memref<50x32xf32, #tpu.memory_space<vmem>>) dst(%dma_wait3A_2553 : memref<50x32xf32, #tpu.memory_space<hbm>>)
          %add3A_2557 = arith.constant 21 : i32
          %add3A_2558 = arith.addi %add3A_2220, %add3A_2557 : i32
          %dma_wait3A_2559 = arith.constant 1050 : i32
          %dma_wait3A_2560 = arith.constant 0 : i32
          %dma_wait3A_2561 = tpu.memref_slice %arg9[%dma_wait3A_2559, %dma_wait3A_2560] : memref<1600x32xf32, #tpu.memory_space<vmem>> -> memref<50x32xf32, #tpu.memory_space<vmem>>
          %dma_wait3A_2562 = arith.constant 0 : i32
          %dma_wait3A_2563 = arith.constant 0 : i32
          %dma_wait3A_2564 = tpu.memref_slice %arg5[%add3A_2558, %dma_wait3A_2562, %dma_wait3A_2563] : memref<16384x56x128xf32, #tpu.memory_space<hbm>> -> memref<1x50x32xf32, #tpu.memory_space<hbm>>
          %dma_wait3A_2565 = tpu.memref_squeeze %dma_wait3A_2564 : memref<1x50x32xf32, #tpu.memory_space<hbm>> -> memref<50x32xf32, #tpu.memory_space<hbm>>
          %dma_wait3A_2566 = arith.constant 0 : i32
          %dma_wait3A_2567 = arith.constant 0 : i32
          %dma_wait3A_2568 = tpu.memref_slice %arg5[%add3A_2558, %dma_wait3A_2566, %dma_wait3A_2567] : memref<16384x56x128xf32, #tpu.memory_space<hbm>> -> memref<1x50x32xf32, #tpu.memory_space<hbm>>
          %dma_wait3A_2569 = tpu.memref_squeeze %dma_wait3A_2568 : memref<1x50x32xf32, #tpu.memory_space<hbm>> -> memref<50x32xf32, #tpu.memory_space<hbm>>
          %dma_wait3A_2570 = arith.constant 1050 : i32
          %dma_wait3A_2571 = arith.constant 0 : i32
          %dma_wait3A_2572 = tpu.memref_slice %arg9[%dma_wait3A_2570, %dma_wait3A_2571] : memref<1600x32xf32, #tpu.memory_space<vmem>> -> memref<50x32xf32, #tpu.memory_space<vmem>>
          tpu.wait_dma2 semaphore(%arg14 : memref<!tpu.dma_semaphore, #tpu.memory_space<semaphore_mem>>) src(%dma_wait3A_2572 : memref<50x32xf32, #tpu.memory_space<vmem>>) dst(%dma_wait3A_2569 : memref<50x32xf32, #tpu.memory_space<hbm>>)
          %add3A_2573 = arith.constant 22 : i32
          %add3A_2574 = arith.addi %add3A_2220, %add3A_2573 : i32
          %dma_wait3A_2575 = arith.constant 1100 : i32
          %dma_wait3A_2576 = arith.constant 0 : i32
          %dma_wait3A_2577 = tpu.memref_slice %arg9[%dma_wait3A_2575, %dma_wait3A_2576] : memref<1600x32xf32, #tpu.memory_space<vmem>> -> memref<50x32xf32, #tpu.memory_space<vmem>>
          %dma_wait3A_2578 = arith.constant 0 : i32
          %dma_wait3A_2579 = arith.constant 0 : i32
          %dma_wait3A_2580 = tpu.memref_slice %arg5[%add3A_2574, %dma_wait3A_2578, %dma_wait3A_2579] : memref<16384x56x128xf32, #tpu.memory_space<hbm>> -> memref<1x50x32xf32, #tpu.memory_space<hbm>>
          %dma_wait3A_2581 = tpu.memref_squeeze %dma_wait3A_2580 : memref<1x50x32xf32, #tpu.memory_space<hbm>> -> memref<50x32xf32, #tpu.memory_space<hbm>>
          %dma_wait3A_2582 = arith.constant 0 : i32
          %dma_wait3A_2583 = arith.constant 0 : i32
          %dma_wait3A_2584 = tpu.memref_slice %arg5[%add3A_2574, %dma_wait3A_2582, %dma_wait3A_2583] : memref<16384x56x128xf32, #tpu.memory_space<hbm>> -> memref<1x50x32xf32, #tpu.memory_space<hbm>>
          %dma_wait3A_2585 = tpu.memref_squeeze %dma_wait3A_2584 : memref<1x50x32xf32, #tpu.memory_space<hbm>> -> memref<50x32xf32, #tpu.memory_space<hbm>>
          %dma_wait3A_2586 = arith.constant 1100 : i32
          %dma_wait3A_2587 = arith.constant 0 : i32
          %dma_wait3A_2588 = tpu.memref_slice %arg9[%dma_wait3A_2586, %dma_wait3A_2587] : memref<1600x32xf32, #tpu.memory_space<vmem>> -> memref<50x32xf32, #tpu.memory_space<vmem>>
          tpu.wait_dma2 semaphore(%arg14 : memref<!tpu.dma_semaphore, #tpu.memory_space<semaphore_mem>>) src(%dma_wait3A_2588 : memref<50x32xf32, #tpu.memory_space<vmem>>) dst(%dma_wait3A_2585 : memref<50x32xf32, #tpu.memory_space<hbm>>)
          %add3A_2589 = arith.constant 23 : i32
          %add3A_2590 = arith.addi %add3A_2220, %add3A_2589 : i32
          %dma_wait3A_2591 = arith.constant 1150 : i32
          %dma_wait3A_2592 = arith.constant 0 : i32
          %dma_wait3A_2593 = tpu.memref_slice %arg9[%dma_wait3A_2591, %dma_wait3A_2592] : memref<1600x32xf32, #tpu.memory_space<vmem>> -> memref<50x32xf32, #tpu.memory_space<vmem>>
          %dma_wait3A_2594 = arith.constant 0 : i32
          %dma_wait3A_2595 = arith.constant 0 : i32
          %dma_wait3A_2596 = tpu.memref_slice %arg5[%add3A_2590, %dma_wait3A_2594, %dma_wait3A_2595] : memref<16384x56x128xf32, #tpu.memory_space<hbm>> -> memref<1x50x32xf32, #tpu.memory_space<hbm>>
          %dma_wait3A_2597 = tpu.memref_squeeze %dma_wait3A_2596 : memref<1x50x32xf32, #tpu.memory_space<hbm>> -> memref<50x32xf32, #tpu.memory_space<hbm>>
          %dma_wait3A_2598 = arith.constant 0 : i32
          %dma_wait3A_2599 = arith.constant 0 : i32
          %dma_wait3A_2600 = tpu.memref_slice %arg5[%add3A_2590, %dma_wait3A_2598, %dma_wait3A_2599] : memref<16384x56x128xf32, #tpu.memory_space<hbm>> -> memref<1x50x32xf32, #tpu.memory_space<hbm>>
          %dma_wait3A_2601 = tpu.memref_squeeze %dma_wait3A_2600 : memref<1x50x32xf32, #tpu.memory_space<hbm>> -> memref<50x32xf32, #tpu.memory_space<hbm>>
          %dma_wait3A_2602 = arith.constant 1150 : i32
          %dma_wait3A_2603 = arith.constant 0 : i32
          %dma_wait3A_2604 = tpu.memref_slice %arg9[%dma_wait3A_2602, %dma_wait3A_2603] : memref<1600x32xf32, #tpu.memory_space<vmem>> -> memref<50x32xf32, #tpu.memory_space<vmem>>
          tpu.wait_dma2 semaphore(%arg14 : memref<!tpu.dma_semaphore, #tpu.memory_space<semaphore_mem>>) src(%dma_wait3A_2604 : memref<50x32xf32, #tpu.memory_space<vmem>>) dst(%dma_wait3A_2601 : memref<50x32xf32, #tpu.memory_space<hbm>>)
          %add3A_2605 = arith.constant 24 : i32
          %add3A_2606 = arith.addi %add3A_2220, %add3A_2605 : i32
          %dma_wait3A_2607 = arith.constant 1200 : i32
          %dma_wait3A_2608 = arith.constant 0 : i32
          %dma_wait3A_2609 = tpu.memref_slice %arg9[%dma_wait3A_2607, %dma_wait3A_2608] : memref<1600x32xf32, #tpu.memory_space<vmem>> -> memref<50x32xf32, #tpu.memory_space<vmem>>
          %dma_wait3A_2610 = arith.constant 0 : i32
          %dma_wait3A_2611 = arith.constant 0 : i32
          %dma_wait3A_2612 = tpu.memref_slice %arg5[%add3A_2606, %dma_wait3A_2610, %dma_wait3A_2611] : memref<16384x56x128xf32, #tpu.memory_space<hbm>> -> memref<1x50x32xf32, #tpu.memory_space<hbm>>
          %dma_wait3A_2613 = tpu.memref_squeeze %dma_wait3A_2612 : memref<1x50x32xf32, #tpu.memory_space<hbm>> -> memref<50x32xf32, #tpu.memory_space<hbm>>
          %dma_wait3A_2614 = arith.constant 0 : i32
          %dma_wait3A_2615 = arith.constant 0 : i32
          %dma_wait3A_2616 = tpu.memref_slice %arg5[%add3A_2606, %dma_wait3A_2614, %dma_wait3A_2615] : memref<16384x56x128xf32, #tpu.memory_space<hbm>> -> memref<1x50x32xf32, #tpu.memory_space<hbm>>
          %dma_wait3A_2617 = tpu.memref_squeeze %dma_wait3A_2616 : memref<1x50x32xf32, #tpu.memory_space<hbm>> -> memref<50x32xf32, #tpu.memory_space<hbm>>
          %dma_wait3A_2618 = arith.constant 1200 : i32
          %dma_wait3A_2619 = arith.constant 0 : i32
          %dma_wait3A_2620 = tpu.memref_slice %arg9[%dma_wait3A_2618, %dma_wait3A_2619] : memref<1600x32xf32, #tpu.memory_space<vmem>> -> memref<50x32xf32, #tpu.memory_space<vmem>>
          tpu.wait_dma2 semaphore(%arg14 : memref<!tpu.dma_semaphore, #tpu.memory_space<semaphore_mem>>) src(%dma_wait3A_2620 : memref<50x32xf32, #tpu.memory_space<vmem>>) dst(%dma_wait3A_2617 : memref<50x32xf32, #tpu.memory_space<hbm>>)
          %add3A_2621 = arith.constant 25 : i32
          %add3A_2622 = arith.addi %add3A_2220, %add3A_2621 : i32
          %dma_wait3A_2623 = arith.constant 1250 : i32
          %dma_wait3A_2624 = arith.constant 0 : i32
          %dma_wait3A_2625 = tpu.memref_slice %arg9[%dma_wait3A_2623, %dma_wait3A_2624] : memref<1600x32xf32, #tpu.memory_space<vmem>> -> memref<50x32xf32, #tpu.memory_space<vmem>>
          %dma_wait3A_2626 = arith.constant 0 : i32
          %dma_wait3A_2627 = arith.constant 0 : i32
          %dma_wait3A_2628 = tpu.memref_slice %arg5[%add3A_2622, %dma_wait3A_2626, %dma_wait3A_2627] : memref<16384x56x128xf32, #tpu.memory_space<hbm>> -> memref<1x50x32xf32, #tpu.memory_space<hbm>>
          %dma_wait3A_2629 = tpu.memref_squeeze %dma_wait3A_2628 : memref<1x50x32xf32, #tpu.memory_space<hbm>> -> memref<50x32xf32, #tpu.memory_space<hbm>>
          %dma_wait3A_2630 = arith.constant 0 : i32
          %dma_wait3A_2631 = arith.constant 0 : i32
          %dma_wait3A_2632 = tpu.memref_slice %arg5[%add3A_2622, %dma_wait3A_2630, %dma_wait3A_2631] : memref<16384x56x128xf32, #tpu.memory_space<hbm>> -> memref<1x50x32xf32, #tpu.memory_space<hbm>>
          %dma_wait3A_2633 = tpu.memref_squeeze %dma_wait3A_2632 : memref<1x50x32xf32, #tpu.memory_space<hbm>> -> memref<50x32xf32, #tpu.memory_space<hbm>>
          %dma_wait3A_2634 = arith.constant 1250 : i32
          %dma_wait3A_2635 = arith.constant 0 : i32
          %dma_wait3A_2636 = tpu.memref_slice %arg9[%dma_wait3A_2634, %dma_wait3A_2635] : memref<1600x32xf32, #tpu.memory_space<vmem>> -> memref<50x32xf32, #tpu.memory_space<vmem>>
          tpu.wait_dma2 semaphore(%arg14 : memref<!tpu.dma_semaphore, #tpu.memory_space<semaphore_mem>>) src(%dma_wait3A_2636 : memref<50x32xf32, #tpu.memory_space<vmem>>) dst(%dma_wait3A_2633 : memref<50x32xf32, #tpu.memory_space<hbm>>)
          %add3A_2637 = arith.constant 26 : i32
          %add3A_2638 = arith.addi %add3A_2220, %add3A_2637 : i32
          %dma_wait3A_2639 = arith.constant 1300 : i32
          %dma_wait3A_2640 = arith.constant 0 : i32
          %dma_wait3A_2641 = tpu.memref_slice %arg9[%dma_wait3A_2639, %dma_wait3A_2640] : memref<1600x32xf32, #tpu.memory_space<vmem>> -> memref<50x32xf32, #tpu.memory_space<vmem>>
          %dma_wait3A_2642 = arith.constant 0 : i32
          %dma_wait3A_2643 = arith.constant 0 : i32
          %dma_wait3A_2644 = tpu.memref_slice %arg5[%add3A_2638, %dma_wait3A_2642, %dma_wait3A_2643] : memref<16384x56x128xf32, #tpu.memory_space<hbm>> -> memref<1x50x32xf32, #tpu.memory_space<hbm>>
          %dma_wait3A_2645 = tpu.memref_squeeze %dma_wait3A_2644 : memref<1x50x32xf32, #tpu.memory_space<hbm>> -> memref<50x32xf32, #tpu.memory_space<hbm>>
          %dma_wait3A_2646 = arith.constant 0 : i32
          %dma_wait3A_2647 = arith.constant 0 : i32
          %dma_wait3A_2648 = tpu.memref_slice %arg5[%add3A_2638, %dma_wait3A_2646, %dma_wait3A_2647] : memref<16384x56x128xf32, #tpu.memory_space<hbm>> -> memref<1x50x32xf32, #tpu.memory_space<hbm>>
          %dma_wait3A_2649 = tpu.memref_squeeze %dma_wait3A_2648 : memref<1x50x32xf32, #tpu.memory_space<hbm>> -> memref<50x32xf32, #tpu.memory_space<hbm>>
          %dma_wait3A_2650 = arith.constant 1300 : i32
          %dma_wait3A_2651 = arith.constant 0 : i32
          %dma_wait3A_2652 = tpu.memref_slice %arg9[%dma_wait3A_2650, %dma_wait3A_2651] : memref<1600x32xf32, #tpu.memory_space<vmem>> -> memref<50x32xf32, #tpu.memory_space<vmem>>
          tpu.wait_dma2 semaphore(%arg14 : memref<!tpu.dma_semaphore, #tpu.memory_space<semaphore_mem>>) src(%dma_wait3A_2652 : memref<50x32xf32, #tpu.memory_space<vmem>>) dst(%dma_wait3A_2649 : memref<50x32xf32, #tpu.memory_space<hbm>>)
          %add3A_2653 = arith.constant 27 : i32
          %add3A_2654 = arith.addi %add3A_2220, %add3A_2653 : i32
          %dma_wait3A_2655 = arith.constant 1350 : i32
          %dma_wait3A_2656 = arith.constant 0 : i32
          %dma_wait3A_2657 = tpu.memref_slice %arg9[%dma_wait3A_2655, %dma_wait3A_2656] : memref<1600x32xf32, #tpu.memory_space<vmem>> -> memref<50x32xf32, #tpu.memory_space<vmem>>
          %dma_wait3A_2658 = arith.constant 0 : i32
          %dma_wait3A_2659 = arith.constant 0 : i32
          %dma_wait3A_2660 = tpu.memref_slice %arg5[%add3A_2654, %dma_wait3A_2658, %dma_wait3A_2659] : memref<16384x56x128xf32, #tpu.memory_space<hbm>> -> memref<1x50x32xf32, #tpu.memory_space<hbm>>
          %dma_wait3A_2661 = tpu.memref_squeeze %dma_wait3A_2660 : memref<1x50x32xf32, #tpu.memory_space<hbm>> -> memref<50x32xf32, #tpu.memory_space<hbm>>
          %dma_wait3A_2662 = arith.constant 0 : i32
          %dma_wait3A_2663 = arith.constant 0 : i32
          %dma_wait3A_2664 = tpu.memref_slice %arg5[%add3A_2654, %dma_wait3A_2662, %dma_wait3A_2663] : memref<16384x56x128xf32, #tpu.memory_space<hbm>> -> memref<1x50x32xf32, #tpu.memory_space<hbm>>
          %dma_wait3A_2665 = tpu.memref_squeeze %dma_wait3A_2664 : memref<1x50x32xf32, #tpu.memory_space<hbm>> -> memref<50x32xf32, #tpu.memory_space<hbm>>
          %dma_wait3A_2666 = arith.constant 1350 : i32
          %dma_wait3A_2667 = arith.constant 0 : i32
          %dma_wait3A_2668 = tpu.memref_slice %arg9[%dma_wait3A_2666, %dma_wait3A_2667] : memref<1600x32xf32, #tpu.memory_space<vmem>> -> memref<50x32xf32, #tpu.memory_space<vmem>>
          tpu.wait_dma2 semaphore(%arg14 : memref<!tpu.dma_semaphore, #tpu.memory_space<semaphore_mem>>) src(%dma_wait3A_2668 : memref<50x32xf32, #tpu.memory_space<vmem>>) dst(%dma_wait3A_2665 : memref<50x32xf32, #tpu.memory_space<hbm>>)
          %add3A_2669 = arith.constant 28 : i32
          %add3A_2670 = arith.addi %add3A_2220, %add3A_2669 : i32
          %dma_wait3A_2671 = arith.constant 1400 : i32
          %dma_wait3A_2672 = arith.constant 0 : i32
          %dma_wait3A_2673 = tpu.memref_slice %arg9[%dma_wait3A_2671, %dma_wait3A_2672] : memref<1600x32xf32, #tpu.memory_space<vmem>> -> memref<50x32xf32, #tpu.memory_space<vmem>>
          %dma_wait3A_2674 = arith.constant 0 : i32
          %dma_wait3A_2675 = arith.constant 0 : i32
          %dma_wait3A_2676 = tpu.memref_slice %arg5[%add3A_2670, %dma_wait3A_2674, %dma_wait3A_2675] : memref<16384x56x128xf32, #tpu.memory_space<hbm>> -> memref<1x50x32xf32, #tpu.memory_space<hbm>>
          %dma_wait3A_2677 = tpu.memref_squeeze %dma_wait3A_2676 : memref<1x50x32xf32, #tpu.memory_space<hbm>> -> memref<50x32xf32, #tpu.memory_space<hbm>>
          %dma_wait3A_2678 = arith.constant 0 : i32
          %dma_wait3A_2679 = arith.constant 0 : i32
          %dma_wait3A_2680 = tpu.memref_slice %arg5[%add3A_2670, %dma_wait3A_2678, %dma_wait3A_2679] : memref<16384x56x128xf32, #tpu.memory_space<hbm>> -> memref<1x50x32xf32, #tpu.memory_space<hbm>>
          %dma_wait3A_2681 = tpu.memref_squeeze %dma_wait3A_2680 : memref<1x50x32xf32, #tpu.memory_space<hbm>> -> memref<50x32xf32, #tpu.memory_space<hbm>>
          %dma_wait3A_2682 = arith.constant 1400 : i32
          %dma_wait3A_2683 = arith.constant 0 : i32
          %dma_wait3A_2684 = tpu.memref_slice %arg9[%dma_wait3A_2682, %dma_wait3A_2683] : memref<1600x32xf32, #tpu.memory_space<vmem>> -> memref<50x32xf32, #tpu.memory_space<vmem>>
          tpu.wait_dma2 semaphore(%arg14 : memref<!tpu.dma_semaphore, #tpu.memory_space<semaphore_mem>>) src(%dma_wait3A_2684 : memref<50x32xf32, #tpu.memory_space<vmem>>) dst(%dma_wait3A_2681 : memref<50x32xf32, #tpu.memory_space<hbm>>)
          %add3A_2685 = arith.constant 29 : i32
          %add3A_2686 = arith.addi %add3A_2220, %add3A_2685 : i32
          %dma_wait3A_2687 = arith.constant 1450 : i32
          %dma_wait3A_2688 = arith.constant 0 : i32
          %dma_wait3A_2689 = tpu.memref_slice %arg9[%dma_wait3A_2687, %dma_wait3A_2688] : memref<1600x32xf32, #tpu.memory_space<vmem>> -> memref<50x32xf32, #tpu.memory_space<vmem>>
          %dma_wait3A_2690 = arith.constant 0 : i32
          %dma_wait3A_2691 = arith.constant 0 : i32
          %dma_wait3A_2692 = tpu.memref_slice %arg5[%add3A_2686, %dma_wait3A_2690, %dma_wait3A_2691] : memref<16384x56x128xf32, #tpu.memory_space<hbm>> -> memref<1x50x32xf32, #tpu.memory_space<hbm>>
          %dma_wait3A_2693 = tpu.memref_squeeze %dma_wait3A_2692 : memref<1x50x32xf32, #tpu.memory_space<hbm>> -> memref<50x32xf32, #tpu.memory_space<hbm>>
          %dma_wait3A_2694 = arith.constant 0 : i32
          %dma_wait3A_2695 = arith.constant 0 : i32
          %dma_wait3A_2696 = tpu.memref_slice %arg5[%add3A_2686, %dma_wait3A_2694, %dma_wait3A_2695] : memref<16384x56x128xf32, #tpu.memory_space<hbm>> -> memref<1x50x32xf32, #tpu.memory_space<hbm>>
          %dma_wait3A_2697 = tpu.memref_squeeze %dma_wait3A_2696 : memref<1x50x32xf32, #tpu.memory_space<hbm>> -> memref<50x32xf32, #tpu.memory_space<hbm>>
          %dma_wait3A_2698 = arith.constant 1450 : i32
          %dma_wait3A_2699 = arith.constant 0 : i32
          %dma_wait3A_2700 = tpu.memref_slice %arg9[%dma_wait3A_2698, %dma_wait3A_2699] : memref<1600x32xf32, #tpu.memory_space<vmem>> -> memref<50x32xf32, #tpu.memory_space<vmem>>
          tpu.wait_dma2 semaphore(%arg14 : memref<!tpu.dma_semaphore, #tpu.memory_space<semaphore_mem>>) src(%dma_wait3A_2700 : memref<50x32xf32, #tpu.memory_space<vmem>>) dst(%dma_wait3A_2697 : memref<50x32xf32, #tpu.memory_space<hbm>>)
          %add3A_2701 = arith.constant 30 : i32
          %add3A_2702 = arith.addi %add3A_2220, %add3A_2701 : i32
          %dma_wait3A_2703 = arith.constant 1500 : i32
          %dma_wait3A_2704 = arith.constant 0 : i32
          %dma_wait3A_2705 = tpu.memref_slice %arg9[%dma_wait3A_2703, %dma_wait3A_2704] : memref<1600x32xf32, #tpu.memory_space<vmem>> -> memref<50x32xf32, #tpu.memory_space<vmem>>
          %dma_wait3A_2706 = arith.constant 0 : i32
          %dma_wait3A_2707 = arith.constant 0 : i32
          %dma_wait3A_2708 = tpu.memref_slice %arg5[%add3A_2702, %dma_wait3A_2706, %dma_wait3A_2707] : memref<16384x56x128xf32, #tpu.memory_space<hbm>> -> memref<1x50x32xf32, #tpu.memory_space<hbm>>
          %dma_wait3A_2709 = tpu.memref_squeeze %dma_wait3A_2708 : memref<1x50x32xf32, #tpu.memory_space<hbm>> -> memref<50x32xf32, #tpu.memory_space<hbm>>
          %dma_wait3A_2710 = arith.constant 0 : i32
          %dma_wait3A_2711 = arith.constant 0 : i32
          %dma_wait3A_2712 = tpu.memref_slice %arg5[%add3A_2702, %dma_wait3A_2710, %dma_wait3A_2711] : memref<16384x56x128xf32, #tpu.memory_space<hbm>> -> memref<1x50x32xf32, #tpu.memory_space<hbm>>
          %dma_wait3A_2713 = tpu.memref_squeeze %dma_wait3A_2712 : memref<1x50x32xf32, #tpu.memory_space<hbm>> -> memref<50x32xf32, #tpu.memory_space<hbm>>
          %dma_wait3A_2714 = arith.constant 1500 : i32
          %dma_wait3A_2715 = arith.constant 0 : i32
          %dma_wait3A_2716 = tpu.memref_slice %arg9[%dma_wait3A_2714, %dma_wait3A_2715] : memref<1600x32xf32, #tpu.memory_space<vmem>> -> memref<50x32xf32, #tpu.memory_space<vmem>>
          tpu.wait_dma2 semaphore(%arg14 : memref<!tpu.dma_semaphore, #tpu.memory_space<semaphore_mem>>) src(%dma_wait3A_2716 : memref<50x32xf32, #tpu.memory_space<vmem>>) dst(%dma_wait3A_2713 : memref<50x32xf32, #tpu.memory_space<hbm>>)
          %add3A_2717 = arith.constant 31 : i32
          %add3A_2718 = arith.addi %add3A_2220, %add3A_2717 : i32
          %dma_wait3A_2719 = arith.constant 1550 : i32
          %dma_wait3A_2720 = arith.constant 0 : i32
          %dma_wait3A_2721 = tpu.memref_slice %arg9[%dma_wait3A_2719, %dma_wait3A_2720] : memref<1600x32xf32, #tpu.memory_space<vmem>> -> memref<50x32xf32, #tpu.memory_space<vmem>>
          %dma_wait3A_2722 = arith.constant 0 : i32
          %dma_wait3A_2723 = arith.constant 0 : i32
          %dma_wait3A_2724 = tpu.memref_slice %arg5[%add3A_2718, %dma_wait3A_2722, %dma_wait3A_2723] : memref<16384x56x128xf32, #tpu.memory_space<hbm>> -> memref<1x50x32xf32, #tpu.memory_space<hbm>>
          %dma_wait3A_2725 = tpu.memref_squeeze %dma_wait3A_2724 : memref<1x50x32xf32, #tpu.memory_space<hbm>> -> memref<50x32xf32, #tpu.memory_space<hbm>>
          %dma_wait3A_2726 = arith.constant 0 : i32
          %dma_wait3A_2727 = arith.constant 0 : i32
          %dma_wait3A_2728 = tpu.memref_slice %arg5[%add3A_2718, %dma_wait3A_2726, %dma_wait3A_2727] : memref<16384x56x128xf32, #tpu.memory_space<hbm>> -> memref<1x50x32xf32, #tpu.memory_space<hbm>>
          %dma_wait3A_2729 = tpu.memref_squeeze %dma_wait3A_2728 : memref<1x50x32xf32, #tpu.memory_space<hbm>> -> memref<50x32xf32, #tpu.memory_space<hbm>>
          %dma_wait3A_2730 = arith.constant 1550 : i32
          %dma_wait3A_2731 = arith.constant 0 : i32
          %dma_wait3A_2732 = tpu.memref_slice %arg9[%dma_wait3A_2730, %dma_wait3A_2731] : memref<1600x32xf32, #tpu.memory_space<vmem>> -> memref<50x32xf32, #tpu.memory_space<vmem>>
          tpu.wait_dma2 semaphore(%arg14 : memref<!tpu.dma_semaphore, #tpu.memory_space<semaphore_mem>>) src(%dma_wait3A_2732 : memref<50x32xf32, #tpu.memory_space<vmem>>) dst(%dma_wait3A_2729 : memref<50x32xf32, #tpu.memory_space<hbm>>)
        } else {
        }
        %dma_start3A_2197 = arith.constant 1 : i32
        %dma_start3A_2198 = arith.constant 0 : i32
        %dma_start3A_2199 = arith.constant 0 : i32
        %dma_start3A_2200 = tpu.memref_slice %arg7[%dma_start3A_2197, %dma_start3A_2198, %dma_start3A_2199] : memref<2x2x1600xi32, #tpu.memory_space<vmem>> -> memref<1x1x1600xi32, #tpu.memory_space<vmem>>
        %dma_start3A_2201 = tpu.memref_squeeze %dma_start3A_2200 : memref<1x1x1600xi32, #tpu.memory_space<vmem>> -> memref<1600xi32, #tpu.memory_space<vmem>>
        %dma_start3A_2202 = arith.constant 0 : i32
        %dma_start3A_2203 = arith.constant 0 : i32
        %dma_start3A_2204 = tpu.memref_slice %arg2[%dma_start3A_2202, %dma_start3A_2203] : memref<500000x32xf32, #tpu.memory_space<hbm>> -> memref<500000x32xf32, #tpu.memory_space<hbm>>
        %dma_start3A_2205 = arith.constant -1 : i32
        tpu.enqueue_indirect_dma source(%dma_start3A_2204 : memref<500000x32xf32, #tpu.memory_space<hbm>>) target(%arg9 : memref<1600x32xf32, #tpu.memory_space<vmem>>) offsets(%dma_start3A_2201 : memref<1600xi32, #tpu.memory_space<vmem>>) offset_filter(%dma_start3A_2205) semaphore(%arg12 : memref<!tpu.dma_semaphore, #tpu.memory_space<semaphore_mem>>)
        %dma_start3A_2206 = arith.constant 1 : i32
        %dma_start3A_2207 = arith.constant 1 : i32
        %dma_start3A_2208 = arith.constant 0 : i32
        %dma_start3A_2209 = tpu.memref_slice %arg7[%dma_start3A_2206, %dma_start3A_2207, %dma_start3A_2208] : memref<2x2x1600xi32, #tpu.memory_space<vmem>> -> memref<1x1x1600xi32, #tpu.memory_space<vmem>>
        %dma_start3A_2210 = tpu.memref_squeeze %dma_start3A_2209 : memref<1x1x1600xi32, #tpu.memory_space<vmem>> -> memref<1600xi32, #tpu.memory_space<vmem>>
        %dma_start3A_2211 = arith.constant 0 : i32
        %dma_start3A_2212 = arith.constant 0 : i32
        %dma_start3A_2213 = tpu.memref_slice %arg3[%dma_start3A_2211, %dma_start3A_2212] : memref<500000x32xf32, #tpu.memory_space<hbm>> -> memref<500000x32xf32, #tpu.memory_space<hbm>>
        %dma_start3A_2214 = arith.constant -1 : i32
        tpu.enqueue_indirect_dma source(%dma_start3A_2213 : memref<500000x32xf32, #tpu.memory_space<hbm>>) target(%arg9 : memref<1600x32xf32, #tpu.memory_space<vmem>>) offsets(%dma_start3A_2210 : memref<1600xi32, #tpu.memory_space<vmem>>) offset_filter(%dma_start3A_2214) semaphore(%arg12 : memref<!tpu.dma_semaphore, #tpu.memory_space<semaphore_mem>>)
      } else {
      }
      %dma_wait3A_1082 = arith.constant 0 : i32
      %dma_wait3A_1083 = arith.constant 0 : i32
      %dma_wait3A_1084 = arith.constant 0 : i32
      %dma_wait3A_1085 = tpu.memref_slice %arg7[%dma_wait3A_1082, %dma_wait3A_1083, %dma_wait3A_1084] : memref<2x2x1600xi32, #tpu.memory_space<vmem>> -> memref<1x1x1600xi32, #tpu.memory_space<vmem>>
      %dma_wait3A_1086 = tpu.memref_squeeze %dma_wait3A_1085 : memref<1x1x1600xi32, #tpu.memory_space<vmem>> -> memref<1600xi32, #tpu.memory_space<vmem>>
      %dma_wait3A_1087 = arith.constant 0 : i32
      %dma_wait3A_1088 = arith.constant 0 : i32
      %dma_wait3A_1089 = tpu.memref_slice %arg2[%dma_wait3A_1087, %dma_wait3A_1088] : memref<500000x32xf32, #tpu.memory_space<hbm>> -> memref<500000x32xf32, #tpu.memory_space<hbm>>
      tpu.wait_indirect_dma semaphore(%arg11 : memref<!tpu.dma_semaphore, #tpu.memory_space<semaphore_mem>>) src(%dma_wait3A_1089 : memref<500000x32xf32, #tpu.memory_space<hbm>>) dst(%arg8 : memref<1600x32xf32, #tpu.memory_space<vmem>>)
      %dma_wait3A_1090 = arith.constant 0 : i32
      %dma_wait3A_1091 = arith.constant 1 : i32
      %dma_wait3A_1092 = arith.constant 0 : i32
      %dma_wait3A_1093 = tpu.memref_slice %arg7[%dma_wait3A_1090, %dma_wait3A_1091, %dma_wait3A_1092] : memref<2x2x1600xi32, #tpu.memory_space<vmem>> -> memref<1x1x1600xi32, #tpu.memory_space<vmem>>
      %dma_wait3A_1094 = tpu.memref_squeeze %dma_wait3A_1093 : memref<1x1x1600xi32, #tpu.memory_space<vmem>> -> memref<1600xi32, #tpu.memory_space<vmem>>
      %dma_wait3A_1095 = arith.constant 0 : i32
      %dma_wait3A_1096 = arith.constant 0 : i32
      %dma_wait3A_1097 = tpu.memref_slice %arg3[%dma_wait3A_1095, %dma_wait3A_1096] : memref<500000x32xf32, #tpu.memory_space<hbm>> -> memref<500000x32xf32, #tpu.memory_space<hbm>>
      tpu.wait_indirect_dma semaphore(%arg11 : memref<!tpu.dma_semaphore, #tpu.memory_space<semaphore_mem>>) src(%dma_wait3A_1097 : memref<500000x32xf32, #tpu.memory_space<hbm>>) dst(%arg8 : memref<1600x32xf32, #tpu.memory_space<vmem>>)
      %mul3A_1098 = arith.constant 512 : i32
      %mul3A_1099 = arith.muli %add3A, %mul3A_1098 : i32
      %mul3A_1100 = arith.constant 32 : i32
      %mul3A_1101 = arith.muli %mul3A_1077, %mul3A_1100 : i32
      %add3A_1102 = arith.addi %mul3A_1099, %mul3A_1101 : i32
      %add3A_1103 = arith.constant 0 : i32
      %add3A_1104 = arith.addi %add3A_1102, %add3A_1103 : i32
      %dma_start3A_1105 = arith.constant 0 : i32
      %dma_start3A_1106 = arith.constant 0 : i32
      %dma_start3A_1107 = tpu.memref_slice %arg8[%dma_start3A_1105, %dma_start3A_1106] : memref<1600x32xf32, #tpu.memory_space<vmem>> -> memref<50x32xf32, #tpu.memory_space<vmem>>
      %dma_start3A_1108 = arith.constant 0 : i32
      %dma_start3A_1109 = arith.constant 0 : i32
      %dma_start3A_1110 = tpu.memref_slice %arg5[%add3A_1104, %dma_start3A_1108, %dma_start3A_1109] : memref<16384x56x128xf32, #tpu.memory_space<hbm>> -> memref<1x50x32xf32, #tpu.memory_space<hbm>>
      %dma_start3A_1111 = tpu.memref_squeeze %dma_start3A_1110 : memref<1x50x32xf32, #tpu.memory_space<hbm>> -> memref<50x32xf32, #tpu.memory_space<hbm>>
      %dma_start3A_1112 = arith.constant 0 : i32
      %dma_start3A_1113 = arith.constant 0 : i32
      %dma_start3A_1114 = tpu.memref_slice %arg5[%add3A_1104, %dma_start3A_1112, %dma_start3A_1113] : memref<16384x56x128xf32, #tpu.memory_space<hbm>> -> memref<1x50x32xf32, #tpu.memory_space<hbm>>
      %dma_start3A_1115 = tpu.memref_squeeze %dma_start3A_1114 : memref<1x50x32xf32, #tpu.memory_space<hbm>> -> memref<50x32xf32, #tpu.memory_space<hbm>>
      %dma_start3A_1116 = arith.constant 0 : i32
      %dma_start3A_1117 = arith.constant 0 : i32
      %dma_start3A_1118 = tpu.memref_slice %arg8[%dma_start3A_1116, %dma_start3A_1117] : memref<1600x32xf32, #tpu.memory_space<vmem>> -> memref<50x32xf32, #tpu.memory_space<vmem>>
      tpu.enqueue_dma source(%dma_start3A_1118 : memref<50x32xf32, #tpu.memory_space<vmem>>) target(%dma_start3A_1115 : memref<50x32xf32, #tpu.memory_space<hbm>>) target_semaphore(%arg13 : memref<!tpu.dma_semaphore, #tpu.memory_space<semaphore_mem>>)
      %add3A_1119 = arith.constant 1 : i32
      %add3A_1120 = arith.addi %add3A_1102, %add3A_1119 : i32
      %dma_start3A_1121 = arith.constant 50 : i32
      %dma_start3A_1122 = arith.constant 0 : i32
      %dma_start3A_1123 = tpu.memref_slice %arg8[%dma_start3A_1121, %dma_start3A_1122] : memref<1600x32xf32, #tpu.memory_space<vmem>> -> memref<50x32xf32, #tpu.memory_space<vmem>>
      %dma_start3A_1124 = arith.constant 0 : i32
      %dma_start3A_1125 = arith.constant 0 : i32
      %dma_start3A_1126 = tpu.memref_slice %arg5[%add3A_1120, %dma_start3A_1124, %dma_start3A_1125] : memref<16384x56x128xf32, #tpu.memory_space<hbm>> -> memref<1x50x32xf32, #tpu.memory_space<hbm>>
      %dma_start3A_1127 = tpu.memref_squeeze %dma_start3A_1126 : memref<1x50x32xf32, #tpu.memory_space<hbm>> -> memref<50x32xf32, #tpu.memory_space<hbm>>
      %dma_start3A_1128 = arith.constant 0 : i32
      %dma_start3A_1129 = arith.constant 0 : i32
      %dma_start3A_1130 = tpu.memref_slice %arg5[%add3A_1120, %dma_start3A_1128, %dma_start3A_1129] : memref<16384x56x128xf32, #tpu.memory_space<hbm>> -> memref<1x50x32xf32, #tpu.memory_space<hbm>>
      %dma_start3A_1131 = tpu.memref_squeeze %dma_start3A_1130 : memref<1x50x32xf32, #tpu.memory_space<hbm>> -> memref<50x32xf32, #tpu.memory_space<hbm>>
      %dma_start3A_1132 = arith.constant 50 : i32
      %dma_start3A_1133 = arith.constant 0 : i32
      %dma_start3A_1134 = tpu.memref_slice %arg8[%dma_start3A_1132, %dma_start3A_1133] : memref<1600x32xf32, #tpu.memory_space<vmem>> -> memref<50x32xf32, #tpu.memory_space<vmem>>
      tpu.enqueue_dma source(%dma_start3A_1134 : memref<50x32xf32, #tpu.memory_space<vmem>>) target(%dma_start3A_1131 : memref<50x32xf32, #tpu.memory_space<hbm>>) target_semaphore(%arg13 : memref<!tpu.dma_semaphore, #tpu.memory_space<semaphore_mem>>)
      %add3A_1135 = arith.constant 2 : i32
      %add3A_1136 = arith.addi %add3A_1102, %add3A_1135 : i32
      %dma_start3A_1137 = arith.constant 100 : i32
      %dma_start3A_1138 = arith.constant 0 : i32
      %dma_start3A_1139 = tpu.memref_slice %arg8[%dma_start3A_1137, %dma_start3A_1138] : memref<1600x32xf32, #tpu.memory_space<vmem>> -> memref<50x32xf32, #tpu.memory_space<vmem>>
      %dma_start3A_1140 = arith.constant 0 : i32
      %dma_start3A_1141 = arith.constant 0 : i32
      %dma_start3A_1142 = tpu.memref_slice %arg5[%add3A_1136, %dma_start3A_1140, %dma_start3A_1141] : memref<16384x56x128xf32, #tpu.memory_space<hbm>> -> memref<1x50x32xf32, #tpu.memory_space<hbm>>
      %dma_start3A_1143 = tpu.memref_squeeze %dma_start3A_1142 : memref<1x50x32xf32, #tpu.memory_space<hbm>> -> memref<50x32xf32, #tpu.memory_space<hbm>>
      %dma_start3A_1144 = arith.constant 0 : i32
      %dma_start3A_1145 = arith.constant 0 : i32
      %dma_start3A_1146 = tpu.memref_slice %arg5[%add3A_1136, %dma_start3A_1144, %dma_start3A_1145] : memref<16384x56x128xf32, #tpu.memory_space<hbm>> -> memref<1x50x32xf32, #tpu.memory_space<hbm>>
      %dma_start3A_1147 = tpu.memref_squeeze %dma_start3A_1146 : memref<1x50x32xf32, #tpu.memory_space<hbm>> -> memref<50x32xf32, #tpu.memory_space<hbm>>
      %dma_start3A_1148 = arith.constant 100 : i32
      %dma_start3A_1149 = arith.constant 0 : i32
      %dma_start3A_1150 = tpu.memref_slice %arg8[%dma_start3A_1148, %dma_start3A_1149] : memref<1600x32xf32, #tpu.memory_space<vmem>> -> memref<50x32xf32, #tpu.memory_space<vmem>>
      tpu.enqueue_dma source(%dma_start3A_1150 : memref<50x32xf32, #tpu.memory_space<vmem>>) target(%dma_start3A_1147 : memref<50x32xf32, #tpu.memory_space<hbm>>) target_semaphore(%arg13 : memref<!tpu.dma_semaphore, #tpu.memory_space<semaphore_mem>>)
      %add3A_1151 = arith.constant 3 : i32
      %add3A_1152 = arith.addi %add3A_1102, %add3A_1151 : i32
      %dma_start3A_1153 = arith.constant 150 : i32
      %dma_start3A_1154 = arith.constant 0 : i32
      %dma_start3A_1155 = tpu.memref_slice %arg8[%dma_start3A_1153, %dma_start3A_1154] : memref<1600x32xf32, #tpu.memory_space<vmem>> -> memref<50x32xf32, #tpu.memory_space<vmem>>
      %dma_start3A_1156 = arith.constant 0 : i32
      %dma_start3A_1157 = arith.constant 0 : i32
      %dma_start3A_1158 = tpu.memref_slice %arg5[%add3A_1152, %dma_start3A_1156, %dma_start3A_1157] : memref<16384x56x128xf32, #tpu.memory_space<hbm>> -> memref<1x50x32xf32, #tpu.memory_space<hbm>>
      %dma_start3A_1159 = tpu.memref_squeeze %dma_start3A_1158 : memref<1x50x32xf32, #tpu.memory_space<hbm>> -> memref<50x32xf32, #tpu.memory_space<hbm>>
      %dma_start3A_1160 = arith.constant 0 : i32
      %dma_start3A_1161 = arith.constant 0 : i32
      %dma_start3A_1162 = tpu.memref_slice %arg5[%add3A_1152, %dma_start3A_1160, %dma_start3A_1161] : memref<16384x56x128xf32, #tpu.memory_space<hbm>> -> memref<1x50x32xf32, #tpu.memory_space<hbm>>
      %dma_start3A_1163 = tpu.memref_squeeze %dma_start3A_1162 : memref<1x50x32xf32, #tpu.memory_space<hbm>> -> memref<50x32xf32, #tpu.memory_space<hbm>>
      %dma_start3A_1164 = arith.constant 150 : i32
      %dma_start3A_1165 = arith.constant 0 : i32
      %dma_start3A_1166 = tpu.memref_slice %arg8[%dma_start3A_1164, %dma_start3A_1165] : memref<1600x32xf32, #tpu.memory_space<vmem>> -> memref<50x32xf32, #tpu.memory_space<vmem>>
      tpu.enqueue_dma source(%dma_start3A_1166 : memref<50x32xf32, #tpu.memory_space<vmem>>) target(%dma_start3A_1163 : memref<50x32xf32, #tpu.memory_space<hbm>>) target_semaphore(%arg13 : memref<!tpu.dma_semaphore, #tpu.memory_space<semaphore_mem>>)
      %add3A_1167 = arith.constant 4 : i32
      %add3A_1168 = arith.addi %add3A_1102, %add3A_1167 : i32
      %dma_start3A_1169 = arith.constant 200 : i32
      %dma_start3A_1170 = arith.constant 0 : i32
      %dma_start3A_1171 = tpu.memref_slice %arg8[%dma_start3A_1169, %dma_start3A_1170] : memref<1600x32xf32, #tpu.memory_space<vmem>> -> memref<50x32xf32, #tpu.memory_space<vmem>>
      %dma_start3A_1172 = arith.constant 0 : i32
      %dma_start3A_1173 = arith.constant 0 : i32
      %dma_start3A_1174 = tpu.memref_slice %arg5[%add3A_1168, %dma_start3A_1172, %dma_start3A_1173] : memref<16384x56x128xf32, #tpu.memory_space<hbm>> -> memref<1x50x32xf32, #tpu.memory_space<hbm>>
      %dma_start3A_1175 = tpu.memref_squeeze %dma_start3A_1174 : memref<1x50x32xf32, #tpu.memory_space<hbm>> -> memref<50x32xf32, #tpu.memory_space<hbm>>
      %dma_start3A_1176 = arith.constant 0 : i32
      %dma_start3A_1177 = arith.constant 0 : i32
      %dma_start3A_1178 = tpu.memref_slice %arg5[%add3A_1168, %dma_start3A_1176, %dma_start3A_1177] : memref<16384x56x128xf32, #tpu.memory_space<hbm>> -> memref<1x50x32xf32, #tpu.memory_space<hbm>>
      %dma_start3A_1179 = tpu.memref_squeeze %dma_start3A_1178 : memref<1x50x32xf32, #tpu.memory_space<hbm>> -> memref<50x32xf32, #tpu.memory_space<hbm>>
      %dma_start3A_1180 = arith.constant 200 : i32
      %dma_start3A_1181 = arith.constant 0 : i32
      %dma_start3A_1182 = tpu.memref_slice %arg8[%dma_start3A_1180, %dma_start3A_1181] : memref<1600x32xf32, #tpu.memory_space<vmem>> -> memref<50x32xf32, #tpu.memory_space<vmem>>
      tpu.enqueue_dma source(%dma_start3A_1182 : memref<50x32xf32, #tpu.memory_space<vmem>>) target(%dma_start3A_1179 : memref<50x32xf32, #tpu.memory_space<hbm>>) target_semaphore(%arg13 : memref<!tpu.dma_semaphore, #tpu.memory_space<semaphore_mem>>)
      %add3A_1183 = arith.constant 5 : i32
      %add3A_1184 = arith.addi %add3A_1102, %add3A_1183 : i32
      %dma_start3A_1185 = arith.constant 250 : i32
      %dma_start3A_1186 = arith.constant 0 : i32
      %dma_start3A_1187 = tpu.memref_slice %arg8[%dma_start3A_1185, %dma_start3A_1186] : memref<1600x32xf32, #tpu.memory_space<vmem>> -> memref<50x32xf32, #tpu.memory_space<vmem>>
      %dma_start3A_1188 = arith.constant 0 : i32
      %dma_start3A_1189 = arith.constant 0 : i32
      %dma_start3A_1190 = tpu.memref_slice %arg5[%add3A_1184, %dma_start3A_1188, %dma_start3A_1189] : memref<16384x56x128xf32, #tpu.memory_space<hbm>> -> memref<1x50x32xf32, #tpu.memory_space<hbm>>
      %dma_start3A_1191 = tpu.memref_squeeze %dma_start3A_1190 : memref<1x50x32xf32, #tpu.memory_space<hbm>> -> memref<50x32xf32, #tpu.memory_space<hbm>>
      %dma_start3A_1192 = arith.constant 0 : i32
      %dma_start3A_1193 = arith.constant 0 : i32
      %dma_start3A_1194 = tpu.memref_slice %arg5[%add3A_1184, %dma_start3A_1192, %dma_start3A_1193] : memref<16384x56x128xf32, #tpu.memory_space<hbm>> -> memref<1x50x32xf32, #tpu.memory_space<hbm>>
      %dma_start3A_1195 = tpu.memref_squeeze %dma_start3A_1194 : memref<1x50x32xf32, #tpu.memory_space<hbm>> -> memref<50x32xf32, #tpu.memory_space<hbm>>
      %dma_start3A_1196 = arith.constant 250 : i32
      %dma_start3A_1197 = arith.constant 0 : i32
      %dma_start3A_1198 = tpu.memref_slice %arg8[%dma_start3A_1196, %dma_start3A_1197] : memref<1600x32xf32, #tpu.memory_space<vmem>> -> memref<50x32xf32, #tpu.memory_space<vmem>>
      tpu.enqueue_dma source(%dma_start3A_1198 : memref<50x32xf32, #tpu.memory_space<vmem>>) target(%dma_start3A_1195 : memref<50x32xf32, #tpu.memory_space<hbm>>) target_semaphore(%arg13 : memref<!tpu.dma_semaphore, #tpu.memory_space<semaphore_mem>>)
      %add3A_1199 = arith.constant 6 : i32
      %add3A_1200 = arith.addi %add3A_1102, %add3A_1199 : i32
      %dma_start3A_1201 = arith.constant 300 : i32
      %dma_start3A_1202 = arith.constant 0 : i32
      %dma_start3A_1203 = tpu.memref_slice %arg8[%dma_start3A_1201, %dma_start3A_1202] : memref<1600x32xf32, #tpu.memory_space<vmem>> -> memref<50x32xf32, #tpu.memory_space<vmem>>
      %dma_start3A_1204 = arith.constant 0 : i32
      %dma_start3A_1205 = arith.constant 0 : i32
      %dma_start3A_1206 = tpu.memref_slice %arg5[%add3A_1200, %dma_start3A_1204, %dma_start3A_1205] : memref<16384x56x128xf32, #tpu.memory_space<hbm>> -> memref<1x50x32xf32, #tpu.memory_space<hbm>>
      %dma_start3A_1207 = tpu.memref_squeeze %dma_start3A_1206 : memref<1x50x32xf32, #tpu.memory_space<hbm>> -> memref<50x32xf32, #tpu.memory_space<hbm>>
      %dma_start3A_1208 = arith.constant 0 : i32
      %dma_start3A_1209 = arith.constant 0 : i32
      %dma_start3A_1210 = tpu.memref_slice %arg5[%add3A_1200, %dma_start3A_1208, %dma_start3A_1209] : memref<16384x56x128xf32, #tpu.memory_space<hbm>> -> memref<1x50x32xf32, #tpu.memory_space<hbm>>
      %dma_start3A_1211 = tpu.memref_squeeze %dma_start3A_1210 : memref<1x50x32xf32, #tpu.memory_space<hbm>> -> memref<50x32xf32, #tpu.memory_space<hbm>>
      %dma_start3A_1212 = arith.constant 300 : i32
      %dma_start3A_1213 = arith.constant 0 : i32
      %dma_start3A_1214 = tpu.memref_slice %arg8[%dma_start3A_1212, %dma_start3A_1213] : memref<1600x32xf32, #tpu.memory_space<vmem>> -> memref<50x32xf32, #tpu.memory_space<vmem>>
      tpu.enqueue_dma source(%dma_start3A_1214 : memref<50x32xf32, #tpu.memory_space<vmem>>) target(%dma_start3A_1211 : memref<50x32xf32, #tpu.memory_space<hbm>>) target_semaphore(%arg13 : memref<!tpu.dma_semaphore, #tpu.memory_space<semaphore_mem>>)
      %add3A_1215 = arith.constant 7 : i32
      %add3A_1216 = arith.addi %add3A_1102, %add3A_1215 : i32
      %dma_start3A_1217 = arith.constant 350 : i32
      %dma_start3A_1218 = arith.constant 0 : i32
      %dma_start3A_1219 = tpu.memref_slice %arg8[%dma_start3A_1217, %dma_start3A_1218] : memref<1600x32xf32, #tpu.memory_space<vmem>> -> memref<50x32xf32, #tpu.memory_space<vmem>>
      %dma_start3A_1220 = arith.constant 0 : i32
      %dma_start3A_1221 = arith.constant 0 : i32
      %dma_start3A_1222 = tpu.memref_slice %arg5[%add3A_1216, %dma_start3A_1220, %dma_start3A_1221] : memref<16384x56x128xf32, #tpu.memory_space<hbm>> -> memref<1x50x32xf32, #tpu.memory_space<hbm>>
      %dma_start3A_1223 = tpu.memref_squeeze %dma_start3A_1222 : memref<1x50x32xf32, #tpu.memory_space<hbm>> -> memref<50x32xf32, #tpu.memory_space<hbm>>
      %dma_start3A_1224 = arith.constant 0 : i32
      %dma_start3A_1225 = arith.constant 0 : i32
      %dma_start3A_1226 = tpu.memref_slice %arg5[%add3A_1216, %dma_start3A_1224, %dma_start3A_1225] : memref<16384x56x128xf32, #tpu.memory_space<hbm>> -> memref<1x50x32xf32, #tpu.memory_space<hbm>>
      %dma_start3A_1227 = tpu.memref_squeeze %dma_start3A_1226 : memref<1x50x32xf32, #tpu.memory_space<hbm>> -> memref<50x32xf32, #tpu.memory_space<hbm>>
      %dma_start3A_1228 = arith.constant 350 : i32
      %dma_start3A_1229 = arith.constant 0 : i32
      %dma_start3A_1230 = tpu.memref_slice %arg8[%dma_start3A_1228, %dma_start3A_1229] : memref<1600x32xf32, #tpu.memory_space<vmem>> -> memref<50x32xf32, #tpu.memory_space<vmem>>
      tpu.enqueue_dma source(%dma_start3A_1230 : memref<50x32xf32, #tpu.memory_space<vmem>>) target(%dma_start3A_1227 : memref<50x32xf32, #tpu.memory_space<hbm>>) target_semaphore(%arg13 : memref<!tpu.dma_semaphore, #tpu.memory_space<semaphore_mem>>)
      %add3A_1231 = arith.constant 8 : i32
      %add3A_1232 = arith.addi %add3A_1102, %add3A_1231 : i32
      %dma_start3A_1233 = arith.constant 400 : i32
      %dma_start3A_1234 = arith.constant 0 : i32
      %dma_start3A_1235 = tpu.memref_slice %arg8[%dma_start3A_1233, %dma_start3A_1234] : memref<1600x32xf32, #tpu.memory_space<vmem>> -> memref<50x32xf32, #tpu.memory_space<vmem>>
      %dma_start3A_1236 = arith.constant 0 : i32
      %dma_start3A_1237 = arith.constant 0 : i32
      %dma_start3A_1238 = tpu.memref_slice %arg5[%add3A_1232, %dma_start3A_1236, %dma_start3A_1237] : memref<16384x56x128xf32, #tpu.memory_space<hbm>> -> memref<1x50x32xf32, #tpu.memory_space<hbm>>
      %dma_start3A_1239 = tpu.memref_squeeze %dma_start3A_1238 : memref<1x50x32xf32, #tpu.memory_space<hbm>> -> memref<50x32xf32, #tpu.memory_space<hbm>>
      %dma_start3A_1240 = arith.constant 0 : i32
      %dma_start3A_1241 = arith.constant 0 : i32
      %dma_start3A_1242 = tpu.memref_slice %arg5[%add3A_1232, %dma_start3A_1240, %dma_start3A_1241] : memref<16384x56x128xf32, #tpu.memory_space<hbm>> -> memref<1x50x32xf32, #tpu.memory_space<hbm>>
      %dma_start3A_1243 = tpu.memref_squeeze %dma_start3A_1242 : memref<1x50x32xf32, #tpu.memory_space<hbm>> -> memref<50x32xf32, #tpu.memory_space<hbm>>
      %dma_start3A_1244 = arith.constant 400 : i32
      %dma_start3A_1245 = arith.constant 0 : i32
      %dma_start3A_1246 = tpu.memref_slice %arg8[%dma_start3A_1244, %dma_start3A_1245] : memref<1600x32xf32, #tpu.memory_space<vmem>> -> memref<50x32xf32, #tpu.memory_space<vmem>>
      tpu.enqueue_dma source(%dma_start3A_1246 : memref<50x32xf32, #tpu.memory_space<vmem>>) target(%dma_start3A_1243 : memref<50x32xf32, #tpu.memory_space<hbm>>) target_semaphore(%arg13 : memref<!tpu.dma_semaphore, #tpu.memory_space<semaphore_mem>>)
      %add3A_1247 = arith.constant 9 : i32
      %add3A_1248 = arith.addi %add3A_1102, %add3A_1247 : i32
      %dma_start3A_1249 = arith.constant 450 : i32
      %dma_start3A_1250 = arith.constant 0 : i32
      %dma_start3A_1251 = tpu.memref_slice %arg8[%dma_start3A_1249, %dma_start3A_1250] : memref<1600x32xf32, #tpu.memory_space<vmem>> -> memref<50x32xf32, #tpu.memory_space<vmem>>
      %dma_start3A_1252 = arith.constant 0 : i32
      %dma_start3A_1253 = arith.constant 0 : i32
      %dma_start3A_1254 = tpu.memref_slice %arg5[%add3A_1248, %dma_start3A_1252, %dma_start3A_1253] : memref<16384x56x128xf32, #tpu.memory_space<hbm>> -> memref<1x50x32xf32, #tpu.memory_space<hbm>>
      %dma_start3A_1255 = tpu.memref_squeeze %dma_start3A_1254 : memref<1x50x32xf32, #tpu.memory_space<hbm>> -> memref<50x32xf32, #tpu.memory_space<hbm>>
      %dma_start3A_1256 = arith.constant 0 : i32
      %dma_start3A_1257 = arith.constant 0 : i32
      %dma_start3A_1258 = tpu.memref_slice %arg5[%add3A_1248, %dma_start3A_1256, %dma_start3A_1257] : memref<16384x56x128xf32, #tpu.memory_space<hbm>> -> memref<1x50x32xf32, #tpu.memory_space<hbm>>
      %dma_start3A_1259 = tpu.memref_squeeze %dma_start3A_1258 : memref<1x50x32xf32, #tpu.memory_space<hbm>> -> memref<50x32xf32, #tpu.memory_space<hbm>>
      %dma_start3A_1260 = arith.constant 450 : i32
      %dma_start3A_1261 = arith.constant 0 : i32
      %dma_start3A_1262 = tpu.memref_slice %arg8[%dma_start3A_1260, %dma_start3A_1261] : memref<1600x32xf32, #tpu.memory_space<vmem>> -> memref<50x32xf32, #tpu.memory_space<vmem>>
      tpu.enqueue_dma source(%dma_start3A_1262 : memref<50x32xf32, #tpu.memory_space<vmem>>) target(%dma_start3A_1259 : memref<50x32xf32, #tpu.memory_space<hbm>>) target_semaphore(%arg13 : memref<!tpu.dma_semaphore, #tpu.memory_space<semaphore_mem>>)
      %add3A_1263 = arith.constant 10 : i32
      %add3A_1264 = arith.addi %add3A_1102, %add3A_1263 : i32
      %dma_start3A_1265 = arith.constant 500 : i32
      %dma_start3A_1266 = arith.constant 0 : i32
      %dma_start3A_1267 = tpu.memref_slice %arg8[%dma_start3A_1265, %dma_start3A_1266] : memref<1600x32xf32, #tpu.memory_space<vmem>> -> memref<50x32xf32, #tpu.memory_space<vmem>>
      %dma_start3A_1268 = arith.constant 0 : i32
      %dma_start3A_1269 = arith.constant 0 : i32
      %dma_start3A_1270 = tpu.memref_slice %arg5[%add3A_1264, %dma_start3A_1268, %dma_start3A_1269] : memref<16384x56x128xf32, #tpu.memory_space<hbm>> -> memref<1x50x32xf32, #tpu.memory_space<hbm>>
      %dma_start3A_1271 = tpu.memref_squeeze %dma_start3A_1270 : memref<1x50x32xf32, #tpu.memory_space<hbm>> -> memref<50x32xf32, #tpu.memory_space<hbm>>
      %dma_start3A_1272 = arith.constant 0 : i32
      %dma_start3A_1273 = arith.constant 0 : i32
      %dma_start3A_1274 = tpu.memref_slice %arg5[%add3A_1264, %dma_start3A_1272, %dma_start3A_1273] : memref<16384x56x128xf32, #tpu.memory_space<hbm>> -> memref<1x50x32xf32, #tpu.memory_space<hbm>>
      %dma_start3A_1275 = tpu.memref_squeeze %dma_start3A_1274 : memref<1x50x32xf32, #tpu.memory_space<hbm>> -> memref<50x32xf32, #tpu.memory_space<hbm>>
      %dma_start3A_1276 = arith.constant 500 : i32
      %dma_start3A_1277 = arith.constant 0 : i32
      %dma_start3A_1278 = tpu.memref_slice %arg8[%dma_start3A_1276, %dma_start3A_1277] : memref<1600x32xf32, #tpu.memory_space<vmem>> -> memref<50x32xf32, #tpu.memory_space<vmem>>
      tpu.enqueue_dma source(%dma_start3A_1278 : memref<50x32xf32, #tpu.memory_space<vmem>>) target(%dma_start3A_1275 : memref<50x32xf32, #tpu.memory_space<hbm>>) target_semaphore(%arg13 : memref<!tpu.dma_semaphore, #tpu.memory_space<semaphore_mem>>)
      %add3A_1279 = arith.constant 11 : i32
      %add3A_1280 = arith.addi %add3A_1102, %add3A_1279 : i32
      %dma_start3A_1281 = arith.constant 550 : i32
      %dma_start3A_1282 = arith.constant 0 : i32
      %dma_start3A_1283 = tpu.memref_slice %arg8[%dma_start3A_1281, %dma_start3A_1282] : memref<1600x32xf32, #tpu.memory_space<vmem>> -> memref<50x32xf32, #tpu.memory_space<vmem>>
      %dma_start3A_1284 = arith.constant 0 : i32
      %dma_start3A_1285 = arith.constant 0 : i32
      %dma_start3A_1286 = tpu.memref_slice %arg5[%add3A_1280, %dma_start3A_1284, %dma_start3A_1285] : memref<16384x56x128xf32, #tpu.memory_space<hbm>> -> memref<1x50x32xf32, #tpu.memory_space<hbm>>
      %dma_start3A_1287 = tpu.memref_squeeze %dma_start3A_1286 : memref<1x50x32xf32, #tpu.memory_space<hbm>> -> memref<50x32xf32, #tpu.memory_space<hbm>>
      %dma_start3A_1288 = arith.constant 0 : i32
      %dma_start3A_1289 = arith.constant 0 : i32
      %dma_start3A_1290 = tpu.memref_slice %arg5[%add3A_1280, %dma_start3A_1288, %dma_start3A_1289] : memref<16384x56x128xf32, #tpu.memory_space<hbm>> -> memref<1x50x32xf32, #tpu.memory_space<hbm>>
      %dma_start3A_1291 = tpu.memref_squeeze %dma_start3A_1290 : memref<1x50x32xf32, #tpu.memory_space<hbm>> -> memref<50x32xf32, #tpu.memory_space<hbm>>
      %dma_start3A_1292 = arith.constant 550 : i32
      %dma_start3A_1293 = arith.constant 0 : i32
      %dma_start3A_1294 = tpu.memref_slice %arg8[%dma_start3A_1292, %dma_start3A_1293] : memref<1600x32xf32, #tpu.memory_space<vmem>> -> memref<50x32xf32, #tpu.memory_space<vmem>>
      tpu.enqueue_dma source(%dma_start3A_1294 : memref<50x32xf32, #tpu.memory_space<vmem>>) target(%dma_start3A_1291 : memref<50x32xf32, #tpu.memory_space<hbm>>) target_semaphore(%arg13 : memref<!tpu.dma_semaphore, #tpu.memory_space<semaphore_mem>>)
      %add3A_1295 = arith.constant 12 : i32
      %add3A_1296 = arith.addi %add3A_1102, %add3A_1295 : i32
      %dma_start3A_1297 = arith.constant 600 : i32
      %dma_start3A_1298 = arith.constant 0 : i32
      %dma_start3A_1299 = tpu.memref_slice %arg8[%dma_start3A_1297, %dma_start3A_1298] : memref<1600x32xf32, #tpu.memory_space<vmem>> -> memref<50x32xf32, #tpu.memory_space<vmem>>
      %dma_start3A_1300 = arith.constant 0 : i32
      %dma_start3A_1301 = arith.constant 0 : i32
      %dma_start3A_1302 = tpu.memref_slice %arg5[%add3A_1296, %dma_start3A_1300, %dma_start3A_1301] : memref<16384x56x128xf32, #tpu.memory_space<hbm>> -> memref<1x50x32xf32, #tpu.memory_space<hbm>>
      %dma_start3A_1303 = tpu.memref_squeeze %dma_start3A_1302 : memref<1x50x32xf32, #tpu.memory_space<hbm>> -> memref<50x32xf32, #tpu.memory_space<hbm>>
      %dma_start3A_1304 = arith.constant 0 : i32
      %dma_start3A_1305 = arith.constant 0 : i32
      %dma_start3A_1306 = tpu.memref_slice %arg5[%add3A_1296, %dma_start3A_1304, %dma_start3A_1305] : memref<16384x56x128xf32, #tpu.memory_space<hbm>> -> memref<1x50x32xf32, #tpu.memory_space<hbm>>
      %dma_start3A_1307 = tpu.memref_squeeze %dma_start3A_1306 : memref<1x50x32xf32, #tpu.memory_space<hbm>> -> memref<50x32xf32, #tpu.memory_space<hbm>>
      %dma_start3A_1308 = arith.constant 600 : i32
      %dma_start3A_1309 = arith.constant 0 : i32
      %dma_start3A_1310 = tpu.memref_slice %arg8[%dma_start3A_1308, %dma_start3A_1309] : memref<1600x32xf32, #tpu.memory_space<vmem>> -> memref<50x32xf32, #tpu.memory_space<vmem>>
      tpu.enqueue_dma source(%dma_start3A_1310 : memref<50x32xf32, #tpu.memory_space<vmem>>) target(%dma_start3A_1307 : memref<50x32xf32, #tpu.memory_space<hbm>>) target_semaphore(%arg13 : memref<!tpu.dma_semaphore, #tpu.memory_space<semaphore_mem>>)
      %add3A_1311 = arith.constant 13 : i32
      %add3A_1312 = arith.addi %add3A_1102, %add3A_1311 : i32
      %dma_start3A_1313 = arith.constant 650 : i32
      %dma_start3A_1314 = arith.constant 0 : i32
      %dma_start3A_1315 = tpu.memref_slice %arg8[%dma_start3A_1313, %dma_start3A_1314] : memref<1600x32xf32, #tpu.memory_space<vmem>> -> memref<50x32xf32, #tpu.memory_space<vmem>>
      %dma_start3A_1316 = arith.constant 0 : i32
      %dma_start3A_1317 = arith.constant 0 : i32
      %dma_start3A_1318 = tpu.memref_slice %arg5[%add3A_1312, %dma_start3A_1316, %dma_start3A_1317] : memref<16384x56x128xf32, #tpu.memory_space<hbm>> -> memref<1x50x32xf32, #tpu.memory_space<hbm>>
      %dma_start3A_1319 = tpu.memref_squeeze %dma_start3A_1318 : memref<1x50x32xf32, #tpu.memory_space<hbm>> -> memref<50x32xf32, #tpu.memory_space<hbm>>
      %dma_start3A_1320 = arith.constant 0 : i32
      %dma_start3A_1321 = arith.constant 0 : i32
      %dma_start3A_1322 = tpu.memref_slice %arg5[%add3A_1312, %dma_start3A_1320, %dma_start3A_1321] : memref<16384x56x128xf32, #tpu.memory_space<hbm>> -> memref<1x50x32xf32, #tpu.memory_space<hbm>>
      %dma_start3A_1323 = tpu.memref_squeeze %dma_start3A_1322 : memref<1x50x32xf32, #tpu.memory_space<hbm>> -> memref<50x32xf32, #tpu.memory_space<hbm>>
      %dma_start3A_1324 = arith.constant 650 : i32
      %dma_start3A_1325 = arith.constant 0 : i32
      %dma_start3A_1326 = tpu.memref_slice %arg8[%dma_start3A_1324, %dma_start3A_1325] : memref<1600x32xf32, #tpu.memory_space<vmem>> -> memref<50x32xf32, #tpu.memory_space<vmem>>
      tpu.enqueue_dma source(%dma_start3A_1326 : memref<50x32xf32, #tpu.memory_space<vmem>>) target(%dma_start3A_1323 : memref<50x32xf32, #tpu.memory_space<hbm>>) target_semaphore(%arg13 : memref<!tpu.dma_semaphore, #tpu.memory_space<semaphore_mem>>)
      %add3A_1327 = arith.constant 14 : i32
      %add3A_1328 = arith.addi %add3A_1102, %add3A_1327 : i32
      %dma_start3A_1329 = arith.constant 700 : i32
      %dma_start3A_1330 = arith.constant 0 : i32
      %dma_start3A_1331 = tpu.memref_slice %arg8[%dma_start3A_1329, %dma_start3A_1330] : memref<1600x32xf32, #tpu.memory_space<vmem>> -> memref<50x32xf32, #tpu.memory_space<vmem>>
      %dma_start3A_1332 = arith.constant 0 : i32
      %dma_start3A_1333 = arith.constant 0 : i32
      %dma_start3A_1334 = tpu.memref_slice %arg5[%add3A_1328, %dma_start3A_1332, %dma_start3A_1333] : memref<16384x56x128xf32, #tpu.memory_space<hbm>> -> memref<1x50x32xf32, #tpu.memory_space<hbm>>
      %dma_start3A_1335 = tpu.memref_squeeze %dma_start3A_1334 : memref<1x50x32xf32, #tpu.memory_space<hbm>> -> memref<50x32xf32, #tpu.memory_space<hbm>>
      %dma_start3A_1336 = arith.constant 0 : i32
      %dma_start3A_1337 = arith.constant 0 : i32
      %dma_start3A_1338 = tpu.memref_slice %arg5[%add3A_1328, %dma_start3A_1336, %dma_start3A_1337] : memref<16384x56x128xf32, #tpu.memory_space<hbm>> -> memref<1x50x32xf32, #tpu.memory_space<hbm>>
      %dma_start3A_1339 = tpu.memref_squeeze %dma_start3A_1338 : memref<1x50x32xf32, #tpu.memory_space<hbm>> -> memref<50x32xf32, #tpu.memory_space<hbm>>
      %dma_start3A_1340 = arith.constant 700 : i32
      %dma_start3A_1341 = arith.constant 0 : i32
      %dma_start3A_1342 = tpu.memref_slice %arg8[%dma_start3A_1340, %dma_start3A_1341] : memref<1600x32xf32, #tpu.memory_space<vmem>> -> memref<50x32xf32, #tpu.memory_space<vmem>>
      tpu.enqueue_dma source(%dma_start3A_1342 : memref<50x32xf32, #tpu.memory_space<vmem>>) target(%dma_start3A_1339 : memref<50x32xf32, #tpu.memory_space<hbm>>) target_semaphore(%arg13 : memref<!tpu.dma_semaphore, #tpu.memory_space<semaphore_mem>>)
      %add3A_1343 = arith.constant 15 : i32
      %add3A_1344 = arith.addi %add3A_1102, %add3A_1343 : i32
      %dma_start3A_1345 = arith.constant 750 : i32
      %dma_start3A_1346 = arith.constant 0 : i32
      %dma_start3A_1347 = tpu.memref_slice %arg8[%dma_start3A_1345, %dma_start3A_1346] : memref<1600x32xf32, #tpu.memory_space<vmem>> -> memref<50x32xf32, #tpu.memory_space<vmem>>
      %dma_start3A_1348 = arith.constant 0 : i32
      %dma_start3A_1349 = arith.constant 0 : i32
      %dma_start3A_1350 = tpu.memref_slice %arg5[%add3A_1344, %dma_start3A_1348, %dma_start3A_1349] : memref<16384x56x128xf32, #tpu.memory_space<hbm>> -> memref<1x50x32xf32, #tpu.memory_space<hbm>>
      %dma_start3A_1351 = tpu.memref_squeeze %dma_start3A_1350 : memref<1x50x32xf32, #tpu.memory_space<hbm>> -> memref<50x32xf32, #tpu.memory_space<hbm>>
      %dma_start3A_1352 = arith.constant 0 : i32
      %dma_start3A_1353 = arith.constant 0 : i32
      %dma_start3A_1354 = tpu.memref_slice %arg5[%add3A_1344, %dma_start3A_1352, %dma_start3A_1353] : memref<16384x56x128xf32, #tpu.memory_space<hbm>> -> memref<1x50x32xf32, #tpu.memory_space<hbm>>
      %dma_start3A_1355 = tpu.memref_squeeze %dma_start3A_1354 : memref<1x50x32xf32, #tpu.memory_space<hbm>> -> memref<50x32xf32, #tpu.memory_space<hbm>>
      %dma_start3A_1356 = arith.constant 750 : i32
      %dma_start3A_1357 = arith.constant 0 : i32
      %dma_start3A_1358 = tpu.memref_slice %arg8[%dma_start3A_1356, %dma_start3A_1357] : memref<1600x32xf32, #tpu.memory_space<vmem>> -> memref<50x32xf32, #tpu.memory_space<vmem>>
      tpu.enqueue_dma source(%dma_start3A_1358 : memref<50x32xf32, #tpu.memory_space<vmem>>) target(%dma_start3A_1355 : memref<50x32xf32, #tpu.memory_space<hbm>>) target_semaphore(%arg13 : memref<!tpu.dma_semaphore, #tpu.memory_space<semaphore_mem>>)
      %add3A_1359 = arith.constant 16 : i32
      %add3A_1360 = arith.addi %add3A_1102, %add3A_1359 : i32
      %dma_start3A_1361 = arith.constant 800 : i32
      %dma_start3A_1362 = arith.constant 0 : i32
      %dma_start3A_1363 = tpu.memref_slice %arg8[%dma_start3A_1361, %dma_start3A_1362] : memref<1600x32xf32, #tpu.memory_space<vmem>> -> memref<50x32xf32, #tpu.memory_space<vmem>>
      %dma_start3A_1364 = arith.constant 0 : i32
      %dma_start3A_1365 = arith.constant 0 : i32
      %dma_start3A_1366 = tpu.memref_slice %arg5[%add3A_1360, %dma_start3A_1364, %dma_start3A_1365] : memref<16384x56x128xf32, #tpu.memory_space<hbm>> -> memref<1x50x32xf32, #tpu.memory_space<hbm>>
      %dma_start3A_1367 = tpu.memref_squeeze %dma_start3A_1366 : memref<1x50x32xf32, #tpu.memory_space<hbm>> -> memref<50x32xf32, #tpu.memory_space<hbm>>
      %dma_start3A_1368 = arith.constant 0 : i32
      %dma_start3A_1369 = arith.constant 0 : i32
      %dma_start3A_1370 = tpu.memref_slice %arg5[%add3A_1360, %dma_start3A_1368, %dma_start3A_1369] : memref<16384x56x128xf32, #tpu.memory_space<hbm>> -> memref<1x50x32xf32, #tpu.memory_space<hbm>>
      %dma_start3A_1371 = tpu.memref_squeeze %dma_start3A_1370 : memref<1x50x32xf32, #tpu.memory_space<hbm>> -> memref<50x32xf32, #tpu.memory_space<hbm>>
      %dma_start3A_1372 = arith.constant 800 : i32
      %dma_start3A_1373 = arith.constant 0 : i32
      %dma_start3A_1374 = tpu.memref_slice %arg8[%dma_start3A_1372, %dma_start3A_1373] : memref<1600x32xf32, #tpu.memory_space<vmem>> -> memref<50x32xf32, #tpu.memory_space<vmem>>
      tpu.enqueue_dma source(%dma_start3A_1374 : memref<50x32xf32, #tpu.memory_space<vmem>>) target(%dma_start3A_1371 : memref<50x32xf32, #tpu.memory_space<hbm>>) target_semaphore(%arg13 : memref<!tpu.dma_semaphore, #tpu.memory_space<semaphore_mem>>)
      %add3A_1375 = arith.constant 17 : i32
      %add3A_1376 = arith.addi %add3A_1102, %add3A_1375 : i32
      %dma_start3A_1377 = arith.constant 850 : i32
      %dma_start3A_1378 = arith.constant 0 : i32
      %dma_start3A_1379 = tpu.memref_slice %arg8[%dma_start3A_1377, %dma_start3A_1378] : memref<1600x32xf32, #tpu.memory_space<vmem>> -> memref<50x32xf32, #tpu.memory_space<vmem>>
      %dma_start3A_1380 = arith.constant 0 : i32
      %dma_start3A_1381 = arith.constant 0 : i32
      %dma_start3A_1382 = tpu.memref_slice %arg5[%add3A_1376, %dma_start3A_1380, %dma_start3A_1381] : memref<16384x56x128xf32, #tpu.memory_space<hbm>> -> memref<1x50x32xf32, #tpu.memory_space<hbm>>
      %dma_start3A_1383 = tpu.memref_squeeze %dma_start3A_1382 : memref<1x50x32xf32, #tpu.memory_space<hbm>> -> memref<50x32xf32, #tpu.memory_space<hbm>>
      %dma_start3A_1384 = arith.constant 0 : i32
      %dma_start3A_1385 = arith.constant 0 : i32
      %dma_start3A_1386 = tpu.memref_slice %arg5[%add3A_1376, %dma_start3A_1384, %dma_start3A_1385] : memref<16384x56x128xf32, #tpu.memory_space<hbm>> -> memref<1x50x32xf32, #tpu.memory_space<hbm>>
      %dma_start3A_1387 = tpu.memref_squeeze %dma_start3A_1386 : memref<1x50x32xf32, #tpu.memory_space<hbm>> -> memref<50x32xf32, #tpu.memory_space<hbm>>
      %dma_start3A_1388 = arith.constant 850 : i32
      %dma_start3A_1389 = arith.constant 0 : i32
      %dma_start3A_1390 = tpu.memref_slice %arg8[%dma_start3A_1388, %dma_start3A_1389] : memref<1600x32xf32, #tpu.memory_space<vmem>> -> memref<50x32xf32, #tpu.memory_space<vmem>>
      tpu.enqueue_dma source(%dma_start3A_1390 : memref<50x32xf32, #tpu.memory_space<vmem>>) target(%dma_start3A_1387 : memref<50x32xf32, #tpu.memory_space<hbm>>) target_semaphore(%arg13 : memref<!tpu.dma_semaphore, #tpu.memory_space<semaphore_mem>>)
      %add3A_1391 = arith.constant 18 : i32
      %add3A_1392 = arith.addi %add3A_1102, %add3A_1391 : i32
      %dma_start3A_1393 = arith.constant 900 : i32
      %dma_start3A_1394 = arith.constant 0 : i32
      %dma_start3A_1395 = tpu.memref_slice %arg8[%dma_start3A_1393, %dma_start3A_1394] : memref<1600x32xf32, #tpu.memory_space<vmem>> -> memref<50x32xf32, #tpu.memory_space<vmem>>
      %dma_start3A_1396 = arith.constant 0 : i32
      %dma_start3A_1397 = arith.constant 0 : i32
      %dma_start3A_1398 = tpu.memref_slice %arg5[%add3A_1392, %dma_start3A_1396, %dma_start3A_1397] : memref<16384x56x128xf32, #tpu.memory_space<hbm>> -> memref<1x50x32xf32, #tpu.memory_space<hbm>>
      %dma_start3A_1399 = tpu.memref_squeeze %dma_start3A_1398 : memref<1x50x32xf32, #tpu.memory_space<hbm>> -> memref<50x32xf32, #tpu.memory_space<hbm>>
      %dma_start3A_1400 = arith.constant 0 : i32
      %dma_start3A_1401 = arith.constant 0 : i32
      %dma_start3A_1402 = tpu.memref_slice %arg5[%add3A_1392, %dma_start3A_1400, %dma_start3A_1401] : memref<16384x56x128xf32, #tpu.memory_space<hbm>> -> memref<1x50x32xf32, #tpu.memory_space<hbm>>
      %dma_start3A_1403 = tpu.memref_squeeze %dma_start3A_1402 : memref<1x50x32xf32, #tpu.memory_space<hbm>> -> memref<50x32xf32, #tpu.memory_space<hbm>>
      %dma_start3A_1404 = arith.constant 900 : i32
      %dma_start3A_1405 = arith.constant 0 : i32
      %dma_start3A_1406 = tpu.memref_slice %arg8[%dma_start3A_1404, %dma_start3A_1405] : memref<1600x32xf32, #tpu.memory_space<vmem>> -> memref<50x32xf32, #tpu.memory_space<vmem>>
      tpu.enqueue_dma source(%dma_start3A_1406 : memref<50x32xf32, #tpu.memory_space<vmem>>) target(%dma_start3A_1403 : memref<50x32xf32, #tpu.memory_space<hbm>>) target_semaphore(%arg13 : memref<!tpu.dma_semaphore, #tpu.memory_space<semaphore_mem>>)
      %add3A_1407 = arith.constant 19 : i32
      %add3A_1408 = arith.addi %add3A_1102, %add3A_1407 : i32
      %dma_start3A_1409 = arith.constant 950 : i32
      %dma_start3A_1410 = arith.constant 0 : i32
      %dma_start3A_1411 = tpu.memref_slice %arg8[%dma_start3A_1409, %dma_start3A_1410] : memref<1600x32xf32, #tpu.memory_space<vmem>> -> memref<50x32xf32, #tpu.memory_space<vmem>>
      %dma_start3A_1412 = arith.constant 0 : i32
      %dma_start3A_1413 = arith.constant 0 : i32
      %dma_start3A_1414 = tpu.memref_slice %arg5[%add3A_1408, %dma_start3A_1412, %dma_start3A_1413] : memref<16384x56x128xf32, #tpu.memory_space<hbm>> -> memref<1x50x32xf32, #tpu.memory_space<hbm>>
      %dma_start3A_1415 = tpu.memref_squeeze %dma_start3A_1414 : memref<1x50x32xf32, #tpu.memory_space<hbm>> -> memref<50x32xf32, #tpu.memory_space<hbm>>
      %dma_start3A_1416 = arith.constant 0 : i32
      %dma_start3A_1417 = arith.constant 0 : i32
      %dma_start3A_1418 = tpu.memref_slice %arg5[%add3A_1408, %dma_start3A_1416, %dma_start3A_1417] : memref<16384x56x128xf32, #tpu.memory_space<hbm>> -> memref<1x50x32xf32, #tpu.memory_space<hbm>>
      %dma_start3A_1419 = tpu.memref_squeeze %dma_start3A_1418 : memref<1x50x32xf32, #tpu.memory_space<hbm>> -> memref<50x32xf32, #tpu.memory_space<hbm>>
      %dma_start3A_1420 = arith.constant 950 : i32
      %dma_start3A_1421 = arith.constant 0 : i32
      %dma_start3A_1422 = tpu.memref_slice %arg8[%dma_start3A_1420, %dma_start3A_1421] : memref<1600x32xf32, #tpu.memory_space<vmem>> -> memref<50x32xf32, #tpu.memory_space<vmem>>
      tpu.enqueue_dma source(%dma_start3A_1422 : memref<50x32xf32, #tpu.memory_space<vmem>>) target(%dma_start3A_1419 : memref<50x32xf32, #tpu.memory_space<hbm>>) target_semaphore(%arg13 : memref<!tpu.dma_semaphore, #tpu.memory_space<semaphore_mem>>)
      %add3A_1423 = arith.constant 20 : i32
      %add3A_1424 = arith.addi %add3A_1102, %add3A_1423 : i32
      %dma_start3A_1425 = arith.constant 1000 : i32
      %dma_start3A_1426 = arith.constant 0 : i32
      %dma_start3A_1427 = tpu.memref_slice %arg8[%dma_start3A_1425, %dma_start3A_1426] : memref<1600x32xf32, #tpu.memory_space<vmem>> -> memref<50x32xf32, #tpu.memory_space<vmem>>
      %dma_start3A_1428 = arith.constant 0 : i32
      %dma_start3A_1429 = arith.constant 0 : i32
      %dma_start3A_1430 = tpu.memref_slice %arg5[%add3A_1424, %dma_start3A_1428, %dma_start3A_1429] : memref<16384x56x128xf32, #tpu.memory_space<hbm>> -> memref<1x50x32xf32, #tpu.memory_space<hbm>>
      %dma_start3A_1431 = tpu.memref_squeeze %dma_start3A_1430 : memref<1x50x32xf32, #tpu.memory_space<hbm>> -> memref<50x32xf32, #tpu.memory_space<hbm>>
      %dma_start3A_1432 = arith.constant 0 : i32
      %dma_start3A_1433 = arith.constant 0 : i32
      %dma_start3A_1434 = tpu.memref_slice %arg5[%add3A_1424, %dma_start3A_1432, %dma_start3A_1433] : memref<16384x56x128xf32, #tpu.memory_space<hbm>> -> memref<1x50x32xf32, #tpu.memory_space<hbm>>
      %dma_start3A_1435 = tpu.memref_squeeze %dma_start3A_1434 : memref<1x50x32xf32, #tpu.memory_space<hbm>> -> memref<50x32xf32, #tpu.memory_space<hbm>>
      %dma_start3A_1436 = arith.constant 1000 : i32
      %dma_start3A_1437 = arith.constant 0 : i32
      %dma_start3A_1438 = tpu.memref_slice %arg8[%dma_start3A_1436, %dma_start3A_1437] : memref<1600x32xf32, #tpu.memory_space<vmem>> -> memref<50x32xf32, #tpu.memory_space<vmem>>
      tpu.enqueue_dma source(%dma_start3A_1438 : memref<50x32xf32, #tpu.memory_space<vmem>>) target(%dma_start3A_1435 : memref<50x32xf32, #tpu.memory_space<hbm>>) target_semaphore(%arg13 : memref<!tpu.dma_semaphore, #tpu.memory_space<semaphore_mem>>)
      %add3A_1439 = arith.constant 21 : i32
      %add3A_1440 = arith.addi %add3A_1102, %add3A_1439 : i32
      %dma_start3A_1441 = arith.constant 1050 : i32
      %dma_start3A_1442 = arith.constant 0 : i32
      %dma_start3A_1443 = tpu.memref_slice %arg8[%dma_start3A_1441, %dma_start3A_1442] : memref<1600x32xf32, #tpu.memory_space<vmem>> -> memref<50x32xf32, #tpu.memory_space<vmem>>
      %dma_start3A_1444 = arith.constant 0 : i32
      %dma_start3A_1445 = arith.constant 0 : i32
      %dma_start3A_1446 = tpu.memref_slice %arg5[%add3A_1440, %dma_start3A_1444, %dma_start3A_1445] : memref<16384x56x128xf32, #tpu.memory_space<hbm>> -> memref<1x50x32xf32, #tpu.memory_space<hbm>>
      %dma_start3A_1447 = tpu.memref_squeeze %dma_start3A_1446 : memref<1x50x32xf32, #tpu.memory_space<hbm>> -> memref<50x32xf32, #tpu.memory_space<hbm>>
      %dma_start3A_1448 = arith.constant 0 : i32
      %dma_start3A_1449 = arith.constant 0 : i32
      %dma_start3A_1450 = tpu.memref_slice %arg5[%add3A_1440, %dma_start3A_1448, %dma_start3A_1449] : memref<16384x56x128xf32, #tpu.memory_space<hbm>> -> memref<1x50x32xf32, #tpu.memory_space<hbm>>
      %dma_start3A_1451 = tpu.memref_squeeze %dma_start3A_1450 : memref<1x50x32xf32, #tpu.memory_space<hbm>> -> memref<50x32xf32, #tpu.memory_space<hbm>>
      %dma_start3A_1452 = arith.constant 1050 : i32
      %dma_start3A_1453 = arith.constant 0 : i32
      %dma_start3A_1454 = tpu.memref_slice %arg8[%dma_start3A_1452, %dma_start3A_1453] : memref<1600x32xf32, #tpu.memory_space<vmem>> -> memref<50x32xf32, #tpu.memory_space<vmem>>
      tpu.enqueue_dma source(%dma_start3A_1454 : memref<50x32xf32, #tpu.memory_space<vmem>>) target(%dma_start3A_1451 : memref<50x32xf32, #tpu.memory_space<hbm>>) target_semaphore(%arg13 : memref<!tpu.dma_semaphore, #tpu.memory_space<semaphore_mem>>)
      %add3A_1455 = arith.constant 22 : i32
      %add3A_1456 = arith.addi %add3A_1102, %add3A_1455 : i32
      %dma_start3A_1457 = arith.constant 1100 : i32
      %dma_start3A_1458 = arith.constant 0 : i32
      %dma_start3A_1459 = tpu.memref_slice %arg8[%dma_start3A_1457, %dma_start3A_1458] : memref<1600x32xf32, #tpu.memory_space<vmem>> -> memref<50x32xf32, #tpu.memory_space<vmem>>
      %dma_start3A_1460 = arith.constant 0 : i32
      %dma_start3A_1461 = arith.constant 0 : i32
      %dma_start3A_1462 = tpu.memref_slice %arg5[%add3A_1456, %dma_start3A_1460, %dma_start3A_1461] : memref<16384x56x128xf32, #tpu.memory_space<hbm>> -> memref<1x50x32xf32, #tpu.memory_space<hbm>>
      %dma_start3A_1463 = tpu.memref_squeeze %dma_start3A_1462 : memref<1x50x32xf32, #tpu.memory_space<hbm>> -> memref<50x32xf32, #tpu.memory_space<hbm>>
      %dma_start3A_1464 = arith.constant 0 : i32
      %dma_start3A_1465 = arith.constant 0 : i32
      %dma_start3A_1466 = tpu.memref_slice %arg5[%add3A_1456, %dma_start3A_1464, %dma_start3A_1465] : memref<16384x56x128xf32, #tpu.memory_space<hbm>> -> memref<1x50x32xf32, #tpu.memory_space<hbm>>
      %dma_start3A_1467 = tpu.memref_squeeze %dma_start3A_1466 : memref<1x50x32xf32, #tpu.memory_space<hbm>> -> memref<50x32xf32, #tpu.memory_space<hbm>>
      %dma_start3A_1468 = arith.constant 1100 : i32
      %dma_start3A_1469 = arith.constant 0 : i32
      %dma_start3A_1470 = tpu.memref_slice %arg8[%dma_start3A_1468, %dma_start3A_1469] : memref<1600x32xf32, #tpu.memory_space<vmem>> -> memref<50x32xf32, #tpu.memory_space<vmem>>
      tpu.enqueue_dma source(%dma_start3A_1470 : memref<50x32xf32, #tpu.memory_space<vmem>>) target(%dma_start3A_1467 : memref<50x32xf32, #tpu.memory_space<hbm>>) target_semaphore(%arg13 : memref<!tpu.dma_semaphore, #tpu.memory_space<semaphore_mem>>)
      %add3A_1471 = arith.constant 23 : i32
      %add3A_1472 = arith.addi %add3A_1102, %add3A_1471 : i32
      %dma_start3A_1473 = arith.constant 1150 : i32
      %dma_start3A_1474 = arith.constant 0 : i32
      %dma_start3A_1475 = tpu.memref_slice %arg8[%dma_start3A_1473, %dma_start3A_1474] : memref<1600x32xf32, #tpu.memory_space<vmem>> -> memref<50x32xf32, #tpu.memory_space<vmem>>
      %dma_start3A_1476 = arith.constant 0 : i32
      %dma_start3A_1477 = arith.constant 0 : i32
      %dma_start3A_1478 = tpu.memref_slice %arg5[%add3A_1472, %dma_start3A_1476, %dma_start3A_1477] : memref<16384x56x128xf32, #tpu.memory_space<hbm>> -> memref<1x50x32xf32, #tpu.memory_space<hbm>>
      %dma_start3A_1479 = tpu.memref_squeeze %dma_start3A_1478 : memref<1x50x32xf32, #tpu.memory_space<hbm>> -> memref<50x32xf32, #tpu.memory_space<hbm>>
      %dma_start3A_1480 = arith.constant 0 : i32
      %dma_start3A_1481 = arith.constant 0 : i32
      %dma_start3A_1482 = tpu.memref_slice %arg5[%add3A_1472, %dma_start3A_1480, %dma_start3A_1481] : memref<16384x56x128xf32, #tpu.memory_space<hbm>> -> memref<1x50x32xf32, #tpu.memory_space<hbm>>
      %dma_start3A_1483 = tpu.memref_squeeze %dma_start3A_1482 : memref<1x50x32xf32, #tpu.memory_space<hbm>> -> memref<50x32xf32, #tpu.memory_space<hbm>>
      %dma_start3A_1484 = arith.constant 1150 : i32
      %dma_start3A_1485 = arith.constant 0 : i32
      %dma_start3A_1486 = tpu.memref_slice %arg8[%dma_start3A_1484, %dma_start3A_1485] : memref<1600x32xf32, #tpu.memory_space<vmem>> -> memref<50x32xf32, #tpu.memory_space<vmem>>
      tpu.enqueue_dma source(%dma_start3A_1486 : memref<50x32xf32, #tpu.memory_space<vmem>>) target(%dma_start3A_1483 : memref<50x32xf32, #tpu.memory_space<hbm>>) target_semaphore(%arg13 : memref<!tpu.dma_semaphore, #tpu.memory_space<semaphore_mem>>)
      %add3A_1487 = arith.constant 24 : i32
      %add3A_1488 = arith.addi %add3A_1102, %add3A_1487 : i32
      %dma_start3A_1489 = arith.constant 1200 : i32
      %dma_start3A_1490 = arith.constant 0 : i32
      %dma_start3A_1491 = tpu.memref_slice %arg8[%dma_start3A_1489, %dma_start3A_1490] : memref<1600x32xf32, #tpu.memory_space<vmem>> -> memref<50x32xf32, #tpu.memory_space<vmem>>
      %dma_start3A_1492 = arith.constant 0 : i32
      %dma_start3A_1493 = arith.constant 0 : i32
      %dma_start3A_1494 = tpu.memref_slice %arg5[%add3A_1488, %dma_start3A_1492, %dma_start3A_1493] : memref<16384x56x128xf32, #tpu.memory_space<hbm>> -> memref<1x50x32xf32, #tpu.memory_space<hbm>>
      %dma_start3A_1495 = tpu.memref_squeeze %dma_start3A_1494 : memref<1x50x32xf32, #tpu.memory_space<hbm>> -> memref<50x32xf32, #tpu.memory_space<hbm>>
      %dma_start3A_1496 = arith.constant 0 : i32
      %dma_start3A_1497 = arith.constant 0 : i32
      %dma_start3A_1498 = tpu.memref_slice %arg5[%add3A_1488, %dma_start3A_1496, %dma_start3A_1497] : memref<16384x56x128xf32, #tpu.memory_space<hbm>> -> memref<1x50x32xf32, #tpu.memory_space<hbm>>
      %dma_start3A_1499 = tpu.memref_squeeze %dma_start3A_1498 : memref<1x50x32xf32, #tpu.memory_space<hbm>> -> memref<50x32xf32, #tpu.memory_space<hbm>>
      %dma_start3A_1500 = arith.constant 1200 : i32
      %dma_start3A_1501 = arith.constant 0 : i32
      %dma_start3A_1502 = tpu.memref_slice %arg8[%dma_start3A_1500, %dma_start3A_1501] : memref<1600x32xf32, #tpu.memory_space<vmem>> -> memref<50x32xf32, #tpu.memory_space<vmem>>
      tpu.enqueue_dma source(%dma_start3A_1502 : memref<50x32xf32, #tpu.memory_space<vmem>>) target(%dma_start3A_1499 : memref<50x32xf32, #tpu.memory_space<hbm>>) target_semaphore(%arg13 : memref<!tpu.dma_semaphore, #tpu.memory_space<semaphore_mem>>)
      %add3A_1503 = arith.constant 25 : i32
      %add3A_1504 = arith.addi %add3A_1102, %add3A_1503 : i32
      %dma_start3A_1505 = arith.constant 1250 : i32
      %dma_start3A_1506 = arith.constant 0 : i32
      %dma_start3A_1507 = tpu.memref_slice %arg8[%dma_start3A_1505, %dma_start3A_1506] : memref<1600x32xf32, #tpu.memory_space<vmem>> -> memref<50x32xf32, #tpu.memory_space<vmem>>
      %dma_start3A_1508 = arith.constant 0 : i32
      %dma_start3A_1509 = arith.constant 0 : i32
      %dma_start3A_1510 = tpu.memref_slice %arg5[%add3A_1504, %dma_start3A_1508, %dma_start3A_1509] : memref<16384x56x128xf32, #tpu.memory_space<hbm>> -> memref<1x50x32xf32, #tpu.memory_space<hbm>>
      %dma_start3A_1511 = tpu.memref_squeeze %dma_start3A_1510 : memref<1x50x32xf32, #tpu.memory_space<hbm>> -> memref<50x32xf32, #tpu.memory_space<hbm>>
      %dma_start3A_1512 = arith.constant 0 : i32
      %dma_start3A_1513 = arith.constant 0 : i32
      %dma_start3A_1514 = tpu.memref_slice %arg5[%add3A_1504, %dma_start3A_1512, %dma_start3A_1513] : memref<16384x56x128xf32, #tpu.memory_space<hbm>> -> memref<1x50x32xf32, #tpu.memory_space<hbm>>
      %dma_start3A_1515 = tpu.memref_squeeze %dma_start3A_1514 : memref<1x50x32xf32, #tpu.memory_space<hbm>> -> memref<50x32xf32, #tpu.memory_space<hbm>>
      %dma_start3A_1516 = arith.constant 1250 : i32
      %dma_start3A_1517 = arith.constant 0 : i32
      %dma_start3A_1518 = tpu.memref_slice %arg8[%dma_start3A_1516, %dma_start3A_1517] : memref<1600x32xf32, #tpu.memory_space<vmem>> -> memref<50x32xf32, #tpu.memory_space<vmem>>
      tpu.enqueue_dma source(%dma_start3A_1518 : memref<50x32xf32, #tpu.memory_space<vmem>>) target(%dma_start3A_1515 : memref<50x32xf32, #tpu.memory_space<hbm>>) target_semaphore(%arg13 : memref<!tpu.dma_semaphore, #tpu.memory_space<semaphore_mem>>)
      %add3A_1519 = arith.constant 26 : i32
      %add3A_1520 = arith.addi %add3A_1102, %add3A_1519 : i32
      %dma_start3A_1521 = arith.constant 1300 : i32
      %dma_start3A_1522 = arith.constant 0 : i32
      %dma_start3A_1523 = tpu.memref_slice %arg8[%dma_start3A_1521, %dma_start3A_1522] : memref<1600x32xf32, #tpu.memory_space<vmem>> -> memref<50x32xf32, #tpu.memory_space<vmem>>
      %dma_start3A_1524 = arith.constant 0 : i32
      %dma_start3A_1525 = arith.constant 0 : i32
      %dma_start3A_1526 = tpu.memref_slice %arg5[%add3A_1520, %dma_start3A_1524, %dma_start3A_1525] : memref<16384x56x128xf32, #tpu.memory_space<hbm>> -> memref<1x50x32xf32, #tpu.memory_space<hbm>>
      %dma_start3A_1527 = tpu.memref_squeeze %dma_start3A_1526 : memref<1x50x32xf32, #tpu.memory_space<hbm>> -> memref<50x32xf32, #tpu.memory_space<hbm>>
      %dma_start3A_1528 = arith.constant 0 : i32
      %dma_start3A_1529 = arith.constant 0 : i32
      %dma_start3A_1530 = tpu.memref_slice %arg5[%add3A_1520, %dma_start3A_1528, %dma_start3A_1529] : memref<16384x56x128xf32, #tpu.memory_space<hbm>> -> memref<1x50x32xf32, #tpu.memory_space<hbm>>
      %dma_start3A_1531 = tpu.memref_squeeze %dma_start3A_1530 : memref<1x50x32xf32, #tpu.memory_space<hbm>> -> memref<50x32xf32, #tpu.memory_space<hbm>>
      %dma_start3A_1532 = arith.constant 1300 : i32
      %dma_start3A_1533 = arith.constant 0 : i32
      %dma_start3A_1534 = tpu.memref_slice %arg8[%dma_start3A_1532, %dma_start3A_1533] : memref<1600x32xf32, #tpu.memory_space<vmem>> -> memref<50x32xf32, #tpu.memory_space<vmem>>
      tpu.enqueue_dma source(%dma_start3A_1534 : memref<50x32xf32, #tpu.memory_space<vmem>>) target(%dma_start3A_1531 : memref<50x32xf32, #tpu.memory_space<hbm>>) target_semaphore(%arg13 : memref<!tpu.dma_semaphore, #tpu.memory_space<semaphore_mem>>)
      %add3A_1535 = arith.constant 27 : i32
      %add3A_1536 = arith.addi %add3A_1102, %add3A_1535 : i32
      %dma_start3A_1537 = arith.constant 1350 : i32
      %dma_start3A_1538 = arith.constant 0 : i32
      %dma_start3A_1539 = tpu.memref_slice %arg8[%dma_start3A_1537, %dma_start3A_1538] : memref<1600x32xf32, #tpu.memory_space<vmem>> -> memref<50x32xf32, #tpu.memory_space<vmem>>
      %dma_start3A_1540 = arith.constant 0 : i32
      %dma_start3A_1541 = arith.constant 0 : i32
      %dma_start3A_1542 = tpu.memref_slice %arg5[%add3A_1536, %dma_start3A_1540, %dma_start3A_1541] : memref<16384x56x128xf32, #tpu.memory_space<hbm>> -> memref<1x50x32xf32, #tpu.memory_space<hbm>>
      %dma_start3A_1543 = tpu.memref_squeeze %dma_start3A_1542 : memref<1x50x32xf32, #tpu.memory_space<hbm>> -> memref<50x32xf32, #tpu.memory_space<hbm>>
      %dma_start3A_1544 = arith.constant 0 : i32
      %dma_start3A_1545 = arith.constant 0 : i32
      %dma_start3A_1546 = tpu.memref_slice %arg5[%add3A_1536, %dma_start3A_1544, %dma_start3A_1545] : memref<16384x56x128xf32, #tpu.memory_space<hbm>> -> memref<1x50x32xf32, #tpu.memory_space<hbm>>
      %dma_start3A_1547 = tpu.memref_squeeze %dma_start3A_1546 : memref<1x50x32xf32, #tpu.memory_space<hbm>> -> memref<50x32xf32, #tpu.memory_space<hbm>>
      %dma_start3A_1548 = arith.constant 1350 : i32
      %dma_start3A_1549 = arith.constant 0 : i32
      %dma_start3A_1550 = tpu.memref_slice %arg8[%dma_start3A_1548, %dma_start3A_1549] : memref<1600x32xf32, #tpu.memory_space<vmem>> -> memref<50x32xf32, #tpu.memory_space<vmem>>
      tpu.enqueue_dma source(%dma_start3A_1550 : memref<50x32xf32, #tpu.memory_space<vmem>>) target(%dma_start3A_1547 : memref<50x32xf32, #tpu.memory_space<hbm>>) target_semaphore(%arg13 : memref<!tpu.dma_semaphore, #tpu.memory_space<semaphore_mem>>)
      %add3A_1551 = arith.constant 28 : i32
      %add3A_1552 = arith.addi %add3A_1102, %add3A_1551 : i32
      %dma_start3A_1553 = arith.constant 1400 : i32
      %dma_start3A_1554 = arith.constant 0 : i32
      %dma_start3A_1555 = tpu.memref_slice %arg8[%dma_start3A_1553, %dma_start3A_1554] : memref<1600x32xf32, #tpu.memory_space<vmem>> -> memref<50x32xf32, #tpu.memory_space<vmem>>
      %dma_start3A_1556 = arith.constant 0 : i32
      %dma_start3A_1557 = arith.constant 0 : i32
      %dma_start3A_1558 = tpu.memref_slice %arg5[%add3A_1552, %dma_start3A_1556, %dma_start3A_1557] : memref<16384x56x128xf32, #tpu.memory_space<hbm>> -> memref<1x50x32xf32, #tpu.memory_space<hbm>>
      %dma_start3A_1559 = tpu.memref_squeeze %dma_start3A_1558 : memref<1x50x32xf32, #tpu.memory_space<hbm>> -> memref<50x32xf32, #tpu.memory_space<hbm>>
      %dma_start3A_1560 = arith.constant 0 : i32
      %dma_start3A_1561 = arith.constant 0 : i32
      %dma_start3A_1562 = tpu.memref_slice %arg5[%add3A_1552, %dma_start3A_1560, %dma_start3A_1561] : memref<16384x56x128xf32, #tpu.memory_space<hbm>> -> memref<1x50x32xf32, #tpu.memory_space<hbm>>
      %dma_start3A_1563 = tpu.memref_squeeze %dma_start3A_1562 : memref<1x50x32xf32, #tpu.memory_space<hbm>> -> memref<50x32xf32, #tpu.memory_space<hbm>>
      %dma_start3A_1564 = arith.constant 1400 : i32
      %dma_start3A_1565 = arith.constant 0 : i32
      %dma_start3A_1566 = tpu.memref_slice %arg8[%dma_start3A_1564, %dma_start3A_1565] : memref<1600x32xf32, #tpu.memory_space<vmem>> -> memref<50x32xf32, #tpu.memory_space<vmem>>
      tpu.enqueue_dma source(%dma_start3A_1566 : memref<50x32xf32, #tpu.memory_space<vmem>>) target(%dma_start3A_1563 : memref<50x32xf32, #tpu.memory_space<hbm>>) target_semaphore(%arg13 : memref<!tpu.dma_semaphore, #tpu.memory_space<semaphore_mem>>)
      %add3A_1567 = arith.constant 29 : i32
      %add3A_1568 = arith.addi %add3A_1102, %add3A_1567 : i32
      %dma_start3A_1569 = arith.constant 1450 : i32
      %dma_start3A_1570 = arith.constant 0 : i32
      %dma_start3A_1571 = tpu.memref_slice %arg8[%dma_start3A_1569, %dma_start3A_1570] : memref<1600x32xf32, #tpu.memory_space<vmem>> -> memref<50x32xf32, #tpu.memory_space<vmem>>
      %dma_start3A_1572 = arith.constant 0 : i32
      %dma_start3A_1573 = arith.constant 0 : i32
      %dma_start3A_1574 = tpu.memref_slice %arg5[%add3A_1568, %dma_start3A_1572, %dma_start3A_1573] : memref<16384x56x128xf32, #tpu.memory_space<hbm>> -> memref<1x50x32xf32, #tpu.memory_space<hbm>>
      %dma_start3A_1575 = tpu.memref_squeeze %dma_start3A_1574 : memref<1x50x32xf32, #tpu.memory_space<hbm>> -> memref<50x32xf32, #tpu.memory_space<hbm>>
      %dma_start3A_1576 = arith.constant 0 : i32
      %dma_start3A_1577 = arith.constant 0 : i32
      %dma_start3A_1578 = tpu.memref_slice %arg5[%add3A_1568, %dma_start3A_1576, %dma_start3A_1577] : memref<16384x56x128xf32, #tpu.memory_space<hbm>> -> memref<1x50x32xf32, #tpu.memory_space<hbm>>
      %dma_start3A_1579 = tpu.memref_squeeze %dma_start3A_1578 : memref<1x50x32xf32, #tpu.memory_space<hbm>> -> memref<50x32xf32, #tpu.memory_space<hbm>>
      %dma_start3A_1580 = arith.constant 1450 : i32
      %dma_start3A_1581 = arith.constant 0 : i32
      %dma_start3A_1582 = tpu.memref_slice %arg8[%dma_start3A_1580, %dma_start3A_1581] : memref<1600x32xf32, #tpu.memory_space<vmem>> -> memref<50x32xf32, #tpu.memory_space<vmem>>
      tpu.enqueue_dma source(%dma_start3A_1582 : memref<50x32xf32, #tpu.memory_space<vmem>>) target(%dma_start3A_1579 : memref<50x32xf32, #tpu.memory_space<hbm>>) target_semaphore(%arg13 : memref<!tpu.dma_semaphore, #tpu.memory_space<semaphore_mem>>)
      %add3A_1583 = arith.constant 30 : i32
      %add3A_1584 = arith.addi %add3A_1102, %add3A_1583 : i32
      %dma_start3A_1585 = arith.constant 1500 : i32
      %dma_start3A_1586 = arith.constant 0 : i32
      %dma_start3A_1587 = tpu.memref_slice %arg8[%dma_start3A_1585, %dma_start3A_1586] : memref<1600x32xf32, #tpu.memory_space<vmem>> -> memref<50x32xf32, #tpu.memory_space<vmem>>
      %dma_start3A_1588 = arith.constant 0 : i32
      %dma_start3A_1589 = arith.constant 0 : i32
      %dma_start3A_1590 = tpu.memref_slice %arg5[%add3A_1584, %dma_start3A_1588, %dma_start3A_1589] : memref<16384x56x128xf32, #tpu.memory_space<hbm>> -> memref<1x50x32xf32, #tpu.memory_space<hbm>>
      %dma_start3A_1591 = tpu.memref_squeeze %dma_start3A_1590 : memref<1x50x32xf32, #tpu.memory_space<hbm>> -> memref<50x32xf32, #tpu.memory_space<hbm>>
      %dma_start3A_1592 = arith.constant 0 : i32
      %dma_start3A_1593 = arith.constant 0 : i32
      %dma_start3A_1594 = tpu.memref_slice %arg5[%add3A_1584, %dma_start3A_1592, %dma_start3A_1593] : memref<16384x56x128xf32, #tpu.memory_space<hbm>> -> memref<1x50x32xf32, #tpu.memory_space<hbm>>
      %dma_start3A_1595 = tpu.memref_squeeze %dma_start3A_1594 : memref<1x50x32xf32, #tpu.memory_space<hbm>> -> memref<50x32xf32, #tpu.memory_space<hbm>>
      %dma_start3A_1596 = arith.constant 1500 : i32
      %dma_start3A_1597 = arith.constant 0 : i32
      %dma_start3A_1598 = tpu.memref_slice %arg8[%dma_start3A_1596, %dma_start3A_1597] : memref<1600x32xf32, #tpu.memory_space<vmem>> -> memref<50x32xf32, #tpu.memory_space<vmem>>
      tpu.enqueue_dma source(%dma_start3A_1598 : memref<50x32xf32, #tpu.memory_space<vmem>>) target(%dma_start3A_1595 : memref<50x32xf32, #tpu.memory_space<hbm>>) target_semaphore(%arg13 : memref<!tpu.dma_semaphore, #tpu.memory_space<semaphore_mem>>)
      %add3A_1599 = arith.constant 31 : i32
      %add3A_1600 = arith.addi %add3A_1102, %add3A_1599 : i32
      %dma_start3A_1601 = arith.constant 1550 : i32
      %dma_start3A_1602 = arith.constant 0 : i32
      %dma_start3A_1603 = tpu.memref_slice %arg8[%dma_start3A_1601, %dma_start3A_1602] : memref<1600x32xf32, #tpu.memory_space<vmem>> -> memref<50x32xf32, #tpu.memory_space<vmem>>
      %dma_start3A_1604 = arith.constant 0 : i32
      %dma_start3A_1605 = arith.constant 0 : i32
      %dma_start3A_1606 = tpu.memref_slice %arg5[%add3A_1600, %dma_start3A_1604, %dma_start3A_1605] : memref<16384x56x128xf32, #tpu.memory_space<hbm>> -> memref<1x50x32xf32, #tpu.memory_space<hbm>>
      %dma_start3A_1607 = tpu.memref_squeeze %dma_start3A_1606 : memref<1x50x32xf32, #tpu.memory_space<hbm>> -> memref<50x32xf32, #tpu.memory_space<hbm>>
      %dma_start3A_1608 = arith.constant 0 : i32
      %dma_start3A_1609 = arith.constant 0 : i32
      %dma_start3A_1610 = tpu.memref_slice %arg5[%add3A_1600, %dma_start3A_1608, %dma_start3A_1609] : memref<16384x56x128xf32, #tpu.memory_space<hbm>> -> memref<1x50x32xf32, #tpu.memory_space<hbm>>
      %dma_start3A_1611 = tpu.memref_squeeze %dma_start3A_1610 : memref<1x50x32xf32, #tpu.memory_space<hbm>> -> memref<50x32xf32, #tpu.memory_space<hbm>>
      %dma_start3A_1612 = arith.constant 1550 : i32
      %dma_start3A_1613 = arith.constant 0 : i32
      %dma_start3A_1614 = tpu.memref_slice %arg8[%dma_start3A_1612, %dma_start3A_1613] : memref<1600x32xf32, #tpu.memory_space<vmem>> -> memref<50x32xf32, #tpu.memory_space<vmem>>
      tpu.enqueue_dma source(%dma_start3A_1614 : memref<50x32xf32, #tpu.memory_space<vmem>>) target(%dma_start3A_1611 : memref<50x32xf32, #tpu.memory_space<hbm>>) target_semaphore(%arg13 : memref<!tpu.dma_semaphore, #tpu.memory_space<semaphore_mem>>)
      %add3A_1615 = arith.constant 2 : i32
      %add3A_1616 = arith.addi %mul3A_1077, %add3A_1615 : i32
      %lt3A_1617 = arith.constant 16 : i32
      %lt3A_1618 = arith.cmpi slt, %add3A_1616, %lt3A_1617 : i32
      %convert_element_type3A_1619 = arith.extui %lt3A_1618 : i1 to i32
      %cond3A_1620 = arith.constant 0 : i32
      %cond3A_1621 = arith.cmpi ne, %convert_element_type3A_1619, %cond3A_1620 : i32
      scf.if %cond3A_1621 {
        %add3A_2173 = arith.constant 2 : i32
        %add3A_2174 = arith.addi %mul3A_1077, %add3A_2173 : i32
        %mul3A_2175 = arith.constant 1600 : i32
        %mul3A_2176 = arith.muli %add3A_2174, %mul3A_2175 : i32
        %add3A_2177 = arith.addi %mul3A_4, %mul3A_2176 : i32
        %dma_start3A_2178 = arith.constant 0 : i32
        %dma_start3A_2179 = arith.constant 0 : i32
        %dma_start3A_2180 = tpu.memref_slice %arg6[%dma_start3A_2178, %dma_start3A_2179] : memref<2x1600xi32, #tpu.memory_space<vmem>> -> memref<1x1600xi32, #tpu.memory_space<vmem>>
        %dma_start3A_2181 = tpu.memref_squeeze %dma_start3A_2180 : memref<1x1600xi32, #tpu.memory_space<vmem>> -> memref<1600xi32, #tpu.memory_space<vmem>>
        %dma_start3A_2182 = tpu.memref_slice %arg4[%add3A_2177] : memref<819200xi32, #tpu.memory_space<hbm>> -> memref<1600xi32, #tpu.memory_space<hbm>>
        %dma_start3A_2183 = arith.constant 0 : i32
        %dma_start3A_2184 = tpu.memref_slice %arg6[%dma_start3A_2178, %dma_start3A_2183] : memref<2x1600xi32, #tpu.memory_space<vmem>> -> memref<1x1600xi32, #tpu.memory_space<vmem>>
        %dma_start3A_2185 = tpu.memref_squeeze %dma_start3A_2184 : memref<1x1600xi32, #tpu.memory_space<vmem>> -> memref<1600xi32, #tpu.memory_space<vmem>>
        %dma_start3A_2186 = tpu.memref_slice %arg4[%add3A_2177] : memref<819200xi32, #tpu.memory_space<hbm>> -> memref<1600xi32, #tpu.memory_space<hbm>>
        tpu.enqueue_dma source(%dma_start3A_2186 : memref<1600xi32, #tpu.memory_space<hbm>>) target(%dma_start3A_2185 : memref<1600xi32, #tpu.memory_space<vmem>>) target_semaphore(%arg10 : memref<!tpu.dma_semaphore, #tpu.memory_space<semaphore_mem>>)
      } else {
      }
      %mul3A_1622 = arith.constant 2 : i32
      %mul3A_1623 = arith.muli %mul3A_1622, %scan3A_1075 : i32
      %add3A_1624 = arith.constant 1 : i32
      %add3A_1625 = arith.addi %mul3A_1623, %add3A_1624 : i32
      %add3A_1626 = arith.constant 1 : i32
      %add3A_1627 = arith.addi %add3A_1625, %add3A_1626 : i32
      %lt3A_1628 = arith.constant 16 : i32
      %lt3A_1629 = arith.cmpi slt, %add3A_1627, %lt3A_1628 : i32
      %convert_element_type3A_1630 = arith.extui %lt3A_1629 : i1 to i32
      %cond3A_1631 = arith.constant 0 : i32
      %cond3A_1632 = arith.cmpi ne, %convert_element_type3A_1630, %cond3A_1631 : i32
      scf.if %cond3A_1632 {
        %add3A_2173 = arith.constant 1 : i32
        %add3A_2174 = arith.addi %add3A_1625, %add3A_2173 : i32
        %mul3A_2175 = arith.constant 1600 : i32
        %mul3A_2176 = arith.muli %add3A_2174, %mul3A_2175 : i32
        %add3A_2177 = arith.addi %mul3A_4, %mul3A_2176 : i32
        %dma_wait3A_2178 = arith.constant 0 : i32
        %dma_wait3A_2179 = arith.constant 0 : i32
        %dma_wait3A_2180 = tpu.memref_slice %arg6[%dma_wait3A_2178, %dma_wait3A_2179] : memref<2x1600xi32, #tpu.memory_space<vmem>> -> memref<1x1600xi32, #tpu.memory_space<vmem>>
        %dma_wait3A_2181 = tpu.memref_squeeze %dma_wait3A_2180 : memref<1x1600xi32, #tpu.memory_space<vmem>> -> memref<1600xi32, #tpu.memory_space<vmem>>
        %dma_wait3A_2182 = tpu.memref_slice %arg4[%add3A_2177] : memref<819200xi32, #tpu.memory_space<hbm>> -> memref<1600xi32, #tpu.memory_space<hbm>>
        %dma_wait3A_2183 = arith.constant 0 : i32
        %dma_wait3A_2184 = tpu.memref_slice %arg6[%dma_wait3A_2178, %dma_wait3A_2183] : memref<2x1600xi32, #tpu.memory_space<vmem>> -> memref<1x1600xi32, #tpu.memory_space<vmem>>
        %dma_wait3A_2185 = tpu.memref_squeeze %dma_wait3A_2184 : memref<1x1600xi32, #tpu.memory_space<vmem>> -> memref<1600xi32, #tpu.memory_space<vmem>>
        %dma_wait3A_2186 = tpu.memref_slice %arg4[%add3A_2177] : memref<819200xi32, #tpu.memory_space<hbm>> -> memref<1600xi32, #tpu.memory_space<hbm>>
        tpu.wait_dma2 semaphore(%arg10 : memref<!tpu.dma_semaphore, #tpu.memory_space<semaphore_mem>>) src(%dma_wait3A_2186 : memref<1600xi32, #tpu.memory_space<hbm>>) dst(%dma_wait3A_2185 : memref<1600xi32, #tpu.memory_space<vmem>>)
        %scan3A_2187 = arith.constant 0 : i32
        %scan3A_2188 = arith.constant 0 : i32
        %scan3A_2189 = arith.constant 100 : i32
        %scan3A_2190 = arith.addi %scan3A_2188, %scan3A_2189 : i32
        %scan3A_2191 = arith.constant 1 : i32
        scf.for %scan3A_2215 = %scan3A_2188 to %scan3A_2190 step %scan3A_2191  : i32 {
          %mul3A_2216 = arith.constant 16 : i32
          %mul3A_2217 = arith.muli %scan3A_2215, %mul3A_2216 : i32
          %get3A = arith.constant 0 : i32
          %get3A_2218 = arith.index_cast %get3A : i32 to index
          %get3A_2219 = arith.index_cast %mul3A_2217 : i32 to index
          %get3A_2220 = tpu.vector_load %arg6[%get3A_2218, %get3A_2219] {strides = array<i32>} : memref<2x1600xi32, #tpu.memory_space<vmem>>, vector<1x16xi32>,
          %get3A_2221 = vector.shape_cast %get3A_2220 : vector<1x16xi32> to vector<16xi32>
          %ge3A_2222 = arith.constant 500000 : i32
          %ge3A_2223 = vector.broadcast %ge3A_2222 : i32 to vector<16xi32>
          %ge3A_2224 = arith.cmpi sge, %get3A_2221, %ge3A_2223 : vector<16xi32>
          %broadcast_in_dim3A = arith.constant -1 : i32
          %broadcast_in_dim3A_2225 = vector.broadcast %broadcast_in_dim3A : i32 to vector<16xi32>
          %select_n3A = arith.select %ge3A_2224, %broadcast_in_dim3A_2225, %get3A_2221 : vector<16xi1>, vector<16xi32>
          %mul3A_2226 = arith.constant 16 : i32
          %mul3A_2227 = arith.muli %scan3A_2215, %mul3A_2226 : i32
          %swap3A = arith.constant 0 : i32
          %swap3A_2228 = arith.constant 0 : i32
          %swap3A_2229 = arith.index_cast %swap3A : i32 to index
          %swap3A_2230 = arith.index_cast %swap3A_2228 : i32 to index
          %swap3A_2231 = arith.index_cast %mul3A_2227 : i32 to index
          %swap3A_2232 = tpu.vector_load %arg7[%swap3A_2229, %swap3A_2230, %swap3A_2231] {strides = array<i32>} : memref<2x2x1600xi32, #tpu.memory_space<vmem>>, vector<1x1x16xi32>,
          %swap3A_2233 = vector.shape_cast %swap3A_2232 : vector<1x1x16xi32> to vector<16xi32>
          %swap3A_2234 = vector.shape_cast %select_n3A : vector<16xi32> to vector<1x1x16xi32>
          tpu.vector_store %arg7[%swap3A_2229, %swap3A_2230, %swap3A_2231], %swap3A_2234 {strides = array<i32>} : memref<2x2x1600xi32, #tpu.memory_space<vmem>>, vector<1x1x16xi32>,
          %sub3A = arith.constant 500000 : i32
          %sub3A_2235 = vector.broadcast %sub3A : i32 to vector<16xi32>
          %sub3A_2236 = arith.subi %get3A_2221, %sub3A_2235 : vector<16xi32>
          %select_n3A_2237 = arith.select %ge3A_2224, %sub3A_2236, %broadcast_in_dim3A_2225 : vector<16xi1>, vector<16xi32>
          %mul3A_2238 = arith.constant 16 : i32
          %mul3A_2239 = arith.muli %scan3A_2215, %mul3A_2238 : i32
          %swap3A_2240 = arith.constant 0 : i32
          %swap3A_2241 = arith.constant 1 : i32
          %swap3A_2242 = arith.index_cast %swap3A_2240 : i32 to index
          %swap3A_2243 = arith.index_cast %swap3A_2241 : i32 to index
          %swap3A_2244 = arith.index_cast %mul3A_2239 : i32 to index
          %swap3A_2245 = tpu.vector_load %arg7[%swap3A_2242, %swap3A_2243, %swap3A_2244] {strides = array<i32>} : memref<2x2x1600xi32, #tpu.memory_space<vmem>>, vector<1x1x16xi32>,
          %swap3A_2246 = vector.shape_cast %swap3A_2245 : vector<1x1x16xi32> to vector<16xi32>
          %swap3A_2247 = vector.shape_cast %select_n3A_2237 : vector<16xi32> to vector<1x1x16xi32>
          tpu.vector_store %arg7[%swap3A_2242, %swap3A_2243, %swap3A_2244], %swap3A_2247 {strides = array<i32>} : memref<2x2x1600xi32, #tpu.memory_space<vmem>>, vector<1x1x16xi32>,
        }
        %scan3A_2192 = arith.constant 100 : i32
        %ge3A = arith.constant 1 : i32
        %ge3A_2193 = arith.cmpi sge, %add3A_1625, %ge3A : i32
        %convert_element_type3A_2194 = arith.extui %ge3A_2193 : i1 to i32
        %cond3A_2195 = arith.constant 0 : i32
        %cond3A_2196 = arith.cmpi ne, %convert_element_type3A_2194, %cond3A_2195 : i32
        scf.if %cond3A_2196 {
          %sub3A = arith.constant 1 : i32
          %sub3A_2215 = arith.subi %add3A_1625, %sub3A : i32
          %mul3A_2216 = arith.constant 512 : i32
          %mul3A_2217 = arith.muli %add3A, %mul3A_2216 : i32
          %mul3A_2218 = arith.constant 32 : i32
          %mul3A_2219 = arith.muli %sub3A_2215, %mul3A_2218 : i32
          %add3A_2220 = arith.addi %mul3A_2217, %mul3A_2219 : i32
          %add3A_2221 = arith.constant 0 : i32
          %add3A_2222 = arith.addi %add3A_2220, %add3A_2221 : i32
          %dma_wait3A_2223 = arith.constant 0 : i32
          %dma_wait3A_2224 = arith.constant 0 : i32
          %dma_wait3A_2225 = tpu.memref_slice %arg8[%dma_wait3A_2223, %dma_wait3A_2224] : memref<1600x32xf32, #tpu.memory_space<vmem>> -> memref<50x32xf32, #tpu.memory_space<vmem>>
          %dma_wait3A_2226 = arith.constant 0 : i32
          %dma_wait3A_2227 = arith.constant 0 : i32
          %dma_wait3A_2228 = tpu.memref_slice %arg5[%add3A_2222, %dma_wait3A_2226, %dma_wait3A_2227] : memref<16384x56x128xf32, #tpu.memory_space<hbm>> -> memref<1x50x32xf32, #tpu.memory_space<hbm>>
          %dma_wait3A_2229 = tpu.memref_squeeze %dma_wait3A_2228 : memref<1x50x32xf32, #tpu.memory_space<hbm>> -> memref<50x32xf32, #tpu.memory_space<hbm>>
          %dma_wait3A_2230 = arith.constant 0 : i32
          %dma_wait3A_2231 = arith.constant 0 : i32
          %dma_wait3A_2232 = tpu.memref_slice %arg5[%add3A_2222, %dma_wait3A_2230, %dma_wait3A_2231] : memref<16384x56x128xf32, #tpu.memory_space<hbm>> -> memref<1x50x32xf32, #tpu.memory_space<hbm>>
          %dma_wait3A_2233 = tpu.memref_squeeze %dma_wait3A_2232 : memref<1x50x32xf32, #tpu.memory_space<hbm>> -> memref<50x32xf32, #tpu.memory_space<hbm>>
          %dma_wait3A_2234 = arith.constant 0 : i32
          %dma_wait3A_2235 = arith.constant 0 : i32
          %dma_wait3A_2236 = tpu.memref_slice %arg8[%dma_wait3A_2234, %dma_wait3A_2235] : memref<1600x32xf32, #tpu.memory_space<vmem>> -> memref<50x32xf32, #tpu.memory_space<vmem>>
          tpu.wait_dma2 semaphore(%arg13 : memref<!tpu.dma_semaphore, #tpu.memory_space<semaphore_mem>>) src(%dma_wait3A_2236 : memref<50x32xf32, #tpu.memory_space<vmem>>) dst(%dma_wait3A_2233 : memref<50x32xf32, #tpu.memory_space<hbm>>)
          %add3A_2237 = arith.constant 1 : i32
          %add3A_2238 = arith.addi %add3A_2220, %add3A_2237 : i32
          %dma_wait3A_2239 = arith.constant 50 : i32
          %dma_wait3A_2240 = arith.constant 0 : i32
          %dma_wait3A_2241 = tpu.memref_slice %arg8[%dma_wait3A_2239, %dma_wait3A_2240] : memref<1600x32xf32, #tpu.memory_space<vmem>> -> memref<50x32xf32, #tpu.memory_space<vmem>>
          %dma_wait3A_2242 = arith.constant 0 : i32
          %dma_wait3A_2243 = arith.constant 0 : i32
          %dma_wait3A_2244 = tpu.memref_slice %arg5[%add3A_2238, %dma_wait3A_2242, %dma_wait3A_2243] : memref<16384x56x128xf32, #tpu.memory_space<hbm>> -> memref<1x50x32xf32, #tpu.memory_space<hbm>>
          %dma_wait3A_2245 = tpu.memref_squeeze %dma_wait3A_2244 : memref<1x50x32xf32, #tpu.memory_space<hbm>> -> memref<50x32xf32, #tpu.memory_space<hbm>>
          %dma_wait3A_2246 = arith.constant 0 : i32
          %dma_wait3A_2247 = arith.constant 0 : i32
          %dma_wait3A_2248 = tpu.memref_slice %arg5[%add3A_2238, %dma_wait3A_2246, %dma_wait3A_2247] : memref<16384x56x128xf32, #tpu.memory_space<hbm>> -> memref<1x50x32xf32, #tpu.memory_space<hbm>>
          %dma_wait3A_2249 = tpu.memref_squeeze %dma_wait3A_2248 : memref<1x50x32xf32, #tpu.memory_space<hbm>> -> memref<50x32xf32, #tpu.memory_space<hbm>>
          %dma_wait3A_2250 = arith.constant 50 : i32
          %dma_wait3A_2251 = arith.constant 0 : i32
          %dma_wait3A_2252 = tpu.memref_slice %arg8[%dma_wait3A_2250, %dma_wait3A_2251] : memref<1600x32xf32, #tpu.memory_space<vmem>> -> memref<50x32xf32, #tpu.memory_space<vmem>>
          tpu.wait_dma2 semaphore(%arg13 : memref<!tpu.dma_semaphore, #tpu.memory_space<semaphore_mem>>) src(%dma_wait3A_2252 : memref<50x32xf32, #tpu.memory_space<vmem>>) dst(%dma_wait3A_2249 : memref<50x32xf32, #tpu.memory_space<hbm>>)
          %add3A_2253 = arith.constant 2 : i32
          %add3A_2254 = arith.addi %add3A_2220, %add3A_2253 : i32
          %dma_wait3A_2255 = arith.constant 100 : i32
          %dma_wait3A_2256 = arith.constant 0 : i32
          %dma_wait3A_2257 = tpu.memref_slice %arg8[%dma_wait3A_2255, %dma_wait3A_2256] : memref<1600x32xf32, #tpu.memory_space<vmem>> -> memref<50x32xf32, #tpu.memory_space<vmem>>
          %dma_wait3A_2258 = arith.constant 0 : i32
          %dma_wait3A_2259 = arith.constant 0 : i32
          %dma_wait3A_2260 = tpu.memref_slice %arg5[%add3A_2254, %dma_wait3A_2258, %dma_wait3A_2259] : memref<16384x56x128xf32, #tpu.memory_space<hbm>> -> memref<1x50x32xf32, #tpu.memory_space<hbm>>
          %dma_wait3A_2261 = tpu.memref_squeeze %dma_wait3A_2260 : memref<1x50x32xf32, #tpu.memory_space<hbm>> -> memref<50x32xf32, #tpu.memory_space<hbm>>
          %dma_wait3A_2262 = arith.constant 0 : i32
          %dma_wait3A_2263 = arith.constant 0 : i32
          %dma_wait3A_2264 = tpu.memref_slice %arg5[%add3A_2254, %dma_wait3A_2262, %dma_wait3A_2263] : memref<16384x56x128xf32, #tpu.memory_space<hbm>> -> memref<1x50x32xf32, #tpu.memory_space<hbm>>
          %dma_wait3A_2265 = tpu.memref_squeeze %dma_wait3A_2264 : memref<1x50x32xf32, #tpu.memory_space<hbm>> -> memref<50x32xf32, #tpu.memory_space<hbm>>
          %dma_wait3A_2266 = arith.constant 100 : i32
          %dma_wait3A_2267 = arith.constant 0 : i32
          %dma_wait3A_2268 = tpu.memref_slice %arg8[%dma_wait3A_2266, %dma_wait3A_2267] : memref<1600x32xf32, #tpu.memory_space<vmem>> -> memref<50x32xf32, #tpu.memory_space<vmem>>
          tpu.wait_dma2 semaphore(%arg13 : memref<!tpu.dma_semaphore, #tpu.memory_space<semaphore_mem>>) src(%dma_wait3A_2268 : memref<50x32xf32, #tpu.memory_space<vmem>>) dst(%dma_wait3A_2265 : memref<50x32xf32, #tpu.memory_space<hbm>>)
          %add3A_2269 = arith.constant 3 : i32
          %add3A_2270 = arith.addi %add3A_2220, %add3A_2269 : i32
          %dma_wait3A_2271 = arith.constant 150 : i32
          %dma_wait3A_2272 = arith.constant 0 : i32
          %dma_wait3A_2273 = tpu.memref_slice %arg8[%dma_wait3A_2271, %dma_wait3A_2272] : memref<1600x32xf32, #tpu.memory_space<vmem>> -> memref<50x32xf32, #tpu.memory_space<vmem>>
          %dma_wait3A_2274 = arith.constant 0 : i32
          %dma_wait3A_2275 = arith.constant 0 : i32
          %dma_wait3A_2276 = tpu.memref_slice %arg5[%add3A_2270, %dma_wait3A_2274, %dma_wait3A_2275] : memref<16384x56x128xf32, #tpu.memory_space<hbm>> -> memref<1x50x32xf32, #tpu.memory_space<hbm>>
          %dma_wait3A_2277 = tpu.memref_squeeze %dma_wait3A_2276 : memref<1x50x32xf32, #tpu.memory_space<hbm>> -> memref<50x32xf32, #tpu.memory_space<hbm>>
          %dma_wait3A_2278 = arith.constant 0 : i32
          %dma_wait3A_2279 = arith.constant 0 : i32
          %dma_wait3A_2280 = tpu.memref_slice %arg5[%add3A_2270, %dma_wait3A_2278, %dma_wait3A_2279] : memref<16384x56x128xf32, #tpu.memory_space<hbm>> -> memref<1x50x32xf32, #tpu.memory_space<hbm>>
          %dma_wait3A_2281 = tpu.memref_squeeze %dma_wait3A_2280 : memref<1x50x32xf32, #tpu.memory_space<hbm>> -> memref<50x32xf32, #tpu.memory_space<hbm>>
          %dma_wait3A_2282 = arith.constant 150 : i32
          %dma_wait3A_2283 = arith.constant 0 : i32
          %dma_wait3A_2284 = tpu.memref_slice %arg8[%dma_wait3A_2282, %dma_wait3A_2283] : memref<1600x32xf32, #tpu.memory_space<vmem>> -> memref<50x32xf32, #tpu.memory_space<vmem>>
          tpu.wait_dma2 semaphore(%arg13 : memref<!tpu.dma_semaphore, #tpu.memory_space<semaphore_mem>>) src(%dma_wait3A_2284 : memref<50x32xf32, #tpu.memory_space<vmem>>) dst(%dma_wait3A_2281 : memref<50x32xf32, #tpu.memory_space<hbm>>)
          %add3A_2285 = arith.constant 4 : i32
          %add3A_2286 = arith.addi %add3A_2220, %add3A_2285 : i32
          %dma_wait3A_2287 = arith.constant 200 : i32
          %dma_wait3A_2288 = arith.constant 0 : i32
          %dma_wait3A_2289 = tpu.memref_slice %arg8[%dma_wait3A_2287, %dma_wait3A_2288] : memref<1600x32xf32, #tpu.memory_space<vmem>> -> memref<50x32xf32, #tpu.memory_space<vmem>>
          %dma_wait3A_2290 = arith.constant 0 : i32
          %dma_wait3A_2291 = arith.constant 0 : i32
          %dma_wait3A_2292 = tpu.memref_slice %arg5[%add3A_2286, %dma_wait3A_2290, %dma_wait3A_2291] : memref<16384x56x128xf32, #tpu.memory_space<hbm>> -> memref<1x50x32xf32, #tpu.memory_space<hbm>>
          %dma_wait3A_2293 = tpu.memref_squeeze %dma_wait3A_2292 : memref<1x50x32xf32, #tpu.memory_space<hbm>> -> memref<50x32xf32, #tpu.memory_space<hbm>>
          %dma_wait3A_2294 = arith.constant 0 : i32
          %dma_wait3A_2295 = arith.constant 0 : i32
          %dma_wait3A_2296 = tpu.memref_slice %arg5[%add3A_2286, %dma_wait3A_2294, %dma_wait3A_2295] : memref<16384x56x128xf32, #tpu.memory_space<hbm>> -> memref<1x50x32xf32, #tpu.memory_space<hbm>>
          %dma_wait3A_2297 = tpu.memref_squeeze %dma_wait3A_2296 : memref<1x50x32xf32, #tpu.memory_space<hbm>> -> memref<50x32xf32, #tpu.memory_space<hbm>>
          %dma_wait3A_2298 = arith.constant 200 : i32
          %dma_wait3A_2299 = arith.constant 0 : i32
          %dma_wait3A_2300 = tpu.memref_slice %arg8[%dma_wait3A_2298, %dma_wait3A_2299] : memref<1600x32xf32, #tpu.memory_space<vmem>> -> memref<50x32xf32, #tpu.memory_space<vmem>>
          tpu.wait_dma2 semaphore(%arg13 : memref<!tpu.dma_semaphore, #tpu.memory_space<semaphore_mem>>) src(%dma_wait3A_2300 : memref<50x32xf32, #tpu.memory_space<vmem>>) dst(%dma_wait3A_2297 : memref<50x32xf32, #tpu.memory_space<hbm>>)
          %add3A_2301 = arith.constant 5 : i32
          %add3A_2302 = arith.addi %add3A_2220, %add3A_2301 : i32
          %dma_wait3A_2303 = arith.constant 250 : i32
          %dma_wait3A_2304 = arith.constant 0 : i32
          %dma_wait3A_2305 = tpu.memref_slice %arg8[%dma_wait3A_2303, %dma_wait3A_2304] : memref<1600x32xf32, #tpu.memory_space<vmem>> -> memref<50x32xf32, #tpu.memory_space<vmem>>
          %dma_wait3A_2306 = arith.constant 0 : i32
          %dma_wait3A_2307 = arith.constant 0 : i32
          %dma_wait3A_2308 = tpu.memref_slice %arg5[%add3A_2302, %dma_wait3A_2306, %dma_wait3A_2307] : memref<16384x56x128xf32, #tpu.memory_space<hbm>> -> memref<1x50x32xf32, #tpu.memory_space<hbm>>
          %dma_wait3A_2309 = tpu.memref_squeeze %dma_wait3A_2308 : memref<1x50x32xf32, #tpu.memory_space<hbm>> -> memref<50x32xf32, #tpu.memory_space<hbm>>
          %dma_wait3A_2310 = arith.constant 0 : i32
          %dma_wait3A_2311 = arith.constant 0 : i32
          %dma_wait3A_2312 = tpu.memref_slice %arg5[%add3A_2302, %dma_wait3A_2310, %dma_wait3A_2311] : memref<16384x56x128xf32, #tpu.memory_space<hbm>> -> memref<1x50x32xf32, #tpu.memory_space<hbm>>
          %dma_wait3A_2313 = tpu.memref_squeeze %dma_wait3A_2312 : memref<1x50x32xf32, #tpu.memory_space<hbm>> -> memref<50x32xf32, #tpu.memory_space<hbm>>
          %dma_wait3A_2314 = arith.constant 250 : i32
          %dma_wait3A_2315 = arith.constant 0 : i32
          %dma_wait3A_2316 = tpu.memref_slice %arg8[%dma_wait3A_2314, %dma_wait3A_2315] : memref<1600x32xf32, #tpu.memory_space<vmem>> -> memref<50x32xf32, #tpu.memory_space<vmem>>
          tpu.wait_dma2 semaphore(%arg13 : memref<!tpu.dma_semaphore, #tpu.memory_space<semaphore_mem>>) src(%dma_wait3A_2316 : memref<50x32xf32, #tpu.memory_space<vmem>>) dst(%dma_wait3A_2313 : memref<50x32xf32, #tpu.memory_space<hbm>>)
          %add3A_2317 = arith.constant 6 : i32
          %add3A_2318 = arith.addi %add3A_2220, %add3A_2317 : i32
          %dma_wait3A_2319 = arith.constant 300 : i32
          %dma_wait3A_2320 = arith.constant 0 : i32
          %dma_wait3A_2321 = tpu.memref_slice %arg8[%dma_wait3A_2319, %dma_wait3A_2320] : memref<1600x32xf32, #tpu.memory_space<vmem>> -> memref<50x32xf32, #tpu.memory_space<vmem>>
          %dma_wait3A_2322 = arith.constant 0 : i32
          %dma_wait3A_2323 = arith.constant 0 : i32
          %dma_wait3A_2324 = tpu.memref_slice %arg5[%add3A_2318, %dma_wait3A_2322, %dma_wait3A_2323] : memref<16384x56x128xf32, #tpu.memory_space<hbm>> -> memref<1x50x32xf32, #tpu.memory_space<hbm>>
          %dma_wait3A_2325 = tpu.memref_squeeze %dma_wait3A_2324 : memref<1x50x32xf32, #tpu.memory_space<hbm>> -> memref<50x32xf32, #tpu.memory_space<hbm>>
          %dma_wait3A_2326 = arith.constant 0 : i32
          %dma_wait3A_2327 = arith.constant 0 : i32
          %dma_wait3A_2328 = tpu.memref_slice %arg5[%add3A_2318, %dma_wait3A_2326, %dma_wait3A_2327] : memref<16384x56x128xf32, #tpu.memory_space<hbm>> -> memref<1x50x32xf32, #tpu.memory_space<hbm>>
          %dma_wait3A_2329 = tpu.memref_squeeze %dma_wait3A_2328 : memref<1x50x32xf32, #tpu.memory_space<hbm>> -> memref<50x32xf32, #tpu.memory_space<hbm>>
          %dma_wait3A_2330 = arith.constant 300 : i32
          %dma_wait3A_2331 = arith.constant 0 : i32
          %dma_wait3A_2332 = tpu.memref_slice %arg8[%dma_wait3A_2330, %dma_wait3A_2331] : memref<1600x32xf32, #tpu.memory_space<vmem>> -> memref<50x32xf32, #tpu.memory_space<vmem>>
          tpu.wait_dma2 semaphore(%arg13 : memref<!tpu.dma_semaphore, #tpu.memory_space<semaphore_mem>>) src(%dma_wait3A_2332 : memref<50x32xf32, #tpu.memory_space<vmem>>) dst(%dma_wait3A_2329 : memref<50x32xf32, #tpu.memory_space<hbm>>)
          %add3A_2333 = arith.constant 7 : i32
          %add3A_2334 = arith.addi %add3A_2220, %add3A_2333 : i32
          %dma_wait3A_2335 = arith.constant 350 : i32
          %dma_wait3A_2336 = arith.constant 0 : i32
          %dma_wait3A_2337 = tpu.memref_slice %arg8[%dma_wait3A_2335, %dma_wait3A_2336] : memref<1600x32xf32, #tpu.memory_space<vmem>> -> memref<50x32xf32, #tpu.memory_space<vmem>>
          %dma_wait3A_2338 = arith.constant 0 : i32
          %dma_wait3A_2339 = arith.constant 0 : i32
          %dma_wait3A_2340 = tpu.memref_slice %arg5[%add3A_2334, %dma_wait3A_2338, %dma_wait3A_2339] : memref<16384x56x128xf32, #tpu.memory_space<hbm>> -> memref<1x50x32xf32, #tpu.memory_space<hbm>>
          %dma_wait3A_2341 = tpu.memref_squeeze %dma_wait3A_2340 : memref<1x50x32xf32, #tpu.memory_space<hbm>> -> memref<50x32xf32, #tpu.memory_space<hbm>>
          %dma_wait3A_2342 = arith.constant 0 : i32
          %dma_wait3A_2343 = arith.constant 0 : i32
          %dma_wait3A_2344 = tpu.memref_slice %arg5[%add3A_2334, %dma_wait3A_2342, %dma_wait3A_2343] : memref<16384x56x128xf32, #tpu.memory_space<hbm>> -> memref<1x50x32xf32, #tpu.memory_space<hbm>>
          %dma_wait3A_2345 = tpu.memref_squeeze %dma_wait3A_2344 : memref<1x50x32xf32, #tpu.memory_space<hbm>> -> memref<50x32xf32, #tpu.memory_space<hbm>>
          %dma_wait3A_2346 = arith.constant 350 : i32
          %dma_wait3A_2347 = arith.constant 0 : i32
          %dma_wait3A_2348 = tpu.memref_slice %arg8[%dma_wait3A_2346, %dma_wait3A_2347] : memref<1600x32xf32, #tpu.memory_space<vmem>> -> memref<50x32xf32, #tpu.memory_space<vmem>>
          tpu.wait_dma2 semaphore(%arg13 : memref<!tpu.dma_semaphore, #tpu.memory_space<semaphore_mem>>) src(%dma_wait3A_2348 : memref<50x32xf32, #tpu.memory_space<vmem>>) dst(%dma_wait3A_2345 : memref<50x32xf32, #tpu.memory_space<hbm>>)
          %add3A_2349 = arith.constant 8 : i32
          %add3A_2350 = arith.addi %add3A_2220, %add3A_2349 : i32
          %dma_wait3A_2351 = arith.constant 400 : i32
          %dma_wait3A_2352 = arith.constant 0 : i32
          %dma_wait3A_2353 = tpu.memref_slice %arg8[%dma_wait3A_2351, %dma_wait3A_2352] : memref<1600x32xf32, #tpu.memory_space<vmem>> -> memref<50x32xf32, #tpu.memory_space<vmem>>
          %dma_wait3A_2354 = arith.constant 0 : i32
          %dma_wait3A_2355 = arith.constant 0 : i32
          %dma_wait3A_2356 = tpu.memref_slice %arg5[%add3A_2350, %dma_wait3A_2354, %dma_wait3A_2355] : memref<16384x56x128xf32, #tpu.memory_space<hbm>> -> memref<1x50x32xf32, #tpu.memory_space<hbm>>
          %dma_wait3A_2357 = tpu.memref_squeeze %dma_wait3A_2356 : memref<1x50x32xf32, #tpu.memory_space<hbm>> -> memref<50x32xf32, #tpu.memory_space<hbm>>
          %dma_wait3A_2358 = arith.constant 0 : i32
          %dma_wait3A_2359 = arith.constant 0 : i32
          %dma_wait3A_2360 = tpu.memref_slice %arg5[%add3A_2350, %dma_wait3A_2358, %dma_wait3A_2359] : memref<16384x56x128xf32, #tpu.memory_space<hbm>> -> memref<1x50x32xf32, #tpu.memory_space<hbm>>
          %dma_wait3A_2361 = tpu.memref_squeeze %dma_wait3A_2360 : memref<1x50x32xf32, #tpu.memory_space<hbm>> -> memref<50x32xf32, #tpu.memory_space<hbm>>
          %dma_wait3A_2362 = arith.constant 400 : i32
          %dma_wait3A_2363 = arith.constant 0 : i32
          %dma_wait3A_2364 = tpu.memref_slice %arg8[%dma_wait3A_2362, %dma_wait3A_2363] : memref<1600x32xf32, #tpu.memory_space<vmem>> -> memref<50x32xf32, #tpu.memory_space<vmem>>
          tpu.wait_dma2 semaphore(%arg13 : memref<!tpu.dma_semaphore, #tpu.memory_space<semaphore_mem>>) src(%dma_wait3A_2364 : memref<50x32xf32, #tpu.memory_space<vmem>>) dst(%dma_wait3A_2361 : memref<50x32xf32, #tpu.memory_space<hbm>>)
          %add3A_2365 = arith.constant 9 : i32
          %add3A_2366 = arith.addi %add3A_2220, %add3A_2365 : i32
          %dma_wait3A_2367 = arith.constant 450 : i32
          %dma_wait3A_2368 = arith.constant 0 : i32
          %dma_wait3A_2369 = tpu.memref_slice %arg8[%dma_wait3A_2367, %dma_wait3A_2368] : memref<1600x32xf32, #tpu.memory_space<vmem>> -> memref<50x32xf32, #tpu.memory_space<vmem>>
          %dma_wait3A_2370 = arith.constant 0 : i32
          %dma_wait3A_2371 = arith.constant 0 : i32
          %dma_wait3A_2372 = tpu.memref_slice %arg5[%add3A_2366, %dma_wait3A_2370, %dma_wait3A_2371] : memref<16384x56x128xf32, #tpu.memory_space<hbm>> -> memref<1x50x32xf32, #tpu.memory_space<hbm>>
          %dma_wait3A_2373 = tpu.memref_squeeze %dma_wait3A_2372 : memref<1x50x32xf32, #tpu.memory_space<hbm>> -> memref<50x32xf32, #tpu.memory_space<hbm>>
          %dma_wait3A_2374 = arith.constant 0 : i32
          %dma_wait3A_2375 = arith.constant 0 : i32
          %dma_wait3A_2376 = tpu.memref_slice %arg5[%add3A_2366, %dma_wait3A_2374, %dma_wait3A_2375] : memref<16384x56x128xf32, #tpu.memory_space<hbm>> -> memref<1x50x32xf32, #tpu.memory_space<hbm>>
          %dma_wait3A_2377 = tpu.memref_squeeze %dma_wait3A_2376 : memref<1x50x32xf32, #tpu.memory_space<hbm>> -> memref<50x32xf32, #tpu.memory_space<hbm>>
          %dma_wait3A_2378 = arith.constant 450 : i32
          %dma_wait3A_2379 = arith.constant 0 : i32
          %dma_wait3A_2380 = tpu.memref_slice %arg8[%dma_wait3A_2378, %dma_wait3A_2379] : memref<1600x32xf32, #tpu.memory_space<vmem>> -> memref<50x32xf32, #tpu.memory_space<vmem>>
          tpu.wait_dma2 semaphore(%arg13 : memref<!tpu.dma_semaphore, #tpu.memory_space<semaphore_mem>>) src(%dma_wait3A_2380 : memref<50x32xf32, #tpu.memory_space<vmem>>) dst(%dma_wait3A_2377 : memref<50x32xf32, #tpu.memory_space<hbm>>)
          %add3A_2381 = arith.constant 10 : i32
          %add3A_2382 = arith.addi %add3A_2220, %add3A_2381 : i32
          %dma_wait3A_2383 = arith.constant 500 : i32
          %dma_wait3A_2384 = arith.constant 0 : i32
          %dma_wait3A_2385 = tpu.memref_slice %arg8[%dma_wait3A_2383, %dma_wait3A_2384] : memref<1600x32xf32, #tpu.memory_space<vmem>> -> memref<50x32xf32, #tpu.memory_space<vmem>>
          %dma_wait3A_2386 = arith.constant 0 : i32
          %dma_wait3A_2387 = arith.constant 0 : i32
          %dma_wait3A_2388 = tpu.memref_slice %arg5[%add3A_2382, %dma_wait3A_2386, %dma_wait3A_2387] : memref<16384x56x128xf32, #tpu.memory_space<hbm>> -> memref<1x50x32xf32, #tpu.memory_space<hbm>>
          %dma_wait3A_2389 = tpu.memref_squeeze %dma_wait3A_2388 : memref<1x50x32xf32, #tpu.memory_space<hbm>> -> memref<50x32xf32, #tpu.memory_space<hbm>>
          %dma_wait3A_2390 = arith.constant 0 : i32
          %dma_wait3A_2391 = arith.constant 0 : i32
          %dma_wait3A_2392 = tpu.memref_slice %arg5[%add3A_2382, %dma_wait3A_2390, %dma_wait3A_2391] : memref<16384x56x128xf32, #tpu.memory_space<hbm>> -> memref<1x50x32xf32, #tpu.memory_space<hbm>>
          %dma_wait3A_2393 = tpu.memref_squeeze %dma_wait3A_2392 : memref<1x50x32xf32, #tpu.memory_space<hbm>> -> memref<50x32xf32, #tpu.memory_space<hbm>>
          %dma_wait3A_2394 = arith.constant 500 : i32
          %dma_wait3A_2395 = arith.constant 0 : i32
          %dma_wait3A_2396 = tpu.memref_slice %arg8[%dma_wait3A_2394, %dma_wait3A_2395] : memref<1600x32xf32, #tpu.memory_space<vmem>> -> memref<50x32xf32, #tpu.memory_space<vmem>>
          tpu.wait_dma2 semaphore(%arg13 : memref<!tpu.dma_semaphore, #tpu.memory_space<semaphore_mem>>) src(%dma_wait3A_2396 : memref<50x32xf32, #tpu.memory_space<vmem>>) dst(%dma_wait3A_2393 : memref<50x32xf32, #tpu.memory_space<hbm>>)
          %add3A_2397 = arith.constant 11 : i32
          %add3A_2398 = arith.addi %add3A_2220, %add3A_2397 : i32
          %dma_wait3A_2399 = arith.constant 550 : i32
          %dma_wait3A_2400 = arith.constant 0 : i32
          %dma_wait3A_2401 = tpu.memref_slice %arg8[%dma_wait3A_2399, %dma_wait3A_2400] : memref<1600x32xf32, #tpu.memory_space<vmem>> -> memref<50x32xf32, #tpu.memory_space<vmem>>
          %dma_wait3A_2402 = arith.constant 0 : i32
          %dma_wait3A_2403 = arith.constant 0 : i32
          %dma_wait3A_2404 = tpu.memref_slice %arg5[%add3A_2398, %dma_wait3A_2402, %dma_wait3A_2403] : memref<16384x56x128xf32, #tpu.memory_space<hbm>> -> memref<1x50x32xf32, #tpu.memory_space<hbm>>
          %dma_wait3A_2405 = tpu.memref_squeeze %dma_wait3A_2404 : memref<1x50x32xf32, #tpu.memory_space<hbm>> -> memref<50x32xf32, #tpu.memory_space<hbm>>
          %dma_wait3A_2406 = arith.constant 0 : i32
          %dma_wait3A_2407 = arith.constant 0 : i32
          %dma_wait3A_2408 = tpu.memref_slice %arg5[%add3A_2398, %dma_wait3A_2406, %dma_wait3A_2407] : memref<16384x56x128xf32, #tpu.memory_space<hbm>> -> memref<1x50x32xf32, #tpu.memory_space<hbm>>
          %dma_wait3A_2409 = tpu.memref_squeeze %dma_wait3A_2408 : memref<1x50x32xf32, #tpu.memory_space<hbm>> -> memref<50x32xf32, #tpu.memory_space<hbm>>
          %dma_wait3A_2410 = arith.constant 550 : i32
          %dma_wait3A_2411 = arith.constant 0 : i32
          %dma_wait3A_2412 = tpu.memref_slice %arg8[%dma_wait3A_2410, %dma_wait3A_2411] : memref<1600x32xf32, #tpu.memory_space<vmem>> -> memref<50x32xf32, #tpu.memory_space<vmem>>
          tpu.wait_dma2 semaphore(%arg13 : memref<!tpu.dma_semaphore, #tpu.memory_space<semaphore_mem>>) src(%dma_wait3A_2412 : memref<50x32xf32, #tpu.memory_space<vmem>>) dst(%dma_wait3A_2409 : memref<50x32xf32, #tpu.memory_space<hbm>>)
          %add3A_2413 = arith.constant 12 : i32
          %add3A_2414 = arith.addi %add3A_2220, %add3A_2413 : i32
          %dma_wait3A_2415 = arith.constant 600 : i32
          %dma_wait3A_2416 = arith.constant 0 : i32
          %dma_wait3A_2417 = tpu.memref_slice %arg8[%dma_wait3A_2415, %dma_wait3A_2416] : memref<1600x32xf32, #tpu.memory_space<vmem>> -> memref<50x32xf32, #tpu.memory_space<vmem>>
          %dma_wait3A_2418 = arith.constant 0 : i32
          %dma_wait3A_2419 = arith.constant 0 : i32
          %dma_wait3A_2420 = tpu.memref_slice %arg5[%add3A_2414, %dma_wait3A_2418, %dma_wait3A_2419] : memref<16384x56x128xf32, #tpu.memory_space<hbm>> -> memref<1x50x32xf32, #tpu.memory_space<hbm>>
          %dma_wait3A_2421 = tpu.memref_squeeze %dma_wait3A_2420 : memref<1x50x32xf32, #tpu.memory_space<hbm>> -> memref<50x32xf32, #tpu.memory_space<hbm>>
          %dma_wait3A_2422 = arith.constant 0 : i32
          %dma_wait3A_2423 = arith.constant 0 : i32
          %dma_wait3A_2424 = tpu.memref_slice %arg5[%add3A_2414, %dma_wait3A_2422, %dma_wait3A_2423] : memref<16384x56x128xf32, #tpu.memory_space<hbm>> -> memref<1x50x32xf32, #tpu.memory_space<hbm>>
          %dma_wait3A_2425 = tpu.memref_squeeze %dma_wait3A_2424 : memref<1x50x32xf32, #tpu.memory_space<hbm>> -> memref<50x32xf32, #tpu.memory_space<hbm>>
          %dma_wait3A_2426 = arith.constant 600 : i32
          %dma_wait3A_2427 = arith.constant 0 : i32
          %dma_wait3A_2428 = tpu.memref_slice %arg8[%dma_wait3A_2426, %dma_wait3A_2427] : memref<1600x32xf32, #tpu.memory_space<vmem>> -> memref<50x32xf32, #tpu.memory_space<vmem>>
          tpu.wait_dma2 semaphore(%arg13 : memref<!tpu.dma_semaphore, #tpu.memory_space<semaphore_mem>>) src(%dma_wait3A_2428 : memref<50x32xf32, #tpu.memory_space<vmem>>) dst(%dma_wait3A_2425 : memref<50x32xf32, #tpu.memory_space<hbm>>)
          %add3A_2429 = arith.constant 13 : i32
          %add3A_2430 = arith.addi %add3A_2220, %add3A_2429 : i32
          %dma_wait3A_2431 = arith.constant 650 : i32
          %dma_wait3A_2432 = arith.constant 0 : i32
          %dma_wait3A_2433 = tpu.memref_slice %arg8[%dma_wait3A_2431, %dma_wait3A_2432] : memref<1600x32xf32, #tpu.memory_space<vmem>> -> memref<50x32xf32, #tpu.memory_space<vmem>>
          %dma_wait3A_2434 = arith.constant 0 : i32
          %dma_wait3A_2435 = arith.constant 0 : i32
          %dma_wait3A_2436 = tpu.memref_slice %arg5[%add3A_2430, %dma_wait3A_2434, %dma_wait3A_2435] : memref<16384x56x128xf32, #tpu.memory_space<hbm>> -> memref<1x50x32xf32, #tpu.memory_space<hbm>>
          %dma_wait3A_2437 = tpu.memref_squeeze %dma_wait3A_2436 : memref<1x50x32xf32, #tpu.memory_space<hbm>> -> memref<50x32xf32, #tpu.memory_space<hbm>>
          %dma_wait3A_2438 = arith.constant 0 : i32
          %dma_wait3A_2439 = arith.constant 0 : i32
          %dma_wait3A_2440 = tpu.memref_slice %arg5[%add3A_2430, %dma_wait3A_2438, %dma_wait3A_2439] : memref<16384x56x128xf32, #tpu.memory_space<hbm>> -> memref<1x50x32xf32, #tpu.memory_space<hbm>>
          %dma_wait3A_2441 = tpu.memref_squeeze %dma_wait3A_2440 : memref<1x50x32xf32, #tpu.memory_space<hbm>> -> memref<50x32xf32, #tpu.memory_space<hbm>>
          %dma_wait3A_2442 = arith.constant 650 : i32
          %dma_wait3A_2443 = arith.constant 0 : i32
          %dma_wait3A_2444 = tpu.memref_slice %arg8[%dma_wait3A_2442, %dma_wait3A_2443] : memref<1600x32xf32, #tpu.memory_space<vmem>> -> memref<50x32xf32, #tpu.memory_space<vmem>>
          tpu.wait_dma2 semaphore(%arg13 : memref<!tpu.dma_semaphore, #tpu.memory_space<semaphore_mem>>) src(%dma_wait3A_2444 : memref<50x32xf32, #tpu.memory_space<vmem>>) dst(%dma_wait3A_2441 : memref<50x32xf32, #tpu.memory_space<hbm>>)
          %add3A_2445 = arith.constant 14 : i32
          %add3A_2446 = arith.addi %add3A_2220, %add3A_2445 : i32
          %dma_wait3A_2447 = arith.constant 700 : i32
          %dma_wait3A_2448 = arith.constant 0 : i32
          %dma_wait3A_2449 = tpu.memref_slice %arg8[%dma_wait3A_2447, %dma_wait3A_2448] : memref<1600x32xf32, #tpu.memory_space<vmem>> -> memref<50x32xf32, #tpu.memory_space<vmem>>
          %dma_wait3A_2450 = arith.constant 0 : i32
          %dma_wait3A_2451 = arith.constant 0 : i32
          %dma_wait3A_2452 = tpu.memref_slice %arg5[%add3A_2446, %dma_wait3A_2450, %dma_wait3A_2451] : memref<16384x56x128xf32, #tpu.memory_space<hbm>> -> memref<1x50x32xf32, #tpu.memory_space<hbm>>
          %dma_wait3A_2453 = tpu.memref_squeeze %dma_wait3A_2452 : memref<1x50x32xf32, #tpu.memory_space<hbm>> -> memref<50x32xf32, #tpu.memory_space<hbm>>
          %dma_wait3A_2454 = arith.constant 0 : i32
          %dma_wait3A_2455 = arith.constant 0 : i32
          %dma_wait3A_2456 = tpu.memref_slice %arg5[%add3A_2446, %dma_wait3A_2454, %dma_wait3A_2455] : memref<16384x56x128xf32, #tpu.memory_space<hbm>> -> memref<1x50x32xf32, #tpu.memory_space<hbm>>
          %dma_wait3A_2457 = tpu.memref_squeeze %dma_wait3A_2456 : memref<1x50x32xf32, #tpu.memory_space<hbm>> -> memref<50x32xf32, #tpu.memory_space<hbm>>
          %dma_wait3A_2458 = arith.constant 700 : i32
          %dma_wait3A_2459 = arith.constant 0 : i32
          %dma_wait3A_2460 = tpu.memref_slice %arg8[%dma_wait3A_2458, %dma_wait3A_2459] : memref<1600x32xf32, #tpu.memory_space<vmem>> -> memref<50x32xf32, #tpu.memory_space<vmem>>
          tpu.wait_dma2 semaphore(%arg13 : memref<!tpu.dma_semaphore, #tpu.memory_space<semaphore_mem>>) src(%dma_wait3A_2460 : memref<50x32xf32, #tpu.memory_space<vmem>>) dst(%dma_wait3A_2457 : memref<50x32xf32, #tpu.memory_space<hbm>>)
          %add3A_2461 = arith.constant 15 : i32
          %add3A_2462 = arith.addi %add3A_2220, %add3A_2461 : i32
          %dma_wait3A_2463 = arith.constant 750 : i32
          %dma_wait3A_2464 = arith.constant 0 : i32
          %dma_wait3A_2465 = tpu.memref_slice %arg8[%dma_wait3A_2463, %dma_wait3A_2464] : memref<1600x32xf32, #tpu.memory_space<vmem>> -> memref<50x32xf32, #tpu.memory_space<vmem>>
          %dma_wait3A_2466 = arith.constant 0 : i32
          %dma_wait3A_2467 = arith.constant 0 : i32
          %dma_wait3A_2468 = tpu.memref_slice %arg5[%add3A_2462, %dma_wait3A_2466, %dma_wait3A_2467] : memref<16384x56x128xf32, #tpu.memory_space<hbm>> -> memref<1x50x32xf32, #tpu.memory_space<hbm>>
          %dma_wait3A_2469 = tpu.memref_squeeze %dma_wait3A_2468 : memref<1x50x32xf32, #tpu.memory_space<hbm>> -> memref<50x32xf32, #tpu.memory_space<hbm>>
          %dma_wait3A_2470 = arith.constant 0 : i32
          %dma_wait3A_2471 = arith.constant 0 : i32
          %dma_wait3A_2472 = tpu.memref_slice %arg5[%add3A_2462, %dma_wait3A_2470, %dma_wait3A_2471] : memref<16384x56x128xf32, #tpu.memory_space<hbm>> -> memref<1x50x32xf32, #tpu.memory_space<hbm>>
          %dma_wait3A_2473 = tpu.memref_squeeze %dma_wait3A_2472 : memref<1x50x32xf32, #tpu.memory_space<hbm>> -> memref<50x32xf32, #tpu.memory_space<hbm>>
          %dma_wait3A_2474 = arith.constant 750 : i32
          %dma_wait3A_2475 = arith.constant 0 : i32
          %dma_wait3A_2476 = tpu.memref_slice %arg8[%dma_wait3A_2474, %dma_wait3A_2475] : memref<1600x32xf32, #tpu.memory_space<vmem>> -> memref<50x32xf32, #tpu.memory_space<vmem>>
          tpu.wait_dma2 semaphore(%arg13 : memref<!tpu.dma_semaphore, #tpu.memory_space<semaphore_mem>>) src(%dma_wait3A_2476 : memref<50x32xf32, #tpu.memory_space<vmem>>) dst(%dma_wait3A_2473 : memref<50x32xf32, #tpu.memory_space<hbm>>)
          %add3A_2477 = arith.constant 16 : i32
          %add3A_2478 = arith.addi %add3A_2220, %add3A_2477 : i32
          %dma_wait3A_2479 = arith.constant 800 : i32
          %dma_wait3A_2480 = arith.constant 0 : i32
          %dma_wait3A_2481 = tpu.memref_slice %arg8[%dma_wait3A_2479, %dma_wait3A_2480] : memref<1600x32xf32, #tpu.memory_space<vmem>> -> memref<50x32xf32, #tpu.memory_space<vmem>>
          %dma_wait3A_2482 = arith.constant 0 : i32
          %dma_wait3A_2483 = arith.constant 0 : i32
          %dma_wait3A_2484 = tpu.memref_slice %arg5[%add3A_2478, %dma_wait3A_2482, %dma_wait3A_2483] : memref<16384x56x128xf32, #tpu.memory_space<hbm>> -> memref<1x50x32xf32, #tpu.memory_space<hbm>>
          %dma_wait3A_2485 = tpu.memref_squeeze %dma_wait3A_2484 : memref<1x50x32xf32, #tpu.memory_space<hbm>> -> memref<50x32xf32, #tpu.memory_space<hbm>>
          %dma_wait3A_2486 = arith.constant 0 : i32
          %dma_wait3A_2487 = arith.constant 0 : i32
          %dma_wait3A_2488 = tpu.memref_slice %arg5[%add3A_2478, %dma_wait3A_2486, %dma_wait3A_2487] : memref<16384x56x128xf32, #tpu.memory_space<hbm>> -> memref<1x50x32xf32, #tpu.memory_space<hbm>>
          %dma_wait3A_2489 = tpu.memref_squeeze %dma_wait3A_2488 : memref<1x50x32xf32, #tpu.memory_space<hbm>> -> memref<50x32xf32, #tpu.memory_space<hbm>>
          %dma_wait3A_2490 = arith.constant 800 : i32
          %dma_wait3A_2491 = arith.constant 0 : i32
          %dma_wait3A_2492 = tpu.memref_slice %arg8[%dma_wait3A_2490, %dma_wait3A_2491] : memref<1600x32xf32, #tpu.memory_space<vmem>> -> memref<50x32xf32, #tpu.memory_space<vmem>>
          tpu.wait_dma2 semaphore(%arg13 : memref<!tpu.dma_semaphore, #tpu.memory_space<semaphore_mem>>) src(%dma_wait3A_2492 : memref<50x32xf32, #tpu.memory_space<vmem>>) dst(%dma_wait3A_2489 : memref<50x32xf32, #tpu.memory_space<hbm>>)
          %add3A_2493 = arith.constant 17 : i32
          %add3A_2494 = arith.addi %add3A_2220, %add3A_2493 : i32
          %dma_wait3A_2495 = arith.constant 850 : i32
          %dma_wait3A_2496 = arith.constant 0 : i32
          %dma_wait3A_2497 = tpu.memref_slice %arg8[%dma_wait3A_2495, %dma_wait3A_2496] : memref<1600x32xf32, #tpu.memory_space<vmem>> -> memref<50x32xf32, #tpu.memory_space<vmem>>
          %dma_wait3A_2498 = arith.constant 0 : i32
          %dma_wait3A_2499 = arith.constant 0 : i32
          %dma_wait3A_2500 = tpu.memref_slice %arg5[%add3A_2494, %dma_wait3A_2498, %dma_wait3A_2499] : memref<16384x56x128xf32, #tpu.memory_space<hbm>> -> memref<1x50x32xf32, #tpu.memory_space<hbm>>
          %dma_wait3A_2501 = tpu.memref_squeeze %dma_wait3A_2500 : memref<1x50x32xf32, #tpu.memory_space<hbm>> -> memref<50x32xf32, #tpu.memory_space<hbm>>
          %dma_wait3A_2502 = arith.constant 0 : i32
          %dma_wait3A_2503 = arith.constant 0 : i32
          %dma_wait3A_2504 = tpu.memref_slice %arg5[%add3A_2494, %dma_wait3A_2502, %dma_wait3A_2503] : memref<16384x56x128xf32, #tpu.memory_space<hbm>> -> memref<1x50x32xf32, #tpu.memory_space<hbm>>
          %dma_wait3A_2505 = tpu.memref_squeeze %dma_wait3A_2504 : memref<1x50x32xf32, #tpu.memory_space<hbm>> -> memref<50x32xf32, #tpu.memory_space<hbm>>
          %dma_wait3A_2506 = arith.constant 850 : i32
          %dma_wait3A_2507 = arith.constant 0 : i32
          %dma_wait3A_2508 = tpu.memref_slice %arg8[%dma_wait3A_2506, %dma_wait3A_2507] : memref<1600x32xf32, #tpu.memory_space<vmem>> -> memref<50x32xf32, #tpu.memory_space<vmem>>
          tpu.wait_dma2 semaphore(%arg13 : memref<!tpu.dma_semaphore, #tpu.memory_space<semaphore_mem>>) src(%dma_wait3A_2508 : memref<50x32xf32, #tpu.memory_space<vmem>>) dst(%dma_wait3A_2505 : memref<50x32xf32, #tpu.memory_space<hbm>>)
          %add3A_2509 = arith.constant 18 : i32
          %add3A_2510 = arith.addi %add3A_2220, %add3A_2509 : i32
          %dma_wait3A_2511 = arith.constant 900 : i32
          %dma_wait3A_2512 = arith.constant 0 : i32
          %dma_wait3A_2513 = tpu.memref_slice %arg8[%dma_wait3A_2511, %dma_wait3A_2512] : memref<1600x32xf32, #tpu.memory_space<vmem>> -> memref<50x32xf32, #tpu.memory_space<vmem>>
          %dma_wait3A_2514 = arith.constant 0 : i32
          %dma_wait3A_2515 = arith.constant 0 : i32
          %dma_wait3A_2516 = tpu.memref_slice %arg5[%add3A_2510, %dma_wait3A_2514, %dma_wait3A_2515] : memref<16384x56x128xf32, #tpu.memory_space<hbm>> -> memref<1x50x32xf32, #tpu.memory_space<hbm>>
          %dma_wait3A_2517 = tpu.memref_squeeze %dma_wait3A_2516 : memref<1x50x32xf32, #tpu.memory_space<hbm>> -> memref<50x32xf32, #tpu.memory_space<hbm>>
          %dma_wait3A_2518 = arith.constant 0 : i32
          %dma_wait3A_2519 = arith.constant 0 : i32
          %dma_wait3A_2520 = tpu.memref_slice %arg5[%add3A_2510, %dma_wait3A_2518, %dma_wait3A_2519] : memref<16384x56x128xf32, #tpu.memory_space<hbm>> -> memref<1x50x32xf32, #tpu.memory_space<hbm>>
          %dma_wait3A_2521 = tpu.memref_squeeze %dma_wait3A_2520 : memref<1x50x32xf32, #tpu.memory_space<hbm>> -> memref<50x32xf32, #tpu.memory_space<hbm>>
          %dma_wait3A_2522 = arith.constant 900 : i32
          %dma_wait3A_2523 = arith.constant 0 : i32
          %dma_wait3A_2524 = tpu.memref_slice %arg8[%dma_wait3A_2522, %dma_wait3A_2523] : memref<1600x32xf32, #tpu.memory_space<vmem>> -> memref<50x32xf32, #tpu.memory_space<vmem>>
          tpu.wait_dma2 semaphore(%arg13 : memref<!tpu.dma_semaphore, #tpu.memory_space<semaphore_mem>>) src(%dma_wait3A_2524 : memref<50x32xf32, #tpu.memory_space<vmem>>) dst(%dma_wait3A_2521 : memref<50x32xf32, #tpu.memory_space<hbm>>)
          %add3A_2525 = arith.constant 19 : i32
          %add3A_2526 = arith.addi %add3A_2220, %add3A_2525 : i32
          %dma_wait3A_2527 = arith.constant 950 : i32
          %dma_wait3A_2528 = arith.constant 0 : i32
          %dma_wait3A_2529 = tpu.memref_slice %arg8[%dma_wait3A_2527, %dma_wait3A_2528] : memref<1600x32xf32, #tpu.memory_space<vmem>> -> memref<50x32xf32, #tpu.memory_space<vmem>>
          %dma_wait3A_2530 = arith.constant 0 : i32
          %dma_wait3A_2531 = arith.constant 0 : i32
          %dma_wait3A_2532 = tpu.memref_slice %arg5[%add3A_2526, %dma_wait3A_2530, %dma_wait3A_2531] : memref<16384x56x128xf32, #tpu.memory_space<hbm>> -> memref<1x50x32xf32, #tpu.memory_space<hbm>>
          %dma_wait3A_2533 = tpu.memref_squeeze %dma_wait3A_2532 : memref<1x50x32xf32, #tpu.memory_space<hbm>> -> memref<50x32xf32, #tpu.memory_space<hbm>>
          %dma_wait3A_2534 = arith.constant 0 : i32
          %dma_wait3A_2535 = arith.constant 0 : i32
          %dma_wait3A_2536 = tpu.memref_slice %arg5[%add3A_2526, %dma_wait3A_2534, %dma_wait3A_2535] : memref<16384x56x128xf32, #tpu.memory_space<hbm>> -> memref<1x50x32xf32, #tpu.memory_space<hbm>>
          %dma_wait3A_2537 = tpu.memref_squeeze %dma_wait3A_2536 : memref<1x50x32xf32, #tpu.memory_space<hbm>> -> memref<50x32xf32, #tpu.memory_space<hbm>>
          %dma_wait3A_2538 = arith.constant 950 : i32
          %dma_wait3A_2539 = arith.constant 0 : i32
          %dma_wait3A_2540 = tpu.memref_slice %arg8[%dma_wait3A_2538, %dma_wait3A_2539] : memref<1600x32xf32, #tpu.memory_space<vmem>> -> memref<50x32xf32, #tpu.memory_space<vmem>>
          tpu.wait_dma2 semaphore(%arg13 : memref<!tpu.dma_semaphore, #tpu.memory_space<semaphore_mem>>) src(%dma_wait3A_2540 : memref<50x32xf32, #tpu.memory_space<vmem>>) dst(%dma_wait3A_2537 : memref<50x32xf32, #tpu.memory_space<hbm>>)
          %add3A_2541 = arith.constant 20 : i32
          %add3A_2542 = arith.addi %add3A_2220, %add3A_2541 : i32
          %dma_wait3A_2543 = arith.constant 1000 : i32
          %dma_wait3A_2544 = arith.constant 0 : i32
          %dma_wait3A_2545 = tpu.memref_slice %arg8[%dma_wait3A_2543, %dma_wait3A_2544] : memref<1600x32xf32, #tpu.memory_space<vmem>> -> memref<50x32xf32, #tpu.memory_space<vmem>>
          %dma_wait3A_2546 = arith.constant 0 : i32
          %dma_wait3A_2547 = arith.constant 0 : i32
          %dma_wait3A_2548 = tpu.memref_slice %arg5[%add3A_2542, %dma_wait3A_2546, %dma_wait3A_2547] : memref<16384x56x128xf32, #tpu.memory_space<hbm>> -> memref<1x50x32xf32, #tpu.memory_space<hbm>>
          %dma_wait3A_2549 = tpu.memref_squeeze %dma_wait3A_2548 : memref<1x50x32xf32, #tpu.memory_space<hbm>> -> memref<50x32xf32, #tpu.memory_space<hbm>>
          %dma_wait3A_2550 = arith.constant 0 : i32
          %dma_wait3A_2551 = arith.constant 0 : i32
          %dma_wait3A_2552 = tpu.memref_slice %arg5[%add3A_2542, %dma_wait3A_2550, %dma_wait3A_2551] : memref<16384x56x128xf32, #tpu.memory_space<hbm>> -> memref<1x50x32xf32, #tpu.memory_space<hbm>>
          %dma_wait3A_2553 = tpu.memref_squeeze %dma_wait3A_2552 : memref<1x50x32xf32, #tpu.memory_space<hbm>> -> memref<50x32xf32, #tpu.memory_space<hbm>>
          %dma_wait3A_2554 = arith.constant 1000 : i32
          %dma_wait3A_2555 = arith.constant 0 : i32
          %dma_wait3A_2556 = tpu.memref_slice %arg8[%dma_wait3A_2554, %dma_wait3A_2555] : memref<1600x32xf32, #tpu.memory_space<vmem>> -> memref<50x32xf32, #tpu.memory_space<vmem>>
          tpu.wait_dma2 semaphore(%arg13 : memref<!tpu.dma_semaphore, #tpu.memory_space<semaphore_mem>>) src(%dma_wait3A_2556 : memref<50x32xf32, #tpu.memory_space<vmem>>) dst(%dma_wait3A_2553 : memref<50x32xf32, #tpu.memory_space<hbm>>)
          %add3A_2557 = arith.constant 21 : i32
          %add3A_2558 = arith.addi %add3A_2220, %add3A_2557 : i32
          %dma_wait3A_2559 = arith.constant 1050 : i32
          %dma_wait3A_2560 = arith.constant 0 : i32
          %dma_wait3A_2561 = tpu.memref_slice %arg8[%dma_wait3A_2559, %dma_wait3A_2560] : memref<1600x32xf32, #tpu.memory_space<vmem>> -> memref<50x32xf32, #tpu.memory_space<vmem>>
          %dma_wait3A_2562 = arith.constant 0 : i32
          %dma_wait3A_2563 = arith.constant 0 : i32
          %dma_wait3A_2564 = tpu.memref_slice %arg5[%add3A_2558, %dma_wait3A_2562, %dma_wait3A_2563] : memref<16384x56x128xf32, #tpu.memory_space<hbm>> -> memref<1x50x32xf32, #tpu.memory_space<hbm>>
          %dma_wait3A_2565 = tpu.memref_squeeze %dma_wait3A_2564 : memref<1x50x32xf32, #tpu.memory_space<hbm>> -> memref<50x32xf32, #tpu.memory_space<hbm>>
          %dma_wait3A_2566 = arith.constant 0 : i32
          %dma_wait3A_2567 = arith.constant 0 : i32
          %dma_wait3A_2568 = tpu.memref_slice %arg5[%add3A_2558, %dma_wait3A_2566, %dma_wait3A_2567] : memref<16384x56x128xf32, #tpu.memory_space<hbm>> -> memref<1x50x32xf32, #tpu.memory_space<hbm>>
          %dma_wait3A_2569 = tpu.memref_squeeze %dma_wait3A_2568 : memref<1x50x32xf32, #tpu.memory_space<hbm>> -> memref<50x32xf32, #tpu.memory_space<hbm>>
          %dma_wait3A_2570 = arith.constant 1050 : i32
          %dma_wait3A_2571 = arith.constant 0 : i32
          %dma_wait3A_2572 = tpu.memref_slice %arg8[%dma_wait3A_2570, %dma_wait3A_2571] : memref<1600x32xf32, #tpu.memory_space<vmem>> -> memref<50x32xf32, #tpu.memory_space<vmem>>
          tpu.wait_dma2 semaphore(%arg13 : memref<!tpu.dma_semaphore, #tpu.memory_space<semaphore_mem>>) src(%dma_wait3A_2572 : memref<50x32xf32, #tpu.memory_space<vmem>>) dst(%dma_wait3A_2569 : memref<50x32xf32, #tpu.memory_space<hbm>>)
          %add3A_2573 = arith.constant 22 : i32
          %add3A_2574 = arith.addi %add3A_2220, %add3A_2573 : i32
          %dma_wait3A_2575 = arith.constant 1100 : i32
          %dma_wait3A_2576 = arith.constant 0 : i32
          %dma_wait3A_2577 = tpu.memref_slice %arg8[%dma_wait3A_2575, %dma_wait3A_2576] : memref<1600x32xf32, #tpu.memory_space<vmem>> -> memref<50x32xf32, #tpu.memory_space<vmem>>
          %dma_wait3A_2578 = arith.constant 0 : i32
          %dma_wait3A_2579 = arith.constant 0 : i32
          %dma_wait3A_2580 = tpu.memref_slice %arg5[%add3A_2574, %dma_wait3A_2578, %dma_wait3A_2579] : memref<16384x56x128xf32, #tpu.memory_space<hbm>> -> memref<1x50x32xf32, #tpu.memory_space<hbm>>
          %dma_wait3A_2581 = tpu.memref_squeeze %dma_wait3A_2580 : memref<1x50x32xf32, #tpu.memory_space<hbm>> -> memref<50x32xf32, #tpu.memory_space<hbm>>
          %dma_wait3A_2582 = arith.constant 0 : i32
          %dma_wait3A_2583 = arith.constant 0 : i32
          %dma_wait3A_2584 = tpu.memref_slice %arg5[%add3A_2574, %dma_wait3A_2582, %dma_wait3A_2583] : memref<16384x56x128xf32, #tpu.memory_space<hbm>> -> memref<1x50x32xf32, #tpu.memory_space<hbm>>
          %dma_wait3A_2585 = tpu.memref_squeeze %dma_wait3A_2584 : memref<1x50x32xf32, #tpu.memory_space<hbm>> -> memref<50x32xf32, #tpu.memory_space<hbm>>
          %dma_wait3A_2586 = arith.constant 1100 : i32
          %dma_wait3A_2587 = arith.constant 0 : i32
          %dma_wait3A_2588 = tpu.memref_slice %arg8[%dma_wait3A_2586, %dma_wait3A_2587] : memref<1600x32xf32, #tpu.memory_space<vmem>> -> memref<50x32xf32, #tpu.memory_space<vmem>>
          tpu.wait_dma2 semaphore(%arg13 : memref<!tpu.dma_semaphore, #tpu.memory_space<semaphore_mem>>) src(%dma_wait3A_2588 : memref<50x32xf32, #tpu.memory_space<vmem>>) dst(%dma_wait3A_2585 : memref<50x32xf32, #tpu.memory_space<hbm>>)
          %add3A_2589 = arith.constant 23 : i32
          %add3A_2590 = arith.addi %add3A_2220, %add3A_2589 : i32
          %dma_wait3A_2591 = arith.constant 1150 : i32
          %dma_wait3A_2592 = arith.constant 0 : i32
          %dma_wait3A_2593 = tpu.memref_slice %arg8[%dma_wait3A_2591, %dma_wait3A_2592] : memref<1600x32xf32, #tpu.memory_space<vmem>> -> memref<50x32xf32, #tpu.memory_space<vmem>>
          %dma_wait3A_2594 = arith.constant 0 : i32
          %dma_wait3A_2595 = arith.constant 0 : i32
          %dma_wait3A_2596 = tpu.memref_slice %arg5[%add3A_2590, %dma_wait3A_2594, %dma_wait3A_2595] : memref<16384x56x128xf32, #tpu.memory_space<hbm>> -> memref<1x50x32xf32, #tpu.memory_space<hbm>>
          %dma_wait3A_2597 = tpu.memref_squeeze %dma_wait3A_2596 : memref<1x50x32xf32, #tpu.memory_space<hbm>> -> memref<50x32xf32, #tpu.memory_space<hbm>>
          %dma_wait3A_2598 = arith.constant 0 : i32
          %dma_wait3A_2599 = arith.constant 0 : i32
          %dma_wait3A_2600 = tpu.memref_slice %arg5[%add3A_2590, %dma_wait3A_2598, %dma_wait3A_2599] : memref<16384x56x128xf32, #tpu.memory_space<hbm>> -> memref<1x50x32xf32, #tpu.memory_space<hbm>>
          %dma_wait3A_2601 = tpu.memref_squeeze %dma_wait3A_2600 : memref<1x50x32xf32, #tpu.memory_space<hbm>> -> memref<50x32xf32, #tpu.memory_space<hbm>>
          %dma_wait3A_2602 = arith.constant 1150 : i32
          %dma_wait3A_2603 = arith.constant 0 : i32
          %dma_wait3A_2604 = tpu.memref_slice %arg8[%dma_wait3A_2602, %dma_wait3A_2603] : memref<1600x32xf32, #tpu.memory_space<vmem>> -> memref<50x32xf32, #tpu.memory_space<vmem>>
          tpu.wait_dma2 semaphore(%arg13 : memref<!tpu.dma_semaphore, #tpu.memory_space<semaphore_mem>>) src(%dma_wait3A_2604 : memref<50x32xf32, #tpu.memory_space<vmem>>) dst(%dma_wait3A_2601 : memref<50x32xf32, #tpu.memory_space<hbm>>)
          %add3A_2605 = arith.constant 24 : i32
          %add3A_2606 = arith.addi %add3A_2220, %add3A_2605 : i32
          %dma_wait3A_2607 = arith.constant 1200 : i32
          %dma_wait3A_2608 = arith.constant 0 : i32
          %dma_wait3A_2609 = tpu.memref_slice %arg8[%dma_wait3A_2607, %dma_wait3A_2608] : memref<1600x32xf32, #tpu.memory_space<vmem>> -> memref<50x32xf32, #tpu.memory_space<vmem>>
          %dma_wait3A_2610 = arith.constant 0 : i32
          %dma_wait3A_2611 = arith.constant 0 : i32
          %dma_wait3A_2612 = tpu.memref_slice %arg5[%add3A_2606, %dma_wait3A_2610, %dma_wait3A_2611] : memref<16384x56x128xf32, #tpu.memory_space<hbm>> -> memref<1x50x32xf32, #tpu.memory_space<hbm>>
          %dma_wait3A_2613 = tpu.memref_squeeze %dma_wait3A_2612 : memref<1x50x32xf32, #tpu.memory_space<hbm>> -> memref<50x32xf32, #tpu.memory_space<hbm>>
          %dma_wait3A_2614 = arith.constant 0 : i32
          %dma_wait3A_2615 = arith.constant 0 : i32
          %dma_wait3A_2616 = tpu.memref_slice %arg5[%add3A_2606, %dma_wait3A_2614, %dma_wait3A_2615] : memref<16384x56x128xf32, #tpu.memory_space<hbm>> -> memref<1x50x32xf32, #tpu.memory_space<hbm>>
          %dma_wait3A_2617 = tpu.memref_squeeze %dma_wait3A_2616 : memref<1x50x32xf32, #tpu.memory_space<hbm>> -> memref<50x32xf32, #tpu.memory_space<hbm>>
          %dma_wait3A_2618 = arith.constant 1200 : i32
          %dma_wait3A_2619 = arith.constant 0 : i32
          %dma_wait3A_2620 = tpu.memref_slice %arg8[%dma_wait3A_2618, %dma_wait3A_2619] : memref<1600x32xf32, #tpu.memory_space<vmem>> -> memref<50x32xf32, #tpu.memory_space<vmem>>
          tpu.wait_dma2 semaphore(%arg13 : memref<!tpu.dma_semaphore, #tpu.memory_space<semaphore_mem>>) src(%dma_wait3A_2620 : memref<50x32xf32, #tpu.memory_space<vmem>>) dst(%dma_wait3A_2617 : memref<50x32xf32, #tpu.memory_space<hbm>>)
          %add3A_2621 = arith.constant 25 : i32
          %add3A_2622 = arith.addi %add3A_2220, %add3A_2621 : i32
          %dma_wait3A_2623 = arith.constant 1250 : i32
          %dma_wait3A_2624 = arith.constant 0 : i32
          %dma_wait3A_2625 = tpu.memref_slice %arg8[%dma_wait3A_2623, %dma_wait3A_2624] : memref<1600x32xf32, #tpu.memory_space<vmem>> -> memref<50x32xf32, #tpu.memory_space<vmem>>
          %dma_wait3A_2626 = arith.constant 0 : i32
          %dma_wait3A_2627 = arith.constant 0 : i32
          %dma_wait3A_2628 = tpu.memref_slice %arg5[%add3A_2622, %dma_wait3A_2626, %dma_wait3A_2627] : memref<16384x56x128xf32, #tpu.memory_space<hbm>> -> memref<1x50x32xf32, #tpu.memory_space<hbm>>
          %dma_wait3A_2629 = tpu.memref_squeeze %dma_wait3A_2628 : memref<1x50x32xf32, #tpu.memory_space<hbm>> -> memref<50x32xf32, #tpu.memory_space<hbm>>
          %dma_wait3A_2630 = arith.constant 0 : i32
          %dma_wait3A_2631 = arith.constant 0 : i32
          %dma_wait3A_2632 = tpu.memref_slice %arg5[%add3A_2622, %dma_wait3A_2630, %dma_wait3A_2631] : memref<16384x56x128xf32, #tpu.memory_space<hbm>> -> memref<1x50x32xf32, #tpu.memory_space<hbm>>
          %dma_wait3A_2633 = tpu.memref_squeeze %dma_wait3A_2632 : memref<1x50x32xf32, #tpu.memory_space<hbm>> -> memref<50x32xf32, #tpu.memory_space<hbm>>
          %dma_wait3A_2634 = arith.constant 1250 : i32
          %dma_wait3A_2635 = arith.constant 0 : i32
          %dma_wait3A_2636 = tpu.memref_slice %arg8[%dma_wait3A_2634, %dma_wait3A_2635] : memref<1600x32xf32, #tpu.memory_space<vmem>> -> memref<50x32xf32, #tpu.memory_space<vmem>>
          tpu.wait_dma2 semaphore(%arg13 : memref<!tpu.dma_semaphore, #tpu.memory_space<semaphore_mem>>) src(%dma_wait3A_2636 : memref<50x32xf32, #tpu.memory_space<vmem>>) dst(%dma_wait3A_2633 : memref<50x32xf32, #tpu.memory_space<hbm>>)
          %add3A_2637 = arith.constant 26 : i32
          %add3A_2638 = arith.addi %add3A_2220, %add3A_2637 : i32
          %dma_wait3A_2639 = arith.constant 1300 : i32
          %dma_wait3A_2640 = arith.constant 0 : i32
          %dma_wait3A_2641 = tpu.memref_slice %arg8[%dma_wait3A_2639, %dma_wait3A_2640] : memref<1600x32xf32, #tpu.memory_space<vmem>> -> memref<50x32xf32, #tpu.memory_space<vmem>>
          %dma_wait3A_2642 = arith.constant 0 : i32
          %dma_wait3A_2643 = arith.constant 0 : i32
          %dma_wait3A_2644 = tpu.memref_slice %arg5[%add3A_2638, %dma_wait3A_2642, %dma_wait3A_2643] : memref<16384x56x128xf32, #tpu.memory_space<hbm>> -> memref<1x50x32xf32, #tpu.memory_space<hbm>>
          %dma_wait3A_2645 = tpu.memref_squeeze %dma_wait3A_2644 : memref<1x50x32xf32, #tpu.memory_space<hbm>> -> memref<50x32xf32, #tpu.memory_space<hbm>>
          %dma_wait3A_2646 = arith.constant 0 : i32
          %dma_wait3A_2647 = arith.constant 0 : i32
          %dma_wait3A_2648 = tpu.memref_slice %arg5[%add3A_2638, %dma_wait3A_2646, %dma_wait3A_2647] : memref<16384x56x128xf32, #tpu.memory_space<hbm>> -> memref<1x50x32xf32, #tpu.memory_space<hbm>>
          %dma_wait3A_2649 = tpu.memref_squeeze %dma_wait3A_2648 : memref<1x50x32xf32, #tpu.memory_space<hbm>> -> memref<50x32xf32, #tpu.memory_space<hbm>>
          %dma_wait3A_2650 = arith.constant 1300 : i32
          %dma_wait3A_2651 = arith.constant 0 : i32
          %dma_wait3A_2652 = tpu.memref_slice %arg8[%dma_wait3A_2650, %dma_wait3A_2651] : memref<1600x32xf32, #tpu.memory_space<vmem>> -> memref<50x32xf32, #tpu.memory_space<vmem>>
          tpu.wait_dma2 semaphore(%arg13 : memref<!tpu.dma_semaphore, #tpu.memory_space<semaphore_mem>>) src(%dma_wait3A_2652 : memref<50x32xf32, #tpu.memory_space<vmem>>) dst(%dma_wait3A_2649 : memref<50x32xf32, #tpu.memory_space<hbm>>)
          %add3A_2653 = arith.constant 27 : i32
          %add3A_2654 = arith.addi %add3A_2220, %add3A_2653 : i32
          %dma_wait3A_2655 = arith.constant 1350 : i32
          %dma_wait3A_2656 = arith.constant 0 : i32
          %dma_wait3A_2657 = tpu.memref_slice %arg8[%dma_wait3A_2655, %dma_wait3A_2656] : memref<1600x32xf32, #tpu.memory_space<vmem>> -> memref<50x32xf32, #tpu.memory_space<vmem>>
          %dma_wait3A_2658 = arith.constant 0 : i32
          %dma_wait3A_2659 = arith.constant 0 : i32
          %dma_wait3A_2660 = tpu.memref_slice %arg5[%add3A_2654, %dma_wait3A_2658, %dma_wait3A_2659] : memref<16384x56x128xf32, #tpu.memory_space<hbm>> -> memref<1x50x32xf32, #tpu.memory_space<hbm>>
          %dma_wait3A_2661 = tpu.memref_squeeze %dma_wait3A_2660 : memref<1x50x32xf32, #tpu.memory_space<hbm>> -> memref<50x32xf32, #tpu.memory_space<hbm>>
          %dma_wait3A_2662 = arith.constant 0 : i32
          %dma_wait3A_2663 = arith.constant 0 : i32
          %dma_wait3A_2664 = tpu.memref_slice %arg5[%add3A_2654, %dma_wait3A_2662, %dma_wait3A_2663] : memref<16384x56x128xf32, #tpu.memory_space<hbm>> -> memref<1x50x32xf32, #tpu.memory_space<hbm>>
          %dma_wait3A_2665 = tpu.memref_squeeze %dma_wait3A_2664 : memref<1x50x32xf32, #tpu.memory_space<hbm>> -> memref<50x32xf32, #tpu.memory_space<hbm>>
          %dma_wait3A_2666 = arith.constant 1350 : i32
          %dma_wait3A_2667 = arith.constant 0 : i32
          %dma_wait3A_2668 = tpu.memref_slice %arg8[%dma_wait3A_2666, %dma_wait3A_2667] : memref<1600x32xf32, #tpu.memory_space<vmem>> -> memref<50x32xf32, #tpu.memory_space<vmem>>
          tpu.wait_dma2 semaphore(%arg13 : memref<!tpu.dma_semaphore, #tpu.memory_space<semaphore_mem>>) src(%dma_wait3A_2668 : memref<50x32xf32, #tpu.memory_space<vmem>>) dst(%dma_wait3A_2665 : memref<50x32xf32, #tpu.memory_space<hbm>>)
          %add3A_2669 = arith.constant 28 : i32
          %add3A_2670 = arith.addi %add3A_2220, %add3A_2669 : i32
          %dma_wait3A_2671 = arith.constant 1400 : i32
          %dma_wait3A_2672 = arith.constant 0 : i32
          %dma_wait3A_2673 = tpu.memref_slice %arg8[%dma_wait3A_2671, %dma_wait3A_2672] : memref<1600x32xf32, #tpu.memory_space<vmem>> -> memref<50x32xf32, #tpu.memory_space<vmem>>
          %dma_wait3A_2674 = arith.constant 0 : i32
          %dma_wait3A_2675 = arith.constant 0 : i32
          %dma_wait3A_2676 = tpu.memref_slice %arg5[%add3A_2670, %dma_wait3A_2674, %dma_wait3A_2675] : memref<16384x56x128xf32, #tpu.memory_space<hbm>> -> memref<1x50x32xf32, #tpu.memory_space<hbm>>
          %dma_wait3A_2677 = tpu.memref_squeeze %dma_wait3A_2676 : memref<1x50x32xf32, #tpu.memory_space<hbm>> -> memref<50x32xf32, #tpu.memory_space<hbm>>
          %dma_wait3A_2678 = arith.constant 0 : i32
          %dma_wait3A_2679 = arith.constant 0 : i32
          %dma_wait3A_2680 = tpu.memref_slice %arg5[%add3A_2670, %dma_wait3A_2678, %dma_wait3A_2679] : memref<16384x56x128xf32, #tpu.memory_space<hbm>> -> memref<1x50x32xf32, #tpu.memory_space<hbm>>
          %dma_wait3A_2681 = tpu.memref_squeeze %dma_wait3A_2680 : memref<1x50x32xf32, #tpu.memory_space<hbm>> -> memref<50x32xf32, #tpu.memory_space<hbm>>
          %dma_wait3A_2682 = arith.constant 1400 : i32
          %dma_wait3A_2683 = arith.constant 0 : i32
          %dma_wait3A_2684 = tpu.memref_slice %arg8[%dma_wait3A_2682, %dma_wait3A_2683] : memref<1600x32xf32, #tpu.memory_space<vmem>> -> memref<50x32xf32, #tpu.memory_space<vmem>>
          tpu.wait_dma2 semaphore(%arg13 : memref<!tpu.dma_semaphore, #tpu.memory_space<semaphore_mem>>) src(%dma_wait3A_2684 : memref<50x32xf32, #tpu.memory_space<vmem>>) dst(%dma_wait3A_2681 : memref<50x32xf32, #tpu.memory_space<hbm>>)
          %add3A_2685 = arith.constant 29 : i32
          %add3A_2686 = arith.addi %add3A_2220, %add3A_2685 : i32
          %dma_wait3A_2687 = arith.constant 1450 : i32
          %dma_wait3A_2688 = arith.constant 0 : i32
          %dma_wait3A_2689 = tpu.memref_slice %arg8[%dma_wait3A_2687, %dma_wait3A_2688] : memref<1600x32xf32, #tpu.memory_space<vmem>> -> memref<50x32xf32, #tpu.memory_space<vmem>>
          %dma_wait3A_2690 = arith.constant 0 : i32
          %dma_wait3A_2691 = arith.constant 0 : i32
          %dma_wait3A_2692 = tpu.memref_slice %arg5[%add3A_2686, %dma_wait3A_2690, %dma_wait3A_2691] : memref<16384x56x128xf32, #tpu.memory_space<hbm>> -> memref<1x50x32xf32, #tpu.memory_space<hbm>>
          %dma_wait3A_2693 = tpu.memref_squeeze %dma_wait3A_2692 : memref<1x50x32xf32, #tpu.memory_space<hbm>> -> memref<50x32xf32, #tpu.memory_space<hbm>>
          %dma_wait3A_2694 = arith.constant 0 : i32
          %dma_wait3A_2695 = arith.constant 0 : i32
          %dma_wait3A_2696 = tpu.memref_slice %arg5[%add3A_2686, %dma_wait3A_2694, %dma_wait3A_2695] : memref<16384x56x128xf32, #tpu.memory_space<hbm>> -> memref<1x50x32xf32, #tpu.memory_space<hbm>>
          %dma_wait3A_2697 = tpu.memref_squeeze %dma_wait3A_2696 : memref<1x50x32xf32, #tpu.memory_space<hbm>> -> memref<50x32xf32, #tpu.memory_space<hbm>>
          %dma_wait3A_2698 = arith.constant 1450 : i32
          %dma_wait3A_2699 = arith.constant 0 : i32
          %dma_wait3A_2700 = tpu.memref_slice %arg8[%dma_wait3A_2698, %dma_wait3A_2699] : memref<1600x32xf32, #tpu.memory_space<vmem>> -> memref<50x32xf32, #tpu.memory_space<vmem>>
          tpu.wait_dma2 semaphore(%arg13 : memref<!tpu.dma_semaphore, #tpu.memory_space<semaphore_mem>>) src(%dma_wait3A_2700 : memref<50x32xf32, #tpu.memory_space<vmem>>) dst(%dma_wait3A_2697 : memref<50x32xf32, #tpu.memory_space<hbm>>)
          %add3A_2701 = arith.constant 30 : i32
          %add3A_2702 = arith.addi %add3A_2220, %add3A_2701 : i32
          %dma_wait3A_2703 = arith.constant 1500 : i32
          %dma_wait3A_2704 = arith.constant 0 : i32
          %dma_wait3A_2705 = tpu.memref_slice %arg8[%dma_wait3A_2703, %dma_wait3A_2704] : memref<1600x32xf32, #tpu.memory_space<vmem>> -> memref<50x32xf32, #tpu.memory_space<vmem>>
          %dma_wait3A_2706 = arith.constant 0 : i32
          %dma_wait3A_2707 = arith.constant 0 : i32
          %dma_wait3A_2708 = tpu.memref_slice %arg5[%add3A_2702, %dma_wait3A_2706, %dma_wait3A_2707] : memref<16384x56x128xf32, #tpu.memory_space<hbm>> -> memref<1x50x32xf32, #tpu.memory_space<hbm>>
          %dma_wait3A_2709 = tpu.memref_squeeze %dma_wait3A_2708 : memref<1x50x32xf32, #tpu.memory_space<hbm>> -> memref<50x32xf32, #tpu.memory_space<hbm>>
          %dma_wait3A_2710 = arith.constant 0 : i32
          %dma_wait3A_2711 = arith.constant 0 : i32
          %dma_wait3A_2712 = tpu.memref_slice %arg5[%add3A_2702, %dma_wait3A_2710, %dma_wait3A_2711] : memref<16384x56x128xf32, #tpu.memory_space<hbm>> -> memref<1x50x32xf32, #tpu.memory_space<hbm>>
          %dma_wait3A_2713 = tpu.memref_squeeze %dma_wait3A_2712 : memref<1x50x32xf32, #tpu.memory_space<hbm>> -> memref<50x32xf32, #tpu.memory_space<hbm>>
          %dma_wait3A_2714 = arith.constant 1500 : i32
          %dma_wait3A_2715 = arith.constant 0 : i32
          %dma_wait3A_2716 = tpu.memref_slice %arg8[%dma_wait3A_2714, %dma_wait3A_2715] : memref<1600x32xf32, #tpu.memory_space<vmem>> -> memref<50x32xf32, #tpu.memory_space<vmem>>
          tpu.wait_dma2 semaphore(%arg13 : memref<!tpu.dma_semaphore, #tpu.memory_space<semaphore_mem>>) src(%dma_wait3A_2716 : memref<50x32xf32, #tpu.memory_space<vmem>>) dst(%dma_wait3A_2713 : memref<50x32xf32, #tpu.memory_space<hbm>>)
          %add3A_2717 = arith.constant 31 : i32
          %add3A_2718 = arith.addi %add3A_2220, %add3A_2717 : i32
          %dma_wait3A_2719 = arith.constant 1550 : i32
          %dma_wait3A_2720 = arith.constant 0 : i32
          %dma_wait3A_2721 = tpu.memref_slice %arg8[%dma_wait3A_2719, %dma_wait3A_2720] : memref<1600x32xf32, #tpu.memory_space<vmem>> -> memref<50x32xf32, #tpu.memory_space<vmem>>
          %dma_wait3A_2722 = arith.constant 0 : i32
          %dma_wait3A_2723 = arith.constant 0 : i32
          %dma_wait3A_2724 = tpu.memref_slice %arg5[%add3A_2718, %dma_wait3A_2722, %dma_wait3A_2723] : memref<16384x56x128xf32, #tpu.memory_space<hbm>> -> memref<1x50x32xf32, #tpu.memory_space<hbm>>
          %dma_wait3A_2725 = tpu.memref_squeeze %dma_wait3A_2724 : memref<1x50x32xf32, #tpu.memory_space<hbm>> -> memref<50x32xf32, #tpu.memory_space<hbm>>
          %dma_wait3A_2726 = arith.constant 0 : i32
          %dma_wait3A_2727 = arith.constant 0 : i32
          %dma_wait3A_2728 = tpu.memref_slice %arg5[%add3A_2718, %dma_wait3A_2726, %dma_wait3A_2727] : memref<16384x56x128xf32, #tpu.memory_space<hbm>> -> memref<1x50x32xf32, #tpu.memory_space<hbm>>
          %dma_wait3A_2729 = tpu.memref_squeeze %dma_wait3A_2728 : memref<1x50x32xf32, #tpu.memory_space<hbm>> -> memref<50x32xf32, #tpu.memory_space<hbm>>
          %dma_wait3A_2730 = arith.constant 1550 : i32
          %dma_wait3A_2731 = arith.constant 0 : i32
          %dma_wait3A_2732 = tpu.memref_slice %arg8[%dma_wait3A_2730, %dma_wait3A_2731] : memref<1600x32xf32, #tpu.memory_space<vmem>> -> memref<50x32xf32, #tpu.memory_space<vmem>>
          tpu.wait_dma2 semaphore(%arg13 : memref<!tpu.dma_semaphore, #tpu.memory_space<semaphore_mem>>) src(%dma_wait3A_2732 : memref<50x32xf32, #tpu.memory_space<vmem>>) dst(%dma_wait3A_2729 : memref<50x32xf32, #tpu.memory_space<hbm>>)
        } else {
        }
        %dma_start3A_2197 = arith.constant 0 : i32
        %dma_start3A_2198 = arith.constant 0 : i32
        %dma_start3A_2199 = arith.constant 0 : i32
        %dma_start3A_2200 = tpu.memref_slice %arg7[%dma_start3A_2197, %dma_start3A_2198, %dma_start3A_2199] : memref<2x2x1600xi32, #tpu.memory_space<vmem>> -> memref<1x1x1600xi32, #tpu.memory_space<vmem>>
        %dma_start3A_2201 = tpu.memref_squeeze %dma_start3A_2200 : memref<1x1x1600xi32, #tpu.memory_space<vmem>> -> memref<1600xi32, #tpu.memory_space<vmem>>
        %dma_start3A_2202 = arith.constant 0 : i32
        %dma_start3A_2203 = arith.constant 0 : i32
        %dma_start3A_2204 = tpu.memref_slice %arg2[%dma_start3A_2202, %dma_start3A_2203] : memref<500000x32xf32, #tpu.memory_space<hbm>> -> memref<500000x32xf32, #tpu.memory_space<hbm>>
        %dma_start3A_2205 = arith.constant -1 : i32
        tpu.enqueue_indirect_dma source(%dma_start3A_2204 : memref<500000x32xf32, #tpu.memory_space<hbm>>) target(%arg8 : memref<1600x32xf32, #tpu.memory_space<vmem>>) offsets(%dma_start3A_2201 : memref<1600xi32, #tpu.memory_space<vmem>>) offset_filter(%dma_start3A_2205) semaphore(%arg11 : memref<!tpu.dma_semaphore, #tpu.memory_space<semaphore_mem>>)
        %dma_start3A_2206 = arith.constant 0 : i32
        %dma_start3A_2207 = arith.constant 1 : i32
        %dma_start3A_2208 = arith.constant 0 : i32
        %dma_start3A_2209 = tpu.memref_slice %arg7[%dma_start3A_2206, %dma_start3A_2207, %dma_start3A_2208] : memref<2x2x1600xi32, #tpu.memory_space<vmem>> -> memref<1x1x1600xi32, #tpu.memory_space<vmem>>
        %dma_start3A_2210 = tpu.memref_squeeze %dma_start3A_2209 : memref<1x1x1600xi32, #tpu.memory_space<vmem>> -> memref<1600xi32, #tpu.memory_space<vmem>>
        %dma_start3A_2211 = arith.constant 0 : i32
        %dma_start3A_2212 = arith.constant 0 : i32
        %dma_start3A_2213 = tpu.memref_slice %arg3[%dma_start3A_2211, %dma_start3A_2212] : memref<500000x32xf32, #tpu.memory_space<hbm>> -> memref<500000x32xf32, #tpu.memory_space<hbm>>
        %dma_start3A_2214 = arith.constant -1 : i32
        tpu.enqueue_indirect_dma source(%dma_start3A_2213 : memref<500000x32xf32, #tpu.memory_space<hbm>>) target(%arg8 : memref<1600x32xf32, #tpu.memory_space<vmem>>) offsets(%dma_start3A_2210 : memref<1600xi32, #tpu.memory_space<vmem>>) offset_filter(%dma_start3A_2214) semaphore(%arg11 : memref<!tpu.dma_semaphore, #tpu.memory_space<semaphore_mem>>)
      } else {
      }
      %dma_wait3A_1633 = arith.constant 1 : i32
      %dma_wait3A_1634 = arith.constant 0 : i32
      %dma_wait3A_1635 = arith.constant 0 : i32
      %dma_wait3A_1636 = tpu.memref_slice %arg7[%dma_wait3A_1633, %dma_wait3A_1634, %dma_wait3A_1635] : memref<2x2x1600xi32, #tpu.memory_space<vmem>> -> memref<1x1x1600xi32, #tpu.memory_space<vmem>>
      %dma_wait3A_1637 = tpu.memref_squeeze %dma_wait3A_1636 : memref<1x1x1600xi32, #tpu.memory_space<vmem>> -> memref<1600xi32, #tpu.memory_space<vmem>>
      %dma_wait3A_1638 = arith.constant 0 : i32
      %dma_wait3A_1639 = arith.constant 0 : i32
      %dma_wait3A_1640 = tpu.memref_slice %arg2[%dma_wait3A_1638, %dma_wait3A_1639] : memref<500000x32xf32, #tpu.memory_space<hbm>> -> memref<500000x32xf32, #tpu.memory_space<hbm>>
      tpu.wait_indirect_dma semaphore(%arg12 : memref<!tpu.dma_semaphore, #tpu.memory_space<semaphore_mem>>) src(%dma_wait3A_1640 : memref<500000x32xf32, #tpu.memory_space<hbm>>) dst(%arg9 : memref<1600x32xf32, #tpu.memory_space<vmem>>)
      %dma_wait3A_1641 = arith.constant 1 : i32
      %dma_wait3A_1642 = arith.constant 1 : i32
      %dma_wait3A_1643 = arith.constant 0 : i32
      %dma_wait3A_1644 = tpu.memref_slice %arg7[%dma_wait3A_1641, %dma_wait3A_1642, %dma_wait3A_1643] : memref<2x2x1600xi32, #tpu.memory_space<vmem>> -> memref<1x1x1600xi32, #tpu.memory_space<vmem>>
      %dma_wait3A_1645 = tpu.memref_squeeze %dma_wait3A_1644 : memref<1x1x1600xi32, #tpu.memory_space<vmem>> -> memref<1600xi32, #tpu.memory_space<vmem>>
      %dma_wait3A_1646 = arith.constant 0 : i32
      %dma_wait3A_1647 = arith.constant 0 : i32
      %dma_wait3A_1648 = tpu.memref_slice %arg3[%dma_wait3A_1646, %dma_wait3A_1647] : memref<500000x32xf32, #tpu.memory_space<hbm>> -> memref<500000x32xf32, #tpu.memory_space<hbm>>
      tpu.wait_indirect_dma semaphore(%arg12 : memref<!tpu.dma_semaphore, #tpu.memory_space<semaphore_mem>>) src(%dma_wait3A_1648 : memref<500000x32xf32, #tpu.memory_space<hbm>>) dst(%arg9 : memref<1600x32xf32, #tpu.memory_space<vmem>>)
      %mul3A_1649 = arith.constant 512 : i32
      %mul3A_1650 = arith.muli %add3A, %mul3A_1649 : i32
      %mul3A_1651 = arith.constant 32 : i32
      %mul3A_1652 = arith.muli %add3A_1625, %mul3A_1651 : i32
      %add3A_1653 = arith.addi %mul3A_1650, %mul3A_1652 : i32
      %add3A_1654 = arith.constant 0 : i32
      %add3A_1655 = arith.addi %add3A_1653, %add3A_1654 : i32
      %dma_start3A_1656 = arith.constant 0 : i32
      %dma_start3A_1657 = arith.constant 0 : i32
      %dma_start3A_1658 = tpu.memref_slice %arg9[%dma_start3A_1656, %dma_start3A_1657] : memref<1600x32xf32, #tpu.memory_space<vmem>> -> memref<50x32xf32, #tpu.memory_space<vmem>>
      %dma_start3A_1659 = arith.constant 0 : i32
      %dma_start3A_1660 = arith.constant 0 : i32
      %dma_start3A_1661 = tpu.memref_slice %arg5[%add3A_1655, %dma_start3A_1659, %dma_start3A_1660] : memref<16384x56x128xf32, #tpu.memory_space<hbm>> -> memref<1x50x32xf32, #tpu.memory_space<hbm>>
      %dma_start3A_1662 = tpu.memref_squeeze %dma_start3A_1661 : memref<1x50x32xf32, #tpu.memory_space<hbm>> -> memref<50x32xf32, #tpu.memory_space<hbm>>
      %dma_start3A_1663 = arith.constant 0 : i32
      %dma_start3A_1664 = arith.constant 0 : i32
      %dma_start3A_1665 = tpu.memref_slice %arg5[%add3A_1655, %dma_start3A_1663, %dma_start3A_1664] : memref<16384x56x128xf32, #tpu.memory_space<hbm>> -> memref<1x50x32xf32, #tpu.memory_space<hbm>>
      %dma_start3A_1666 = tpu.memref_squeeze %dma_start3A_1665 : memref<1x50x32xf32, #tpu.memory_space<hbm>> -> memref<50x32xf32, #tpu.memory_space<hbm>>
      %dma_start3A_1667 = arith.constant 0 : i32
      %dma_start3A_1668 = arith.constant 0 : i32
      %dma_start3A_1669 = tpu.memref_slice %arg9[%dma_start3A_1667, %dma_start3A_1668] : memref<1600x32xf32, #tpu.memory_space<vmem>> -> memref<50x32xf32, #tpu.memory_space<vmem>>
      tpu.enqueue_dma source(%dma_start3A_1669 : memref<50x32xf32, #tpu.memory_space<vmem>>) target(%dma_start3A_1666 : memref<50x32xf32, #tpu.memory_space<hbm>>) target_semaphore(%arg14 : memref<!tpu.dma_semaphore, #tpu.memory_space<semaphore_mem>>)
      %add3A_1670 = arith.constant 1 : i32
      %add3A_1671 = arith.addi %add3A_1653, %add3A_1670 : i32
      %dma_start3A_1672 = arith.constant 50 : i32
      %dma_start3A_1673 = arith.constant 0 : i32
      %dma_start3A_1674 = tpu.memref_slice %arg9[%dma_start3A_1672, %dma_start3A_1673] : memref<1600x32xf32, #tpu.memory_space<vmem>> -> memref<50x32xf32, #tpu.memory_space<vmem>>
      %dma_start3A_1675 = arith.constant 0 : i32
      %dma_start3A_1676 = arith.constant 0 : i32
      %dma_start3A_1677 = tpu.memref_slice %arg5[%add3A_1671, %dma_start3A_1675, %dma_start3A_1676] : memref<16384x56x128xf32, #tpu.memory_space<hbm>> -> memref<1x50x32xf32, #tpu.memory_space<hbm>>
      %dma_start3A_1678 = tpu.memref_squeeze %dma_start3A_1677 : memref<1x50x32xf32, #tpu.memory_space<hbm>> -> memref<50x32xf32, #tpu.memory_space<hbm>>
      %dma_start3A_1679 = arith.constant 0 : i32
      %dma_start3A_1680 = arith.constant 0 : i32
      %dma_start3A_1681 = tpu.memref_slice %arg5[%add3A_1671, %dma_start3A_1679, %dma_start3A_1680] : memref<16384x56x128xf32, #tpu.memory_space<hbm>> -> memref<1x50x32xf32, #tpu.memory_space<hbm>>
      %dma_start3A_1682 = tpu.memref_squeeze %dma_start3A_1681 : memref<1x50x32xf32, #tpu.memory_space<hbm>> -> memref<50x32xf32, #tpu.memory_space<hbm>>
      %dma_start3A_1683 = arith.constant 50 : i32
      %dma_start3A_1684 = arith.constant 0 : i32
      %dma_start3A_1685 = tpu.memref_slice %arg9[%dma_start3A_1683, %dma_start3A_1684] : memref<1600x32xf32, #tpu.memory_space<vmem>> -> memref<50x32xf32, #tpu.memory_space<vmem>>
      tpu.enqueue_dma source(%dma_start3A_1685 : memref<50x32xf32, #tpu.memory_space<vmem>>) target(%dma_start3A_1682 : memref<50x32xf32, #tpu.memory_space<hbm>>) target_semaphore(%arg14 : memref<!tpu.dma_semaphore, #tpu.memory_space<semaphore_mem>>)
      %add3A_1686 = arith.constant 2 : i32
      %add3A_1687 = arith.addi %add3A_1653, %add3A_1686 : i32
      %dma_start3A_1688 = arith.constant 100 : i32
      %dma_start3A_1689 = arith.constant 0 : i32
      %dma_start3A_1690 = tpu.memref_slice %arg9[%dma_start3A_1688, %dma_start3A_1689] : memref<1600x32xf32, #tpu.memory_space<vmem>> -> memref<50x32xf32, #tpu.memory_space<vmem>>
      %dma_start3A_1691 = arith.constant 0 : i32
      %dma_start3A_1692 = arith.constant 0 : i32
      %dma_start3A_1693 = tpu.memref_slice %arg5[%add3A_1687, %dma_start3A_1691, %dma_start3A_1692] : memref<16384x56x128xf32, #tpu.memory_space<hbm>> -> memref<1x50x32xf32, #tpu.memory_space<hbm>>
      %dma_start3A_1694 = tpu.memref_squeeze %dma_start3A_1693 : memref<1x50x32xf32, #tpu.memory_space<hbm>> -> memref<50x32xf32, #tpu.memory_space<hbm>>
      %dma_start3A_1695 = arith.constant 0 : i32
      %dma_start3A_1696 = arith.constant 0 : i32
      %dma_start3A_1697 = tpu.memref_slice %arg5[%add3A_1687, %dma_start3A_1695, %dma_start3A_1696] : memref<16384x56x128xf32, #tpu.memory_space<hbm>> -> memref<1x50x32xf32, #tpu.memory_space<hbm>>
      %dma_start3A_1698 = tpu.memref_squeeze %dma_start3A_1697 : memref<1x50x32xf32, #tpu.memory_space<hbm>> -> memref<50x32xf32, #tpu.memory_space<hbm>>
      %dma_start3A_1699 = arith.constant 100 : i32
      %dma_start3A_1700 = arith.constant 0 : i32
      %dma_start3A_1701 = tpu.memref_slice %arg9[%dma_start3A_1699, %dma_start3A_1700] : memref<1600x32xf32, #tpu.memory_space<vmem>> -> memref<50x32xf32, #tpu.memory_space<vmem>>
      tpu.enqueue_dma source(%dma_start3A_1701 : memref<50x32xf32, #tpu.memory_space<vmem>>) target(%dma_start3A_1698 : memref<50x32xf32, #tpu.memory_space<hbm>>) target_semaphore(%arg14 : memref<!tpu.dma_semaphore, #tpu.memory_space<semaphore_mem>>)
      %add3A_1702 = arith.constant 3 : i32
      %add3A_1703 = arith.addi %add3A_1653, %add3A_1702 : i32
      %dma_start3A_1704 = arith.constant 150 : i32
      %dma_start3A_1705 = arith.constant 0 : i32
      %dma_start3A_1706 = tpu.memref_slice %arg9[%dma_start3A_1704, %dma_start3A_1705] : memref<1600x32xf32, #tpu.memory_space<vmem>> -> memref<50x32xf32, #tpu.memory_space<vmem>>
      %dma_start3A_1707 = arith.constant 0 : i32
      %dma_start3A_1708 = arith.constant 0 : i32
      %dma_start3A_1709 = tpu.memref_slice %arg5[%add3A_1703, %dma_start3A_1707, %dma_start3A_1708] : memref<16384x56x128xf32, #tpu.memory_space<hbm>> -> memref<1x50x32xf32, #tpu.memory_space<hbm>>
      %dma_start3A_1710 = tpu.memref_squeeze %dma_start3A_1709 : memref<1x50x32xf32, #tpu.memory_space<hbm>> -> memref<50x32xf32, #tpu.memory_space<hbm>>
      %dma_start3A_1711 = arith.constant 0 : i32
      %dma_start3A_1712 = arith.constant 0 : i32
      %dma_start3A_1713 = tpu.memref_slice %arg5[%add3A_1703, %dma_start3A_1711, %dma_start3A_1712] : memref<16384x56x128xf32, #tpu.memory_space<hbm>> -> memref<1x50x32xf32, #tpu.memory_space<hbm>>
      %dma_start3A_1714 = tpu.memref_squeeze %dma_start3A_1713 : memref<1x50x32xf32, #tpu.memory_space<hbm>> -> memref<50x32xf32, #tpu.memory_space<hbm>>
      %dma_start3A_1715 = arith.constant 150 : i32
      %dma_start3A_1716 = arith.constant 0 : i32
      %dma_start3A_1717 = tpu.memref_slice %arg9[%dma_start3A_1715, %dma_start3A_1716] : memref<1600x32xf32, #tpu.memory_space<vmem>> -> memref<50x32xf32, #tpu.memory_space<vmem>>
      tpu.enqueue_dma source(%dma_start3A_1717 : memref<50x32xf32, #tpu.memory_space<vmem>>) target(%dma_start3A_1714 : memref<50x32xf32, #tpu.memory_space<hbm>>) target_semaphore(%arg14 : memref<!tpu.dma_semaphore, #tpu.memory_space<semaphore_mem>>)
      %add3A_1718 = arith.constant 4 : i32
      %add3A_1719 = arith.addi %add3A_1653, %add3A_1718 : i32
      %dma_start3A_1720 = arith.constant 200 : i32
      %dma_start3A_1721 = arith.constant 0 : i32
      %dma_start3A_1722 = tpu.memref_slice %arg9[%dma_start3A_1720, %dma_start3A_1721] : memref<1600x32xf32, #tpu.memory_space<vmem>> -> memref<50x32xf32, #tpu.memory_space<vmem>>
      %dma_start3A_1723 = arith.constant 0 : i32
      %dma_start3A_1724 = arith.constant 0 : i32
      %dma_start3A_1725 = tpu.memref_slice %arg5[%add3A_1719, %dma_start3A_1723, %dma_start3A_1724] : memref<16384x56x128xf32, #tpu.memory_space<hbm>> -> memref<1x50x32xf32, #tpu.memory_space<hbm>>
      %dma_start3A_1726 = tpu.memref_squeeze %dma_start3A_1725 : memref<1x50x32xf32, #tpu.memory_space<hbm>> -> memref<50x32xf32, #tpu.memory_space<hbm>>
      %dma_start3A_1727 = arith.constant 0 : i32
      %dma_start3A_1728 = arith.constant 0 : i32
      %dma_start3A_1729 = tpu.memref_slice %arg5[%add3A_1719, %dma_start3A_1727, %dma_start3A_1728] : memref<16384x56x128xf32, #tpu.memory_space<hbm>> -> memref<1x50x32xf32, #tpu.memory_space<hbm>>
      %dma_start3A_1730 = tpu.memref_squeeze %dma_start3A_1729 : memref<1x50x32xf32, #tpu.memory_space<hbm>> -> memref<50x32xf32, #tpu.memory_space<hbm>>
      %dma_start3A_1731 = arith.constant 200 : i32
      %dma_start3A_1732 = arith.constant 0 : i32
      %dma_start3A_1733 = tpu.memref_slice %arg9[%dma_start3A_1731, %dma_start3A_1732] : memref<1600x32xf32, #tpu.memory_space<vmem>> -> memref<50x32xf32, #tpu.memory_space<vmem>>
      tpu.enqueue_dma source(%dma_start3A_1733 : memref<50x32xf32, #tpu.memory_space<vmem>>) target(%dma_start3A_1730 : memref<50x32xf32, #tpu.memory_space<hbm>>) target_semaphore(%arg14 : memref<!tpu.dma_semaphore, #tpu.memory_space<semaphore_mem>>)
      %add3A_1734 = arith.constant 5 : i32
      %add3A_1735 = arith.addi %add3A_1653, %add3A_1734 : i32
      %dma_start3A_1736 = arith.constant 250 : i32
      %dma_start3A_1737 = arith.constant 0 : i32
      %dma_start3A_1738 = tpu.memref_slice %arg9[%dma_start3A_1736, %dma_start3A_1737] : memref<1600x32xf32, #tpu.memory_space<vmem>> -> memref<50x32xf32, #tpu.memory_space<vmem>>
      %dma_start3A_1739 = arith.constant 0 : i32
      %dma_start3A_1740 = arith.constant 0 : i32
      %dma_start3A_1741 = tpu.memref_slice %arg5[%add3A_1735, %dma_start3A_1739, %dma_start3A_1740] : memref<16384x56x128xf32, #tpu.memory_space<hbm>> -> memref<1x50x32xf32, #tpu.memory_space<hbm>>
      %dma_start3A_1742 = tpu.memref_squeeze %dma_start3A_1741 : memref<1x50x32xf32, #tpu.memory_space<hbm>> -> memref<50x32xf32, #tpu.memory_space<hbm>>
      %dma_start3A_1743 = arith.constant 0 : i32
      %dma_start3A_1744 = arith.constant 0 : i32
      %dma_start3A_1745 = tpu.memref_slice %arg5[%add3A_1735, %dma_start3A_1743, %dma_start3A_1744] : memref<16384x56x128xf32, #tpu.memory_space<hbm>> -> memref<1x50x32xf32, #tpu.memory_space<hbm>>
      %dma_start3A_1746 = tpu.memref_squeeze %dma_start3A_1745 : memref<1x50x32xf32, #tpu.memory_space<hbm>> -> memref<50x32xf32, #tpu.memory_space<hbm>>
      %dma_start3A_1747 = arith.constant 250 : i32
      %dma_start3A_1748 = arith.constant 0 : i32
      %dma_start3A_1749 = tpu.memref_slice %arg9[%dma_start3A_1747, %dma_start3A_1748] : memref<1600x32xf32, #tpu.memory_space<vmem>> -> memref<50x32xf32, #tpu.memory_space<vmem>>
      tpu.enqueue_dma source(%dma_start3A_1749 : memref<50x32xf32, #tpu.memory_space<vmem>>) target(%dma_start3A_1746 : memref<50x32xf32, #tpu.memory_space<hbm>>) target_semaphore(%arg14 : memref<!tpu.dma_semaphore, #tpu.memory_space<semaphore_mem>>)
      %add3A_1750 = arith.constant 6 : i32
      %add3A_1751 = arith.addi %add3A_1653, %add3A_1750 : i32
      %dma_start3A_1752 = arith.constant 300 : i32
      %dma_start3A_1753 = arith.constant 0 : i32
      %dma_start3A_1754 = tpu.memref_slice %arg9[%dma_start3A_1752, %dma_start3A_1753] : memref<1600x32xf32, #tpu.memory_space<vmem>> -> memref<50x32xf32, #tpu.memory_space<vmem>>
      %dma_start3A_1755 = arith.constant 0 : i32
      %dma_start3A_1756 = arith.constant 0 : i32
      %dma_start3A_1757 = tpu.memref_slice %arg5[%add3A_1751, %dma_start3A_1755, %dma_start3A_1756] : memref<16384x56x128xf32, #tpu.memory_space<hbm>> -> memref<1x50x32xf32, #tpu.memory_space<hbm>>
      %dma_start3A_1758 = tpu.memref_squeeze %dma_start3A_1757 : memref<1x50x32xf32, #tpu.memory_space<hbm>> -> memref<50x32xf32, #tpu.memory_space<hbm>>
      %dma_start3A_1759 = arith.constant 0 : i32
      %dma_start3A_1760 = arith.constant 0 : i32
      %dma_start3A_1761 = tpu.memref_slice %arg5[%add3A_1751, %dma_start3A_1759, %dma_start3A_1760] : memref<16384x56x128xf32, #tpu.memory_space<hbm>> -> memref<1x50x32xf32, #tpu.memory_space<hbm>>
      %dma_start3A_1762 = tpu.memref_squeeze %dma_start3A_1761 : memref<1x50x32xf32, #tpu.memory_space<hbm>> -> memref<50x32xf32, #tpu.memory_space<hbm>>
      %dma_start3A_1763 = arith.constant 300 : i32
      %dma_start3A_1764 = arith.constant 0 : i32
      %dma_start3A_1765 = tpu.memref_slice %arg9[%dma_start3A_1763, %dma_start3A_1764] : memref<1600x32xf32, #tpu.memory_space<vmem>> -> memref<50x32xf32, #tpu.memory_space<vmem>>
      tpu.enqueue_dma source(%dma_start3A_1765 : memref<50x32xf32, #tpu.memory_space<vmem>>) target(%dma_start3A_1762 : memref<50x32xf32, #tpu.memory_space<hbm>>) target_semaphore(%arg14 : memref<!tpu.dma_semaphore, #tpu.memory_space<semaphore_mem>>)
      %add3A_1766 = arith.constant 7 : i32
      %add3A_1767 = arith.addi %add3A_1653, %add3A_1766 : i32
      %dma_start3A_1768 = arith.constant 350 : i32
      %dma_start3A_1769 = arith.constant 0 : i32
      %dma_start3A_1770 = tpu.memref_slice %arg9[%dma_start3A_1768, %dma_start3A_1769] : memref<1600x32xf32, #tpu.memory_space<vmem>> -> memref<50x32xf32, #tpu.memory_space<vmem>>
      %dma_start3A_1771 = arith.constant 0 : i32
      %dma_start3A_1772 = arith.constant 0 : i32
      %dma_start3A_1773 = tpu.memref_slice %arg5[%add3A_1767, %dma_start3A_1771, %dma_start3A_1772] : memref<16384x56x128xf32, #tpu.memory_space<hbm>> -> memref<1x50x32xf32, #tpu.memory_space<hbm>>
      %dma_start3A_1774 = tpu.memref_squeeze %dma_start3A_1773 : memref<1x50x32xf32, #tpu.memory_space<hbm>> -> memref<50x32xf32, #tpu.memory_space<hbm>>
      %dma_start3A_1775 = arith.constant 0 : i32
      %dma_start3A_1776 = arith.constant 0 : i32
      %dma_start3A_1777 = tpu.memref_slice %arg5[%add3A_1767, %dma_start3A_1775, %dma_start3A_1776] : memref<16384x56x128xf32, #tpu.memory_space<hbm>> -> memref<1x50x32xf32, #tpu.memory_space<hbm>>
      %dma_start3A_1778 = tpu.memref_squeeze %dma_start3A_1777 : memref<1x50x32xf32, #tpu.memory_space<hbm>> -> memref<50x32xf32, #tpu.memory_space<hbm>>
      %dma_start3A_1779 = arith.constant 350 : i32
      %dma_start3A_1780 = arith.constant 0 : i32
      %dma_start3A_1781 = tpu.memref_slice %arg9[%dma_start3A_1779, %dma_start3A_1780] : memref<1600x32xf32, #tpu.memory_space<vmem>> -> memref<50x32xf32, #tpu.memory_space<vmem>>
      tpu.enqueue_dma source(%dma_start3A_1781 : memref<50x32xf32, #tpu.memory_space<vmem>>) target(%dma_start3A_1778 : memref<50x32xf32, #tpu.memory_space<hbm>>) target_semaphore(%arg14 : memref<!tpu.dma_semaphore, #tpu.memory_space<semaphore_mem>>)
      %add3A_1782 = arith.constant 8 : i32
      %add3A_1783 = arith.addi %add3A_1653, %add3A_1782 : i32
      %dma_start3A_1784 = arith.constant 400 : i32
      %dma_start3A_1785 = arith.constant 0 : i32
      %dma_start3A_1786 = tpu.memref_slice %arg9[%dma_start3A_1784, %dma_start3A_1785] : memref<1600x32xf32, #tpu.memory_space<vmem>> -> memref<50x32xf32, #tpu.memory_space<vmem>>
      %dma_start3A_1787 = arith.constant 0 : i32
      %dma_start3A_1788 = arith.constant 0 : i32
      %dma_start3A_1789 = tpu.memref_slice %arg5[%add3A_1783, %dma_start3A_1787, %dma_start3A_1788] : memref<16384x56x128xf32, #tpu.memory_space<hbm>> -> memref<1x50x32xf32, #tpu.memory_space<hbm>>
      %dma_start3A_1790 = tpu.memref_squeeze %dma_start3A_1789 : memref<1x50x32xf32, #tpu.memory_space<hbm>> -> memref<50x32xf32, #tpu.memory_space<hbm>>
      %dma_start3A_1791 = arith.constant 0 : i32
      %dma_start3A_1792 = arith.constant 0 : i32
      %dma_start3A_1793 = tpu.memref_slice %arg5[%add3A_1783, %dma_start3A_1791, %dma_start3A_1792] : memref<16384x56x128xf32, #tpu.memory_space<hbm>> -> memref<1x50x32xf32, #tpu.memory_space<hbm>>
      %dma_start3A_1794 = tpu.memref_squeeze %dma_start3A_1793 : memref<1x50x32xf32, #tpu.memory_space<hbm>> -> memref<50x32xf32, #tpu.memory_space<hbm>>
      %dma_start3A_1795 = arith.constant 400 : i32
      %dma_start3A_1796 = arith.constant 0 : i32
      %dma_start3A_1797 = tpu.memref_slice %arg9[%dma_start3A_1795, %dma_start3A_1796] : memref<1600x32xf32, #tpu.memory_space<vmem>> -> memref<50x32xf32, #tpu.memory_space<vmem>>
      tpu.enqueue_dma source(%dma_start3A_1797 : memref<50x32xf32, #tpu.memory_space<vmem>>) target(%dma_start3A_1794 : memref<50x32xf32, #tpu.memory_space<hbm>>) target_semaphore(%arg14 : memref<!tpu.dma_semaphore, #tpu.memory_space<semaphore_mem>>)
      %add3A_1798 = arith.constant 9 : i32
      %add3A_1799 = arith.addi %add3A_1653, %add3A_1798 : i32
      %dma_start3A_1800 = arith.constant 450 : i32
      %dma_start3A_1801 = arith.constant 0 : i32
      %dma_start3A_1802 = tpu.memref_slice %arg9[%dma_start3A_1800, %dma_start3A_1801] : memref<1600x32xf32, #tpu.memory_space<vmem>> -> memref<50x32xf32, #tpu.memory_space<vmem>>
      %dma_start3A_1803 = arith.constant 0 : i32
      %dma_start3A_1804 = arith.constant 0 : i32
      %dma_start3A_1805 = tpu.memref_slice %arg5[%add3A_1799, %dma_start3A_1803, %dma_start3A_1804] : memref<16384x56x128xf32, #tpu.memory_space<hbm>> -> memref<1x50x32xf32, #tpu.memory_space<hbm>>
      %dma_start3A_1806 = tpu.memref_squeeze %dma_start3A_1805 : memref<1x50x32xf32, #tpu.memory_space<hbm>> -> memref<50x32xf32, #tpu.memory_space<hbm>>
      %dma_start3A_1807 = arith.constant 0 : i32
      %dma_start3A_1808 = arith.constant 0 : i32
      %dma_start3A_1809 = tpu.memref_slice %arg5[%add3A_1799, %dma_start3A_1807, %dma_start3A_1808] : memref<16384x56x128xf32, #tpu.memory_space<hbm>> -> memref<1x50x32xf32, #tpu.memory_space<hbm>>
      %dma_start3A_1810 = tpu.memref_squeeze %dma_start3A_1809 : memref<1x50x32xf32, #tpu.memory_space<hbm>> -> memref<50x32xf32, #tpu.memory_space<hbm>>
      %dma_start3A_1811 = arith.constant 450 : i32
      %dma_start3A_1812 = arith.constant 0 : i32
      %dma_start3A_1813 = tpu.memref_slice %arg9[%dma_start3A_1811, %dma_start3A_1812] : memref<1600x32xf32, #tpu.memory_space<vmem>> -> memref<50x32xf32, #tpu.memory_space<vmem>>
      tpu.enqueue_dma source(%dma_start3A_1813 : memref<50x32xf32, #tpu.memory_space<vmem>>) target(%dma_start3A_1810 : memref<50x32xf32, #tpu.memory_space<hbm>>) target_semaphore(%arg14 : memref<!tpu.dma_semaphore, #tpu.memory_space<semaphore_mem>>)
      %add3A_1814 = arith.constant 10 : i32
      %add3A_1815 = arith.addi %add3A_1653, %add3A_1814 : i32
      %dma_start3A_1816 = arith.constant 500 : i32
      %dma_start3A_1817 = arith.constant 0 : i32
      %dma_start3A_1818 = tpu.memref_slice %arg9[%dma_start3A_1816, %dma_start3A_1817] : memref<1600x32xf32, #tpu.memory_space<vmem>> -> memref<50x32xf32, #tpu.memory_space<vmem>>
      %dma_start3A_1819 = arith.constant 0 : i32
      %dma_start3A_1820 = arith.constant 0 : i32
      %dma_start3A_1821 = tpu.memref_slice %arg5[%add3A_1815, %dma_start3A_1819, %dma_start3A_1820] : memref<16384x56x128xf32, #tpu.memory_space<hbm>> -> memref<1x50x32xf32, #tpu.memory_space<hbm>>
      %dma_start3A_1822 = tpu.memref_squeeze %dma_start3A_1821 : memref<1x50x32xf32, #tpu.memory_space<hbm>> -> memref<50x32xf32, #tpu.memory_space<hbm>>
      %dma_start3A_1823 = arith.constant 0 : i32
      %dma_start3A_1824 = arith.constant 0 : i32
      %dma_start3A_1825 = tpu.memref_slice %arg5[%add3A_1815, %dma_start3A_1823, %dma_start3A_1824] : memref<16384x56x128xf32, #tpu.memory_space<hbm>> -> memref<1x50x32xf32, #tpu.memory_space<hbm>>
      %dma_start3A_1826 = tpu.memref_squeeze %dma_start3A_1825 : memref<1x50x32xf32, #tpu.memory_space<hbm>> -> memref<50x32xf32, #tpu.memory_space<hbm>>
      %dma_start3A_1827 = arith.constant 500 : i32
      %dma_start3A_1828 = arith.constant 0 : i32
      %dma_start3A_1829 = tpu.memref_slice %arg9[%dma_start3A_1827, %dma_start3A_1828] : memref<1600x32xf32, #tpu.memory_space<vmem>> -> memref<50x32xf32, #tpu.memory_space<vmem>>
      tpu.enqueue_dma source(%dma_start3A_1829 : memref<50x32xf32, #tpu.memory_space<vmem>>) target(%dma_start3A_1826 : memref<50x32xf32, #tpu.memory_space<hbm>>) target_semaphore(%arg14 : memref<!tpu.dma_semaphore, #tpu.memory_space<semaphore_mem>>)
      %add3A_1830 = arith.constant 11 : i32
      %add3A_1831 = arith.addi %add3A_1653, %add3A_1830 : i32
      %dma_start3A_1832 = arith.constant 550 : i32
      %dma_start3A_1833 = arith.constant 0 : i32
      %dma_start3A_1834 = tpu.memref_slice %arg9[%dma_start3A_1832, %dma_start3A_1833] : memref<1600x32xf32, #tpu.memory_space<vmem>> -> memref<50x32xf32, #tpu.memory_space<vmem>>
      %dma_start3A_1835 = arith.constant 0 : i32
      %dma_start3A_1836 = arith.constant 0 : i32
      %dma_start3A_1837 = tpu.memref_slice %arg5[%add3A_1831, %dma_start3A_1835, %dma_start3A_1836] : memref<16384x56x128xf32, #tpu.memory_space<hbm>> -> memref<1x50x32xf32, #tpu.memory_space<hbm>>
      %dma_start3A_1838 = tpu.memref_squeeze %dma_start3A_1837 : memref<1x50x32xf32, #tpu.memory_space<hbm>> -> memref<50x32xf32, #tpu.memory_space<hbm>>
      %dma_start3A_1839 = arith.constant 0 : i32
      %dma_start3A_1840 = arith.constant 0 : i32
      %dma_start3A_1841 = tpu.memref_slice %arg5[%add3A_1831, %dma_start3A_1839, %dma_start3A_1840] : memref<16384x56x128xf32, #tpu.memory_space<hbm>> -> memref<1x50x32xf32, #tpu.memory_space<hbm>>
      %dma_start3A_1842 = tpu.memref_squeeze %dma_start3A_1841 : memref<1x50x32xf32, #tpu.memory_space<hbm>> -> memref<50x32xf32, #tpu.memory_space<hbm>>
      %dma_start3A_1843 = arith.constant 550 : i32
      %dma_start3A_1844 = arith.constant 0 : i32
      %dma_start3A_1845 = tpu.memref_slice %arg9[%dma_start3A_1843, %dma_start3A_1844] : memref<1600x32xf32, #tpu.memory_space<vmem>> -> memref<50x32xf32, #tpu.memory_space<vmem>>
      tpu.enqueue_dma source(%dma_start3A_1845 : memref<50x32xf32, #tpu.memory_space<vmem>>) target(%dma_start3A_1842 : memref<50x32xf32, #tpu.memory_space<hbm>>) target_semaphore(%arg14 : memref<!tpu.dma_semaphore, #tpu.memory_space<semaphore_mem>>)
      %add3A_1846 = arith.constant 12 : i32
      %add3A_1847 = arith.addi %add3A_1653, %add3A_1846 : i32
      %dma_start3A_1848 = arith.constant 600 : i32
      %dma_start3A_1849 = arith.constant 0 : i32
      %dma_start3A_1850 = tpu.memref_slice %arg9[%dma_start3A_1848, %dma_start3A_1849] : memref<1600x32xf32, #tpu.memory_space<vmem>> -> memref<50x32xf32, #tpu.memory_space<vmem>>
      %dma_start3A_1851 = arith.constant 0 : i32
      %dma_start3A_1852 = arith.constant 0 : i32
      %dma_start3A_1853 = tpu.memref_slice %arg5[%add3A_1847, %dma_start3A_1851, %dma_start3A_1852] : memref<16384x56x128xf32, #tpu.memory_space<hbm>> -> memref<1x50x32xf32, #tpu.memory_space<hbm>>
      %dma_start3A_1854 = tpu.memref_squeeze %dma_start3A_1853 : memref<1x50x32xf32, #tpu.memory_space<hbm>> -> memref<50x32xf32, #tpu.memory_space<hbm>>
      %dma_start3A_1855 = arith.constant 0 : i32
      %dma_start3A_1856 = arith.constant 0 : i32
      %dma_start3A_1857 = tpu.memref_slice %arg5[%add3A_1847, %dma_start3A_1855, %dma_start3A_1856] : memref<16384x56x128xf32, #tpu.memory_space<hbm>> -> memref<1x50x32xf32, #tpu.memory_space<hbm>>
      %dma_start3A_1858 = tpu.memref_squeeze %dma_start3A_1857 : memref<1x50x32xf32, #tpu.memory_space<hbm>> -> memref<50x32xf32, #tpu.memory_space<hbm>>
      %dma_start3A_1859 = arith.constant 600 : i32
      %dma_start3A_1860 = arith.constant 0 : i32
      %dma_start3A_1861 = tpu.memref_slice %arg9[%dma_start3A_1859, %dma_start3A_1860] : memref<1600x32xf32, #tpu.memory_space<vmem>> -> memref<50x32xf32, #tpu.memory_space<vmem>>
      tpu.enqueue_dma source(%dma_start3A_1861 : memref<50x32xf32, #tpu.memory_space<vmem>>) target(%dma_start3A_1858 : memref<50x32xf32, #tpu.memory_space<hbm>>) target_semaphore(%arg14 : memref<!tpu.dma_semaphore, #tpu.memory_space<semaphore_mem>>)
      %add3A_1862 = arith.constant 13 : i32
      %add3A_1863 = arith.addi %add3A_1653, %add3A_1862 : i32
      %dma_start3A_1864 = arith.constant 650 : i32
      %dma_start3A_1865 = arith.constant 0 : i32
      %dma_start3A_1866 = tpu.memref_slice %arg9[%dma_start3A_1864, %dma_start3A_1865] : memref<1600x32xf32, #tpu.memory_space<vmem>> -> memref<50x32xf32, #tpu.memory_space<vmem>>
      %dma_start3A_1867 = arith.constant 0 : i32
      %dma_start3A_1868 = arith.constant 0 : i32
      %dma_start3A_1869 = tpu.memref_slice %arg5[%add3A_1863, %dma_start3A_1867, %dma_start3A_1868] : memref<16384x56x128xf32, #tpu.memory_space<hbm>> -> memref<1x50x32xf32, #tpu.memory_space<hbm>>
      %dma_start3A_1870 = tpu.memref_squeeze %dma_start3A_1869 : memref<1x50x32xf32, #tpu.memory_space<hbm>> -> memref<50x32xf32, #tpu.memory_space<hbm>>
      %dma_start3A_1871 = arith.constant 0 : i32
      %dma_start3A_1872 = arith.constant 0 : i32
      %dma_start3A_1873 = tpu.memref_slice %arg5[%add3A_1863, %dma_start3A_1871, %dma_start3A_1872] : memref<16384x56x128xf32, #tpu.memory_space<hbm>> -> memref<1x50x32xf32, #tpu.memory_space<hbm>>
      %dma_start3A_1874 = tpu.memref_squeeze %dma_start3A_1873 : memref<1x50x32xf32, #tpu.memory_space<hbm>> -> memref<50x32xf32, #tpu.memory_space<hbm>>
      %dma_start3A_1875 = arith.constant 650 : i32
      %dma_start3A_1876 = arith.constant 0 : i32
      %dma_start3A_1877 = tpu.memref_slice %arg9[%dma_start3A_1875, %dma_start3A_1876] : memref<1600x32xf32, #tpu.memory_space<vmem>> -> memref<50x32xf32, #tpu.memory_space<vmem>>
      tpu.enqueue_dma source(%dma_start3A_1877 : memref<50x32xf32, #tpu.memory_space<vmem>>) target(%dma_start3A_1874 : memref<50x32xf32, #tpu.memory_space<hbm>>) target_semaphore(%arg14 : memref<!tpu.dma_semaphore, #tpu.memory_space<semaphore_mem>>)
      %add3A_1878 = arith.constant 14 : i32
      %add3A_1879 = arith.addi %add3A_1653, %add3A_1878 : i32
      %dma_start3A_1880 = arith.constant 700 : i32
      %dma_start3A_1881 = arith.constant 0 : i32
      %dma_start3A_1882 = tpu.memref_slice %arg9[%dma_start3A_1880, %dma_start3A_1881] : memref<1600x32xf32, #tpu.memory_space<vmem>> -> memref<50x32xf32, #tpu.memory_space<vmem>>
      %dma_start3A_1883 = arith.constant 0 : i32
      %dma_start3A_1884 = arith.constant 0 : i32
      %dma_start3A_1885 = tpu.memref_slice %arg5[%add3A_1879, %dma_start3A_1883, %dma_start3A_1884] : memref<16384x56x128xf32, #tpu.memory_space<hbm>> -> memref<1x50x32xf32, #tpu.memory_space<hbm>>
      %dma_start3A_1886 = tpu.memref_squeeze %dma_start3A_1885 : memref<1x50x32xf32, #tpu.memory_space<hbm>> -> memref<50x32xf32, #tpu.memory_space<hbm>>
      %dma_start3A_1887 = arith.constant 0 : i32
      %dma_start3A_1888 = arith.constant 0 : i32
      %dma_start3A_1889 = tpu.memref_slice %arg5[%add3A_1879, %dma_start3A_1887, %dma_start3A_1888] : memref<16384x56x128xf32, #tpu.memory_space<hbm>> -> memref<1x50x32xf32, #tpu.memory_space<hbm>>
      %dma_start3A_1890 = tpu.memref_squeeze %dma_start3A_1889 : memref<1x50x32xf32, #tpu.memory_space<hbm>> -> memref<50x32xf32, #tpu.memory_space<hbm>>
      %dma_start3A_1891 = arith.constant 700 : i32
      %dma_start3A_1892 = arith.constant 0 : i32
      %dma_start3A_1893 = tpu.memref_slice %arg9[%dma_start3A_1891, %dma_start3A_1892] : memref<1600x32xf32, #tpu.memory_space<vmem>> -> memref<50x32xf32, #tpu.memory_space<vmem>>
      tpu.enqueue_dma source(%dma_start3A_1893 : memref<50x32xf32, #tpu.memory_space<vmem>>) target(%dma_start3A_1890 : memref<50x32xf32, #tpu.memory_space<hbm>>) target_semaphore(%arg14 : memref<!tpu.dma_semaphore, #tpu.memory_space<semaphore_mem>>)
      %add3A_1894 = arith.constant 15 : i32
      %add3A_1895 = arith.addi %add3A_1653, %add3A_1894 : i32
      %dma_start3A_1896 = arith.constant 750 : i32
      %dma_start3A_1897 = arith.constant 0 : i32
      %dma_start3A_1898 = tpu.memref_slice %arg9[%dma_start3A_1896, %dma_start3A_1897] : memref<1600x32xf32, #tpu.memory_space<vmem>> -> memref<50x32xf32, #tpu.memory_space<vmem>>
      %dma_start3A_1899 = arith.constant 0 : i32
      %dma_start3A_1900 = arith.constant 0 : i32
      %dma_start3A_1901 = tpu.memref_slice %arg5[%add3A_1895, %dma_start3A_1899, %dma_start3A_1900] : memref<16384x56x128xf32, #tpu.memory_space<hbm>> -> memref<1x50x32xf32, #tpu.memory_space<hbm>>
      %dma_start3A_1902 = tpu.memref_squeeze %dma_start3A_1901 : memref<1x50x32xf32, #tpu.memory_space<hbm>> -> memref<50x32xf32, #tpu.memory_space<hbm>>
      %dma_start3A_1903 = arith.constant 0 : i32
      %dma_start3A_1904 = arith.constant 0 : i32
      %dma_start3A_1905 = tpu.memref_slice %arg5[%add3A_1895, %dma_start3A_1903, %dma_start3A_1904] : memref<16384x56x128xf32, #tpu.memory_space<hbm>> -> memref<1x50x32xf32, #tpu.memory_space<hbm>>
      %dma_start3A_1906 = tpu.memref_squeeze %dma_start3A_1905 : memref<1x50x32xf32, #tpu.memory_space<hbm>> -> memref<50x32xf32, #tpu.memory_space<hbm>>
      %dma_start3A_1907 = arith.constant 750 : i32
      %dma_start3A_1908 = arith.constant 0 : i32
      %dma_start3A_1909 = tpu.memref_slice %arg9[%dma_start3A_1907, %dma_start3A_1908] : memref<1600x32xf32, #tpu.memory_space<vmem>> -> memref<50x32xf32, #tpu.memory_space<vmem>>
      tpu.enqueue_dma source(%dma_start3A_1909 : memref<50x32xf32, #tpu.memory_space<vmem>>) target(%dma_start3A_1906 : memref<50x32xf32, #tpu.memory_space<hbm>>) target_semaphore(%arg14 : memref<!tpu.dma_semaphore, #tpu.memory_space<semaphore_mem>>)
      %add3A_1910 = arith.constant 16 : i32
      %add3A_1911 = arith.addi %add3A_1653, %add3A_1910 : i32
      %dma_start3A_1912 = arith.constant 800 : i32
      %dma_start3A_1913 = arith.constant 0 : i32
      %dma_start3A_1914 = tpu.memref_slice %arg9[%dma_start3A_1912, %dma_start3A_1913] : memref<1600x32xf32, #tpu.memory_space<vmem>> -> memref<50x32xf32, #tpu.memory_space<vmem>>
      %dma_start3A_1915 = arith.constant 0 : i32
      %dma_start3A_1916 = arith.constant 0 : i32
      %dma_start3A_1917 = tpu.memref_slice %arg5[%add3A_1911, %dma_start3A_1915, %dma_start3A_1916] : memref<16384x56x128xf32, #tpu.memory_space<hbm>> -> memref<1x50x32xf32, #tpu.memory_space<hbm>>
      %dma_start3A_1918 = tpu.memref_squeeze %dma_start3A_1917 : memref<1x50x32xf32, #tpu.memory_space<hbm>> -> memref<50x32xf32, #tpu.memory_space<hbm>>
      %dma_start3A_1919 = arith.constant 0 : i32
      %dma_start3A_1920 = arith.constant 0 : i32
      %dma_start3A_1921 = tpu.memref_slice %arg5[%add3A_1911, %dma_start3A_1919, %dma_start3A_1920] : memref<16384x56x128xf32, #tpu.memory_space<hbm>> -> memref<1x50x32xf32, #tpu.memory_space<hbm>>
      %dma_start3A_1922 = tpu.memref_squeeze %dma_start3A_1921 : memref<1x50x32xf32, #tpu.memory_space<hbm>> -> memref<50x32xf32, #tpu.memory_space<hbm>>
      %dma_start3A_1923 = arith.constant 800 : i32
      %dma_start3A_1924 = arith.constant 0 : i32
      %dma_start3A_1925 = tpu.memref_slice %arg9[%dma_start3A_1923, %dma_start3A_1924] : memref<1600x32xf32, #tpu.memory_space<vmem>> -> memref<50x32xf32, #tpu.memory_space<vmem>>
      tpu.enqueue_dma source(%dma_start3A_1925 : memref<50x32xf32, #tpu.memory_space<vmem>>) target(%dma_start3A_1922 : memref<50x32xf32, #tpu.memory_space<hbm>>) target_semaphore(%arg14 : memref<!tpu.dma_semaphore, #tpu.memory_space<semaphore_mem>>)
      %add3A_1926 = arith.constant 17 : i32
      %add3A_1927 = arith.addi %add3A_1653, %add3A_1926 : i32
      %dma_start3A_1928 = arith.constant 850 : i32
      %dma_start3A_1929 = arith.constant 0 : i32
      %dma_start3A_1930 = tpu.memref_slice %arg9[%dma_start3A_1928, %dma_start3A_1929] : memref<1600x32xf32, #tpu.memory_space<vmem>> -> memref<50x32xf32, #tpu.memory_space<vmem>>
      %dma_start3A_1931 = arith.constant 0 : i32
      %dma_start3A_1932 = arith.constant 0 : i32
      %dma_start3A_1933 = tpu.memref_slice %arg5[%add3A_1927, %dma_start3A_1931, %dma_start3A_1932] : memref<16384x56x128xf32, #tpu.memory_space<hbm>> -> memref<1x50x32xf32, #tpu.memory_space<hbm>>
      %dma_start3A_1934 = tpu.memref_squeeze %dma_start3A_1933 : memref<1x50x32xf32, #tpu.memory_space<hbm>> -> memref<50x32xf32, #tpu.memory_space<hbm>>
      %dma_start3A_1935 = arith.constant 0 : i32
      %dma_start3A_1936 = arith.constant 0 : i32
      %dma_start3A_1937 = tpu.memref_slice %arg5[%add3A_1927, %dma_start3A_1935, %dma_start3A_1936] : memref<16384x56x128xf32, #tpu.memory_space<hbm>> -> memref<1x50x32xf32, #tpu.memory_space<hbm>>
      %dma_start3A_1938 = tpu.memref_squeeze %dma_start3A_1937 : memref<1x50x32xf32, #tpu.memory_space<hbm>> -> memref<50x32xf32, #tpu.memory_space<hbm>>
      %dma_start3A_1939 = arith.constant 850 : i32
      %dma_start3A_1940 = arith.constant 0 : i32
      %dma_start3A_1941 = tpu.memref_slice %arg9[%dma_start3A_1939, %dma_start3A_1940] : memref<1600x32xf32, #tpu.memory_space<vmem>> -> memref<50x32xf32, #tpu.memory_space<vmem>>
      tpu.enqueue_dma source(%dma_start3A_1941 : memref<50x32xf32, #tpu.memory_space<vmem>>) target(%dma_start3A_1938 : memref<50x32xf32, #tpu.memory_space<hbm>>) target_semaphore(%arg14 : memref<!tpu.dma_semaphore, #tpu.memory_space<semaphore_mem>>)
      %add3A_1942 = arith.constant 18 : i32
      %add3A_1943 = arith.addi %add3A_1653, %add3A_1942 : i32
      %dma_start3A_1944 = arith.constant 900 : i32
      %dma_start3A_1945 = arith.constant 0 : i32
      %dma_start3A_1946 = tpu.memref_slice %arg9[%dma_start3A_1944, %dma_start3A_1945] : memref<1600x32xf32, #tpu.memory_space<vmem>> -> memref<50x32xf32, #tpu.memory_space<vmem>>
      %dma_start3A_1947 = arith.constant 0 : i32
      %dma_start3A_1948 = arith.constant 0 : i32
      %dma_start3A_1949 = tpu.memref_slice %arg5[%add3A_1943, %dma_start3A_1947, %dma_start3A_1948] : memref<16384x56x128xf32, #tpu.memory_space<hbm>> -> memref<1x50x32xf32, #tpu.memory_space<hbm>>
      %dma_start3A_1950 = tpu.memref_squeeze %dma_start3A_1949 : memref<1x50x32xf32, #tpu.memory_space<hbm>> -> memref<50x32xf32, #tpu.memory_space<hbm>>
      %dma_start3A_1951 = arith.constant 0 : i32
      %dma_start3A_1952 = arith.constant 0 : i32
      %dma_start3A_1953 = tpu.memref_slice %arg5[%add3A_1943, %dma_start3A_1951, %dma_start3A_1952] : memref<16384x56x128xf32, #tpu.memory_space<hbm>> -> memref<1x50x32xf32, #tpu.memory_space<hbm>>
      %dma_start3A_1954 = tpu.memref_squeeze %dma_start3A_1953 : memref<1x50x32xf32, #tpu.memory_space<hbm>> -> memref<50x32xf32, #tpu.memory_space<hbm>>
      %dma_start3A_1955 = arith.constant 900 : i32
      %dma_start3A_1956 = arith.constant 0 : i32
      %dma_start3A_1957 = tpu.memref_slice %arg9[%dma_start3A_1955, %dma_start3A_1956] : memref<1600x32xf32, #tpu.memory_space<vmem>> -> memref<50x32xf32, #tpu.memory_space<vmem>>
      tpu.enqueue_dma source(%dma_start3A_1957 : memref<50x32xf32, #tpu.memory_space<vmem>>) target(%dma_start3A_1954 : memref<50x32xf32, #tpu.memory_space<hbm>>) target_semaphore(%arg14 : memref<!tpu.dma_semaphore, #tpu.memory_space<semaphore_mem>>)
      %add3A_1958 = arith.constant 19 : i32
      %add3A_1959 = arith.addi %add3A_1653, %add3A_1958 : i32
      %dma_start3A_1960 = arith.constant 950 : i32
      %dma_start3A_1961 = arith.constant 0 : i32
      %dma_start3A_1962 = tpu.memref_slice %arg9[%dma_start3A_1960, %dma_start3A_1961] : memref<1600x32xf32, #tpu.memory_space<vmem>> -> memref<50x32xf32, #tpu.memory_space<vmem>>
      %dma_start3A_1963 = arith.constant 0 : i32
      %dma_start3A_1964 = arith.constant 0 : i32
      %dma_start3A_1965 = tpu.memref_slice %arg5[%add3A_1959, %dma_start3A_1963, %dma_start3A_1964] : memref<16384x56x128xf32, #tpu.memory_space<hbm>> -> memref<1x50x32xf32, #tpu.memory_space<hbm>>
      %dma_start3A_1966 = tpu.memref_squeeze %dma_start3A_1965 : memref<1x50x32xf32, #tpu.memory_space<hbm>> -> memref<50x32xf32, #tpu.memory_space<hbm>>
      %dma_start3A_1967 = arith.constant 0 : i32
      %dma_start3A_1968 = arith.constant 0 : i32
      %dma_start3A_1969 = tpu.memref_slice %arg5[%add3A_1959, %dma_start3A_1967, %dma_start3A_1968] : memref<16384x56x128xf32, #tpu.memory_space<hbm>> -> memref<1x50x32xf32, #tpu.memory_space<hbm>>
      %dma_start3A_1970 = tpu.memref_squeeze %dma_start3A_1969 : memref<1x50x32xf32, #tpu.memory_space<hbm>> -> memref<50x32xf32, #tpu.memory_space<hbm>>
      %dma_start3A_1971 = arith.constant 950 : i32
      %dma_start3A_1972 = arith.constant 0 : i32
      %dma_start3A_1973 = tpu.memref_slice %arg9[%dma_start3A_1971, %dma_start3A_1972] : memref<1600x32xf32, #tpu.memory_space<vmem>> -> memref<50x32xf32, #tpu.memory_space<vmem>>
      tpu.enqueue_dma source(%dma_start3A_1973 : memref<50x32xf32, #tpu.memory_space<vmem>>) target(%dma_start3A_1970 : memref<50x32xf32, #tpu.memory_space<hbm>>) target_semaphore(%arg14 : memref<!tpu.dma_semaphore, #tpu.memory_space<semaphore_mem>>)
      %add3A_1974 = arith.constant 20 : i32
      %add3A_1975 = arith.addi %add3A_1653, %add3A_1974 : i32
      %dma_start3A_1976 = arith.constant 1000 : i32
      %dma_start3A_1977 = arith.constant 0 : i32
      %dma_start3A_1978 = tpu.memref_slice %arg9[%dma_start3A_1976, %dma_start3A_1977] : memref<1600x32xf32, #tpu.memory_space<vmem>> -> memref<50x32xf32, #tpu.memory_space<vmem>>
      %dma_start3A_1979 = arith.constant 0 : i32
      %dma_start3A_1980 = arith.constant 0 : i32
      %dma_start3A_1981 = tpu.memref_slice %arg5[%add3A_1975, %dma_start3A_1979, %dma_start3A_1980] : memref<16384x56x128xf32, #tpu.memory_space<hbm>> -> memref<1x50x32xf32, #tpu.memory_space<hbm>>
      %dma_start3A_1982 = tpu.memref_squeeze %dma_start3A_1981 : memref<1x50x32xf32, #tpu.memory_space<hbm>> -> memref<50x32xf32, #tpu.memory_space<hbm>>
      %dma_start3A_1983 = arith.constant 0 : i32
      %dma_start3A_1984 = arith.constant 0 : i32
      %dma_start3A_1985 = tpu.memref_slice %arg5[%add3A_1975, %dma_start3A_1983, %dma_start3A_1984] : memref<16384x56x128xf32, #tpu.memory_space<hbm>> -> memref<1x50x32xf32, #tpu.memory_space<hbm>>
      %dma_start3A_1986 = tpu.memref_squeeze %dma_start3A_1985 : memref<1x50x32xf32, #tpu.memory_space<hbm>> -> memref<50x32xf32, #tpu.memory_space<hbm>>
      %dma_start3A_1987 = arith.constant 1000 : i32
      %dma_start3A_1988 = arith.constant 0 : i32
      %dma_start3A_1989 = tpu.memref_slice %arg9[%dma_start3A_1987, %dma_start3A_1988] : memref<1600x32xf32, #tpu.memory_space<vmem>> -> memref<50x32xf32, #tpu.memory_space<vmem>>
      tpu.enqueue_dma source(%dma_start3A_1989 : memref<50x32xf32, #tpu.memory_space<vmem>>) target(%dma_start3A_1986 : memref<50x32xf32, #tpu.memory_space<hbm>>) target_semaphore(%arg14 : memref<!tpu.dma_semaphore, #tpu.memory_space<semaphore_mem>>)
      %add3A_1990 = arith.constant 21 : i32
      %add3A_1991 = arith.addi %add3A_1653, %add3A_1990 : i32
      %dma_start3A_1992 = arith.constant 1050 : i32
      %dma_start3A_1993 = arith.constant 0 : i32
      %dma_start3A_1994 = tpu.memref_slice %arg9[%dma_start3A_1992, %dma_start3A_1993] : memref<1600x32xf32, #tpu.memory_space<vmem>> -> memref<50x32xf32, #tpu.memory_space<vmem>>
      %dma_start3A_1995 = arith.constant 0 : i32
      %dma_start3A_1996 = arith.constant 0 : i32
      %dma_start3A_1997 = tpu.memref_slice %arg5[%add3A_1991, %dma_start3A_1995, %dma_start3A_1996] : memref<16384x56x128xf32, #tpu.memory_space<hbm>> -> memref<1x50x32xf32, #tpu.memory_space<hbm>>
      %dma_start3A_1998 = tpu.memref_squeeze %dma_start3A_1997 : memref<1x50x32xf32, #tpu.memory_space<hbm>> -> memref<50x32xf32, #tpu.memory_space<hbm>>
      %dma_start3A_1999 = arith.constant 0 : i32
      %dma_start3A_2000 = arith.constant 0 : i32
      %dma_start3A_2001 = tpu.memref_slice %arg5[%add3A_1991, %dma_start3A_1999, %dma_start3A_2000] : memref<16384x56x128xf32, #tpu.memory_space<hbm>> -> memref<1x50x32xf32, #tpu.memory_space<hbm>>
      %dma_start3A_2002 = tpu.memref_squeeze %dma_start3A_2001 : memref<1x50x32xf32, #tpu.memory_space<hbm>> -> memref<50x32xf32, #tpu.memory_space<hbm>>
      %dma_start3A_2003 = arith.constant 1050 : i32
      %dma_start3A_2004 = arith.constant 0 : i32
      %dma_start3A_2005 = tpu.memref_slice %arg9[%dma_start3A_2003, %dma_start3A_2004] : memref<1600x32xf32, #tpu.memory_space<vmem>> -> memref<50x32xf32, #tpu.memory_space<vmem>>
      tpu.enqueue_dma source(%dma_start3A_2005 : memref<50x32xf32, #tpu.memory_space<vmem>>) target(%dma_start3A_2002 : memref<50x32xf32, #tpu.memory_space<hbm>>) target_semaphore(%arg14 : memref<!tpu.dma_semaphore, #tpu.memory_space<semaphore_mem>>)
      %add3A_2006 = arith.constant 22 : i32
      %add3A_2007 = arith.addi %add3A_1653, %add3A_2006 : i32
      %dma_start3A_2008 = arith.constant 1100 : i32
      %dma_start3A_2009 = arith.constant 0 : i32
      %dma_start3A_2010 = tpu.memref_slice %arg9[%dma_start3A_2008, %dma_start3A_2009] : memref<1600x32xf32, #tpu.memory_space<vmem>> -> memref<50x32xf32, #tpu.memory_space<vmem>>
      %dma_start3A_2011 = arith.constant 0 : i32
      %dma_start3A_2012 = arith.constant 0 : i32
      %dma_start3A_2013 = tpu.memref_slice %arg5[%add3A_2007, %dma_start3A_2011, %dma_start3A_2012] : memref<16384x56x128xf32, #tpu.memory_space<hbm>> -> memref<1x50x32xf32, #tpu.memory_space<hbm>>
      %dma_start3A_2014 = tpu.memref_squeeze %dma_start3A_2013 : memref<1x50x32xf32, #tpu.memory_space<hbm>> -> memref<50x32xf32, #tpu.memory_space<hbm>>
      %dma_start3A_2015 = arith.constant 0 : i32
      %dma_start3A_2016 = arith.constant 0 : i32
      %dma_start3A_2017 = tpu.memref_slice %arg5[%add3A_2007, %dma_start3A_2015, %dma_start3A_2016] : memref<16384x56x128xf32, #tpu.memory_space<hbm>> -> memref<1x50x32xf32, #tpu.memory_space<hbm>>
      %dma_start3A_2018 = tpu.memref_squeeze %dma_start3A_2017 : memref<1x50x32xf32, #tpu.memory_space<hbm>> -> memref<50x32xf32, #tpu.memory_space<hbm>>
      %dma_start3A_2019 = arith.constant 1100 : i32
      %dma_start3A_2020 = arith.constant 0 : i32
      %dma_start3A_2021 = tpu.memref_slice %arg9[%dma_start3A_2019, %dma_start3A_2020] : memref<1600x32xf32, #tpu.memory_space<vmem>> -> memref<50x32xf32, #tpu.memory_space<vmem>>
      tpu.enqueue_dma source(%dma_start3A_2021 : memref<50x32xf32, #tpu.memory_space<vmem>>) target(%dma_start3A_2018 : memref<50x32xf32, #tpu.memory_space<hbm>>) target_semaphore(%arg14 : memref<!tpu.dma_semaphore, #tpu.memory_space<semaphore_mem>>)
      %add3A_2022 = arith.constant 23 : i32
      %add3A_2023 = arith.addi %add3A_1653, %add3A_2022 : i32
      %dma_start3A_2024 = arith.constant 1150 : i32
      %dma_start3A_2025 = arith.constant 0 : i32
      %dma_start3A_2026 = tpu.memref_slice %arg9[%dma_start3A_2024, %dma_start3A_2025] : memref<1600x32xf32, #tpu.memory_space<vmem>> -> memref<50x32xf32, #tpu.memory_space<vmem>>
      %dma_start3A_2027 = arith.constant 0 : i32
      %dma_start3A_2028 = arith.constant 0 : i32
      %dma_start3A_2029 = tpu.memref_slice %arg5[%add3A_2023, %dma_start3A_2027, %dma_start3A_2028] : memref<16384x56x128xf32, #tpu.memory_space<hbm>> -> memref<1x50x32xf32, #tpu.memory_space<hbm>>
      %dma_start3A_2030 = tpu.memref_squeeze %dma_start3A_2029 : memref<1x50x32xf32, #tpu.memory_space<hbm>> -> memref<50x32xf32, #tpu.memory_space<hbm>>
      %dma_start3A_2031 = arith.constant 0 : i32
      %dma_start3A_2032 = arith.constant 0 : i32
      %dma_start3A_2033 = tpu.memref_slice %arg5[%add3A_2023, %dma_start3A_2031, %dma_start3A_2032] : memref<16384x56x128xf32, #tpu.memory_space<hbm>> -> memref<1x50x32xf32, #tpu.memory_space<hbm>>
      %dma_start3A_2034 = tpu.memref_squeeze %dma_start3A_2033 : memref<1x50x32xf32, #tpu.memory_space<hbm>> -> memref<50x32xf32, #tpu.memory_space<hbm>>
      %dma_start3A_2035 = arith.constant 1150 : i32
      %dma_start3A_2036 = arith.constant 0 : i32
      %dma_start3A_2037 = tpu.memref_slice %arg9[%dma_start3A_2035, %dma_start3A_2036] : memref<1600x32xf32, #tpu.memory_space<vmem>> -> memref<50x32xf32, #tpu.memory_space<vmem>>
      tpu.enqueue_dma source(%dma_start3A_2037 : memref<50x32xf32, #tpu.memory_space<vmem>>) target(%dma_start3A_2034 : memref<50x32xf32, #tpu.memory_space<hbm>>) target_semaphore(%arg14 : memref<!tpu.dma_semaphore, #tpu.memory_space<semaphore_mem>>)
      %add3A_2038 = arith.constant 24 : i32
      %add3A_2039 = arith.addi %add3A_1653, %add3A_2038 : i32
      %dma_start3A_2040 = arith.constant 1200 : i32
      %dma_start3A_2041 = arith.constant 0 : i32
      %dma_start3A_2042 = tpu.memref_slice %arg9[%dma_start3A_2040, %dma_start3A_2041] : memref<1600x32xf32, #tpu.memory_space<vmem>> -> memref<50x32xf32, #tpu.memory_space<vmem>>
      %dma_start3A_2043 = arith.constant 0 : i32
      %dma_start3A_2044 = arith.constant 0 : i32
      %dma_start3A_2045 = tpu.memref_slice %arg5[%add3A_2039, %dma_start3A_2043, %dma_start3A_2044] : memref<16384x56x128xf32, #tpu.memory_space<hbm>> -> memref<1x50x32xf32, #tpu.memory_space<hbm>>
      %dma_start3A_2046 = tpu.memref_squeeze %dma_start3A_2045 : memref<1x50x32xf32, #tpu.memory_space<hbm>> -> memref<50x32xf32, #tpu.memory_space<hbm>>
      %dma_start3A_2047 = arith.constant 0 : i32
      %dma_start3A_2048 = arith.constant 0 : i32
      %dma_start3A_2049 = tpu.memref_slice %arg5[%add3A_2039, %dma_start3A_2047, %dma_start3A_2048] : memref<16384x56x128xf32, #tpu.memory_space<hbm>> -> memref<1x50x32xf32, #tpu.memory_space<hbm>>
      %dma_start3A_2050 = tpu.memref_squeeze %dma_start3A_2049 : memref<1x50x32xf32, #tpu.memory_space<hbm>> -> memref<50x32xf32, #tpu.memory_space<hbm>>
      %dma_start3A_2051 = arith.constant 1200 : i32
      %dma_start3A_2052 = arith.constant 0 : i32
      %dma_start3A_2053 = tpu.memref_slice %arg9[%dma_start3A_2051, %dma_start3A_2052] : memref<1600x32xf32, #tpu.memory_space<vmem>> -> memref<50x32xf32, #tpu.memory_space<vmem>>
      tpu.enqueue_dma source(%dma_start3A_2053 : memref<50x32xf32, #tpu.memory_space<vmem>>) target(%dma_start3A_2050 : memref<50x32xf32, #tpu.memory_space<hbm>>) target_semaphore(%arg14 : memref<!tpu.dma_semaphore, #tpu.memory_space<semaphore_mem>>)
      %add3A_2054 = arith.constant 25 : i32
      %add3A_2055 = arith.addi %add3A_1653, %add3A_2054 : i32
      %dma_start3A_2056 = arith.constant 1250 : i32
      %dma_start3A_2057 = arith.constant 0 : i32
      %dma_start3A_2058 = tpu.memref_slice %arg9[%dma_start3A_2056, %dma_start3A_2057] : memref<1600x32xf32, #tpu.memory_space<vmem>> -> memref<50x32xf32, #tpu.memory_space<vmem>>
      %dma_start3A_2059 = arith.constant 0 : i32
      %dma_start3A_2060 = arith.constant 0 : i32
      %dma_start3A_2061 = tpu.memref_slice %arg5[%add3A_2055, %dma_start3A_2059, %dma_start3A_2060] : memref<16384x56x128xf32, #tpu.memory_space<hbm>> -> memref<1x50x32xf32, #tpu.memory_space<hbm>>
      %dma_start3A_2062 = tpu.memref_squeeze %dma_start3A_2061 : memref<1x50x32xf32, #tpu.memory_space<hbm>> -> memref<50x32xf32, #tpu.memory_space<hbm>>
      %dma_start3A_2063 = arith.constant 0 : i32
      %dma_start3A_2064 = arith.constant 0 : i32
      %dma_start3A_2065 = tpu.memref_slice %arg5[%add3A_2055, %dma_start3A_2063, %dma_start3A_2064] : memref<16384x56x128xf32, #tpu.memory_space<hbm>> -> memref<1x50x32xf32, #tpu.memory_space<hbm>>
      %dma_start3A_2066 = tpu.memref_squeeze %dma_start3A_2065 : memref<1x50x32xf32, #tpu.memory_space<hbm>> -> memref<50x32xf32, #tpu.memory_space<hbm>>
      %dma_start3A_2067 = arith.constant 1250 : i32
      %dma_start3A_2068 = arith.constant 0 : i32
      %dma_start3A_2069 = tpu.memref_slice %arg9[%dma_start3A_2067, %dma_start3A_2068] : memref<1600x32xf32, #tpu.memory_space<vmem>> -> memref<50x32xf32, #tpu.memory_space<vmem>>
      tpu.enqueue_dma source(%dma_start3A_2069 : memref<50x32xf32, #tpu.memory_space<vmem>>) target(%dma_start3A_2066 : memref<50x32xf32, #tpu.memory_space<hbm>>) target_semaphore(%arg14 : memref<!tpu.dma_semaphore, #tpu.memory_space<semaphore_mem>>)
      %add3A_2070 = arith.constant 26 : i32
      %add3A_2071 = arith.addi %add3A_1653, %add3A_2070 : i32
      %dma_start3A_2072 = arith.constant 1300 : i32
      %dma_start3A_2073 = arith.constant 0 : i32
      %dma_start3A_2074 = tpu.memref_slice %arg9[%dma_start3A_2072, %dma_start3A_2073] : memref<1600x32xf32, #tpu.memory_space<vmem>> -> memref<50x32xf32, #tpu.memory_space<vmem>>
      %dma_start3A_2075 = arith.constant 0 : i32
      %dma_start3A_2076 = arith.constant 0 : i32
      %dma_start3A_2077 = tpu.memref_slice %arg5[%add3A_2071, %dma_start3A_2075, %dma_start3A_2076] : memref<16384x56x128xf32, #tpu.memory_space<hbm>> -> memref<1x50x32xf32, #tpu.memory_space<hbm>>
      %dma_start3A_2078 = tpu.memref_squeeze %dma_start3A_2077 : memref<1x50x32xf32, #tpu.memory_space<hbm>> -> memref<50x32xf32, #tpu.memory_space<hbm>>
      %dma_start3A_2079 = arith.constant 0 : i32
      %dma_start3A_2080 = arith.constant 0 : i32
      %dma_start3A_2081 = tpu.memref_slice %arg5[%add3A_2071, %dma_start3A_2079, %dma_start3A_2080] : memref<16384x56x128xf32, #tpu.memory_space<hbm>> -> memref<1x50x32xf32, #tpu.memory_space<hbm>>
      %dma_start3A_2082 = tpu.memref_squeeze %dma_start3A_2081 : memref<1x50x32xf32, #tpu.memory_space<hbm>> -> memref<50x32xf32, #tpu.memory_space<hbm>>
      %dma_start3A_2083 = arith.constant 1300 : i32
      %dma_start3A_2084 = arith.constant 0 : i32
      %dma_start3A_2085 = tpu.memref_slice %arg9[%dma_start3A_2083, %dma_start3A_2084] : memref<1600x32xf32, #tpu.memory_space<vmem>> -> memref<50x32xf32, #tpu.memory_space<vmem>>
      tpu.enqueue_dma source(%dma_start3A_2085 : memref<50x32xf32, #tpu.memory_space<vmem>>) target(%dma_start3A_2082 : memref<50x32xf32, #tpu.memory_space<hbm>>) target_semaphore(%arg14 : memref<!tpu.dma_semaphore, #tpu.memory_space<semaphore_mem>>)
      %add3A_2086 = arith.constant 27 : i32
      %add3A_2087 = arith.addi %add3A_1653, %add3A_2086 : i32
      %dma_start3A_2088 = arith.constant 1350 : i32
      %dma_start3A_2089 = arith.constant 0 : i32
      %dma_start3A_2090 = tpu.memref_slice %arg9[%dma_start3A_2088, %dma_start3A_2089] : memref<1600x32xf32, #tpu.memory_space<vmem>> -> memref<50x32xf32, #tpu.memory_space<vmem>>
      %dma_start3A_2091 = arith.constant 0 : i32
      %dma_start3A_2092 = arith.constant 0 : i32
      %dma_start3A_2093 = tpu.memref_slice %arg5[%add3A_2087, %dma_start3A_2091, %dma_start3A_2092] : memref<16384x56x128xf32, #tpu.memory_space<hbm>> -> memref<1x50x32xf32, #tpu.memory_space<hbm>>
      %dma_start3A_2094 = tpu.memref_squeeze %dma_start3A_2093 : memref<1x50x32xf32, #tpu.memory_space<hbm>> -> memref<50x32xf32, #tpu.memory_space<hbm>>
      %dma_start3A_2095 = arith.constant 0 : i32
      %dma_start3A_2096 = arith.constant 0 : i32
      %dma_start3A_2097 = tpu.memref_slice %arg5[%add3A_2087, %dma_start3A_2095, %dma_start3A_2096] : memref<16384x56x128xf32, #tpu.memory_space<hbm>> -> memref<1x50x32xf32, #tpu.memory_space<hbm>>
      %dma_start3A_2098 = tpu.memref_squeeze %dma_start3A_2097 : memref<1x50x32xf32, #tpu.memory_space<hbm>> -> memref<50x32xf32, #tpu.memory_space<hbm>>
      %dma_start3A_2099 = arith.constant 1350 : i32
      %dma_start3A_2100 = arith.constant 0 : i32
      %dma_start3A_2101 = tpu.memref_slice %arg9[%dma_start3A_2099, %dma_start3A_2100] : memref<1600x32xf32, #tpu.memory_space<vmem>> -> memref<50x32xf32, #tpu.memory_space<vmem>>
      tpu.enqueue_dma source(%dma_start3A_2101 : memref<50x32xf32, #tpu.memory_space<vmem>>) target(%dma_start3A_2098 : memref<50x32xf32, #tpu.memory_space<hbm>>) target_semaphore(%arg14 : memref<!tpu.dma_semaphore, #tpu.memory_space<semaphore_mem>>)
      %add3A_2102 = arith.constant 28 : i32
      %add3A_2103 = arith.addi %add3A_1653, %add3A_2102 : i32
      %dma_start3A_2104 = arith.constant 1400 : i32
      %dma_start3A_2105 = arith.constant 0 : i32
      %dma_start3A_2106 = tpu.memref_slice %arg9[%dma_start3A_2104, %dma_start3A_2105] : memref<1600x32xf32, #tpu.memory_space<vmem>> -> memref<50x32xf32, #tpu.memory_space<vmem>>
      %dma_start3A_2107 = arith.constant 0 : i32
      %dma_start3A_2108 = arith.constant 0 : i32
      %dma_start3A_2109 = tpu.memref_slice %arg5[%add3A_2103, %dma_start3A_2107, %dma_start3A_2108] : memref<16384x56x128xf32, #tpu.memory_space<hbm>> -> memref<1x50x32xf32, #tpu.memory_space<hbm>>
      %dma_start3A_2110 = tpu.memref_squeeze %dma_start3A_2109 : memref<1x50x32xf32, #tpu.memory_space<hbm>> -> memref<50x32xf32, #tpu.memory_space<hbm>>
      %dma_start3A_2111 = arith.constant 0 : i32
      %dma_start3A_2112 = arith.constant 0 : i32
      %dma_start3A_2113 = tpu.memref_slice %arg5[%add3A_2103, %dma_start3A_2111, %dma_start3A_2112] : memref<16384x56x128xf32, #tpu.memory_space<hbm>> -> memref<1x50x32xf32, #tpu.memory_space<hbm>>
      %dma_start3A_2114 = tpu.memref_squeeze %dma_start3A_2113 : memref<1x50x32xf32, #tpu.memory_space<hbm>> -> memref<50x32xf32, #tpu.memory_space<hbm>>
      %dma_start3A_2115 = arith.constant 1400 : i32
      %dma_start3A_2116 = arith.constant 0 : i32
      %dma_start3A_2117 = tpu.memref_slice %arg9[%dma_start3A_2115, %dma_start3A_2116] : memref<1600x32xf32, #tpu.memory_space<vmem>> -> memref<50x32xf32, #tpu.memory_space<vmem>>
      tpu.enqueue_dma source(%dma_start3A_2117 : memref<50x32xf32, #tpu.memory_space<vmem>>) target(%dma_start3A_2114 : memref<50x32xf32, #tpu.memory_space<hbm>>) target_semaphore(%arg14 : memref<!tpu.dma_semaphore, #tpu.memory_space<semaphore_mem>>)
      %add3A_2118 = arith.constant 29 : i32
      %add3A_2119 = arith.addi %add3A_1653, %add3A_2118 : i32
      %dma_start3A_2120 = arith.constant 1450 : i32
      %dma_start3A_2121 = arith.constant 0 : i32
      %dma_start3A_2122 = tpu.memref_slice %arg9[%dma_start3A_2120, %dma_start3A_2121] : memref<1600x32xf32, #tpu.memory_space<vmem>> -> memref<50x32xf32, #tpu.memory_space<vmem>>
      %dma_start3A_2123 = arith.constant 0 : i32
      %dma_start3A_2124 = arith.constant 0 : i32
      %dma_start3A_2125 = tpu.memref_slice %arg5[%add3A_2119, %dma_start3A_2123, %dma_start3A_2124] : memref<16384x56x128xf32, #tpu.memory_space<hbm>> -> memref<1x50x32xf32, #tpu.memory_space<hbm>>
      %dma_start3A_2126 = tpu.memref_squeeze %dma_start3A_2125 : memref<1x50x32xf32, #tpu.memory_space<hbm>> -> memref<50x32xf32, #tpu.memory_space<hbm>>
      %dma_start3A_2127 = arith.constant 0 : i32
      %dma_start3A_2128 = arith.constant 0 : i32
      %dma_start3A_2129 = tpu.memref_slice %arg5[%add3A_2119, %dma_start3A_2127, %dma_start3A_2128] : memref<16384x56x128xf32, #tpu.memory_space<hbm>> -> memref<1x50x32xf32, #tpu.memory_space<hbm>>
      %dma_start3A_2130 = tpu.memref_squeeze %dma_start3A_2129 : memref<1x50x32xf32, #tpu.memory_space<hbm>> -> memref<50x32xf32, #tpu.memory_space<hbm>>
      %dma_start3A_2131 = arith.constant 1450 : i32
      %dma_start3A_2132 = arith.constant 0 : i32
      %dma_start3A_2133 = tpu.memref_slice %arg9[%dma_start3A_2131, %dma_start3A_2132] : memref<1600x32xf32, #tpu.memory_space<vmem>> -> memref<50x32xf32, #tpu.memory_space<vmem>>
      tpu.enqueue_dma source(%dma_start3A_2133 : memref<50x32xf32, #tpu.memory_space<vmem>>) target(%dma_start3A_2130 : memref<50x32xf32, #tpu.memory_space<hbm>>) target_semaphore(%arg14 : memref<!tpu.dma_semaphore, #tpu.memory_space<semaphore_mem>>)
      %add3A_2134 = arith.constant 30 : i32
      %add3A_2135 = arith.addi %add3A_1653, %add3A_2134 : i32
      %dma_start3A_2136 = arith.constant 1500 : i32
      %dma_start3A_2137 = arith.constant 0 : i32
      %dma_start3A_2138 = tpu.memref_slice %arg9[%dma_start3A_2136, %dma_start3A_2137] : memref<1600x32xf32, #tpu.memory_space<vmem>> -> memref<50x32xf32, #tpu.memory_space<vmem>>
      %dma_start3A_2139 = arith.constant 0 : i32
      %dma_start3A_2140 = arith.constant 0 : i32
      %dma_start3A_2141 = tpu.memref_slice %arg5[%add3A_2135, %dma_start3A_2139, %dma_start3A_2140] : memref<16384x56x128xf32, #tpu.memory_space<hbm>> -> memref<1x50x32xf32, #tpu.memory_space<hbm>>
      %dma_start3A_2142 = tpu.memref_squeeze %dma_start3A_2141 : memref<1x50x32xf32, #tpu.memory_space<hbm>> -> memref<50x32xf32, #tpu.memory_space<hbm>>
      %dma_start3A_2143 = arith.constant 0 : i32
      %dma_start3A_2144 = arith.constant 0 : i32
      %dma_start3A_2145 = tpu.memref_slice %arg5[%add3A_2135, %dma_start3A_2143, %dma_start3A_2144] : memref<16384x56x128xf32, #tpu.memory_space<hbm>> -> memref<1x50x32xf32, #tpu.memory_space<hbm>>
      %dma_start3A_2146 = tpu.memref_squeeze %dma_start3A_2145 : memref<1x50x32xf32, #tpu.memory_space<hbm>> -> memref<50x32xf32, #tpu.memory_space<hbm>>
      %dma_start3A_2147 = arith.constant 1500 : i32
      %dma_start3A_2148 = arith.constant 0 : i32
      %dma_start3A_2149 = tpu.memref_slice %arg9[%dma_start3A_2147, %dma_start3A_2148] : memref<1600x32xf32, #tpu.memory_space<vmem>> -> memref<50x32xf32, #tpu.memory_space<vmem>>
      tpu.enqueue_dma source(%dma_start3A_2149 : memref<50x32xf32, #tpu.memory_space<vmem>>) target(%dma_start3A_2146 : memref<50x32xf32, #tpu.memory_space<hbm>>) target_semaphore(%arg14 : memref<!tpu.dma_semaphore, #tpu.memory_space<semaphore_mem>>)
      %add3A_2150 = arith.constant 31 : i32
      %add3A_2151 = arith.addi %add3A_1653, %add3A_2150 : i32
      %dma_start3A_2152 = arith.constant 1550 : i32
      %dma_start3A_2153 = arith.constant 0 : i32
      %dma_start3A_2154 = tpu.memref_slice %arg9[%dma_start3A_2152, %dma_start3A_2153] : memref<1600x32xf32, #tpu.memory_space<vmem>> -> memref<50x32xf32, #tpu.memory_space<vmem>>
      %dma_start3A_2155 = arith.constant 0 : i32
      %dma_start3A_2156 = arith.constant 0 : i32
      %dma_start3A_2157 = tpu.memref_slice %arg5[%add3A_2151, %dma_start3A_2155, %dma_start3A_2156] : memref<16384x56x128xf32, #tpu.memory_space<hbm>> -> memref<1x50x32xf32, #tpu.memory_space<hbm>>
      %dma_start3A_2158 = tpu.memref_squeeze %dma_start3A_2157 : memref<1x50x32xf32, #tpu.memory_space<hbm>> -> memref<50x32xf32, #tpu.memory_space<hbm>>
      %dma_start3A_2159 = arith.constant 0 : i32
      %dma_start3A_2160 = arith.constant 0 : i32
      %dma_start3A_2161 = tpu.memref_slice %arg5[%add3A_2151, %dma_start3A_2159, %dma_start3A_2160] : memref<16384x56x128xf32, #tpu.memory_space<hbm>> -> memref<1x50x32xf32, #tpu.memory_space<hbm>>
      %dma_start3A_2162 = tpu.memref_squeeze %dma_start3A_2161 : memref<1x50x32xf32, #tpu.memory_space<hbm>> -> memref<50x32xf32, #tpu.memory_space<hbm>>
      %dma_start3A_2163 = arith.constant 1550 : i32
      %dma_start3A_2164 = arith.constant 0 : i32
      %dma_start3A_2165 = tpu.memref_slice %arg9[%dma_start3A_2163, %dma_start3A_2164] : memref<1600x32xf32, #tpu.memory_space<vmem>> -> memref<50x32xf32, #tpu.memory_space<vmem>>
      tpu.enqueue_dma source(%dma_start3A_2165 : memref<50x32xf32, #tpu.memory_space<vmem>>) target(%dma_start3A_2162 : memref<50x32xf32, #tpu.memory_space<hbm>>) target_semaphore(%arg14 : memref<!tpu.dma_semaphore, #tpu.memory_space<semaphore_mem>>)
      %add3A_2166 = arith.constant 2 : i32
      %add3A_2167 = arith.addi %add3A_1625, %add3A_2166 : i32
      %lt3A_2168 = arith.constant 16 : i32
      %lt3A_2169 = arith.cmpi slt, %add3A_2167, %lt3A_2168 : i32
      %convert_element_type3A_2170 = arith.extui %lt3A_2169 : i1 to i32
      %cond3A_2171 = arith.constant 0 : i32
      %cond3A_2172 = arith.cmpi ne, %convert_element_type3A_2170, %cond3A_2171 : i32
      scf.if %cond3A_2172 {
        %add3A_2173 = arith.constant 2 : i32
        %add3A_2174 = arith.addi %add3A_1625, %add3A_2173 : i32
        %mul3A_2175 = arith.constant 1600 : i32
        %mul3A_2176 = arith.muli %add3A_2174, %mul3A_2175 : i32
        %add3A_2177 = arith.addi %mul3A_4, %mul3A_2176 : i32
        %dma_start3A_2178 = arith.constant 1 : i32
        %dma_start3A_2179 = arith.constant 0 : i32
        %dma_start3A_2180 = tpu.memref_slice %arg6[%dma_start3A_2178, %dma_start3A_2179] : memref<2x1600xi32, #tpu.memory_space<vmem>> -> memref<1x1600xi32, #tpu.memory_space<vmem>>
        %dma_start3A_2181 = tpu.memref_squeeze %dma_start3A_2180 : memref<1x1600xi32, #tpu.memory_space<vmem>> -> memref<1600xi32, #tpu.memory_space<vmem>>
        %dma_start3A_2182 = tpu.memref_slice %arg4[%add3A_2177] : memref<819200xi32, #tpu.memory_space<hbm>> -> memref<1600xi32, #tpu.memory_space<hbm>>
        %dma_start3A_2183 = arith.constant 0 : i32
        %dma_start3A_2184 = tpu.memref_slice %arg6[%dma_start3A_2178, %dma_start3A_2183] : memref<2x1600xi32, #tpu.memory_space<vmem>> -> memref<1x1600xi32, #tpu.memory_space<vmem>>
        %dma_start3A_2185 = tpu.memref_squeeze %dma_start3A_2184 : memref<1x1600xi32, #tpu.memory_space<vmem>> -> memref<1600xi32, #tpu.memory_space<vmem>>
        %dma_start3A_2186 = tpu.memref_slice %arg4[%add3A_2177] : memref<819200xi32, #tpu.memory_space<hbm>> -> memref<1600xi32, #tpu.memory_space<hbm>>
        tpu.enqueue_dma source(%dma_start3A_2186 : memref<1600xi32, #tpu.memory_space<hbm>>) target(%dma_start3A_2185 : memref<1600xi32, #tpu.memory_space<vmem>>) target_semaphore(%arg10 : memref<!tpu.dma_semaphore, #tpu.memory_space<semaphore_mem>>)
      } else {
      }
    }
    %scan3A_43 = arith.constant 8 : i32
    %mul3A_44 = arith.constant 512 : i32
    %mul3A_45 = arith.muli %add3A, %mul3A_44 : i32
    %add3A_46 = arith.constant 448 : i32
    %add3A_47 = arith.addi %mul3A_45, %add3A_46 : i32
    %add3A_48 = arith.constant 0 : i32
    %add3A_49 = arith.addi %add3A_47, %add3A_48 : i32
    %dma_wait3A = arith.constant 0 : i32
    %dma_wait3A_50 = arith.constant 0 : i32
    %dma_wait3A_51 = tpu.memref_slice %arg8[%dma_wait3A, %dma_wait3A_50] : memref<1600x32xf32, #tpu.memory_space<vmem>> -> memref<50x32xf32, #tpu.memory_space<vmem>>
    %dma_wait3A_52 = arith.constant 0 : i32
    %dma_wait3A_53 = arith.constant 0 : i32
    %dma_wait3A_54 = tpu.memref_slice %arg5[%add3A_49, %dma_wait3A_52, %dma_wait3A_53] : memref<16384x56x128xf32, #tpu.memory_space<hbm>> -> memref<1x50x32xf32, #tpu.memory_space<hbm>>
    %dma_wait3A_55 = tpu.memref_squeeze %dma_wait3A_54 : memref<1x50x32xf32, #tpu.memory_space<hbm>> -> memref<50x32xf32, #tpu.memory_space<hbm>>
    %dma_wait3A_56 = arith.constant 0 : i32
    %dma_wait3A_57 = arith.constant 0 : i32
    %dma_wait3A_58 = tpu.memref_slice %arg5[%add3A_49, %dma_wait3A_56, %dma_wait3A_57] : memref<16384x56x128xf32, #tpu.memory_space<hbm>> -> memref<1x50x32xf32, #tpu.memory_space<hbm>>
    %dma_wait3A_59 = tpu.memref_squeeze %dma_wait3A_58 : memref<1x50x32xf32, #tpu.memory_space<hbm>> -> memref<50x32xf32, #tpu.memory_space<hbm>>
    %dma_wait3A_60 = arith.constant 0 : i32
    %dma_wait3A_61 = arith.constant 0 : i32
    %dma_wait3A_62 = tpu.memref_slice %arg8[%dma_wait3A_60, %dma_wait3A_61] : memref<1600x32xf32, #tpu.memory_space<vmem>> -> memref<50x32xf32, #tpu.memory_space<vmem>>
    tpu.wait_dma2 semaphore(%arg13 : memref<!tpu.dma_semaphore, #tpu.memory_space<semaphore_mem>>) src(%dma_wait3A_62 : memref<50x32xf32, #tpu.memory_space<vmem>>) dst(%dma_wait3A_59 : memref<50x32xf32, #tpu.memory_space<hbm>>)
    %add3A_63 = arith.constant 1 : i32
    %add3A_64 = arith.addi %add3A_47, %add3A_63 : i32
    %dma_wait3A_65 = arith.constant 50 : i32
    %dma_wait3A_66 = arith.constant 0 : i32
    %dma_wait3A_67 = tpu.memref_slice %arg8[%dma_wait3A_65, %dma_wait3A_66] : memref<1600x32xf32, #tpu.memory_space<vmem>> -> memref<50x32xf32, #tpu.memory_space<vmem>>
    %dma_wait3A_68 = arith.constant 0 : i32
    %dma_wait3A_69 = arith.constant 0 : i32
    %dma_wait3A_70 = tpu.memref_slice %arg5[%add3A_64, %dma_wait3A_68, %dma_wait3A_69] : memref<16384x56x128xf32, #tpu.memory_space<hbm>> -> memref<1x50x32xf32, #tpu.memory_space<hbm>>
    %dma_wait3A_71 = tpu.memref_squeeze %dma_wait3A_70 : memref<1x50x32xf32, #tpu.memory_space<hbm>> -> memref<50x32xf32, #tpu.memory_space<hbm>>
    %dma_wait3A_72 = arith.constant 0 : i32
    %dma_wait3A_73 = arith.constant 0 : i32
    %dma_wait3A_74 = tpu.memref_slice %arg5[%add3A_64, %dma_wait3A_72, %dma_wait3A_73] : memref<16384x56x128xf32, #tpu.memory_space<hbm>> -> memref<1x50x32xf32, #tpu.memory_space<hbm>>
    %dma_wait3A_75 = tpu.memref_squeeze %dma_wait3A_74 : memref<1x50x32xf32, #tpu.memory_space<hbm>> -> memref<50x32xf32, #tpu.memory_space<hbm>>
    %dma_wait3A_76 = arith.constant 50 : i32
    %dma_wait3A_77 = arith.constant 0 : i32
    %dma_wait3A_78 = tpu.memref_slice %arg8[%dma_wait3A_76, %dma_wait3A_77] : memref<1600x32xf32, #tpu.memory_space<vmem>> -> memref<50x32xf32, #tpu.memory_space<vmem>>
    tpu.wait_dma2 semaphore(%arg13 : memref<!tpu.dma_semaphore, #tpu.memory_space<semaphore_mem>>) src(%dma_wait3A_78 : memref<50x32xf32, #tpu.memory_space<vmem>>) dst(%dma_wait3A_75 : memref<50x32xf32, #tpu.memory_space<hbm>>)
    %add3A_79 = arith.constant 2 : i32
    %add3A_80 = arith.addi %add3A_47, %add3A_79 : i32
    %dma_wait3A_81 = arith.constant 100 : i32
    %dma_wait3A_82 = arith.constant 0 : i32
    %dma_wait3A_83 = tpu.memref_slice %arg8[%dma_wait3A_81, %dma_wait3A_82] : memref<1600x32xf32, #tpu.memory_space<vmem>> -> memref<50x32xf32, #tpu.memory_space<vmem>>
    %dma_wait3A_84 = arith.constant 0 : i32
    %dma_wait3A_85 = arith.constant 0 : i32
    %dma_wait3A_86 = tpu.memref_slice %arg5[%add3A_80, %dma_wait3A_84, %dma_wait3A_85] : memref<16384x56x128xf32, #tpu.memory_space<hbm>> -> memref<1x50x32xf32, #tpu.memory_space<hbm>>
    %dma_wait3A_87 = tpu.memref_squeeze %dma_wait3A_86 : memref<1x50x32xf32, #tpu.memory_space<hbm>> -> memref<50x32xf32, #tpu.memory_space<hbm>>
    %dma_wait3A_88 = arith.constant 0 : i32
    %dma_wait3A_89 = arith.constant 0 : i32
    %dma_wait3A_90 = tpu.memref_slice %arg5[%add3A_80, %dma_wait3A_88, %dma_wait3A_89] : memref<16384x56x128xf32, #tpu.memory_space<hbm>> -> memref<1x50x32xf32, #tpu.memory_space<hbm>>
    %dma_wait3A_91 = tpu.memref_squeeze %dma_wait3A_90 : memref<1x50x32xf32, #tpu.memory_space<hbm>> -> memref<50x32xf32, #tpu.memory_space<hbm>>
    %dma_wait3A_92 = arith.constant 100 : i32
    %dma_wait3A_93 = arith.constant 0 : i32
    %dma_wait3A_94 = tpu.memref_slice %arg8[%dma_wait3A_92, %dma_wait3A_93] : memref<1600x32xf32, #tpu.memory_space<vmem>> -> memref<50x32xf32, #tpu.memory_space<vmem>>
    tpu.wait_dma2 semaphore(%arg13 : memref<!tpu.dma_semaphore, #tpu.memory_space<semaphore_mem>>) src(%dma_wait3A_94 : memref<50x32xf32, #tpu.memory_space<vmem>>) dst(%dma_wait3A_91 : memref<50x32xf32, #tpu.memory_space<hbm>>)
    %add3A_95 = arith.constant 3 : i32
    %add3A_96 = arith.addi %add3A_47, %add3A_95 : i32
    %dma_wait3A_97 = arith.constant 150 : i32
    %dma_wait3A_98 = arith.constant 0 : i32
    %dma_wait3A_99 = tpu.memref_slice %arg8[%dma_wait3A_97, %dma_wait3A_98] : memref<1600x32xf32, #tpu.memory_space<vmem>> -> memref<50x32xf32, #tpu.memory_space<vmem>>
    %dma_wait3A_100 = arith.constant 0 : i32
    %dma_wait3A_101 = arith.constant 0 : i32
    %dma_wait3A_102 = tpu.memref_slice %arg5[%add3A_96, %dma_wait3A_100, %dma_wait3A_101] : memref<16384x56x128xf32, #tpu.memory_space<hbm>> -> memref<1x50x32xf32, #tpu.memory_space<hbm>>
    %dma_wait3A_103 = tpu.memref_squeeze %dma_wait3A_102 : memref<1x50x32xf32, #tpu.memory_space<hbm>> -> memref<50x32xf32, #tpu.memory_space<hbm>>
    %dma_wait3A_104 = arith.constant 0 : i32
    %dma_wait3A_105 = arith.constant 0 : i32
    %dma_wait3A_106 = tpu.memref_slice %arg5[%add3A_96, %dma_wait3A_104, %dma_wait3A_105] : memref<16384x56x128xf32, #tpu.memory_space<hbm>> -> memref<1x50x32xf32, #tpu.memory_space<hbm>>
    %dma_wait3A_107 = tpu.memref_squeeze %dma_wait3A_106 : memref<1x50x32xf32, #tpu.memory_space<hbm>> -> memref<50x32xf32, #tpu.memory_space<hbm>>
    %dma_wait3A_108 = arith.constant 150 : i32
    %dma_wait3A_109 = arith.constant 0 : i32
    %dma_wait3A_110 = tpu.memref_slice %arg8[%dma_wait3A_108, %dma_wait3A_109] : memref<1600x32xf32, #tpu.memory_space<vmem>> -> memref<50x32xf32, #tpu.memory_space<vmem>>
    tpu.wait_dma2 semaphore(%arg13 : memref<!tpu.dma_semaphore, #tpu.memory_space<semaphore_mem>>) src(%dma_wait3A_110 : memref<50x32xf32, #tpu.memory_space<vmem>>) dst(%dma_wait3A_107 : memref<50x32xf32, #tpu.memory_space<hbm>>)
    %add3A_111 = arith.constant 4 : i32
    %add3A_112 = arith.addi %add3A_47, %add3A_111 : i32
    %dma_wait3A_113 = arith.constant 200 : i32
    %dma_wait3A_114 = arith.constant 0 : i32
    %dma_wait3A_115 = tpu.memref_slice %arg8[%dma_wait3A_113, %dma_wait3A_114] : memref<1600x32xf32, #tpu.memory_space<vmem>> -> memref<50x32xf32, #tpu.memory_space<vmem>>
    %dma_wait3A_116 = arith.constant 0 : i32
    %dma_wait3A_117 = arith.constant 0 : i32
    %dma_wait3A_118 = tpu.memref_slice %arg5[%add3A_112, %dma_wait3A_116, %dma_wait3A_117] : memref<16384x56x128xf32, #tpu.memory_space<hbm>> -> memref<1x50x32xf32, #tpu.memory_space<hbm>>
    %dma_wait3A_119 = tpu.memref_squeeze %dma_wait3A_118 : memref<1x50x32xf32, #tpu.memory_space<hbm>> -> memref<50x32xf32, #tpu.memory_space<hbm>>
    %dma_wait3A_120 = arith.constant 0 : i32
    %dma_wait3A_121 = arith.constant 0 : i32
    %dma_wait3A_122 = tpu.memref_slice %arg5[%add3A_112, %dma_wait3A_120, %dma_wait3A_121] : memref<16384x56x128xf32, #tpu.memory_space<hbm>> -> memref<1x50x32xf32, #tpu.memory_space<hbm>>
    %dma_wait3A_123 = tpu.memref_squeeze %dma_wait3A_122 : memref<1x50x32xf32, #tpu.memory_space<hbm>> -> memref<50x32xf32, #tpu.memory_space<hbm>>
    %dma_wait3A_124 = arith.constant 200 : i32
    %dma_wait3A_125 = arith.constant 0 : i32
    %dma_wait3A_126 = tpu.memref_slice %arg8[%dma_wait3A_124, %dma_wait3A_125] : memref<1600x32xf32, #tpu.memory_space<vmem>> -> memref<50x32xf32, #tpu.memory_space<vmem>>
    tpu.wait_dma2 semaphore(%arg13 : memref<!tpu.dma_semaphore, #tpu.memory_space<semaphore_mem>>) src(%dma_wait3A_126 : memref<50x32xf32, #tpu.memory_space<vmem>>) dst(%dma_wait3A_123 : memref<50x32xf32, #tpu.memory_space<hbm>>)
    %add3A_127 = arith.constant 5 : i32
    %add3A_128 = arith.addi %add3A_47, %add3A_127 : i32
    %dma_wait3A_129 = arith.constant 250 : i32
    %dma_wait3A_130 = arith.constant 0 : i32
    %dma_wait3A_131 = tpu.memref_slice %arg8[%dma_wait3A_129, %dma_wait3A_130] : memref<1600x32xf32, #tpu.memory_space<vmem>> -> memref<50x32xf32, #tpu.memory_space<vmem>>
    %dma_wait3A_132 = arith.constant 0 : i32
    %dma_wait3A_133 = arith.constant 0 : i32
    %dma_wait3A_134 = tpu.memref_slice %arg5[%add3A_128, %dma_wait3A_132, %dma_wait3A_133] : memref<16384x56x128xf32, #tpu.memory_space<hbm>> -> memref<1x50x32xf32, #tpu.memory_space<hbm>>
    %dma_wait3A_135 = tpu.memref_squeeze %dma_wait3A_134 : memref<1x50x32xf32, #tpu.memory_space<hbm>> -> memref<50x32xf32, #tpu.memory_space<hbm>>
    %dma_wait3A_136 = arith.constant 0 : i32
    %dma_wait3A_137 = arith.constant 0 : i32
    %dma_wait3A_138 = tpu.memref_slice %arg5[%add3A_128, %dma_wait3A_136, %dma_wait3A_137] : memref<16384x56x128xf32, #tpu.memory_space<hbm>> -> memref<1x50x32xf32, #tpu.memory_space<hbm>>
    %dma_wait3A_139 = tpu.memref_squeeze %dma_wait3A_138 : memref<1x50x32xf32, #tpu.memory_space<hbm>> -> memref<50x32xf32, #tpu.memory_space<hbm>>
    %dma_wait3A_140 = arith.constant 250 : i32
    %dma_wait3A_141 = arith.constant 0 : i32
    %dma_wait3A_142 = tpu.memref_slice %arg8[%dma_wait3A_140, %dma_wait3A_141] : memref<1600x32xf32, #tpu.memory_space<vmem>> -> memref<50x32xf32, #tpu.memory_space<vmem>>
    tpu.wait_dma2 semaphore(%arg13 : memref<!tpu.dma_semaphore, #tpu.memory_space<semaphore_mem>>) src(%dma_wait3A_142 : memref<50x32xf32, #tpu.memory_space<vmem>>) dst(%dma_wait3A_139 : memref<50x32xf32, #tpu.memory_space<hbm>>)
    %add3A_143 = arith.constant 6 : i32
    %add3A_144 = arith.addi %add3A_47, %add3A_143 : i32
    %dma_wait3A_145 = arith.constant 300 : i32
    %dma_wait3A_146 = arith.constant 0 : i32
    %dma_wait3A_147 = tpu.memref_slice %arg8[%dma_wait3A_145, %dma_wait3A_146] : memref<1600x32xf32, #tpu.memory_space<vmem>> -> memref<50x32xf32, #tpu.memory_space<vmem>>
    %dma_wait3A_148 = arith.constant 0 : i32
    %dma_wait3A_149 = arith.constant 0 : i32
    %dma_wait3A_150 = tpu.memref_slice %arg5[%add3A_144, %dma_wait3A_148, %dma_wait3A_149] : memref<16384x56x128xf32, #tpu.memory_space<hbm>> -> memref<1x50x32xf32, #tpu.memory_space<hbm>>
    %dma_wait3A_151 = tpu.memref_squeeze %dma_wait3A_150 : memref<1x50x32xf32, #tpu.memory_space<hbm>> -> memref<50x32xf32, #tpu.memory_space<hbm>>
    %dma_wait3A_152 = arith.constant 0 : i32
    %dma_wait3A_153 = arith.constant 0 : i32
    %dma_wait3A_154 = tpu.memref_slice %arg5[%add3A_144, %dma_wait3A_152, %dma_wait3A_153] : memref<16384x56x128xf32, #tpu.memory_space<hbm>> -> memref<1x50x32xf32, #tpu.memory_space<hbm>>
    %dma_wait3A_155 = tpu.memref_squeeze %dma_wait3A_154 : memref<1x50x32xf32, #tpu.memory_space<hbm>> -> memref<50x32xf32, #tpu.memory_space<hbm>>
    %dma_wait3A_156 = arith.constant 300 : i32
    %dma_wait3A_157 = arith.constant 0 : i32
    %dma_wait3A_158 = tpu.memref_slice %arg8[%dma_wait3A_156, %dma_wait3A_157] : memref<1600x32xf32, #tpu.memory_space<vmem>> -> memref<50x32xf32, #tpu.memory_space<vmem>>
    tpu.wait_dma2 semaphore(%arg13 : memref<!tpu.dma_semaphore, #tpu.memory_space<semaphore_mem>>) src(%dma_wait3A_158 : memref<50x32xf32, #tpu.memory_space<vmem>>) dst(%dma_wait3A_155 : memref<50x32xf32, #tpu.memory_space<hbm>>)
    %add3A_159 = arith.constant 7 : i32
    %add3A_160 = arith.addi %add3A_47, %add3A_159 : i32
    %dma_wait3A_161 = arith.constant 350 : i32
    %dma_wait3A_162 = arith.constant 0 : i32
    %dma_wait3A_163 = tpu.memref_slice %arg8[%dma_wait3A_161, %dma_wait3A_162] : memref<1600x32xf32, #tpu.memory_space<vmem>> -> memref<50x32xf32, #tpu.memory_space<vmem>>
    %dma_wait3A_164 = arith.constant 0 : i32
    %dma_wait3A_165 = arith.constant 0 : i32
    %dma_wait3A_166 = tpu.memref_slice %arg5[%add3A_160, %dma_wait3A_164, %dma_wait3A_165] : memref<16384x56x128xf32, #tpu.memory_space<hbm>> -> memref<1x50x32xf32, #tpu.memory_space<hbm>>
    %dma_wait3A_167 = tpu.memref_squeeze %dma_wait3A_166 : memref<1x50x32xf32, #tpu.memory_space<hbm>> -> memref<50x32xf32, #tpu.memory_space<hbm>>
    %dma_wait3A_168 = arith.constant 0 : i32
    %dma_wait3A_169 = arith.constant 0 : i32
    %dma_wait3A_170 = tpu.memref_slice %arg5[%add3A_160, %dma_wait3A_168, %dma_wait3A_169] : memref<16384x56x128xf32, #tpu.memory_space<hbm>> -> memref<1x50x32xf32, #tpu.memory_space<hbm>>
    %dma_wait3A_171 = tpu.memref_squeeze %dma_wait3A_170 : memref<1x50x32xf32, #tpu.memory_space<hbm>> -> memref<50x32xf32, #tpu.memory_space<hbm>>
    %dma_wait3A_172 = arith.constant 350 : i32
    %dma_wait3A_173 = arith.constant 0 : i32
    %dma_wait3A_174 = tpu.memref_slice %arg8[%dma_wait3A_172, %dma_wait3A_173] : memref<1600x32xf32, #tpu.memory_space<vmem>> -> memref<50x32xf32, #tpu.memory_space<vmem>>
    tpu.wait_dma2 semaphore(%arg13 : memref<!tpu.dma_semaphore, #tpu.memory_space<semaphore_mem>>) src(%dma_wait3A_174 : memref<50x32xf32, #tpu.memory_space<vmem>>) dst(%dma_wait3A_171 : memref<50x32xf32, #tpu.memory_space<hbm>>)
    %add3A_175 = arith.constant 8 : i32
    %add3A_176 = arith.addi %add3A_47, %add3A_175 : i32
    %dma_wait3A_177 = arith.constant 400 : i32
    %dma_wait3A_178 = arith.constant 0 : i32
    %dma_wait3A_179 = tpu.memref_slice %arg8[%dma_wait3A_177, %dma_wait3A_178] : memref<1600x32xf32, #tpu.memory_space<vmem>> -> memref<50x32xf32, #tpu.memory_space<vmem>>
    %dma_wait3A_180 = arith.constant 0 : i32
    %dma_wait3A_181 = arith.constant 0 : i32
    %dma_wait3A_182 = tpu.memref_slice %arg5[%add3A_176, %dma_wait3A_180, %dma_wait3A_181] : memref<16384x56x128xf32, #tpu.memory_space<hbm>> -> memref<1x50x32xf32, #tpu.memory_space<hbm>>
    %dma_wait3A_183 = tpu.memref_squeeze %dma_wait3A_182 : memref<1x50x32xf32, #tpu.memory_space<hbm>> -> memref<50x32xf32, #tpu.memory_space<hbm>>
    %dma_wait3A_184 = arith.constant 0 : i32
    %dma_wait3A_185 = arith.constant 0 : i32
    %dma_wait3A_186 = tpu.memref_slice %arg5[%add3A_176, %dma_wait3A_184, %dma_wait3A_185] : memref<16384x56x128xf32, #tpu.memory_space<hbm>> -> memref<1x50x32xf32, #tpu.memory_space<hbm>>
    %dma_wait3A_187 = tpu.memref_squeeze %dma_wait3A_186 : memref<1x50x32xf32, #tpu.memory_space<hbm>> -> memref<50x32xf32, #tpu.memory_space<hbm>>
    %dma_wait3A_188 = arith.constant 400 : i32
    %dma_wait3A_189 = arith.constant 0 : i32
    %dma_wait3A_190 = tpu.memref_slice %arg8[%dma_wait3A_188, %dma_wait3A_189] : memref<1600x32xf32, #tpu.memory_space<vmem>> -> memref<50x32xf32, #tpu.memory_space<vmem>>
    tpu.wait_dma2 semaphore(%arg13 : memref<!tpu.dma_semaphore, #tpu.memory_space<semaphore_mem>>) src(%dma_wait3A_190 : memref<50x32xf32, #tpu.memory_space<vmem>>) dst(%dma_wait3A_187 : memref<50x32xf32, #tpu.memory_space<hbm>>)
    %add3A_191 = arith.constant 9 : i32
    %add3A_192 = arith.addi %add3A_47, %add3A_191 : i32
    %dma_wait3A_193 = arith.constant 450 : i32
    %dma_wait3A_194 = arith.constant 0 : i32
    %dma_wait3A_195 = tpu.memref_slice %arg8[%dma_wait3A_193, %dma_wait3A_194] : memref<1600x32xf32, #tpu.memory_space<vmem>> -> memref<50x32xf32, #tpu.memory_space<vmem>>
    %dma_wait3A_196 = arith.constant 0 : i32
    %dma_wait3A_197 = arith.constant 0 : i32
    %dma_wait3A_198 = tpu.memref_slice %arg5[%add3A_192, %dma_wait3A_196, %dma_wait3A_197] : memref<16384x56x128xf32, #tpu.memory_space<hbm>> -> memref<1x50x32xf32, #tpu.memory_space<hbm>>
    %dma_wait3A_199 = tpu.memref_squeeze %dma_wait3A_198 : memref<1x50x32xf32, #tpu.memory_space<hbm>> -> memref<50x32xf32, #tpu.memory_space<hbm>>
    %dma_wait3A_200 = arith.constant 0 : i32
    %dma_wait3A_201 = arith.constant 0 : i32
    %dma_wait3A_202 = tpu.memref_slice %arg5[%add3A_192, %dma_wait3A_200, %dma_wait3A_201] : memref<16384x56x128xf32, #tpu.memory_space<hbm>> -> memref<1x50x32xf32, #tpu.memory_space<hbm>>
    %dma_wait3A_203 = tpu.memref_squeeze %dma_wait3A_202 : memref<1x50x32xf32, #tpu.memory_space<hbm>> -> memref<50x32xf32, #tpu.memory_space<hbm>>
    %dma_wait3A_204 = arith.constant 450 : i32
    %dma_wait3A_205 = arith.constant 0 : i32
    %dma_wait3A_206 = tpu.memref_slice %arg8[%dma_wait3A_204, %dma_wait3A_205] : memref<1600x32xf32, #tpu.memory_space<vmem>> -> memref<50x32xf32, #tpu.memory_space<vmem>>
    tpu.wait_dma2 semaphore(%arg13 : memref<!tpu.dma_semaphore, #tpu.memory_space<semaphore_mem>>) src(%dma_wait3A_206 : memref<50x32xf32, #tpu.memory_space<vmem>>) dst(%dma_wait3A_203 : memref<50x32xf32, #tpu.memory_space<hbm>>)
    %add3A_207 = arith.constant 10 : i32
    %add3A_208 = arith.addi %add3A_47, %add3A_207 : i32
    %dma_wait3A_209 = arith.constant 500 : i32
    %dma_wait3A_210 = arith.constant 0 : i32
    %dma_wait3A_211 = tpu.memref_slice %arg8[%dma_wait3A_209, %dma_wait3A_210] : memref<1600x32xf32, #tpu.memory_space<vmem>> -> memref<50x32xf32, #tpu.memory_space<vmem>>
    %dma_wait3A_212 = arith.constant 0 : i32
    %dma_wait3A_213 = arith.constant 0 : i32
    %dma_wait3A_214 = tpu.memref_slice %arg5[%add3A_208, %dma_wait3A_212, %dma_wait3A_213] : memref<16384x56x128xf32, #tpu.memory_space<hbm>> -> memref<1x50x32xf32, #tpu.memory_space<hbm>>
    %dma_wait3A_215 = tpu.memref_squeeze %dma_wait3A_214 : memref<1x50x32xf32, #tpu.memory_space<hbm>> -> memref<50x32xf32, #tpu.memory_space<hbm>>
    %dma_wait3A_216 = arith.constant 0 : i32
    %dma_wait3A_217 = arith.constant 0 : i32
    %dma_wait3A_218 = tpu.memref_slice %arg5[%add3A_208, %dma_wait3A_216, %dma_wait3A_217] : memref<16384x56x128xf32, #tpu.memory_space<hbm>> -> memref<1x50x32xf32, #tpu.memory_space<hbm>>
    %dma_wait3A_219 = tpu.memref_squeeze %dma_wait3A_218 : memref<1x50x32xf32, #tpu.memory_space<hbm>> -> memref<50x32xf32, #tpu.memory_space<hbm>>
    %dma_wait3A_220 = arith.constant 500 : i32
    %dma_wait3A_221 = arith.constant 0 : i32
    %dma_wait3A_222 = tpu.memref_slice %arg8[%dma_wait3A_220, %dma_wait3A_221] : memref<1600x32xf32, #tpu.memory_space<vmem>> -> memref<50x32xf32, #tpu.memory_space<vmem>>
    tpu.wait_dma2 semaphore(%arg13 : memref<!tpu.dma_semaphore, #tpu.memory_space<semaphore_mem>>) src(%dma_wait3A_222 : memref<50x32xf32, #tpu.memory_space<vmem>>) dst(%dma_wait3A_219 : memref<50x32xf32, #tpu.memory_space<hbm>>)
    %add3A_223 = arith.constant 11 : i32
    %add3A_224 = arith.addi %add3A_47, %add3A_223 : i32
    %dma_wait3A_225 = arith.constant 550 : i32
    %dma_wait3A_226 = arith.constant 0 : i32
    %dma_wait3A_227 = tpu.memref_slice %arg8[%dma_wait3A_225, %dma_wait3A_226] : memref<1600x32xf32, #tpu.memory_space<vmem>> -> memref<50x32xf32, #tpu.memory_space<vmem>>
    %dma_wait3A_228 = arith.constant 0 : i32
    %dma_wait3A_229 = arith.constant 0 : i32
    %dma_wait3A_230 = tpu.memref_slice %arg5[%add3A_224, %dma_wait3A_228, %dma_wait3A_229] : memref<16384x56x128xf32, #tpu.memory_space<hbm>> -> memref<1x50x32xf32, #tpu.memory_space<hbm>>
    %dma_wait3A_231 = tpu.memref_squeeze %dma_wait3A_230 : memref<1x50x32xf32, #tpu.memory_space<hbm>> -> memref<50x32xf32, #tpu.memory_space<hbm>>
    %dma_wait3A_232 = arith.constant 0 : i32
    %dma_wait3A_233 = arith.constant 0 : i32
    %dma_wait3A_234 = tpu.memref_slice %arg5[%add3A_224, %dma_wait3A_232, %dma_wait3A_233] : memref<16384x56x128xf32, #tpu.memory_space<hbm>> -> memref<1x50x32xf32, #tpu.memory_space<hbm>>
    %dma_wait3A_235 = tpu.memref_squeeze %dma_wait3A_234 : memref<1x50x32xf32, #tpu.memory_space<hbm>> -> memref<50x32xf32, #tpu.memory_space<hbm>>
    %dma_wait3A_236 = arith.constant 550 : i32
    %dma_wait3A_237 = arith.constant 0 : i32
    %dma_wait3A_238 = tpu.memref_slice %arg8[%dma_wait3A_236, %dma_wait3A_237] : memref<1600x32xf32, #tpu.memory_space<vmem>> -> memref<50x32xf32, #tpu.memory_space<vmem>>
    tpu.wait_dma2 semaphore(%arg13 : memref<!tpu.dma_semaphore, #tpu.memory_space<semaphore_mem>>) src(%dma_wait3A_238 : memref<50x32xf32, #tpu.memory_space<vmem>>) dst(%dma_wait3A_235 : memref<50x32xf32, #tpu.memory_space<hbm>>)
    %add3A_239 = arith.constant 12 : i32
    %add3A_240 = arith.addi %add3A_47, %add3A_239 : i32
    %dma_wait3A_241 = arith.constant 600 : i32
    %dma_wait3A_242 = arith.constant 0 : i32
    %dma_wait3A_243 = tpu.memref_slice %arg8[%dma_wait3A_241, %dma_wait3A_242] : memref<1600x32xf32, #tpu.memory_space<vmem>> -> memref<50x32xf32, #tpu.memory_space<vmem>>
    %dma_wait3A_244 = arith.constant 0 : i32
    %dma_wait3A_245 = arith.constant 0 : i32
    %dma_wait3A_246 = tpu.memref_slice %arg5[%add3A_240, %dma_wait3A_244, %dma_wait3A_245] : memref<16384x56x128xf32, #tpu.memory_space<hbm>> -> memref<1x50x32xf32, #tpu.memory_space<hbm>>
    %dma_wait3A_247 = tpu.memref_squeeze %dma_wait3A_246 : memref<1x50x32xf32, #tpu.memory_space<hbm>> -> memref<50x32xf32, #tpu.memory_space<hbm>>
    %dma_wait3A_248 = arith.constant 0 : i32
    %dma_wait3A_249 = arith.constant 0 : i32
    %dma_wait3A_250 = tpu.memref_slice %arg5[%add3A_240, %dma_wait3A_248, %dma_wait3A_249] : memref<16384x56x128xf32, #tpu.memory_space<hbm>> -> memref<1x50x32xf32, #tpu.memory_space<hbm>>
    %dma_wait3A_251 = tpu.memref_squeeze %dma_wait3A_250 : memref<1x50x32xf32, #tpu.memory_space<hbm>> -> memref<50x32xf32, #tpu.memory_space<hbm>>
    %dma_wait3A_252 = arith.constant 600 : i32
    %dma_wait3A_253 = arith.constant 0 : i32
    %dma_wait3A_254 = tpu.memref_slice %arg8[%dma_wait3A_252, %dma_wait3A_253] : memref<1600x32xf32, #tpu.memory_space<vmem>> -> memref<50x32xf32, #tpu.memory_space<vmem>>
    tpu.wait_dma2 semaphore(%arg13 : memref<!tpu.dma_semaphore, #tpu.memory_space<semaphore_mem>>) src(%dma_wait3A_254 : memref<50x32xf32, #tpu.memory_space<vmem>>) dst(%dma_wait3A_251 : memref<50x32xf32, #tpu.memory_space<hbm>>)
    %add3A_255 = arith.constant 13 : i32
    %add3A_256 = arith.addi %add3A_47, %add3A_255 : i32
    %dma_wait3A_257 = arith.constant 650 : i32
    %dma_wait3A_258 = arith.constant 0 : i32
    %dma_wait3A_259 = tpu.memref_slice %arg8[%dma_wait3A_257, %dma_wait3A_258] : memref<1600x32xf32, #tpu.memory_space<vmem>> -> memref<50x32xf32, #tpu.memory_space<vmem>>
    %dma_wait3A_260 = arith.constant 0 : i32
    %dma_wait3A_261 = arith.constant 0 : i32
    %dma_wait3A_262 = tpu.memref_slice %arg5[%add3A_256, %dma_wait3A_260, %dma_wait3A_261] : memref<16384x56x128xf32, #tpu.memory_space<hbm>> -> memref<1x50x32xf32, #tpu.memory_space<hbm>>
    %dma_wait3A_263 = tpu.memref_squeeze %dma_wait3A_262 : memref<1x50x32xf32, #tpu.memory_space<hbm>> -> memref<50x32xf32, #tpu.memory_space<hbm>>
    %dma_wait3A_264 = arith.constant 0 : i32
    %dma_wait3A_265 = arith.constant 0 : i32
    %dma_wait3A_266 = tpu.memref_slice %arg5[%add3A_256, %dma_wait3A_264, %dma_wait3A_265] : memref<16384x56x128xf32, #tpu.memory_space<hbm>> -> memref<1x50x32xf32, #tpu.memory_space<hbm>>
    %dma_wait3A_267 = tpu.memref_squeeze %dma_wait3A_266 : memref<1x50x32xf32, #tpu.memory_space<hbm>> -> memref<50x32xf32, #tpu.memory_space<hbm>>
    %dma_wait3A_268 = arith.constant 650 : i32
    %dma_wait3A_269 = arith.constant 0 : i32
    %dma_wait3A_270 = tpu.memref_slice %arg8[%dma_wait3A_268, %dma_wait3A_269] : memref<1600x32xf32, #tpu.memory_space<vmem>> -> memref<50x32xf32, #tpu.memory_space<vmem>>
    tpu.wait_dma2 semaphore(%arg13 : memref<!tpu.dma_semaphore, #tpu.memory_space<semaphore_mem>>) src(%dma_wait3A_270 : memref<50x32xf32, #tpu.memory_space<vmem>>) dst(%dma_wait3A_267 : memref<50x32xf32, #tpu.memory_space<hbm>>)
    %add3A_271 = arith.constant 14 : i32
    %add3A_272 = arith.addi %add3A_47, %add3A_271 : i32
    %dma_wait3A_273 = arith.constant 700 : i32
    %dma_wait3A_274 = arith.constant 0 : i32
    %dma_wait3A_275 = tpu.memref_slice %arg8[%dma_wait3A_273, %dma_wait3A_274] : memref<1600x32xf32, #tpu.memory_space<vmem>> -> memref<50x32xf32, #tpu.memory_space<vmem>>
    %dma_wait3A_276 = arith.constant 0 : i32
    %dma_wait3A_277 = arith.constant 0 : i32
    %dma_wait3A_278 = tpu.memref_slice %arg5[%add3A_272, %dma_wait3A_276, %dma_wait3A_277] : memref<16384x56x128xf32, #tpu.memory_space<hbm>> -> memref<1x50x32xf32, #tpu.memory_space<hbm>>
    %dma_wait3A_279 = tpu.memref_squeeze %dma_wait3A_278 : memref<1x50x32xf32, #tpu.memory_space<hbm>> -> memref<50x32xf32, #tpu.memory_space<hbm>>
    %dma_wait3A_280 = arith.constant 0 : i32
    %dma_wait3A_281 = arith.constant 0 : i32
    %dma_wait3A_282 = tpu.memref_slice %arg5[%add3A_272, %dma_wait3A_280, %dma_wait3A_281] : memref<16384x56x128xf32, #tpu.memory_space<hbm>> -> memref<1x50x32xf32, #tpu.memory_space<hbm>>
    %dma_wait3A_283 = tpu.memref_squeeze %dma_wait3A_282 : memref<1x50x32xf32, #tpu.memory_space<hbm>> -> memref<50x32xf32, #tpu.memory_space<hbm>>
    %dma_wait3A_284 = arith.constant 700 : i32
    %dma_wait3A_285 = arith.constant 0 : i32
    %dma_wait3A_286 = tpu.memref_slice %arg8[%dma_wait3A_284, %dma_wait3A_285] : memref<1600x32xf32, #tpu.memory_space<vmem>> -> memref<50x32xf32, #tpu.memory_space<vmem>>
    tpu.wait_dma2 semaphore(%arg13 : memref<!tpu.dma_semaphore, #tpu.memory_space<semaphore_mem>>) src(%dma_wait3A_286 : memref<50x32xf32, #tpu.memory_space<vmem>>) dst(%dma_wait3A_283 : memref<50x32xf32, #tpu.memory_space<hbm>>)
    %add3A_287 = arith.constant 15 : i32
    %add3A_288 = arith.addi %add3A_47, %add3A_287 : i32
    %dma_wait3A_289 = arith.constant 750 : i32
    %dma_wait3A_290 = arith.constant 0 : i32
    %dma_wait3A_291 = tpu.memref_slice %arg8[%dma_wait3A_289, %dma_wait3A_290] : memref<1600x32xf32, #tpu.memory_space<vmem>> -> memref<50x32xf32, #tpu.memory_space<vmem>>
    %dma_wait3A_292 = arith.constant 0 : i32
    %dma_wait3A_293 = arith.constant 0 : i32
    %dma_wait3A_294 = tpu.memref_slice %arg5[%add3A_288, %dma_wait3A_292, %dma_wait3A_293] : memref<16384x56x128xf32, #tpu.memory_space<hbm>> -> memref<1x50x32xf32, #tpu.memory_space<hbm>>
    %dma_wait3A_295 = tpu.memref_squeeze %dma_wait3A_294 : memref<1x50x32xf32, #tpu.memory_space<hbm>> -> memref<50x32xf32, #tpu.memory_space<hbm>>
    %dma_wait3A_296 = arith.constant 0 : i32
    %dma_wait3A_297 = arith.constant 0 : i32
    %dma_wait3A_298 = tpu.memref_slice %arg5[%add3A_288, %dma_wait3A_296, %dma_wait3A_297] : memref<16384x56x128xf32, #tpu.memory_space<hbm>> -> memref<1x50x32xf32, #tpu.memory_space<hbm>>
    %dma_wait3A_299 = tpu.memref_squeeze %dma_wait3A_298 : memref<1x50x32xf32, #tpu.memory_space<hbm>> -> memref<50x32xf32, #tpu.memory_space<hbm>>
    %dma_wait3A_300 = arith.constant 750 : i32
    %dma_wait3A_301 = arith.constant 0 : i32
    %dma_wait3A_302 = tpu.memref_slice %arg8[%dma_wait3A_300, %dma_wait3A_301] : memref<1600x32xf32, #tpu.memory_space<vmem>> -> memref<50x32xf32, #tpu.memory_space<vmem>>
    tpu.wait_dma2 semaphore(%arg13 : memref<!tpu.dma_semaphore, #tpu.memory_space<semaphore_mem>>) src(%dma_wait3A_302 : memref<50x32xf32, #tpu.memory_space<vmem>>) dst(%dma_wait3A_299 : memref<50x32xf32, #tpu.memory_space<hbm>>)
    %add3A_303 = arith.constant 16 : i32
    %add3A_304 = arith.addi %add3A_47, %add3A_303 : i32
    %dma_wait3A_305 = arith.constant 800 : i32
    %dma_wait3A_306 = arith.constant 0 : i32
    %dma_wait3A_307 = tpu.memref_slice %arg8[%dma_wait3A_305, %dma_wait3A_306] : memref<1600x32xf32, #tpu.memory_space<vmem>> -> memref<50x32xf32, #tpu.memory_space<vmem>>
    %dma_wait3A_308 = arith.constant 0 : i32
    %dma_wait3A_309 = arith.constant 0 : i32
    %dma_wait3A_310 = tpu.memref_slice %arg5[%add3A_304, %dma_wait3A_308, %dma_wait3A_309] : memref<16384x56x128xf32, #tpu.memory_space<hbm>> -> memref<1x50x32xf32, #tpu.memory_space<hbm>>
    %dma_wait3A_311 = tpu.memref_squeeze %dma_wait3A_310 : memref<1x50x32xf32, #tpu.memory_space<hbm>> -> memref<50x32xf32, #tpu.memory_space<hbm>>
    %dma_wait3A_312 = arith.constant 0 : i32
    %dma_wait3A_313 = arith.constant 0 : i32
    %dma_wait3A_314 = tpu.memref_slice %arg5[%add3A_304, %dma_wait3A_312, %dma_wait3A_313] : memref<16384x56x128xf32, #tpu.memory_space<hbm>> -> memref<1x50x32xf32, #tpu.memory_space<hbm>>
    %dma_wait3A_315 = tpu.memref_squeeze %dma_wait3A_314 : memref<1x50x32xf32, #tpu.memory_space<hbm>> -> memref<50x32xf32, #tpu.memory_space<hbm>>
    %dma_wait3A_316 = arith.constant 800 : i32
    %dma_wait3A_317 = arith.constant 0 : i32
    %dma_wait3A_318 = tpu.memref_slice %arg8[%dma_wait3A_316, %dma_wait3A_317] : memref<1600x32xf32, #tpu.memory_space<vmem>> -> memref<50x32xf32, #tpu.memory_space<vmem>>
    tpu.wait_dma2 semaphore(%arg13 : memref<!tpu.dma_semaphore, #tpu.memory_space<semaphore_mem>>) src(%dma_wait3A_318 : memref<50x32xf32, #tpu.memory_space<vmem>>) dst(%dma_wait3A_315 : memref<50x32xf32, #tpu.memory_space<hbm>>)
    %add3A_319 = arith.constant 17 : i32
    %add3A_320 = arith.addi %add3A_47, %add3A_319 : i32
    %dma_wait3A_321 = arith.constant 850 : i32
    %dma_wait3A_322 = arith.constant 0 : i32
    %dma_wait3A_323 = tpu.memref_slice %arg8[%dma_wait3A_321, %dma_wait3A_322] : memref<1600x32xf32, #tpu.memory_space<vmem>> -> memref<50x32xf32, #tpu.memory_space<vmem>>
    %dma_wait3A_324 = arith.constant 0 : i32
    %dma_wait3A_325 = arith.constant 0 : i32
    %dma_wait3A_326 = tpu.memref_slice %arg5[%add3A_320, %dma_wait3A_324, %dma_wait3A_325] : memref<16384x56x128xf32, #tpu.memory_space<hbm>> -> memref<1x50x32xf32, #tpu.memory_space<hbm>>
    %dma_wait3A_327 = tpu.memref_squeeze %dma_wait3A_326 : memref<1x50x32xf32, #tpu.memory_space<hbm>> -> memref<50x32xf32, #tpu.memory_space<hbm>>
    %dma_wait3A_328 = arith.constant 0 : i32
    %dma_wait3A_329 = arith.constant 0 : i32
    %dma_wait3A_330 = tpu.memref_slice %arg5[%add3A_320, %dma_wait3A_328, %dma_wait3A_329] : memref<16384x56x128xf32, #tpu.memory_space<hbm>> -> memref<1x50x32xf32, #tpu.memory_space<hbm>>
    %dma_wait3A_331 = tpu.memref_squeeze %dma_wait3A_330 : memref<1x50x32xf32, #tpu.memory_space<hbm>> -> memref<50x32xf32, #tpu.memory_space<hbm>>
    %dma_wait3A_332 = arith.constant 850 : i32
    %dma_wait3A_333 = arith.constant 0 : i32
    %dma_wait3A_334 = tpu.memref_slice %arg8[%dma_wait3A_332, %dma_wait3A_333] : memref<1600x32xf32, #tpu.memory_space<vmem>> -> memref<50x32xf32, #tpu.memory_space<vmem>>
    tpu.wait_dma2 semaphore(%arg13 : memref<!tpu.dma_semaphore, #tpu.memory_space<semaphore_mem>>) src(%dma_wait3A_334 : memref<50x32xf32, #tpu.memory_space<vmem>>) dst(%dma_wait3A_331 : memref<50x32xf32, #tpu.memory_space<hbm>>)
    %add3A_335 = arith.constant 18 : i32
    %add3A_336 = arith.addi %add3A_47, %add3A_335 : i32
    %dma_wait3A_337 = arith.constant 900 : i32
    %dma_wait3A_338 = arith.constant 0 : i32
    %dma_wait3A_339 = tpu.memref_slice %arg8[%dma_wait3A_337, %dma_wait3A_338] : memref<1600x32xf32, #tpu.memory_space<vmem>> -> memref<50x32xf32, #tpu.memory_space<vmem>>
    %dma_wait3A_340 = arith.constant 0 : i32
    %dma_wait3A_341 = arith.constant 0 : i32
    %dma_wait3A_342 = tpu.memref_slice %arg5[%add3A_336, %dma_wait3A_340, %dma_wait3A_341] : memref<16384x56x128xf32, #tpu.memory_space<hbm>> -> memref<1x50x32xf32, #tpu.memory_space<hbm>>
    %dma_wait3A_343 = tpu.memref_squeeze %dma_wait3A_342 : memref<1x50x32xf32, #tpu.memory_space<hbm>> -> memref<50x32xf32, #tpu.memory_space<hbm>>
    %dma_wait3A_344 = arith.constant 0 : i32
    %dma_wait3A_345 = arith.constant 0 : i32
    %dma_wait3A_346 = tpu.memref_slice %arg5[%add3A_336, %dma_wait3A_344, %dma_wait3A_345] : memref<16384x56x128xf32, #tpu.memory_space<hbm>> -> memref<1x50x32xf32, #tpu.memory_space<hbm>>
    %dma_wait3A_347 = tpu.memref_squeeze %dma_wait3A_346 : memref<1x50x32xf32, #tpu.memory_space<hbm>> -> memref<50x32xf32, #tpu.memory_space<hbm>>
    %dma_wait3A_348 = arith.constant 900 : i32
    %dma_wait3A_349 = arith.constant 0 : i32
    %dma_wait3A_350 = tpu.memref_slice %arg8[%dma_wait3A_348, %dma_wait3A_349] : memref<1600x32xf32, #tpu.memory_space<vmem>> -> memref<50x32xf32, #tpu.memory_space<vmem>>
    tpu.wait_dma2 semaphore(%arg13 : memref<!tpu.dma_semaphore, #tpu.memory_space<semaphore_mem>>) src(%dma_wait3A_350 : memref<50x32xf32, #tpu.memory_space<vmem>>) dst(%dma_wait3A_347 : memref<50x32xf32, #tpu.memory_space<hbm>>)
    %add3A_351 = arith.constant 19 : i32
    %add3A_352 = arith.addi %add3A_47, %add3A_351 : i32
    %dma_wait3A_353 = arith.constant 950 : i32
    %dma_wait3A_354 = arith.constant 0 : i32
    %dma_wait3A_355 = tpu.memref_slice %arg8[%dma_wait3A_353, %dma_wait3A_354] : memref<1600x32xf32, #tpu.memory_space<vmem>> -> memref<50x32xf32, #tpu.memory_space<vmem>>
    %dma_wait3A_356 = arith.constant 0 : i32
    %dma_wait3A_357 = arith.constant 0 : i32
    %dma_wait3A_358 = tpu.memref_slice %arg5[%add3A_352, %dma_wait3A_356, %dma_wait3A_357] : memref<16384x56x128xf32, #tpu.memory_space<hbm>> -> memref<1x50x32xf32, #tpu.memory_space<hbm>>
    %dma_wait3A_359 = tpu.memref_squeeze %dma_wait3A_358 : memref<1x50x32xf32, #tpu.memory_space<hbm>> -> memref<50x32xf32, #tpu.memory_space<hbm>>
    %dma_wait3A_360 = arith.constant 0 : i32
    %dma_wait3A_361 = arith.constant 0 : i32
    %dma_wait3A_362 = tpu.memref_slice %arg5[%add3A_352, %dma_wait3A_360, %dma_wait3A_361] : memref<16384x56x128xf32, #tpu.memory_space<hbm>> -> memref<1x50x32xf32, #tpu.memory_space<hbm>>
    %dma_wait3A_363 = tpu.memref_squeeze %dma_wait3A_362 : memref<1x50x32xf32, #tpu.memory_space<hbm>> -> memref<50x32xf32, #tpu.memory_space<hbm>>
    %dma_wait3A_364 = arith.constant 950 : i32
    %dma_wait3A_365 = arith.constant 0 : i32
    %dma_wait3A_366 = tpu.memref_slice %arg8[%dma_wait3A_364, %dma_wait3A_365] : memref<1600x32xf32, #tpu.memory_space<vmem>> -> memref<50x32xf32, #tpu.memory_space<vmem>>
    tpu.wait_dma2 semaphore(%arg13 : memref<!tpu.dma_semaphore, #tpu.memory_space<semaphore_mem>>) src(%dma_wait3A_366 : memref<50x32xf32, #tpu.memory_space<vmem>>) dst(%dma_wait3A_363 : memref<50x32xf32, #tpu.memory_space<hbm>>)
    %add3A_367 = arith.constant 20 : i32
    %add3A_368 = arith.addi %add3A_47, %add3A_367 : i32
    %dma_wait3A_369 = arith.constant 1000 : i32
    %dma_wait3A_370 = arith.constant 0 : i32
    %dma_wait3A_371 = tpu.memref_slice %arg8[%dma_wait3A_369, %dma_wait3A_370] : memref<1600x32xf32, #tpu.memory_space<vmem>> -> memref<50x32xf32, #tpu.memory_space<vmem>>
    %dma_wait3A_372 = arith.constant 0 : i32
    %dma_wait3A_373 = arith.constant 0 : i32
    %dma_wait3A_374 = tpu.memref_slice %arg5[%add3A_368, %dma_wait3A_372, %dma_wait3A_373] : memref<16384x56x128xf32, #tpu.memory_space<hbm>> -> memref<1x50x32xf32, #tpu.memory_space<hbm>>
    %dma_wait3A_375 = tpu.memref_squeeze %dma_wait3A_374 : memref<1x50x32xf32, #tpu.memory_space<hbm>> -> memref<50x32xf32, #tpu.memory_space<hbm>>
    %dma_wait3A_376 = arith.constant 0 : i32
    %dma_wait3A_377 = arith.constant 0 : i32
    %dma_wait3A_378 = tpu.memref_slice %arg5[%add3A_368, %dma_wait3A_376, %dma_wait3A_377] : memref<16384x56x128xf32, #tpu.memory_space<hbm>> -> memref<1x50x32xf32, #tpu.memory_space<hbm>>
    %dma_wait3A_379 = tpu.memref_squeeze %dma_wait3A_378 : memref<1x50x32xf32, #tpu.memory_space<hbm>> -> memref<50x32xf32, #tpu.memory_space<hbm>>
    %dma_wait3A_380 = arith.constant 1000 : i32
    %dma_wait3A_381 = arith.constant 0 : i32
    %dma_wait3A_382 = tpu.memref_slice %arg8[%dma_wait3A_380, %dma_wait3A_381] : memref<1600x32xf32, #tpu.memory_space<vmem>> -> memref<50x32xf32, #tpu.memory_space<vmem>>
    tpu.wait_dma2 semaphore(%arg13 : memref<!tpu.dma_semaphore, #tpu.memory_space<semaphore_mem>>) src(%dma_wait3A_382 : memref<50x32xf32, #tpu.memory_space<vmem>>) dst(%dma_wait3A_379 : memref<50x32xf32, #tpu.memory_space<hbm>>)
    %add3A_383 = arith.constant 21 : i32
    %add3A_384 = arith.addi %add3A_47, %add3A_383 : i32
    %dma_wait3A_385 = arith.constant 1050 : i32
    %dma_wait3A_386 = arith.constant 0 : i32
    %dma_wait3A_387 = tpu.memref_slice %arg8[%dma_wait3A_385, %dma_wait3A_386] : memref<1600x32xf32, #tpu.memory_space<vmem>> -> memref<50x32xf32, #tpu.memory_space<vmem>>
    %dma_wait3A_388 = arith.constant 0 : i32
    %dma_wait3A_389 = arith.constant 0 : i32
    %dma_wait3A_390 = tpu.memref_slice %arg5[%add3A_384, %dma_wait3A_388, %dma_wait3A_389] : memref<16384x56x128xf32, #tpu.memory_space<hbm>> -> memref<1x50x32xf32, #tpu.memory_space<hbm>>
    %dma_wait3A_391 = tpu.memref_squeeze %dma_wait3A_390 : memref<1x50x32xf32, #tpu.memory_space<hbm>> -> memref<50x32xf32, #tpu.memory_space<hbm>>
    %dma_wait3A_392 = arith.constant 0 : i32
    %dma_wait3A_393 = arith.constant 0 : i32
    %dma_wait3A_394 = tpu.memref_slice %arg5[%add3A_384, %dma_wait3A_392, %dma_wait3A_393] : memref<16384x56x128xf32, #tpu.memory_space<hbm>> -> memref<1x50x32xf32, #tpu.memory_space<hbm>>
    %dma_wait3A_395 = tpu.memref_squeeze %dma_wait3A_394 : memref<1x50x32xf32, #tpu.memory_space<hbm>> -> memref<50x32xf32, #tpu.memory_space<hbm>>
    %dma_wait3A_396 = arith.constant 1050 : i32
    %dma_wait3A_397 = arith.constant 0 : i32
    %dma_wait3A_398 = tpu.memref_slice %arg8[%dma_wait3A_396, %dma_wait3A_397] : memref<1600x32xf32, #tpu.memory_space<vmem>> -> memref<50x32xf32, #tpu.memory_space<vmem>>
    tpu.wait_dma2 semaphore(%arg13 : memref<!tpu.dma_semaphore, #tpu.memory_space<semaphore_mem>>) src(%dma_wait3A_398 : memref<50x32xf32, #tpu.memory_space<vmem>>) dst(%dma_wait3A_395 : memref<50x32xf32, #tpu.memory_space<hbm>>)
    %add3A_399 = arith.constant 22 : i32
    %add3A_400 = arith.addi %add3A_47, %add3A_399 : i32
    %dma_wait3A_401 = arith.constant 1100 : i32
    %dma_wait3A_402 = arith.constant 0 : i32
    %dma_wait3A_403 = tpu.memref_slice %arg8[%dma_wait3A_401, %dma_wait3A_402] : memref<1600x32xf32, #tpu.memory_space<vmem>> -> memref<50x32xf32, #tpu.memory_space<vmem>>
    %dma_wait3A_404 = arith.constant 0 : i32
    %dma_wait3A_405 = arith.constant 0 : i32
    %dma_wait3A_406 = tpu.memref_slice %arg5[%add3A_400, %dma_wait3A_404, %dma_wait3A_405] : memref<16384x56x128xf32, #tpu.memory_space<hbm>> -> memref<1x50x32xf32, #tpu.memory_space<hbm>>
    %dma_wait3A_407 = tpu.memref_squeeze %dma_wait3A_406 : memref<1x50x32xf32, #tpu.memory_space<hbm>> -> memref<50x32xf32, #tpu.memory_space<hbm>>
    %dma_wait3A_408 = arith.constant 0 : i32
    %dma_wait3A_409 = arith.constant 0 : i32
    %dma_wait3A_410 = tpu.memref_slice %arg5[%add3A_400, %dma_wait3A_408, %dma_wait3A_409] : memref<16384x56x128xf32, #tpu.memory_space<hbm>> -> memref<1x50x32xf32, #tpu.memory_space<hbm>>
    %dma_wait3A_411 = tpu.memref_squeeze %dma_wait3A_410 : memref<1x50x32xf32, #tpu.memory_space<hbm>> -> memref<50x32xf32, #tpu.memory_space<hbm>>
    %dma_wait3A_412 = arith.constant 1100 : i32
    %dma_wait3A_413 = arith.constant 0 : i32
    %dma_wait3A_414 = tpu.memref_slice %arg8[%dma_wait3A_412, %dma_wait3A_413] : memref<1600x32xf32, #tpu.memory_space<vmem>> -> memref<50x32xf32, #tpu.memory_space<vmem>>
    tpu.wait_dma2 semaphore(%arg13 : memref<!tpu.dma_semaphore, #tpu.memory_space<semaphore_mem>>) src(%dma_wait3A_414 : memref<50x32xf32, #tpu.memory_space<vmem>>) dst(%dma_wait3A_411 : memref<50x32xf32, #tpu.memory_space<hbm>>)
    %add3A_415 = arith.constant 23 : i32
    %add3A_416 = arith.addi %add3A_47, %add3A_415 : i32
    %dma_wait3A_417 = arith.constant 1150 : i32
    %dma_wait3A_418 = arith.constant 0 : i32
    %dma_wait3A_419 = tpu.memref_slice %arg8[%dma_wait3A_417, %dma_wait3A_418] : memref<1600x32xf32, #tpu.memory_space<vmem>> -> memref<50x32xf32, #tpu.memory_space<vmem>>
    %dma_wait3A_420 = arith.constant 0 : i32
    %dma_wait3A_421 = arith.constant 0 : i32
    %dma_wait3A_422 = tpu.memref_slice %arg5[%add3A_416, %dma_wait3A_420, %dma_wait3A_421] : memref<16384x56x128xf32, #tpu.memory_space<hbm>> -> memref<1x50x32xf32, #tpu.memory_space<hbm>>
    %dma_wait3A_423 = tpu.memref_squeeze %dma_wait3A_422 : memref<1x50x32xf32, #tpu.memory_space<hbm>> -> memref<50x32xf32, #tpu.memory_space<hbm>>
    %dma_wait3A_424 = arith.constant 0 : i32
    %dma_wait3A_425 = arith.constant 0 : i32
    %dma_wait3A_426 = tpu.memref_slice %arg5[%add3A_416, %dma_wait3A_424, %dma_wait3A_425] : memref<16384x56x128xf32, #tpu.memory_space<hbm>> -> memref<1x50x32xf32, #tpu.memory_space<hbm>>
    %dma_wait3A_427 = tpu.memref_squeeze %dma_wait3A_426 : memref<1x50x32xf32, #tpu.memory_space<hbm>> -> memref<50x32xf32, #tpu.memory_space<hbm>>
    %dma_wait3A_428 = arith.constant 1150 : i32
    %dma_wait3A_429 = arith.constant 0 : i32
    %dma_wait3A_430 = tpu.memref_slice %arg8[%dma_wait3A_428, %dma_wait3A_429] : memref<1600x32xf32, #tpu.memory_space<vmem>> -> memref<50x32xf32, #tpu.memory_space<vmem>>
    tpu.wait_dma2 semaphore(%arg13 : memref<!tpu.dma_semaphore, #tpu.memory_space<semaphore_mem>>) src(%dma_wait3A_430 : memref<50x32xf32, #tpu.memory_space<vmem>>) dst(%dma_wait3A_427 : memref<50x32xf32, #tpu.memory_space<hbm>>)
    %add3A_431 = arith.constant 24 : i32
    %add3A_432 = arith.addi %add3A_47, %add3A_431 : i32
    %dma_wait3A_433 = arith.constant 1200 : i32
    %dma_wait3A_434 = arith.constant 0 : i32
    %dma_wait3A_435 = tpu.memref_slice %arg8[%dma_wait3A_433, %dma_wait3A_434] : memref<1600x32xf32, #tpu.memory_space<vmem>> -> memref<50x32xf32, #tpu.memory_space<vmem>>
    %dma_wait3A_436 = arith.constant 0 : i32
    %dma_wait3A_437 = arith.constant 0 : i32
    %dma_wait3A_438 = tpu.memref_slice %arg5[%add3A_432, %dma_wait3A_436, %dma_wait3A_437] : memref<16384x56x128xf32, #tpu.memory_space<hbm>> -> memref<1x50x32xf32, #tpu.memory_space<hbm>>
    %dma_wait3A_439 = tpu.memref_squeeze %dma_wait3A_438 : memref<1x50x32xf32, #tpu.memory_space<hbm>> -> memref<50x32xf32, #tpu.memory_space<hbm>>
    %dma_wait3A_440 = arith.constant 0 : i32
    %dma_wait3A_441 = arith.constant 0 : i32
    %dma_wait3A_442 = tpu.memref_slice %arg5[%add3A_432, %dma_wait3A_440, %dma_wait3A_441] : memref<16384x56x128xf32, #tpu.memory_space<hbm>> -> memref<1x50x32xf32, #tpu.memory_space<hbm>>
    %dma_wait3A_443 = tpu.memref_squeeze %dma_wait3A_442 : memref<1x50x32xf32, #tpu.memory_space<hbm>> -> memref<50x32xf32, #tpu.memory_space<hbm>>
    %dma_wait3A_444 = arith.constant 1200 : i32
    %dma_wait3A_445 = arith.constant 0 : i32
    %dma_wait3A_446 = tpu.memref_slice %arg8[%dma_wait3A_444, %dma_wait3A_445] : memref<1600x32xf32, #tpu.memory_space<vmem>> -> memref<50x32xf32, #tpu.memory_space<vmem>>
    tpu.wait_dma2 semaphore(%arg13 : memref<!tpu.dma_semaphore, #tpu.memory_space<semaphore_mem>>) src(%dma_wait3A_446 : memref<50x32xf32, #tpu.memory_space<vmem>>) dst(%dma_wait3A_443 : memref<50x32xf32, #tpu.memory_space<hbm>>)
    %add3A_447 = arith.constant 25 : i32
    %add3A_448 = arith.addi %add3A_47, %add3A_447 : i32
    %dma_wait3A_449 = arith.constant 1250 : i32
    %dma_wait3A_450 = arith.constant 0 : i32
    %dma_wait3A_451 = tpu.memref_slice %arg8[%dma_wait3A_449, %dma_wait3A_450] : memref<1600x32xf32, #tpu.memory_space<vmem>> -> memref<50x32xf32, #tpu.memory_space<vmem>>
    %dma_wait3A_452 = arith.constant 0 : i32
    %dma_wait3A_453 = arith.constant 0 : i32
    %dma_wait3A_454 = tpu.memref_slice %arg5[%add3A_448, %dma_wait3A_452, %dma_wait3A_453] : memref<16384x56x128xf32, #tpu.memory_space<hbm>> -> memref<1x50x32xf32, #tpu.memory_space<hbm>>
    %dma_wait3A_455 = tpu.memref_squeeze %dma_wait3A_454 : memref<1x50x32xf32, #tpu.memory_space<hbm>> -> memref<50x32xf32, #tpu.memory_space<hbm>>
    %dma_wait3A_456 = arith.constant 0 : i32
    %dma_wait3A_457 = arith.constant 0 : i32
    %dma_wait3A_458 = tpu.memref_slice %arg5[%add3A_448, %dma_wait3A_456, %dma_wait3A_457] : memref<16384x56x128xf32, #tpu.memory_space<hbm>> -> memref<1x50x32xf32, #tpu.memory_space<hbm>>
    %dma_wait3A_459 = tpu.memref_squeeze %dma_wait3A_458 : memref<1x50x32xf32, #tpu.memory_space<hbm>> -> memref<50x32xf32, #tpu.memory_space<hbm>>
    %dma_wait3A_460 = arith.constant 1250 : i32
    %dma_wait3A_461 = arith.constant 0 : i32
    %dma_wait3A_462 = tpu.memref_slice %arg8[%dma_wait3A_460, %dma_wait3A_461] : memref<1600x32xf32, #tpu.memory_space<vmem>> -> memref<50x32xf32, #tpu.memory_space<vmem>>
    tpu.wait_dma2 semaphore(%arg13 : memref<!tpu.dma_semaphore, #tpu.memory_space<semaphore_mem>>) src(%dma_wait3A_462 : memref<50x32xf32, #tpu.memory_space<vmem>>) dst(%dma_wait3A_459 : memref<50x32xf32, #tpu.memory_space<hbm>>)
    %add3A_463 = arith.constant 26 : i32
    %add3A_464 = arith.addi %add3A_47, %add3A_463 : i32
    %dma_wait3A_465 = arith.constant 1300 : i32
    %dma_wait3A_466 = arith.constant 0 : i32
    %dma_wait3A_467 = tpu.memref_slice %arg8[%dma_wait3A_465, %dma_wait3A_466] : memref<1600x32xf32, #tpu.memory_space<vmem>> -> memref<50x32xf32, #tpu.memory_space<vmem>>
    %dma_wait3A_468 = arith.constant 0 : i32
    %dma_wait3A_469 = arith.constant 0 : i32
    %dma_wait3A_470 = tpu.memref_slice %arg5[%add3A_464, %dma_wait3A_468, %dma_wait3A_469] : memref<16384x56x128xf32, #tpu.memory_space<hbm>> -> memref<1x50x32xf32, #tpu.memory_space<hbm>>
    %dma_wait3A_471 = tpu.memref_squeeze %dma_wait3A_470 : memref<1x50x32xf32, #tpu.memory_space<hbm>> -> memref<50x32xf32, #tpu.memory_space<hbm>>
    %dma_wait3A_472 = arith.constant 0 : i32
    %dma_wait3A_473 = arith.constant 0 : i32
    %dma_wait3A_474 = tpu.memref_slice %arg5[%add3A_464, %dma_wait3A_472, %dma_wait3A_473] : memref<16384x56x128xf32, #tpu.memory_space<hbm>> -> memref<1x50x32xf32, #tpu.memory_space<hbm>>
    %dma_wait3A_475 = tpu.memref_squeeze %dma_wait3A_474 : memref<1x50x32xf32, #tpu.memory_space<hbm>> -> memref<50x32xf32, #tpu.memory_space<hbm>>
    %dma_wait3A_476 = arith.constant 1300 : i32
    %dma_wait3A_477 = arith.constant 0 : i32
    %dma_wait3A_478 = tpu.memref_slice %arg8[%dma_wait3A_476, %dma_wait3A_477] : memref<1600x32xf32, #tpu.memory_space<vmem>> -> memref<50x32xf32, #tpu.memory_space<vmem>>
    tpu.wait_dma2 semaphore(%arg13 : memref<!tpu.dma_semaphore, #tpu.memory_space<semaphore_mem>>) src(%dma_wait3A_478 : memref<50x32xf32, #tpu.memory_space<vmem>>) dst(%dma_wait3A_475 : memref<50x32xf32, #tpu.memory_space<hbm>>)
    %add3A_479 = arith.constant 27 : i32
    %add3A_480 = arith.addi %add3A_47, %add3A_479 : i32
    %dma_wait3A_481 = arith.constant 1350 : i32
    %dma_wait3A_482 = arith.constant 0 : i32
    %dma_wait3A_483 = tpu.memref_slice %arg8[%dma_wait3A_481, %dma_wait3A_482] : memref<1600x32xf32, #tpu.memory_space<vmem>> -> memref<50x32xf32, #tpu.memory_space<vmem>>
    %dma_wait3A_484 = arith.constant 0 : i32
    %dma_wait3A_485 = arith.constant 0 : i32
    %dma_wait3A_486 = tpu.memref_slice %arg5[%add3A_480, %dma_wait3A_484, %dma_wait3A_485] : memref<16384x56x128xf32, #tpu.memory_space<hbm>> -> memref<1x50x32xf32, #tpu.memory_space<hbm>>
    %dma_wait3A_487 = tpu.memref_squeeze %dma_wait3A_486 : memref<1x50x32xf32, #tpu.memory_space<hbm>> -> memref<50x32xf32, #tpu.memory_space<hbm>>
    %dma_wait3A_488 = arith.constant 0 : i32
    %dma_wait3A_489 = arith.constant 0 : i32
    %dma_wait3A_490 = tpu.memref_slice %arg5[%add3A_480, %dma_wait3A_488, %dma_wait3A_489] : memref<16384x56x128xf32, #tpu.memory_space<hbm>> -> memref<1x50x32xf32, #tpu.memory_space<hbm>>
    %dma_wait3A_491 = tpu.memref_squeeze %dma_wait3A_490 : memref<1x50x32xf32, #tpu.memory_space<hbm>> -> memref<50x32xf32, #tpu.memory_space<hbm>>
    %dma_wait3A_492 = arith.constant 1350 : i32
    %dma_wait3A_493 = arith.constant 0 : i32
    %dma_wait3A_494 = tpu.memref_slice %arg8[%dma_wait3A_492, %dma_wait3A_493] : memref<1600x32xf32, #tpu.memory_space<vmem>> -> memref<50x32xf32, #tpu.memory_space<vmem>>
    tpu.wait_dma2 semaphore(%arg13 : memref<!tpu.dma_semaphore, #tpu.memory_space<semaphore_mem>>) src(%dma_wait3A_494 : memref<50x32xf32, #tpu.memory_space<vmem>>) dst(%dma_wait3A_491 : memref<50x32xf32, #tpu.memory_space<hbm>>)
    %add3A_495 = arith.constant 28 : i32
    %add3A_496 = arith.addi %add3A_47, %add3A_495 : i32
    %dma_wait3A_497 = arith.constant 1400 : i32
    %dma_wait3A_498 = arith.constant 0 : i32
    %dma_wait3A_499 = tpu.memref_slice %arg8[%dma_wait3A_497, %dma_wait3A_498] : memref<1600x32xf32, #tpu.memory_space<vmem>> -> memref<50x32xf32, #tpu.memory_space<vmem>>
    %dma_wait3A_500 = arith.constant 0 : i32
    %dma_wait3A_501 = arith.constant 0 : i32
    %dma_wait3A_502 = tpu.memref_slice %arg5[%add3A_496, %dma_wait3A_500, %dma_wait3A_501] : memref<16384x56x128xf32, #tpu.memory_space<hbm>> -> memref<1x50x32xf32, #tpu.memory_space<hbm>>
    %dma_wait3A_503 = tpu.memref_squeeze %dma_wait3A_502 : memref<1x50x32xf32, #tpu.memory_space<hbm>> -> memref<50x32xf32, #tpu.memory_space<hbm>>
    %dma_wait3A_504 = arith.constant 0 : i32
    %dma_wait3A_505 = arith.constant 0 : i32
    %dma_wait3A_506 = tpu.memref_slice %arg5[%add3A_496, %dma_wait3A_504, %dma_wait3A_505] : memref<16384x56x128xf32, #tpu.memory_space<hbm>> -> memref<1x50x32xf32, #tpu.memory_space<hbm>>
    %dma_wait3A_507 = tpu.memref_squeeze %dma_wait3A_506 : memref<1x50x32xf32, #tpu.memory_space<hbm>> -> memref<50x32xf32, #tpu.memory_space<hbm>>
    %dma_wait3A_508 = arith.constant 1400 : i32
    %dma_wait3A_509 = arith.constant 0 : i32
    %dma_wait3A_510 = tpu.memref_slice %arg8[%dma_wait3A_508, %dma_wait3A_509] : memref<1600x32xf32, #tpu.memory_space<vmem>> -> memref<50x32xf32, #tpu.memory_space<vmem>>
    tpu.wait_dma2 semaphore(%arg13 : memref<!tpu.dma_semaphore, #tpu.memory_space<semaphore_mem>>) src(%dma_wait3A_510 : memref<50x32xf32, #tpu.memory_space<vmem>>) dst(%dma_wait3A_507 : memref<50x32xf32, #tpu.memory_space<hbm>>)
    %add3A_511 = arith.constant 29 : i32
    %add3A_512 = arith.addi %add3A_47, %add3A_511 : i32
    %dma_wait3A_513 = arith.constant 1450 : i32
    %dma_wait3A_514 = arith.constant 0 : i32
    %dma_wait3A_515 = tpu.memref_slice %arg8[%dma_wait3A_513, %dma_wait3A_514] : memref<1600x32xf32, #tpu.memory_space<vmem>> -> memref<50x32xf32, #tpu.memory_space<vmem>>
    %dma_wait3A_516 = arith.constant 0 : i32
    %dma_wait3A_517 = arith.constant 0 : i32
    %dma_wait3A_518 = tpu.memref_slice %arg5[%add3A_512, %dma_wait3A_516, %dma_wait3A_517] : memref<16384x56x128xf32, #tpu.memory_space<hbm>> -> memref<1x50x32xf32, #tpu.memory_space<hbm>>
    %dma_wait3A_519 = tpu.memref_squeeze %dma_wait3A_518 : memref<1x50x32xf32, #tpu.memory_space<hbm>> -> memref<50x32xf32, #tpu.memory_space<hbm>>
    %dma_wait3A_520 = arith.constant 0 : i32
    %dma_wait3A_521 = arith.constant 0 : i32
    %dma_wait3A_522 = tpu.memref_slice %arg5[%add3A_512, %dma_wait3A_520, %dma_wait3A_521] : memref<16384x56x128xf32, #tpu.memory_space<hbm>> -> memref<1x50x32xf32, #tpu.memory_space<hbm>>
    %dma_wait3A_523 = tpu.memref_squeeze %dma_wait3A_522 : memref<1x50x32xf32, #tpu.memory_space<hbm>> -> memref<50x32xf32, #tpu.memory_space<hbm>>
    %dma_wait3A_524 = arith.constant 1450 : i32
    %dma_wait3A_525 = arith.constant 0 : i32
    %dma_wait3A_526 = tpu.memref_slice %arg8[%dma_wait3A_524, %dma_wait3A_525] : memref<1600x32xf32, #tpu.memory_space<vmem>> -> memref<50x32xf32, #tpu.memory_space<vmem>>
    tpu.wait_dma2 semaphore(%arg13 : memref<!tpu.dma_semaphore, #tpu.memory_space<semaphore_mem>>) src(%dma_wait3A_526 : memref<50x32xf32, #tpu.memory_space<vmem>>) dst(%dma_wait3A_523 : memref<50x32xf32, #tpu.memory_space<hbm>>)
    %add3A_527 = arith.constant 30 : i32
    %add3A_528 = arith.addi %add3A_47, %add3A_527 : i32
    %dma_wait3A_529 = arith.constant 1500 : i32
    %dma_wait3A_530 = arith.constant 0 : i32
    %dma_wait3A_531 = tpu.memref_slice %arg8[%dma_wait3A_529, %dma_wait3A_530] : memref<1600x32xf32, #tpu.memory_space<vmem>> -> memref<50x32xf32, #tpu.memory_space<vmem>>
    %dma_wait3A_532 = arith.constant 0 : i32
    %dma_wait3A_533 = arith.constant 0 : i32
    %dma_wait3A_534 = tpu.memref_slice %arg5[%add3A_528, %dma_wait3A_532, %dma_wait3A_533] : memref<16384x56x128xf32, #tpu.memory_space<hbm>> -> memref<1x50x32xf32, #tpu.memory_space<hbm>>
    %dma_wait3A_535 = tpu.memref_squeeze %dma_wait3A_534 : memref<1x50x32xf32, #tpu.memory_space<hbm>> -> memref<50x32xf32, #tpu.memory_space<hbm>>
    %dma_wait3A_536 = arith.constant 0 : i32
    %dma_wait3A_537 = arith.constant 0 : i32
    %dma_wait3A_538 = tpu.memref_slice %arg5[%add3A_528, %dma_wait3A_536, %dma_wait3A_537] : memref<16384x56x128xf32, #tpu.memory_space<hbm>> -> memref<1x50x32xf32, #tpu.memory_space<hbm>>
    %dma_wait3A_539 = tpu.memref_squeeze %dma_wait3A_538 : memref<1x50x32xf32, #tpu.memory_space<hbm>> -> memref<50x32xf32, #tpu.memory_space<hbm>>
    %dma_wait3A_540 = arith.constant 1500 : i32
    %dma_wait3A_541 = arith.constant 0 : i32
    %dma_wait3A_542 = tpu.memref_slice %arg8[%dma_wait3A_540, %dma_wait3A_541] : memref<1600x32xf32, #tpu.memory_space<vmem>> -> memref<50x32xf32, #tpu.memory_space<vmem>>
    tpu.wait_dma2 semaphore(%arg13 : memref<!tpu.dma_semaphore, #tpu.memory_space<semaphore_mem>>) src(%dma_wait3A_542 : memref<50x32xf32, #tpu.memory_space<vmem>>) dst(%dma_wait3A_539 : memref<50x32xf32, #tpu.memory_space<hbm>>)
    %add3A_543 = arith.constant 31 : i32
    %add3A_544 = arith.addi %add3A_47, %add3A_543 : i32
    %dma_wait3A_545 = arith.constant 1550 : i32
    %dma_wait3A_546 = arith.constant 0 : i32
    %dma_wait3A_547 = tpu.memref_slice %arg8[%dma_wait3A_545, %dma_wait3A_546] : memref<1600x32xf32, #tpu.memory_space<vmem>> -> memref<50x32xf32, #tpu.memory_space<vmem>>
    %dma_wait3A_548 = arith.constant 0 : i32
    %dma_wait3A_549 = arith.constant 0 : i32
    %dma_wait3A_550 = tpu.memref_slice %arg5[%add3A_544, %dma_wait3A_548, %dma_wait3A_549] : memref<16384x56x128xf32, #tpu.memory_space<hbm>> -> memref<1x50x32xf32, #tpu.memory_space<hbm>>
    %dma_wait3A_551 = tpu.memref_squeeze %dma_wait3A_550 : memref<1x50x32xf32, #tpu.memory_space<hbm>> -> memref<50x32xf32, #tpu.memory_space<hbm>>
    %dma_wait3A_552 = arith.constant 0 : i32
    %dma_wait3A_553 = arith.constant 0 : i32
    %dma_wait3A_554 = tpu.memref_slice %arg5[%add3A_544, %dma_wait3A_552, %dma_wait3A_553] : memref<16384x56x128xf32, #tpu.memory_space<hbm>> -> memref<1x50x32xf32, #tpu.memory_space<hbm>>
    %dma_wait3A_555 = tpu.memref_squeeze %dma_wait3A_554 : memref<1x50x32xf32, #tpu.memory_space<hbm>> -> memref<50x32xf32, #tpu.memory_space<hbm>>
    %dma_wait3A_556 = arith.constant 1550 : i32
    %dma_wait3A_557 = arith.constant 0 : i32
    %dma_wait3A_558 = tpu.memref_slice %arg8[%dma_wait3A_556, %dma_wait3A_557] : memref<1600x32xf32, #tpu.memory_space<vmem>> -> memref<50x32xf32, #tpu.memory_space<vmem>>
    tpu.wait_dma2 semaphore(%arg13 : memref<!tpu.dma_semaphore, #tpu.memory_space<semaphore_mem>>) src(%dma_wait3A_558 : memref<50x32xf32, #tpu.memory_space<vmem>>) dst(%dma_wait3A_555 : memref<50x32xf32, #tpu.memory_space<hbm>>)
    %mul3A_559 = arith.constant 512 : i32
    %mul3A_560 = arith.muli %add3A, %mul3A_559 : i32
    %add3A_561 = arith.constant 480 : i32
    %add3A_562 = arith.addi %mul3A_560, %add3A_561 : i32
    %add3A_563 = arith.constant 0 : i32
    %add3A_564 = arith.addi %add3A_562, %add3A_563 : i32
    %dma_wait3A_565 = arith.constant 0 : i32
    %dma_wait3A_566 = arith.constant 0 : i32
    %dma_wait3A_567 = tpu.memref_slice %arg9[%dma_wait3A_565, %dma_wait3A_566] : memref<1600x32xf32, #tpu.memory_space<vmem>> -> memref<50x32xf32, #tpu.memory_space<vmem>>
    %dma_wait3A_568 = arith.constant 0 : i32
    %dma_wait3A_569 = arith.constant 0 : i32
    %dma_wait3A_570 = tpu.memref_slice %arg5[%add3A_564, %dma_wait3A_568, %dma_wait3A_569] : memref<16384x56x128xf32, #tpu.memory_space<hbm>> -> memref<1x50x32xf32, #tpu.memory_space<hbm>>
    %dma_wait3A_571 = tpu.memref_squeeze %dma_wait3A_570 : memref<1x50x32xf32, #tpu.memory_space<hbm>> -> memref<50x32xf32, #tpu.memory_space<hbm>>
    %dma_wait3A_572 = arith.constant 0 : i32
    %dma_wait3A_573 = arith.constant 0 : i32
    %dma_wait3A_574 = tpu.memref_slice %arg5[%add3A_564, %dma_wait3A_572, %dma_wait3A_573] : memref<16384x56x128xf32, #tpu.memory_space<hbm>> -> memref<1x50x32xf32, #tpu.memory_space<hbm>>
    %dma_wait3A_575 = tpu.memref_squeeze %dma_wait3A_574 : memref<1x50x32xf32, #tpu.memory_space<hbm>> -> memref<50x32xf32, #tpu.memory_space<hbm>>
    %dma_wait3A_576 = arith.constant 0 : i32
    %dma_wait3A_577 = arith.constant 0 : i32
    %dma_wait3A_578 = tpu.memref_slice %arg9[%dma_wait3A_576, %dma_wait3A_577] : memref<1600x32xf32, #tpu.memory_space<vmem>> -> memref<50x32xf32, #tpu.memory_space<vmem>>
    tpu.wait_dma2 semaphore(%arg14 : memref<!tpu.dma_semaphore, #tpu.memory_space<semaphore_mem>>) src(%dma_wait3A_578 : memref<50x32xf32, #tpu.memory_space<vmem>>) dst(%dma_wait3A_575 : memref<50x32xf32, #tpu.memory_space<hbm>>)
    %add3A_579 = arith.constant 1 : i32
    %add3A_580 = arith.addi %add3A_562, %add3A_579 : i32
    %dma_wait3A_581 = arith.constant 50 : i32
    %dma_wait3A_582 = arith.constant 0 : i32
    %dma_wait3A_583 = tpu.memref_slice %arg9[%dma_wait3A_581, %dma_wait3A_582] : memref<1600x32xf32, #tpu.memory_space<vmem>> -> memref<50x32xf32, #tpu.memory_space<vmem>>
    %dma_wait3A_584 = arith.constant 0 : i32
    %dma_wait3A_585 = arith.constant 0 : i32
    %dma_wait3A_586 = tpu.memref_slice %arg5[%add3A_580, %dma_wait3A_584, %dma_wait3A_585] : memref<16384x56x128xf32, #tpu.memory_space<hbm>> -> memref<1x50x32xf32, #tpu.memory_space<hbm>>
    %dma_wait3A_587 = tpu.memref_squeeze %dma_wait3A_586 : memref<1x50x32xf32, #tpu.memory_space<hbm>> -> memref<50x32xf32, #tpu.memory_space<hbm>>
    %dma_wait3A_588 = arith.constant 0 : i32
    %dma_wait3A_589 = arith.constant 0 : i32
    %dma_wait3A_590 = tpu.memref_slice %arg5[%add3A_580, %dma_wait3A_588, %dma_wait3A_589] : memref<16384x56x128xf32, #tpu.memory_space<hbm>> -> memref<1x50x32xf32, #tpu.memory_space<hbm>>
    %dma_wait3A_591 = tpu.memref_squeeze %dma_wait3A_590 : memref<1x50x32xf32, #tpu.memory_space<hbm>> -> memref<50x32xf32, #tpu.memory_space<hbm>>
    %dma_wait3A_592 = arith.constant 50 : i32
    %dma_wait3A_593 = arith.constant 0 : i32
    %dma_wait3A_594 = tpu.memref_slice %arg9[%dma_wait3A_592, %dma_wait3A_593] : memref<1600x32xf32, #tpu.memory_space<vmem>> -> memref<50x32xf32, #tpu.memory_space<vmem>>
    tpu.wait_dma2 semaphore(%arg14 : memref<!tpu.dma_semaphore, #tpu.memory_space<semaphore_mem>>) src(%dma_wait3A_594 : memref<50x32xf32, #tpu.memory_space<vmem>>) dst(%dma_wait3A_591 : memref<50x32xf32, #tpu.memory_space<hbm>>)
    %add3A_595 = arith.constant 2 : i32
    %add3A_596 = arith.addi %add3A_562, %add3A_595 : i32
    %dma_wait3A_597 = arith.constant 100 : i32
    %dma_wait3A_598 = arith.constant 0 : i32
    %dma_wait3A_599 = tpu.memref_slice %arg9[%dma_wait3A_597, %dma_wait3A_598] : memref<1600x32xf32, #tpu.memory_space<vmem>> -> memref<50x32xf32, #tpu.memory_space<vmem>>
    %dma_wait3A_600 = arith.constant 0 : i32
    %dma_wait3A_601 = arith.constant 0 : i32
    %dma_wait3A_602 = tpu.memref_slice %arg5[%add3A_596, %dma_wait3A_600, %dma_wait3A_601] : memref<16384x56x128xf32, #tpu.memory_space<hbm>> -> memref<1x50x32xf32, #tpu.memory_space<hbm>>
    %dma_wait3A_603 = tpu.memref_squeeze %dma_wait3A_602 : memref<1x50x32xf32, #tpu.memory_space<hbm>> -> memref<50x32xf32, #tpu.memory_space<hbm>>
    %dma_wait3A_604 = arith.constant 0 : i32
    %dma_wait3A_605 = arith.constant 0 : i32
    %dma_wait3A_606 = tpu.memref_slice %arg5[%add3A_596, %dma_wait3A_604, %dma_wait3A_605] : memref<16384x56x128xf32, #tpu.memory_space<hbm>> -> memref<1x50x32xf32, #tpu.memory_space<hbm>>
    %dma_wait3A_607 = tpu.memref_squeeze %dma_wait3A_606 : memref<1x50x32xf32, #tpu.memory_space<hbm>> -> memref<50x32xf32, #tpu.memory_space<hbm>>
    %dma_wait3A_608 = arith.constant 100 : i32
    %dma_wait3A_609 = arith.constant 0 : i32
    %dma_wait3A_610 = tpu.memref_slice %arg9[%dma_wait3A_608, %dma_wait3A_609] : memref<1600x32xf32, #tpu.memory_space<vmem>> -> memref<50x32xf32, #tpu.memory_space<vmem>>
    tpu.wait_dma2 semaphore(%arg14 : memref<!tpu.dma_semaphore, #tpu.memory_space<semaphore_mem>>) src(%dma_wait3A_610 : memref<50x32xf32, #tpu.memory_space<vmem>>) dst(%dma_wait3A_607 : memref<50x32xf32, #tpu.memory_space<hbm>>)
    %add3A_611 = arith.constant 3 : i32
    %add3A_612 = arith.addi %add3A_562, %add3A_611 : i32
    %dma_wait3A_613 = arith.constant 150 : i32
    %dma_wait3A_614 = arith.constant 0 : i32
    %dma_wait3A_615 = tpu.memref_slice %arg9[%dma_wait3A_613, %dma_wait3A_614] : memref<1600x32xf32, #tpu.memory_space<vmem>> -> memref<50x32xf32, #tpu.memory_space<vmem>>
    %dma_wait3A_616 = arith.constant 0 : i32
    %dma_wait3A_617 = arith.constant 0 : i32
    %dma_wait3A_618 = tpu.memref_slice %arg5[%add3A_612, %dma_wait3A_616, %dma_wait3A_617] : memref<16384x56x128xf32, #tpu.memory_space<hbm>> -> memref<1x50x32xf32, #tpu.memory_space<hbm>>
    %dma_wait3A_619 = tpu.memref_squeeze %dma_wait3A_618 : memref<1x50x32xf32, #tpu.memory_space<hbm>> -> memref<50x32xf32, #tpu.memory_space<hbm>>
    %dma_wait3A_620 = arith.constant 0 : i32
    %dma_wait3A_621 = arith.constant 0 : i32
    %dma_wait3A_622 = tpu.memref_slice %arg5[%add3A_612, %dma_wait3A_620, %dma_wait3A_621] : memref<16384x56x128xf32, #tpu.memory_space<hbm>> -> memref<1x50x32xf32, #tpu.memory_space<hbm>>
    %dma_wait3A_623 = tpu.memref_squeeze %dma_wait3A_622 : memref<1x50x32xf32, #tpu.memory_space<hbm>> -> memref<50x32xf32, #tpu.memory_space<hbm>>
    %dma_wait3A_624 = arith.constant 150 : i32
    %dma_wait3A_625 = arith.constant 0 : i32
    %dma_wait3A_626 = tpu.memref_slice %arg9[%dma_wait3A_624, %dma_wait3A_625] : memref<1600x32xf32, #tpu.memory_space<vmem>> -> memref<50x32xf32, #tpu.memory_space<vmem>>
    tpu.wait_dma2 semaphore(%arg14 : memref<!tpu.dma_semaphore, #tpu.memory_space<semaphore_mem>>) src(%dma_wait3A_626 : memref<50x32xf32, #tpu.memory_space<vmem>>) dst(%dma_wait3A_623 : memref<50x32xf32, #tpu.memory_space<hbm>>)
    %add3A_627 = arith.constant 4 : i32
    %add3A_628 = arith.addi %add3A_562, %add3A_627 : i32
    %dma_wait3A_629 = arith.constant 200 : i32
    %dma_wait3A_630 = arith.constant 0 : i32
    %dma_wait3A_631 = tpu.memref_slice %arg9[%dma_wait3A_629, %dma_wait3A_630] : memref<1600x32xf32, #tpu.memory_space<vmem>> -> memref<50x32xf32, #tpu.memory_space<vmem>>
    %dma_wait3A_632 = arith.constant 0 : i32
    %dma_wait3A_633 = arith.constant 0 : i32
    %dma_wait3A_634 = tpu.memref_slice %arg5[%add3A_628, %dma_wait3A_632, %dma_wait3A_633] : memref<16384x56x128xf32, #tpu.memory_space<hbm>> -> memref<1x50x32xf32, #tpu.memory_space<hbm>>
    %dma_wait3A_635 = tpu.memref_squeeze %dma_wait3A_634 : memref<1x50x32xf32, #tpu.memory_space<hbm>> -> memref<50x32xf32, #tpu.memory_space<hbm>>
    %dma_wait3A_636 = arith.constant 0 : i32
    %dma_wait3A_637 = arith.constant 0 : i32
    %dma_wait3A_638 = tpu.memref_slice %arg5[%add3A_628, %dma_wait3A_636, %dma_wait3A_637] : memref<16384x56x128xf32, #tpu.memory_space<hbm>> -> memref<1x50x32xf32, #tpu.memory_space<hbm>>
    %dma_wait3A_639 = tpu.memref_squeeze %dma_wait3A_638 : memref<1x50x32xf32, #tpu.memory_space<hbm>> -> memref<50x32xf32, #tpu.memory_space<hbm>>
    %dma_wait3A_640 = arith.constant 200 : i32
    %dma_wait3A_641 = arith.constant 0 : i32
    %dma_wait3A_642 = tpu.memref_slice %arg9[%dma_wait3A_640, %dma_wait3A_641] : memref<1600x32xf32, #tpu.memory_space<vmem>> -> memref<50x32xf32, #tpu.memory_space<vmem>>
    tpu.wait_dma2 semaphore(%arg14 : memref<!tpu.dma_semaphore, #tpu.memory_space<semaphore_mem>>) src(%dma_wait3A_642 : memref<50x32xf32, #tpu.memory_space<vmem>>) dst(%dma_wait3A_639 : memref<50x32xf32, #tpu.memory_space<hbm>>)
    %add3A_643 = arith.constant 5 : i32
    %add3A_644 = arith.addi %add3A_562, %add3A_643 : i32
    %dma_wait3A_645 = arith.constant 250 : i32
    %dma_wait3A_646 = arith.constant 0 : i32
    %dma_wait3A_647 = tpu.memref_slice %arg9[%dma_wait3A_645, %dma_wait3A_646] : memref<1600x32xf32, #tpu.memory_space<vmem>> -> memref<50x32xf32, #tpu.memory_space<vmem>>
    %dma_wait3A_648 = arith.constant 0 : i32
    %dma_wait3A_649 = arith.constant 0 : i32
    %dma_wait3A_650 = tpu.memref_slice %arg5[%add3A_644, %dma_wait3A_648, %dma_wait3A_649] : memref<16384x56x128xf32, #tpu.memory_space<hbm>> -> memref<1x50x32xf32, #tpu.memory_space<hbm>>
    %dma_wait3A_651 = tpu.memref_squeeze %dma_wait3A_650 : memref<1x50x32xf32, #tpu.memory_space<hbm>> -> memref<50x32xf32, #tpu.memory_space<hbm>>
    %dma_wait3A_652 = arith.constant 0 : i32
    %dma_wait3A_653 = arith.constant 0 : i32
    %dma_wait3A_654 = tpu.memref_slice %arg5[%add3A_644, %dma_wait3A_652, %dma_wait3A_653] : memref<16384x56x128xf32, #tpu.memory_space<hbm>> -> memref<1x50x32xf32, #tpu.memory_space<hbm>>
    %dma_wait3A_655 = tpu.memref_squeeze %dma_wait3A_654 : memref<1x50x32xf32, #tpu.memory_space<hbm>> -> memref<50x32xf32, #tpu.memory_space<hbm>>
    %dma_wait3A_656 = arith.constant 250 : i32
    %dma_wait3A_657 = arith.constant 0 : i32
    %dma_wait3A_658 = tpu.memref_slice %arg9[%dma_wait3A_656, %dma_wait3A_657] : memref<1600x32xf32, #tpu.memory_space<vmem>> -> memref<50x32xf32, #tpu.memory_space<vmem>>
    tpu.wait_dma2 semaphore(%arg14 : memref<!tpu.dma_semaphore, #tpu.memory_space<semaphore_mem>>) src(%dma_wait3A_658 : memref<50x32xf32, #tpu.memory_space<vmem>>) dst(%dma_wait3A_655 : memref<50x32xf32, #tpu.memory_space<hbm>>)
    %add3A_659 = arith.constant 6 : i32
    %add3A_660 = arith.addi %add3A_562, %add3A_659 : i32
    %dma_wait3A_661 = arith.constant 300 : i32
    %dma_wait3A_662 = arith.constant 0 : i32
    %dma_wait3A_663 = tpu.memref_slice %arg9[%dma_wait3A_661, %dma_wait3A_662] : memref<1600x32xf32, #tpu.memory_space<vmem>> -> memref<50x32xf32, #tpu.memory_space<vmem>>
    %dma_wait3A_664 = arith.constant 0 : i32
    %dma_wait3A_665 = arith.constant 0 : i32
    %dma_wait3A_666 = tpu.memref_slice %arg5[%add3A_660, %dma_wait3A_664, %dma_wait3A_665] : memref<16384x56x128xf32, #tpu.memory_space<hbm>> -> memref<1x50x32xf32, #tpu.memory_space<hbm>>
    %dma_wait3A_667 = tpu.memref_squeeze %dma_wait3A_666 : memref<1x50x32xf32, #tpu.memory_space<hbm>> -> memref<50x32xf32, #tpu.memory_space<hbm>>
    %dma_wait3A_668 = arith.constant 0 : i32
    %dma_wait3A_669 = arith.constant 0 : i32
    %dma_wait3A_670 = tpu.memref_slice %arg5[%add3A_660, %dma_wait3A_668, %dma_wait3A_669] : memref<16384x56x128xf32, #tpu.memory_space<hbm>> -> memref<1x50x32xf32, #tpu.memory_space<hbm>>
    %dma_wait3A_671 = tpu.memref_squeeze %dma_wait3A_670 : memref<1x50x32xf32, #tpu.memory_space<hbm>> -> memref<50x32xf32, #tpu.memory_space<hbm>>
    %dma_wait3A_672 = arith.constant 300 : i32
    %dma_wait3A_673 = arith.constant 0 : i32
    %dma_wait3A_674 = tpu.memref_slice %arg9[%dma_wait3A_672, %dma_wait3A_673] : memref<1600x32xf32, #tpu.memory_space<vmem>> -> memref<50x32xf32, #tpu.memory_space<vmem>>
    tpu.wait_dma2 semaphore(%arg14 : memref<!tpu.dma_semaphore, #tpu.memory_space<semaphore_mem>>) src(%dma_wait3A_674 : memref<50x32xf32, #tpu.memory_space<vmem>>) dst(%dma_wait3A_671 : memref<50x32xf32, #tpu.memory_space<hbm>>)
    %add3A_675 = arith.constant 7 : i32
    %add3A_676 = arith.addi %add3A_562, %add3A_675 : i32
    %dma_wait3A_677 = arith.constant 350 : i32
    %dma_wait3A_678 = arith.constant 0 : i32
    %dma_wait3A_679 = tpu.memref_slice %arg9[%dma_wait3A_677, %dma_wait3A_678] : memref<1600x32xf32, #tpu.memory_space<vmem>> -> memref<50x32xf32, #tpu.memory_space<vmem>>
    %dma_wait3A_680 = arith.constant 0 : i32
    %dma_wait3A_681 = arith.constant 0 : i32
    %dma_wait3A_682 = tpu.memref_slice %arg5[%add3A_676, %dma_wait3A_680, %dma_wait3A_681] : memref<16384x56x128xf32, #tpu.memory_space<hbm>> -> memref<1x50x32xf32, #tpu.memory_space<hbm>>
    %dma_wait3A_683 = tpu.memref_squeeze %dma_wait3A_682 : memref<1x50x32xf32, #tpu.memory_space<hbm>> -> memref<50x32xf32, #tpu.memory_space<hbm>>
    %dma_wait3A_684 = arith.constant 0 : i32
    %dma_wait3A_685 = arith.constant 0 : i32
    %dma_wait3A_686 = tpu.memref_slice %arg5[%add3A_676, %dma_wait3A_684, %dma_wait3A_685] : memref<16384x56x128xf32, #tpu.memory_space<hbm>> -> memref<1x50x32xf32, #tpu.memory_space<hbm>>
    %dma_wait3A_687 = tpu.memref_squeeze %dma_wait3A_686 : memref<1x50x32xf32, #tpu.memory_space<hbm>> -> memref<50x32xf32, #tpu.memory_space<hbm>>
    %dma_wait3A_688 = arith.constant 350 : i32
    %dma_wait3A_689 = arith.constant 0 : i32
    %dma_wait3A_690 = tpu.memref_slice %arg9[%dma_wait3A_688, %dma_wait3A_689] : memref<1600x32xf32, #tpu.memory_space<vmem>> -> memref<50x32xf32, #tpu.memory_space<vmem>>
    tpu.wait_dma2 semaphore(%arg14 : memref<!tpu.dma_semaphore, #tpu.memory_space<semaphore_mem>>) src(%dma_wait3A_690 : memref<50x32xf32, #tpu.memory_space<vmem>>) dst(%dma_wait3A_687 : memref<50x32xf32, #tpu.memory_space<hbm>>)
    %add3A_691 = arith.constant 8 : i32
    %add3A_692 = arith.addi %add3A_562, %add3A_691 : i32
    %dma_wait3A_693 = arith.constant 400 : i32
    %dma_wait3A_694 = arith.constant 0 : i32
    %dma_wait3A_695 = tpu.memref_slice %arg9[%dma_wait3A_693, %dma_wait3A_694] : memref<1600x32xf32, #tpu.memory_space<vmem>> -> memref<50x32xf32, #tpu.memory_space<vmem>>
    %dma_wait3A_696 = arith.constant 0 : i32
    %dma_wait3A_697 = arith.constant 0 : i32
    %dma_wait3A_698 = tpu.memref_slice %arg5[%add3A_692, %dma_wait3A_696, %dma_wait3A_697] : memref<16384x56x128xf32, #tpu.memory_space<hbm>> -> memref<1x50x32xf32, #tpu.memory_space<hbm>>
    %dma_wait3A_699 = tpu.memref_squeeze %dma_wait3A_698 : memref<1x50x32xf32, #tpu.memory_space<hbm>> -> memref<50x32xf32, #tpu.memory_space<hbm>>
    %dma_wait3A_700 = arith.constant 0 : i32
    %dma_wait3A_701 = arith.constant 0 : i32
    %dma_wait3A_702 = tpu.memref_slice %arg5[%add3A_692, %dma_wait3A_700, %dma_wait3A_701] : memref<16384x56x128xf32, #tpu.memory_space<hbm>> -> memref<1x50x32xf32, #tpu.memory_space<hbm>>
    %dma_wait3A_703 = tpu.memref_squeeze %dma_wait3A_702 : memref<1x50x32xf32, #tpu.memory_space<hbm>> -> memref<50x32xf32, #tpu.memory_space<hbm>>
    %dma_wait3A_704 = arith.constant 400 : i32
    %dma_wait3A_705 = arith.constant 0 : i32
    %dma_wait3A_706 = tpu.memref_slice %arg9[%dma_wait3A_704, %dma_wait3A_705] : memref<1600x32xf32, #tpu.memory_space<vmem>> -> memref<50x32xf32, #tpu.memory_space<vmem>>
    tpu.wait_dma2 semaphore(%arg14 : memref<!tpu.dma_semaphore, #tpu.memory_space<semaphore_mem>>) src(%dma_wait3A_706 : memref<50x32xf32, #tpu.memory_space<vmem>>) dst(%dma_wait3A_703 : memref<50x32xf32, #tpu.memory_space<hbm>>)
    %add3A_707 = arith.constant 9 : i32
    %add3A_708 = arith.addi %add3A_562, %add3A_707 : i32
    %dma_wait3A_709 = arith.constant 450 : i32
    %dma_wait3A_710 = arith.constant 0 : i32
    %dma_wait3A_711 = tpu.memref_slice %arg9[%dma_wait3A_709, %dma_wait3A_710] : memref<1600x32xf32, #tpu.memory_space<vmem>> -> memref<50x32xf32, #tpu.memory_space<vmem>>
    %dma_wait3A_712 = arith.constant 0 : i32
    %dma_wait3A_713 = arith.constant 0 : i32
    %dma_wait3A_714 = tpu.memref_slice %arg5[%add3A_708, %dma_wait3A_712, %dma_wait3A_713] : memref<16384x56x128xf32, #tpu.memory_space<hbm>> -> memref<1x50x32xf32, #tpu.memory_space<hbm>>
    %dma_wait3A_715 = tpu.memref_squeeze %dma_wait3A_714 : memref<1x50x32xf32, #tpu.memory_space<hbm>> -> memref<50x32xf32, #tpu.memory_space<hbm>>
    %dma_wait3A_716 = arith.constant 0 : i32
    %dma_wait3A_717 = arith.constant 0 : i32
    %dma_wait3A_718 = tpu.memref_slice %arg5[%add3A_708, %dma_wait3A_716, %dma_wait3A_717] : memref<16384x56x128xf32, #tpu.memory_space<hbm>> -> memref<1x50x32xf32, #tpu.memory_space<hbm>>
    %dma_wait3A_719 = tpu.memref_squeeze %dma_wait3A_718 : memref<1x50x32xf32, #tpu.memory_space<hbm>> -> memref<50x32xf32, #tpu.memory_space<hbm>>
    %dma_wait3A_720 = arith.constant 450 : i32
    %dma_wait3A_721 = arith.constant 0 : i32
    %dma_wait3A_722 = tpu.memref_slice %arg9[%dma_wait3A_720, %dma_wait3A_721] : memref<1600x32xf32, #tpu.memory_space<vmem>> -> memref<50x32xf32, #tpu.memory_space<vmem>>
    tpu.wait_dma2 semaphore(%arg14 : memref<!tpu.dma_semaphore, #tpu.memory_space<semaphore_mem>>) src(%dma_wait3A_722 : memref<50x32xf32, #tpu.memory_space<vmem>>) dst(%dma_wait3A_719 : memref<50x32xf32, #tpu.memory_space<hbm>>)
    %add3A_723 = arith.constant 10 : i32
    %add3A_724 = arith.addi %add3A_562, %add3A_723 : i32
    %dma_wait3A_725 = arith.constant 500 : i32
    %dma_wait3A_726 = arith.constant 0 : i32
    %dma_wait3A_727 = tpu.memref_slice %arg9[%dma_wait3A_725, %dma_wait3A_726] : memref<1600x32xf32, #tpu.memory_space<vmem>> -> memref<50x32xf32, #tpu.memory_space<vmem>>
    %dma_wait3A_728 = arith.constant 0 : i32
    %dma_wait3A_729 = arith.constant 0 : i32
    %dma_wait3A_730 = tpu.memref_slice %arg5[%add3A_724, %dma_wait3A_728, %dma_wait3A_729] : memref<16384x56x128xf32, #tpu.memory_space<hbm>> -> memref<1x50x32xf32, #tpu.memory_space<hbm>>
    %dma_wait3A_731 = tpu.memref_squeeze %dma_wait3A_730 : memref<1x50x32xf32, #tpu.memory_space<hbm>> -> memref<50x32xf32, #tpu.memory_space<hbm>>
    %dma_wait3A_732 = arith.constant 0 : i32
    %dma_wait3A_733 = arith.constant 0 : i32
    %dma_wait3A_734 = tpu.memref_slice %arg5[%add3A_724, %dma_wait3A_732, %dma_wait3A_733] : memref<16384x56x128xf32, #tpu.memory_space<hbm>> -> memref<1x50x32xf32, #tpu.memory_space<hbm>>
    %dma_wait3A_735 = tpu.memref_squeeze %dma_wait3A_734 : memref<1x50x32xf32, #tpu.memory_space<hbm>> -> memref<50x32xf32, #tpu.memory_space<hbm>>
    %dma_wait3A_736 = arith.constant 500 : i32
    %dma_wait3A_737 = arith.constant 0 : i32
    %dma_wait3A_738 = tpu.memref_slice %arg9[%dma_wait3A_736, %dma_wait3A_737] : memref<1600x32xf32, #tpu.memory_space<vmem>> -> memref<50x32xf32, #tpu.memory_space<vmem>>
    tpu.wait_dma2 semaphore(%arg14 : memref<!tpu.dma_semaphore, #tpu.memory_space<semaphore_mem>>) src(%dma_wait3A_738 : memref<50x32xf32, #tpu.memory_space<vmem>>) dst(%dma_wait3A_735 : memref<50x32xf32, #tpu.memory_space<hbm>>)
    %add3A_739 = arith.constant 11 : i32
    %add3A_740 = arith.addi %add3A_562, %add3A_739 : i32
    %dma_wait3A_741 = arith.constant 550 : i32
    %dma_wait3A_742 = arith.constant 0 : i32
    %dma_wait3A_743 = tpu.memref_slice %arg9[%dma_wait3A_741, %dma_wait3A_742] : memref<1600x32xf32, #tpu.memory_space<vmem>> -> memref<50x32xf32, #tpu.memory_space<vmem>>
    %dma_wait3A_744 = arith.constant 0 : i32
    %dma_wait3A_745 = arith.constant 0 : i32
    %dma_wait3A_746 = tpu.memref_slice %arg5[%add3A_740, %dma_wait3A_744, %dma_wait3A_745] : memref<16384x56x128xf32, #tpu.memory_space<hbm>> -> memref<1x50x32xf32, #tpu.memory_space<hbm>>
    %dma_wait3A_747 = tpu.memref_squeeze %dma_wait3A_746 : memref<1x50x32xf32, #tpu.memory_space<hbm>> -> memref<50x32xf32, #tpu.memory_space<hbm>>
    %dma_wait3A_748 = arith.constant 0 : i32
    %dma_wait3A_749 = arith.constant 0 : i32
    %dma_wait3A_750 = tpu.memref_slice %arg5[%add3A_740, %dma_wait3A_748, %dma_wait3A_749] : memref<16384x56x128xf32, #tpu.memory_space<hbm>> -> memref<1x50x32xf32, #tpu.memory_space<hbm>>
    %dma_wait3A_751 = tpu.memref_squeeze %dma_wait3A_750 : memref<1x50x32xf32, #tpu.memory_space<hbm>> -> memref<50x32xf32, #tpu.memory_space<hbm>>
    %dma_wait3A_752 = arith.constant 550 : i32
    %dma_wait3A_753 = arith.constant 0 : i32
    %dma_wait3A_754 = tpu.memref_slice %arg9[%dma_wait3A_752, %dma_wait3A_753] : memref<1600x32xf32, #tpu.memory_space<vmem>> -> memref<50x32xf32, #tpu.memory_space<vmem>>
    tpu.wait_dma2 semaphore(%arg14 : memref<!tpu.dma_semaphore, #tpu.memory_space<semaphore_mem>>) src(%dma_wait3A_754 : memref<50x32xf32, #tpu.memory_space<vmem>>) dst(%dma_wait3A_751 : memref<50x32xf32, #tpu.memory_space<hbm>>)
    %add3A_755 = arith.constant 12 : i32
    %add3A_756 = arith.addi %add3A_562, %add3A_755 : i32
    %dma_wait3A_757 = arith.constant 600 : i32
    %dma_wait3A_758 = arith.constant 0 : i32
    %dma_wait3A_759 = tpu.memref_slice %arg9[%dma_wait3A_757, %dma_wait3A_758] : memref<1600x32xf32, #tpu.memory_space<vmem>> -> memref<50x32xf32, #tpu.memory_space<vmem>>
    %dma_wait3A_760 = arith.constant 0 : i32
    %dma_wait3A_761 = arith.constant 0 : i32
    %dma_wait3A_762 = tpu.memref_slice %arg5[%add3A_756, %dma_wait3A_760, %dma_wait3A_761] : memref<16384x56x128xf32, #tpu.memory_space<hbm>> -> memref<1x50x32xf32, #tpu.memory_space<hbm>>
    %dma_wait3A_763 = tpu.memref_squeeze %dma_wait3A_762 : memref<1x50x32xf32, #tpu.memory_space<hbm>> -> memref<50x32xf32, #tpu.memory_space<hbm>>
    %dma_wait3A_764 = arith.constant 0 : i32
    %dma_wait3A_765 = arith.constant 0 : i32
    %dma_wait3A_766 = tpu.memref_slice %arg5[%add3A_756, %dma_wait3A_764, %dma_wait3A_765] : memref<16384x56x128xf32, #tpu.memory_space<hbm>> -> memref<1x50x32xf32, #tpu.memory_space<hbm>>
    %dma_wait3A_767 = tpu.memref_squeeze %dma_wait3A_766 : memref<1x50x32xf32, #tpu.memory_space<hbm>> -> memref<50x32xf32, #tpu.memory_space<hbm>>
    %dma_wait3A_768 = arith.constant 600 : i32
    %dma_wait3A_769 = arith.constant 0 : i32
    %dma_wait3A_770 = tpu.memref_slice %arg9[%dma_wait3A_768, %dma_wait3A_769] : memref<1600x32xf32, #tpu.memory_space<vmem>> -> memref<50x32xf32, #tpu.memory_space<vmem>>
    tpu.wait_dma2 semaphore(%arg14 : memref<!tpu.dma_semaphore, #tpu.memory_space<semaphore_mem>>) src(%dma_wait3A_770 : memref<50x32xf32, #tpu.memory_space<vmem>>) dst(%dma_wait3A_767 : memref<50x32xf32, #tpu.memory_space<hbm>>)
    %add3A_771 = arith.constant 13 : i32
    %add3A_772 = arith.addi %add3A_562, %add3A_771 : i32
    %dma_wait3A_773 = arith.constant 650 : i32
    %dma_wait3A_774 = arith.constant 0 : i32
    %dma_wait3A_775 = tpu.memref_slice %arg9[%dma_wait3A_773, %dma_wait3A_774] : memref<1600x32xf32, #tpu.memory_space<vmem>> -> memref<50x32xf32, #tpu.memory_space<vmem>>
    %dma_wait3A_776 = arith.constant 0 : i32
    %dma_wait3A_777 = arith.constant 0 : i32
    %dma_wait3A_778 = tpu.memref_slice %arg5[%add3A_772, %dma_wait3A_776, %dma_wait3A_777] : memref<16384x56x128xf32, #tpu.memory_space<hbm>> -> memref<1x50x32xf32, #tpu.memory_space<hbm>>
    %dma_wait3A_779 = tpu.memref_squeeze %dma_wait3A_778 : memref<1x50x32xf32, #tpu.memory_space<hbm>> -> memref<50x32xf32, #tpu.memory_space<hbm>>
    %dma_wait3A_780 = arith.constant 0 : i32
    %dma_wait3A_781 = arith.constant 0 : i32
    %dma_wait3A_782 = tpu.memref_slice %arg5[%add3A_772, %dma_wait3A_780, %dma_wait3A_781] : memref<16384x56x128xf32, #tpu.memory_space<hbm>> -> memref<1x50x32xf32, #tpu.memory_space<hbm>>
    %dma_wait3A_783 = tpu.memref_squeeze %dma_wait3A_782 : memref<1x50x32xf32, #tpu.memory_space<hbm>> -> memref<50x32xf32, #tpu.memory_space<hbm>>
    %dma_wait3A_784 = arith.constant 650 : i32
    %dma_wait3A_785 = arith.constant 0 : i32
    %dma_wait3A_786 = tpu.memref_slice %arg9[%dma_wait3A_784, %dma_wait3A_785] : memref<1600x32xf32, #tpu.memory_space<vmem>> -> memref<50x32xf32, #tpu.memory_space<vmem>>
    tpu.wait_dma2 semaphore(%arg14 : memref<!tpu.dma_semaphore, #tpu.memory_space<semaphore_mem>>) src(%dma_wait3A_786 : memref<50x32xf32, #tpu.memory_space<vmem>>) dst(%dma_wait3A_783 : memref<50x32xf32, #tpu.memory_space<hbm>>)
    %add3A_787 = arith.constant 14 : i32
    %add3A_788 = arith.addi %add3A_562, %add3A_787 : i32
    %dma_wait3A_789 = arith.constant 700 : i32
    %dma_wait3A_790 = arith.constant 0 : i32
    %dma_wait3A_791 = tpu.memref_slice %arg9[%dma_wait3A_789, %dma_wait3A_790] : memref<1600x32xf32, #tpu.memory_space<vmem>> -> memref<50x32xf32, #tpu.memory_space<vmem>>
    %dma_wait3A_792 = arith.constant 0 : i32
    %dma_wait3A_793 = arith.constant 0 : i32
    %dma_wait3A_794 = tpu.memref_slice %arg5[%add3A_788, %dma_wait3A_792, %dma_wait3A_793] : memref<16384x56x128xf32, #tpu.memory_space<hbm>> -> memref<1x50x32xf32, #tpu.memory_space<hbm>>
    %dma_wait3A_795 = tpu.memref_squeeze %dma_wait3A_794 : memref<1x50x32xf32, #tpu.memory_space<hbm>> -> memref<50x32xf32, #tpu.memory_space<hbm>>
    %dma_wait3A_796 = arith.constant 0 : i32
    %dma_wait3A_797 = arith.constant 0 : i32
    %dma_wait3A_798 = tpu.memref_slice %arg5[%add3A_788, %dma_wait3A_796, %dma_wait3A_797] : memref<16384x56x128xf32, #tpu.memory_space<hbm>> -> memref<1x50x32xf32, #tpu.memory_space<hbm>>
    %dma_wait3A_799 = tpu.memref_squeeze %dma_wait3A_798 : memref<1x50x32xf32, #tpu.memory_space<hbm>> -> memref<50x32xf32, #tpu.memory_space<hbm>>
    %dma_wait3A_800 = arith.constant 700 : i32
    %dma_wait3A_801 = arith.constant 0 : i32
    %dma_wait3A_802 = tpu.memref_slice %arg9[%dma_wait3A_800, %dma_wait3A_801] : memref<1600x32xf32, #tpu.memory_space<vmem>> -> memref<50x32xf32, #tpu.memory_space<vmem>>
    tpu.wait_dma2 semaphore(%arg14 : memref<!tpu.dma_semaphore, #tpu.memory_space<semaphore_mem>>) src(%dma_wait3A_802 : memref<50x32xf32, #tpu.memory_space<vmem>>) dst(%dma_wait3A_799 : memref<50x32xf32, #tpu.memory_space<hbm>>)
    %add3A_803 = arith.constant 15 : i32
    %add3A_804 = arith.addi %add3A_562, %add3A_803 : i32
    %dma_wait3A_805 = arith.constant 750 : i32
    %dma_wait3A_806 = arith.constant 0 : i32
    %dma_wait3A_807 = tpu.memref_slice %arg9[%dma_wait3A_805, %dma_wait3A_806] : memref<1600x32xf32, #tpu.memory_space<vmem>> -> memref<50x32xf32, #tpu.memory_space<vmem>>
    %dma_wait3A_808 = arith.constant 0 : i32
    %dma_wait3A_809 = arith.constant 0 : i32
    %dma_wait3A_810 = tpu.memref_slice %arg5[%add3A_804, %dma_wait3A_808, %dma_wait3A_809] : memref<16384x56x128xf32, #tpu.memory_space<hbm>> -> memref<1x50x32xf32, #tpu.memory_space<hbm>>
    %dma_wait3A_811 = tpu.memref_squeeze %dma_wait3A_810 : memref<1x50x32xf32, #tpu.memory_space<hbm>> -> memref<50x32xf32, #tpu.memory_space<hbm>>
    %dma_wait3A_812 = arith.constant 0 : i32
    %dma_wait3A_813 = arith.constant 0 : i32
    %dma_wait3A_814 = tpu.memref_slice %arg5[%add3A_804, %dma_wait3A_812, %dma_wait3A_813] : memref<16384x56x128xf32, #tpu.memory_space<hbm>> -> memref<1x50x32xf32, #tpu.memory_space<hbm>>
    %dma_wait3A_815 = tpu.memref_squeeze %dma_wait3A_814 : memref<1x50x32xf32, #tpu.memory_space<hbm>> -> memref<50x32xf32, #tpu.memory_space<hbm>>
    %dma_wait3A_816 = arith.constant 750 : i32
    %dma_wait3A_817 = arith.constant 0 : i32
    %dma_wait3A_818 = tpu.memref_slice %arg9[%dma_wait3A_816, %dma_wait3A_817] : memref<1600x32xf32, #tpu.memory_space<vmem>> -> memref<50x32xf32, #tpu.memory_space<vmem>>
    tpu.wait_dma2 semaphore(%arg14 : memref<!tpu.dma_semaphore, #tpu.memory_space<semaphore_mem>>) src(%dma_wait3A_818 : memref<50x32xf32, #tpu.memory_space<vmem>>) dst(%dma_wait3A_815 : memref<50x32xf32, #tpu.memory_space<hbm>>)
    %add3A_819 = arith.constant 16 : i32
    %add3A_820 = arith.addi %add3A_562, %add3A_819 : i32
    %dma_wait3A_821 = arith.constant 800 : i32
    %dma_wait3A_822 = arith.constant 0 : i32
    %dma_wait3A_823 = tpu.memref_slice %arg9[%dma_wait3A_821, %dma_wait3A_822] : memref<1600x32xf32, #tpu.memory_space<vmem>> -> memref<50x32xf32, #tpu.memory_space<vmem>>
    %dma_wait3A_824 = arith.constant 0 : i32
    %dma_wait3A_825 = arith.constant 0 : i32
    %dma_wait3A_826 = tpu.memref_slice %arg5[%add3A_820, %dma_wait3A_824, %dma_wait3A_825] : memref<16384x56x128xf32, #tpu.memory_space<hbm>> -> memref<1x50x32xf32, #tpu.memory_space<hbm>>
    %dma_wait3A_827 = tpu.memref_squeeze %dma_wait3A_826 : memref<1x50x32xf32, #tpu.memory_space<hbm>> -> memref<50x32xf32, #tpu.memory_space<hbm>>
    %dma_wait3A_828 = arith.constant 0 : i32
    %dma_wait3A_829 = arith.constant 0 : i32
    %dma_wait3A_830 = tpu.memref_slice %arg5[%add3A_820, %dma_wait3A_828, %dma_wait3A_829] : memref<16384x56x128xf32, #tpu.memory_space<hbm>> -> memref<1x50x32xf32, #tpu.memory_space<hbm>>
    %dma_wait3A_831 = tpu.memref_squeeze %dma_wait3A_830 : memref<1x50x32xf32, #tpu.memory_space<hbm>> -> memref<50x32xf32, #tpu.memory_space<hbm>>
    %dma_wait3A_832 = arith.constant 800 : i32
    %dma_wait3A_833 = arith.constant 0 : i32
    %dma_wait3A_834 = tpu.memref_slice %arg9[%dma_wait3A_832, %dma_wait3A_833] : memref<1600x32xf32, #tpu.memory_space<vmem>> -> memref<50x32xf32, #tpu.memory_space<vmem>>
    tpu.wait_dma2 semaphore(%arg14 : memref<!tpu.dma_semaphore, #tpu.memory_space<semaphore_mem>>) src(%dma_wait3A_834 : memref<50x32xf32, #tpu.memory_space<vmem>>) dst(%dma_wait3A_831 : memref<50x32xf32, #tpu.memory_space<hbm>>)
    %add3A_835 = arith.constant 17 : i32
    %add3A_836 = arith.addi %add3A_562, %add3A_835 : i32
    %dma_wait3A_837 = arith.constant 850 : i32
    %dma_wait3A_838 = arith.constant 0 : i32
    %dma_wait3A_839 = tpu.memref_slice %arg9[%dma_wait3A_837, %dma_wait3A_838] : memref<1600x32xf32, #tpu.memory_space<vmem>> -> memref<50x32xf32, #tpu.memory_space<vmem>>
    %dma_wait3A_840 = arith.constant 0 : i32
    %dma_wait3A_841 = arith.constant 0 : i32
    %dma_wait3A_842 = tpu.memref_slice %arg5[%add3A_836, %dma_wait3A_840, %dma_wait3A_841] : memref<16384x56x128xf32, #tpu.memory_space<hbm>> -> memref<1x50x32xf32, #tpu.memory_space<hbm>>
    %dma_wait3A_843 = tpu.memref_squeeze %dma_wait3A_842 : memref<1x50x32xf32, #tpu.memory_space<hbm>> -> memref<50x32xf32, #tpu.memory_space<hbm>>
    %dma_wait3A_844 = arith.constant 0 : i32
    %dma_wait3A_845 = arith.constant 0 : i32
    %dma_wait3A_846 = tpu.memref_slice %arg5[%add3A_836, %dma_wait3A_844, %dma_wait3A_845] : memref<16384x56x128xf32, #tpu.memory_space<hbm>> -> memref<1x50x32xf32, #tpu.memory_space<hbm>>
    %dma_wait3A_847 = tpu.memref_squeeze %dma_wait3A_846 : memref<1x50x32xf32, #tpu.memory_space<hbm>> -> memref<50x32xf32, #tpu.memory_space<hbm>>
    %dma_wait3A_848 = arith.constant 850 : i32
    %dma_wait3A_849 = arith.constant 0 : i32
    %dma_wait3A_850 = tpu.memref_slice %arg9[%dma_wait3A_848, %dma_wait3A_849] : memref<1600x32xf32, #tpu.memory_space<vmem>> -> memref<50x32xf32, #tpu.memory_space<vmem>>
    tpu.wait_dma2 semaphore(%arg14 : memref<!tpu.dma_semaphore, #tpu.memory_space<semaphore_mem>>) src(%dma_wait3A_850 : memref<50x32xf32, #tpu.memory_space<vmem>>) dst(%dma_wait3A_847 : memref<50x32xf32, #tpu.memory_space<hbm>>)
    %add3A_851 = arith.constant 18 : i32
    %add3A_852 = arith.addi %add3A_562, %add3A_851 : i32
    %dma_wait3A_853 = arith.constant 900 : i32
    %dma_wait3A_854 = arith.constant 0 : i32
    %dma_wait3A_855 = tpu.memref_slice %arg9[%dma_wait3A_853, %dma_wait3A_854] : memref<1600x32xf32, #tpu.memory_space<vmem>> -> memref<50x32xf32, #tpu.memory_space<vmem>>
    %dma_wait3A_856 = arith.constant 0 : i32
    %dma_wait3A_857 = arith.constant 0 : i32
    %dma_wait3A_858 = tpu.memref_slice %arg5[%add3A_852, %dma_wait3A_856, %dma_wait3A_857] : memref<16384x56x128xf32, #tpu.memory_space<hbm>> -> memref<1x50x32xf32, #tpu.memory_space<hbm>>
    %dma_wait3A_859 = tpu.memref_squeeze %dma_wait3A_858 : memref<1x50x32xf32, #tpu.memory_space<hbm>> -> memref<50x32xf32, #tpu.memory_space<hbm>>
    %dma_wait3A_860 = arith.constant 0 : i32
    %dma_wait3A_861 = arith.constant 0 : i32
    %dma_wait3A_862 = tpu.memref_slice %arg5[%add3A_852, %dma_wait3A_860, %dma_wait3A_861] : memref<16384x56x128xf32, #tpu.memory_space<hbm>> -> memref<1x50x32xf32, #tpu.memory_space<hbm>>
    %dma_wait3A_863 = tpu.memref_squeeze %dma_wait3A_862 : memref<1x50x32xf32, #tpu.memory_space<hbm>> -> memref<50x32xf32, #tpu.memory_space<hbm>>
    %dma_wait3A_864 = arith.constant 900 : i32
    %dma_wait3A_865 = arith.constant 0 : i32
    %dma_wait3A_866 = tpu.memref_slice %arg9[%dma_wait3A_864, %dma_wait3A_865] : memref<1600x32xf32, #tpu.memory_space<vmem>> -> memref<50x32xf32, #tpu.memory_space<vmem>>
    tpu.wait_dma2 semaphore(%arg14 : memref<!tpu.dma_semaphore, #tpu.memory_space<semaphore_mem>>) src(%dma_wait3A_866 : memref<50x32xf32, #tpu.memory_space<vmem>>) dst(%dma_wait3A_863 : memref<50x32xf32, #tpu.memory_space<hbm>>)
    %add3A_867 = arith.constant 19 : i32
    %add3A_868 = arith.addi %add3A_562, %add3A_867 : i32
    %dma_wait3A_869 = arith.constant 950 : i32
    %dma_wait3A_870 = arith.constant 0 : i32
    %dma_wait3A_871 = tpu.memref_slice %arg9[%dma_wait3A_869, %dma_wait3A_870] : memref<1600x32xf32, #tpu.memory_space<vmem>> -> memref<50x32xf32, #tpu.memory_space<vmem>>
    %dma_wait3A_872 = arith.constant 0 : i32
    %dma_wait3A_873 = arith.constant 0 : i32
    %dma_wait3A_874 = tpu.memref_slice %arg5[%add3A_868, %dma_wait3A_872, %dma_wait3A_873] : memref<16384x56x128xf32, #tpu.memory_space<hbm>> -> memref<1x50x32xf32, #tpu.memory_space<hbm>>
    %dma_wait3A_875 = tpu.memref_squeeze %dma_wait3A_874 : memref<1x50x32xf32, #tpu.memory_space<hbm>> -> memref<50x32xf32, #tpu.memory_space<hbm>>
    %dma_wait3A_876 = arith.constant 0 : i32
    %dma_wait3A_877 = arith.constant 0 : i32
    %dma_wait3A_878 = tpu.memref_slice %arg5[%add3A_868, %dma_wait3A_876, %dma_wait3A_877] : memref<16384x56x128xf32, #tpu.memory_space<hbm>> -> memref<1x50x32xf32, #tpu.memory_space<hbm>>
    %dma_wait3A_879 = tpu.memref_squeeze %dma_wait3A_878 : memref<1x50x32xf32, #tpu.memory_space<hbm>> -> memref<50x32xf32, #tpu.memory_space<hbm>>
    %dma_wait3A_880 = arith.constant 950 : i32
    %dma_wait3A_881 = arith.constant 0 : i32
    %dma_wait3A_882 = tpu.memref_slice %arg9[%dma_wait3A_880, %dma_wait3A_881] : memref<1600x32xf32, #tpu.memory_space<vmem>> -> memref<50x32xf32, #tpu.memory_space<vmem>>
    tpu.wait_dma2 semaphore(%arg14 : memref<!tpu.dma_semaphore, #tpu.memory_space<semaphore_mem>>) src(%dma_wait3A_882 : memref<50x32xf32, #tpu.memory_space<vmem>>) dst(%dma_wait3A_879 : memref<50x32xf32, #tpu.memory_space<hbm>>)
    %add3A_883 = arith.constant 20 : i32
    %add3A_884 = arith.addi %add3A_562, %add3A_883 : i32
    %dma_wait3A_885 = arith.constant 1000 : i32
    %dma_wait3A_886 = arith.constant 0 : i32
    %dma_wait3A_887 = tpu.memref_slice %arg9[%dma_wait3A_885, %dma_wait3A_886] : memref<1600x32xf32, #tpu.memory_space<vmem>> -> memref<50x32xf32, #tpu.memory_space<vmem>>
    %dma_wait3A_888 = arith.constant 0 : i32
    %dma_wait3A_889 = arith.constant 0 : i32
    %dma_wait3A_890 = tpu.memref_slice %arg5[%add3A_884, %dma_wait3A_888, %dma_wait3A_889] : memref<16384x56x128xf32, #tpu.memory_space<hbm>> -> memref<1x50x32xf32, #tpu.memory_space<hbm>>
    %dma_wait3A_891 = tpu.memref_squeeze %dma_wait3A_890 : memref<1x50x32xf32, #tpu.memory_space<hbm>> -> memref<50x32xf32, #tpu.memory_space<hbm>>
    %dma_wait3A_892 = arith.constant 0 : i32
    %dma_wait3A_893 = arith.constant 0 : i32
    %dma_wait3A_894 = tpu.memref_slice %arg5[%add3A_884, %dma_wait3A_892, %dma_wait3A_893] : memref<16384x56x128xf32, #tpu.memory_space<hbm>> -> memref<1x50x32xf32, #tpu.memory_space<hbm>>
    %dma_wait3A_895 = tpu.memref_squeeze %dma_wait3A_894 : memref<1x50x32xf32, #tpu.memory_space<hbm>> -> memref<50x32xf32, #tpu.memory_space<hbm>>
    %dma_wait3A_896 = arith.constant 1000 : i32
    %dma_wait3A_897 = arith.constant 0 : i32
    %dma_wait3A_898 = tpu.memref_slice %arg9[%dma_wait3A_896, %dma_wait3A_897] : memref<1600x32xf32, #tpu.memory_space<vmem>> -> memref<50x32xf32, #tpu.memory_space<vmem>>
    tpu.wait_dma2 semaphore(%arg14 : memref<!tpu.dma_semaphore, #tpu.memory_space<semaphore_mem>>) src(%dma_wait3A_898 : memref<50x32xf32, #tpu.memory_space<vmem>>) dst(%dma_wait3A_895 : memref<50x32xf32, #tpu.memory_space<hbm>>)
    %add3A_899 = arith.constant 21 : i32
    %add3A_900 = arith.addi %add3A_562, %add3A_899 : i32
    %dma_wait3A_901 = arith.constant 1050 : i32
    %dma_wait3A_902 = arith.constant 0 : i32
    %dma_wait3A_903 = tpu.memref_slice %arg9[%dma_wait3A_901, %dma_wait3A_902] : memref<1600x32xf32, #tpu.memory_space<vmem>> -> memref<50x32xf32, #tpu.memory_space<vmem>>
    %dma_wait3A_904 = arith.constant 0 : i32
    %dma_wait3A_905 = arith.constant 0 : i32
    %dma_wait3A_906 = tpu.memref_slice %arg5[%add3A_900, %dma_wait3A_904, %dma_wait3A_905] : memref<16384x56x128xf32, #tpu.memory_space<hbm>> -> memref<1x50x32xf32, #tpu.memory_space<hbm>>
    %dma_wait3A_907 = tpu.memref_squeeze %dma_wait3A_906 : memref<1x50x32xf32, #tpu.memory_space<hbm>> -> memref<50x32xf32, #tpu.memory_space<hbm>>
    %dma_wait3A_908 = arith.constant 0 : i32
    %dma_wait3A_909 = arith.constant 0 : i32
    %dma_wait3A_910 = tpu.memref_slice %arg5[%add3A_900, %dma_wait3A_908, %dma_wait3A_909] : memref<16384x56x128xf32, #tpu.memory_space<hbm>> -> memref<1x50x32xf32, #tpu.memory_space<hbm>>
    %dma_wait3A_911 = tpu.memref_squeeze %dma_wait3A_910 : memref<1x50x32xf32, #tpu.memory_space<hbm>> -> memref<50x32xf32, #tpu.memory_space<hbm>>
    %dma_wait3A_912 = arith.constant 1050 : i32
    %dma_wait3A_913 = arith.constant 0 : i32
    %dma_wait3A_914 = tpu.memref_slice %arg9[%dma_wait3A_912, %dma_wait3A_913] : memref<1600x32xf32, #tpu.memory_space<vmem>> -> memref<50x32xf32, #tpu.memory_space<vmem>>
    tpu.wait_dma2 semaphore(%arg14 : memref<!tpu.dma_semaphore, #tpu.memory_space<semaphore_mem>>) src(%dma_wait3A_914 : memref<50x32xf32, #tpu.memory_space<vmem>>) dst(%dma_wait3A_911 : memref<50x32xf32, #tpu.memory_space<hbm>>)
    %add3A_915 = arith.constant 22 : i32
    %add3A_916 = arith.addi %add3A_562, %add3A_915 : i32
    %dma_wait3A_917 = arith.constant 1100 : i32
    %dma_wait3A_918 = arith.constant 0 : i32
    %dma_wait3A_919 = tpu.memref_slice %arg9[%dma_wait3A_917, %dma_wait3A_918] : memref<1600x32xf32, #tpu.memory_space<vmem>> -> memref<50x32xf32, #tpu.memory_space<vmem>>
    %dma_wait3A_920 = arith.constant 0 : i32
    %dma_wait3A_921 = arith.constant 0 : i32
    %dma_wait3A_922 = tpu.memref_slice %arg5[%add3A_916, %dma_wait3A_920, %dma_wait3A_921] : memref<16384x56x128xf32, #tpu.memory_space<hbm>> -> memref<1x50x32xf32, #tpu.memory_space<hbm>>
    %dma_wait3A_923 = tpu.memref_squeeze %dma_wait3A_922 : memref<1x50x32xf32, #tpu.memory_space<hbm>> -> memref<50x32xf32, #tpu.memory_space<hbm>>
    %dma_wait3A_924 = arith.constant 0 : i32
    %dma_wait3A_925 = arith.constant 0 : i32
    %dma_wait3A_926 = tpu.memref_slice %arg5[%add3A_916, %dma_wait3A_924, %dma_wait3A_925] : memref<16384x56x128xf32, #tpu.memory_space<hbm>> -> memref<1x50x32xf32, #tpu.memory_space<hbm>>
    %dma_wait3A_927 = tpu.memref_squeeze %dma_wait3A_926 : memref<1x50x32xf32, #tpu.memory_space<hbm>> -> memref<50x32xf32, #tpu.memory_space<hbm>>
    %dma_wait3A_928 = arith.constant 1100 : i32
    %dma_wait3A_929 = arith.constant 0 : i32
    %dma_wait3A_930 = tpu.memref_slice %arg9[%dma_wait3A_928, %dma_wait3A_929] : memref<1600x32xf32, #tpu.memory_space<vmem>> -> memref<50x32xf32, #tpu.memory_space<vmem>>
    tpu.wait_dma2 semaphore(%arg14 : memref<!tpu.dma_semaphore, #tpu.memory_space<semaphore_mem>>) src(%dma_wait3A_930 : memref<50x32xf32, #tpu.memory_space<vmem>>) dst(%dma_wait3A_927 : memref<50x32xf32, #tpu.memory_space<hbm>>)
    %add3A_931 = arith.constant 23 : i32
    %add3A_932 = arith.addi %add3A_562, %add3A_931 : i32
    %dma_wait3A_933 = arith.constant 1150 : i32
    %dma_wait3A_934 = arith.constant 0 : i32
    %dma_wait3A_935 = tpu.memref_slice %arg9[%dma_wait3A_933, %dma_wait3A_934] : memref<1600x32xf32, #tpu.memory_space<vmem>> -> memref<50x32xf32, #tpu.memory_space<vmem>>
    %dma_wait3A_936 = arith.constant 0 : i32
    %dma_wait3A_937 = arith.constant 0 : i32
    %dma_wait3A_938 = tpu.memref_slice %arg5[%add3A_932, %dma_wait3A_936, %dma_wait3A_937] : memref<16384x56x128xf32, #tpu.memory_space<hbm>> -> memref<1x50x32xf32, #tpu.memory_space<hbm>>
    %dma_wait3A_939 = tpu.memref_squeeze %dma_wait3A_938 : memref<1x50x32xf32, #tpu.memory_space<hbm>> -> memref<50x32xf32, #tpu.memory_space<hbm>>
    %dma_wait3A_940 = arith.constant 0 : i32
    %dma_wait3A_941 = arith.constant 0 : i32
    %dma_wait3A_942 = tpu.memref_slice %arg5[%add3A_932, %dma_wait3A_940, %dma_wait3A_941] : memref<16384x56x128xf32, #tpu.memory_space<hbm>> -> memref<1x50x32xf32, #tpu.memory_space<hbm>>
    %dma_wait3A_943 = tpu.memref_squeeze %dma_wait3A_942 : memref<1x50x32xf32, #tpu.memory_space<hbm>> -> memref<50x32xf32, #tpu.memory_space<hbm>>
    %dma_wait3A_944 = arith.constant 1150 : i32
    %dma_wait3A_945 = arith.constant 0 : i32
    %dma_wait3A_946 = tpu.memref_slice %arg9[%dma_wait3A_944, %dma_wait3A_945] : memref<1600x32xf32, #tpu.memory_space<vmem>> -> memref<50x32xf32, #tpu.memory_space<vmem>>
    tpu.wait_dma2 semaphore(%arg14 : memref<!tpu.dma_semaphore, #tpu.memory_space<semaphore_mem>>) src(%dma_wait3A_946 : memref<50x32xf32, #tpu.memory_space<vmem>>) dst(%dma_wait3A_943 : memref<50x32xf32, #tpu.memory_space<hbm>>)
    %add3A_947 = arith.constant 24 : i32
    %add3A_948 = arith.addi %add3A_562, %add3A_947 : i32
    %dma_wait3A_949 = arith.constant 1200 : i32
    %dma_wait3A_950 = arith.constant 0 : i32
    %dma_wait3A_951 = tpu.memref_slice %arg9[%dma_wait3A_949, %dma_wait3A_950] : memref<1600x32xf32, #tpu.memory_space<vmem>> -> memref<50x32xf32, #tpu.memory_space<vmem>>
    %dma_wait3A_952 = arith.constant 0 : i32
    %dma_wait3A_953 = arith.constant 0 : i32
    %dma_wait3A_954 = tpu.memref_slice %arg5[%add3A_948, %dma_wait3A_952, %dma_wait3A_953] : memref<16384x56x128xf32, #tpu.memory_space<hbm>> -> memref<1x50x32xf32, #tpu.memory_space<hbm>>
    %dma_wait3A_955 = tpu.memref_squeeze %dma_wait3A_954 : memref<1x50x32xf32, #tpu.memory_space<hbm>> -> memref<50x32xf32, #tpu.memory_space<hbm>>
    %dma_wait3A_956 = arith.constant 0 : i32
    %dma_wait3A_957 = arith.constant 0 : i32
    %dma_wait3A_958 = tpu.memref_slice %arg5[%add3A_948, %dma_wait3A_956, %dma_wait3A_957] : memref<16384x56x128xf32, #tpu.memory_space<hbm>> -> memref<1x50x32xf32, #tpu.memory_space<hbm>>
    %dma_wait3A_959 = tpu.memref_squeeze %dma_wait3A_958 : memref<1x50x32xf32, #tpu.memory_space<hbm>> -> memref<50x32xf32, #tpu.memory_space<hbm>>
    %dma_wait3A_960 = arith.constant 1200 : i32
    %dma_wait3A_961 = arith.constant 0 : i32
    %dma_wait3A_962 = tpu.memref_slice %arg9[%dma_wait3A_960, %dma_wait3A_961] : memref<1600x32xf32, #tpu.memory_space<vmem>> -> memref<50x32xf32, #tpu.memory_space<vmem>>
    tpu.wait_dma2 semaphore(%arg14 : memref<!tpu.dma_semaphore, #tpu.memory_space<semaphore_mem>>) src(%dma_wait3A_962 : memref<50x32xf32, #tpu.memory_space<vmem>>) dst(%dma_wait3A_959 : memref<50x32xf32, #tpu.memory_space<hbm>>)
    %add3A_963 = arith.constant 25 : i32
    %add3A_964 = arith.addi %add3A_562, %add3A_963 : i32
    %dma_wait3A_965 = arith.constant 1250 : i32
    %dma_wait3A_966 = arith.constant 0 : i32
    %dma_wait3A_967 = tpu.memref_slice %arg9[%dma_wait3A_965, %dma_wait3A_966] : memref<1600x32xf32, #tpu.memory_space<vmem>> -> memref<50x32xf32, #tpu.memory_space<vmem>>
    %dma_wait3A_968 = arith.constant 0 : i32
    %dma_wait3A_969 = arith.constant 0 : i32
    %dma_wait3A_970 = tpu.memref_slice %arg5[%add3A_964, %dma_wait3A_968, %dma_wait3A_969] : memref<16384x56x128xf32, #tpu.memory_space<hbm>> -> memref<1x50x32xf32, #tpu.memory_space<hbm>>
    %dma_wait3A_971 = tpu.memref_squeeze %dma_wait3A_970 : memref<1x50x32xf32, #tpu.memory_space<hbm>> -> memref<50x32xf32, #tpu.memory_space<hbm>>
    %dma_wait3A_972 = arith.constant 0 : i32
    %dma_wait3A_973 = arith.constant 0 : i32
    %dma_wait3A_974 = tpu.memref_slice %arg5[%add3A_964, %dma_wait3A_972, %dma_wait3A_973] : memref<16384x56x128xf32, #tpu.memory_space<hbm>> -> memref<1x50x32xf32, #tpu.memory_space<hbm>>
    %dma_wait3A_975 = tpu.memref_squeeze %dma_wait3A_974 : memref<1x50x32xf32, #tpu.memory_space<hbm>> -> memref<50x32xf32, #tpu.memory_space<hbm>>
    %dma_wait3A_976 = arith.constant 1250 : i32
    %dma_wait3A_977 = arith.constant 0 : i32
    %dma_wait3A_978 = tpu.memref_slice %arg9[%dma_wait3A_976, %dma_wait3A_977] : memref<1600x32xf32, #tpu.memory_space<vmem>> -> memref<50x32xf32, #tpu.memory_space<vmem>>
    tpu.wait_dma2 semaphore(%arg14 : memref<!tpu.dma_semaphore, #tpu.memory_space<semaphore_mem>>) src(%dma_wait3A_978 : memref<50x32xf32, #tpu.memory_space<vmem>>) dst(%dma_wait3A_975 : memref<50x32xf32, #tpu.memory_space<hbm>>)
    %add3A_979 = arith.constant 26 : i32
    %add3A_980 = arith.addi %add3A_562, %add3A_979 : i32
    %dma_wait3A_981 = arith.constant 1300 : i32
    %dma_wait3A_982 = arith.constant 0 : i32
    %dma_wait3A_983 = tpu.memref_slice %arg9[%dma_wait3A_981, %dma_wait3A_982] : memref<1600x32xf32, #tpu.memory_space<vmem>> -> memref<50x32xf32, #tpu.memory_space<vmem>>
    %dma_wait3A_984 = arith.constant 0 : i32
    %dma_wait3A_985 = arith.constant 0 : i32
    %dma_wait3A_986 = tpu.memref_slice %arg5[%add3A_980, %dma_wait3A_984, %dma_wait3A_985] : memref<16384x56x128xf32, #tpu.memory_space<hbm>> -> memref<1x50x32xf32, #tpu.memory_space<hbm>>
    %dma_wait3A_987 = tpu.memref_squeeze %dma_wait3A_986 : memref<1x50x32xf32, #tpu.memory_space<hbm>> -> memref<50x32xf32, #tpu.memory_space<hbm>>
    %dma_wait3A_988 = arith.constant 0 : i32
    %dma_wait3A_989 = arith.constant 0 : i32
    %dma_wait3A_990 = tpu.memref_slice %arg5[%add3A_980, %dma_wait3A_988, %dma_wait3A_989] : memref<16384x56x128xf32, #tpu.memory_space<hbm>> -> memref<1x50x32xf32, #tpu.memory_space<hbm>>
    %dma_wait3A_991 = tpu.memref_squeeze %dma_wait3A_990 : memref<1x50x32xf32, #tpu.memory_space<hbm>> -> memref<50x32xf32, #tpu.memory_space<hbm>>
    %dma_wait3A_992 = arith.constant 1300 : i32
    %dma_wait3A_993 = arith.constant 0 : i32
    %dma_wait3A_994 = tpu.memref_slice %arg9[%dma_wait3A_992, %dma_wait3A_993] : memref<1600x32xf32, #tpu.memory_space<vmem>> -> memref<50x32xf32, #tpu.memory_space<vmem>>
    tpu.wait_dma2 semaphore(%arg14 : memref<!tpu.dma_semaphore, #tpu.memory_space<semaphore_mem>>) src(%dma_wait3A_994 : memref<50x32xf32, #tpu.memory_space<vmem>>) dst(%dma_wait3A_991 : memref<50x32xf32, #tpu.memory_space<hbm>>)
    %add3A_995 = arith.constant 27 : i32
    %add3A_996 = arith.addi %add3A_562, %add3A_995 : i32
    %dma_wait3A_997 = arith.constant 1350 : i32
    %dma_wait3A_998 = arith.constant 0 : i32
    %dma_wait3A_999 = tpu.memref_slice %arg9[%dma_wait3A_997, %dma_wait3A_998] : memref<1600x32xf32, #tpu.memory_space<vmem>> -> memref<50x32xf32, #tpu.memory_space<vmem>>
    %dma_wait3A_1000 = arith.constant 0 : i32
    %dma_wait3A_1001 = arith.constant 0 : i32
    %dma_wait3A_1002 = tpu.memref_slice %arg5[%add3A_996, %dma_wait3A_1000, %dma_wait3A_1001] : memref<16384x56x128xf32, #tpu.memory_space<hbm>> -> memref<1x50x32xf32, #tpu.memory_space<hbm>>
    %dma_wait3A_1003 = tpu.memref_squeeze %dma_wait3A_1002 : memref<1x50x32xf32, #tpu.memory_space<hbm>> -> memref<50x32xf32, #tpu.memory_space<hbm>>
    %dma_wait3A_1004 = arith.constant 0 : i32
    %dma_wait3A_1005 = arith.constant 0 : i32
    %dma_wait3A_1006 = tpu.memref_slice %arg5[%add3A_996, %dma_wait3A_1004, %dma_wait3A_1005] : memref<16384x56x128xf32, #tpu.memory_space<hbm>> -> memref<1x50x32xf32, #tpu.memory_space<hbm>>
    %dma_wait3A_1007 = tpu.memref_squeeze %dma_wait3A_1006 : memref<1x50x32xf32, #tpu.memory_space<hbm>> -> memref<50x32xf32, #tpu.memory_space<hbm>>
    %dma_wait3A_1008 = arith.constant 1350 : i32
    %dma_wait3A_1009 = arith.constant 0 : i32
    %dma_wait3A_1010 = tpu.memref_slice %arg9[%dma_wait3A_1008, %dma_wait3A_1009] : memref<1600x32xf32, #tpu.memory_space<vmem>> -> memref<50x32xf32, #tpu.memory_space<vmem>>
    tpu.wait_dma2 semaphore(%arg14 : memref<!tpu.dma_semaphore, #tpu.memory_space<semaphore_mem>>) src(%dma_wait3A_1010 : memref<50x32xf32, #tpu.memory_space<vmem>>) dst(%dma_wait3A_1007 : memref<50x32xf32, #tpu.memory_space<hbm>>)
    %add3A_1011 = arith.constant 28 : i32
    %add3A_1012 = arith.addi %add3A_562, %add3A_1011 : i32
    %dma_wait3A_1013 = arith.constant 1400 : i32
    %dma_wait3A_1014 = arith.constant 0 : i32
    %dma_wait3A_1015 = tpu.memref_slice %arg9[%dma_wait3A_1013, %dma_wait3A_1014] : memref<1600x32xf32, #tpu.memory_space<vmem>> -> memref<50x32xf32, #tpu.memory_space<vmem>>
    %dma_wait3A_1016 = arith.constant 0 : i32
    %dma_wait3A_1017 = arith.constant 0 : i32
    %dma_wait3A_1018 = tpu.memref_slice %arg5[%add3A_1012, %dma_wait3A_1016, %dma_wait3A_1017] : memref<16384x56x128xf32, #tpu.memory_space<hbm>> -> memref<1x50x32xf32, #tpu.memory_space<hbm>>
    %dma_wait3A_1019 = tpu.memref_squeeze %dma_wait3A_1018 : memref<1x50x32xf32, #tpu.memory_space<hbm>> -> memref<50x32xf32, #tpu.memory_space<hbm>>
    %dma_wait3A_1020 = arith.constant 0 : i32
    %dma_wait3A_1021 = arith.constant 0 : i32
    %dma_wait3A_1022 = tpu.memref_slice %arg5[%add3A_1012, %dma_wait3A_1020, %dma_wait3A_1021] : memref<16384x56x128xf32, #tpu.memory_space<hbm>> -> memref<1x50x32xf32, #tpu.memory_space<hbm>>
    %dma_wait3A_1023 = tpu.memref_squeeze %dma_wait3A_1022 : memref<1x50x32xf32, #tpu.memory_space<hbm>> -> memref<50x32xf32, #tpu.memory_space<hbm>>
    %dma_wait3A_1024 = arith.constant 1400 : i32
    %dma_wait3A_1025 = arith.constant 0 : i32
    %dma_wait3A_1026 = tpu.memref_slice %arg9[%dma_wait3A_1024, %dma_wait3A_1025] : memref<1600x32xf32, #tpu.memory_space<vmem>> -> memref<50x32xf32, #tpu.memory_space<vmem>>
    tpu.wait_dma2 semaphore(%arg14 : memref<!tpu.dma_semaphore, #tpu.memory_space<semaphore_mem>>) src(%dma_wait3A_1026 : memref<50x32xf32, #tpu.memory_space<vmem>>) dst(%dma_wait3A_1023 : memref<50x32xf32, #tpu.memory_space<hbm>>)
    %add3A_1027 = arith.constant 29 : i32
    %add3A_1028 = arith.addi %add3A_562, %add3A_1027 : i32
    %dma_wait3A_1029 = arith.constant 1450 : i32
    %dma_wait3A_1030 = arith.constant 0 : i32
    %dma_wait3A_1031 = tpu.memref_slice %arg9[%dma_wait3A_1029, %dma_wait3A_1030] : memref<1600x32xf32, #tpu.memory_space<vmem>> -> memref<50x32xf32, #tpu.memory_space<vmem>>
    %dma_wait3A_1032 = arith.constant 0 : i32
    %dma_wait3A_1033 = arith.constant 0 : i32
    %dma_wait3A_1034 = tpu.memref_slice %arg5[%add3A_1028, %dma_wait3A_1032, %dma_wait3A_1033] : memref<16384x56x128xf32, #tpu.memory_space<hbm>> -> memref<1x50x32xf32, #tpu.memory_space<hbm>>
    %dma_wait3A_1035 = tpu.memref_squeeze %dma_wait3A_1034 : memref<1x50x32xf32, #tpu.memory_space<hbm>> -> memref<50x32xf32, #tpu.memory_space<hbm>>
    %dma_wait3A_1036 = arith.constant 0 : i32
    %dma_wait3A_1037 = arith.constant 0 : i32
    %dma_wait3A_1038 = tpu.memref_slice %arg5[%add3A_1028, %dma_wait3A_1036, %dma_wait3A_1037] : memref<16384x56x128xf32, #tpu.memory_space<hbm>> -> memref<1x50x32xf32, #tpu.memory_space<hbm>>
    %dma_wait3A_1039 = tpu.memref_squeeze %dma_wait3A_1038 : memref<1x50x32xf32, #tpu.memory_space<hbm>> -> memref<50x32xf32, #tpu.memory_space<hbm>>
    %dma_wait3A_1040 = arith.constant 1450 : i32
    %dma_wait3A_1041 = arith.constant 0 : i32
    %dma_wait3A_1042 = tpu.memref_slice %arg9[%dma_wait3A_1040, %dma_wait3A_1041] : memref<1600x32xf32, #tpu.memory_space<vmem>> -> memref<50x32xf32, #tpu.memory_space<vmem>>
    tpu.wait_dma2 semaphore(%arg14 : memref<!tpu.dma_semaphore, #tpu.memory_space<semaphore_mem>>) src(%dma_wait3A_1042 : memref<50x32xf32, #tpu.memory_space<vmem>>) dst(%dma_wait3A_1039 : memref<50x32xf32, #tpu.memory_space<hbm>>)
    %add3A_1043 = arith.constant 30 : i32
    %add3A_1044 = arith.addi %add3A_562, %add3A_1043 : i32
    %dma_wait3A_1045 = arith.constant 1500 : i32
    %dma_wait3A_1046 = arith.constant 0 : i32
    %dma_wait3A_1047 = tpu.memref_slice %arg9[%dma_wait3A_1045, %dma_wait3A_1046] : memref<1600x32xf32, #tpu.memory_space<vmem>> -> memref<50x32xf32, #tpu.memory_space<vmem>>
    %dma_wait3A_1048 = arith.constant 0 : i32
    %dma_wait3A_1049 = arith.constant 0 : i32
    %dma_wait3A_1050 = tpu.memref_slice %arg5[%add3A_1044, %dma_wait3A_1048, %dma_wait3A_1049] : memref<16384x56x128xf32, #tpu.memory_space<hbm>> -> memref<1x50x32xf32, #tpu.memory_space<hbm>>
    %dma_wait3A_1051 = tpu.memref_squeeze %dma_wait3A_1050 : memref<1x50x32xf32, #tpu.memory_space<hbm>> -> memref<50x32xf32, #tpu.memory_space<hbm>>
    %dma_wait3A_1052 = arith.constant 0 : i32
    %dma_wait3A_1053 = arith.constant 0 : i32
    %dma_wait3A_1054 = tpu.memref_slice %arg5[%add3A_1044, %dma_wait3A_1052, %dma_wait3A_1053] : memref<16384x56x128xf32, #tpu.memory_space<hbm>> -> memref<1x50x32xf32, #tpu.memory_space<hbm>>
    %dma_wait3A_1055 = tpu.memref_squeeze %dma_wait3A_1054 : memref<1x50x32xf32, #tpu.memory_space<hbm>> -> memref<50x32xf32, #tpu.memory_space<hbm>>
    %dma_wait3A_1056 = arith.constant 1500 : i32
    %dma_wait3A_1057 = arith.constant 0 : i32
    %dma_wait3A_1058 = tpu.memref_slice %arg9[%dma_wait3A_1056, %dma_wait3A_1057] : memref<1600x32xf32, #tpu.memory_space<vmem>> -> memref<50x32xf32, #tpu.memory_space<vmem>>
    tpu.wait_dma2 semaphore(%arg14 : memref<!tpu.dma_semaphore, #tpu.memory_space<semaphore_mem>>) src(%dma_wait3A_1058 : memref<50x32xf32, #tpu.memory_space<vmem>>) dst(%dma_wait3A_1055 : memref<50x32xf32, #tpu.memory_space<hbm>>)
    %add3A_1059 = arith.constant 31 : i32
    %add3A_1060 = arith.addi %add3A_562, %add3A_1059 : i32
    %dma_wait3A_1061 = arith.constant 1550 : i32
    %dma_wait3A_1062 = arith.constant 0 : i32
    %dma_wait3A_1063 = tpu.memref_slice %arg9[%dma_wait3A_1061, %dma_wait3A_1062] : memref<1600x32xf32, #tpu.memory_space<vmem>> -> memref<50x32xf32, #tpu.memory_space<vmem>>
    %dma_wait3A_1064 = arith.constant 0 : i32
    %dma_wait3A_1065 = arith.constant 0 : i32
    %dma_wait3A_1066 = tpu.memref_slice %arg5[%add3A_1060, %dma_wait3A_1064, %dma_wait3A_1065] : memref<16384x56x128xf32, #tpu.memory_space<hbm>> -> memref<1x50x32xf32, #tpu.memory_space<hbm>>
    %dma_wait3A_1067 = tpu.memref_squeeze %dma_wait3A_1066 : memref<1x50x32xf32, #tpu.memory_space<hbm>> -> memref<50x32xf32, #tpu.memory_space<hbm>>
    %dma_wait3A_1068 = arith.constant 0 : i32
    %dma_wait3A_1069 = arith.constant 0 : i32
    %dma_wait3A_1070 = tpu.memref_slice %arg5[%add3A_1060, %dma_wait3A_1068, %dma_wait3A_1069] : memref<16384x56x128xf32, #tpu.memory_space<hbm>> -> memref<1x50x32xf32, #tpu.memory_space<hbm>>
    %dma_wait3A_1071 = tpu.memref_squeeze %dma_wait3A_1070 : memref<1x50x32xf32, #tpu.memory_space<hbm>> -> memref<50x32xf32, #tpu.memory_space<hbm>>
    %dma_wait3A_1072 = arith.constant 1550 : i32
    %dma_wait3A_1073 = arith.constant 0 : i32
    %dma_wait3A_1074 = tpu.memref_slice %arg9[%dma_wait3A_1072, %dma_wait3A_1073] : memref<1600x32xf32, #tpu.memory_space<vmem>> -> memref<50x32xf32, #tpu.memory_space<vmem>>
    tpu.wait_dma2 semaphore(%arg14 : memref<!tpu.dma_semaphore, #tpu.memory_space<semaphore_mem>>) src(%dma_wait3A_1074 : memref<50x32xf32, #tpu.memory_space<vmem>>) dst(%dma_wait3A_1071 : memref<50x32xf32, #tpu.memory_space<hbm>>)
    return
  }
}

</mosaic_0001>

<sc_bundles>
// kernel: kernel.3.cloned.1.call-start
scs
__scs_entry_jumppad:
0x0: {  	(pc) =	sbr.rel $0x88, $3  }
0x1: {  	(tag) =	ssettag $0x0;
	lr =	simm.s32 $0x1  }
0x2: {  	[smem:$0x3F9F] =	sst lr;
	_ =	strace $0xD0000000  }
0x3: {  	_ = 	snop  }
0x4: {  	_ = 	snop  }
0x5: {  	_ = 	snop  }
0x6: {  	_ = 	snop  }
0x7: {  	_ = 	snop  }
__scs_overlays_trampoline_lowered:
0x8: {  	[smem:$0x3FAE] =	sst s0  }
0x9: {  	[smem:$0x3FAF] =	sst s1  }
0xa: {  	[smem:$0x3FB0] =	sst s2  }
0xb: {  	[smem:$0x3FB1] =	sst s3  }
0xc: {  	[smem:$0x3FB2] =	sst s4  }
0xd: {  	[smem:$0x3FB3] =	sst s5  }
0xe: {  	[smem:$0x3FB4] =	sst s6  }
0xf: {  	[smem:$0x3FB5] =	sst s7  }
0x10: {  	[smem:$0x3FB6] =	sst s8  }
0x11: {  	[smem:$0x3FB7] =	sst s9;
	s0 =	simm.s32 @!p0 $0x0  }
0x12: {  	s1 =	sld [smem:$0x3F9D];
	s0 =	simm.s32 @p0 $0x1  }
0x13: {  	[smem:$0x3FB8] =	sst s0;
	s0 =	simm.s32 @!p1 $0x0  }
0x14: {  	s2 =	sld [smem:$0x3F9C];
	s0 =	simm.s32 @p1 $0x1  }
0x15: {  	[smem:$0x3FB9] =	sst s0;
	s0 =	simm.s32 @!p2 $0x0  }
0x16: {  	s3 =	sld [smem:$0x3FDB];
	s0 =	simm.s32 @p2 $0x1  }
0x17: {  	s4 =	simm.s32 $0x1BF5;
	[smem:$0x3FBB] =	sst s0  }
0x18: {  	s0 =	sld [smem:$0x3F9E];
	_ =	swait.ge [sflag:s4], $0x0  }
0x19: {  	s7 =	sld [smem:$0x3F9F]  }
0x1a: {  	s8 =	sadd.s32 $0xFFFFE003, lr  }
0x1b: {  	s9 =	sadd.s32 $0xFFFFFEF7, lr;
	s5 =	simm.s32 $0xFFFFFFFF;
	p2 =	slt.u32 s8, $0xFFFFF086  }
0x1c: {  	p1 =	slt.u32 s9, $0xF7A;
	s5 =	simm.s32 @!p2 $0x0  }
0x1d: {  	s5 =	simm.s32 @p1 $0x1;
	p0 =	seq.s32 s7, s2  }
0x1e: {  	s7 =	smul.u32 @!p0 $0xF7A, s2;
	p2 =	seq.s32 @!p0 s5, $0x0  }
0x1f: {  	s9 =	smul.u32 $0xF7A, s1;
	s8 =	simm.s32 @!p0 $0x1BF5;
	p2 =	por !p2, p0  }
0x20: {  	[sflag:s8] =	ssyncset.s32 @!p0 $0xFFFFF086;
	s6 =	sadd.s32 @!p0 s3, s7;
	s7 =	simm.s32 @!p0 $0x108  }
0x21: {  	s3 =	sadd.s32 s3, s9;
	s6 =	sadd.s32 @!p0 $0x88, s6;
	s7 =	simm.s32 @p2 $0x1082  }
0x22: {  	[simem:s7], [sflag:s8] =	dma.local @!p0 [hbm:s6], $0xF7A  }
0x23: {  	s9 =	sor.u32 $0xD0000000, s2;
	s6 =	simm.s32 $0x108;
	_ =	swait.ge @!p0 [sflag:s8], $0x0  }
0x24: {  	s3 =	sadd.s32 $0x88, s3;
	s6 =	simm.s32 @!p1 $0x1082;
	[sflag:s4] =	ssyncset.s32 $0xFFFFF086  }
0x25: {  	[simem:s6], [sflag:s4] =	dma.local [hbm:s3], $0xF7A  }
0x26: {  	[smem:$0x3F9F] =	sst s1;
	(tag) =	ssettag s2;
	_ =	strace s9  }
0x27: {  	s1 =	sld [smem:$0x3FAF]  }
0x28: {  	s2 =	sld [smem:$0x3FB0]  }
0x29: {  	s4 =	sld [smem:$0x3FB2]  }
0x2a: {  	p0 =	seq.s32 s5, $0x0;
	s5 =	sld [smem:$0x3FB3]  }
0x2b: {  	s6 =	sld [smem:$0x3FB4]  }
0x2c: {  	s7 =	sld [smem:$0x3FB5]  }
0x2d: {  	s3 =	simm.s32 $0x108;
	s8 =	sld [smem:$0x3FB6]  }
0x2e: {  	s3 =	simm.s32 @!p0 $0x1082;
	s9 =	sld [smem:$0x3FB7]  }
0x2f: {  	lr =	sadd.s32 s0, s3;
	s0 =	sld [smem:$0x3FAE]  }
0x30: {  	s3 =	sld [smem:$0x3FB1]  }
0x31: {  	[smem:$0x3FBA] =	sst s10  }
0x32: {  	s10 =	sld [smem:$0x3FB8];
	_ =	sdelay $0x3  }
0x33: {  	p0 =	seq.s32 s10, $0x1;
	s10 =	sld [smem:$0x3FBA];
	_ =	sdelay $0x3  }
0x34: {  	[smem:$0x3FBA] =	sst s10  }
0x35: {  	s10 =	sld [smem:$0x3FB9];
	_ =	sdelay $0x3  }
0x36: {  	p1 =	seq.s32 s10, $0x1;
	s10 =	sld [smem:$0x3FBA];
	_ =	sdelay $0x3  }
0x37: {  	[smem:$0x3FBA] =	sst s10  }
0x38: {  	s10 =	sld [smem:$0x3FBB]  }
0x39: {  	_ = 	snop;
	(pc) =	sbr.ind lr, $3  }
0x3a: {  	_ = 	snop  }
0x3b: {  	_ = 	snop  }
0x3c: {  	p2 =	seq.s32 s10, $0x1;
	s10 =	sld [smem:$0x3FBA]  }
0x3d: {  	_ =	shalt  }
0x3e: {  	_ =	shalt  }
0x3f: {  	_ =	shalt  }
0x40: {  	_ =	shalt  }
0x41: {  	_ =	shalt  }
0x42: {  	_ =	shalt  }
0x43: {  	_ =	shalt  }
0x44: {  	_ =	shalt  }
0x45: {  	_ =	shalt  }
0x46: {  	_ =	shalt  }
0x47: {  	_ =	shalt  }
0x48: {  	_ =	shalt  }
0x49: {  	_ =	shalt  }
0x4a: {  	_ =	shalt  }
0x4b: {  	_ =	shalt  }
0x4c: {  	_ =	shalt  }
0x4d: {  	_ =	shalt  }
0x4e: {  	_ =	shalt  }
0x4f: {  	_ =	shalt  }
0x50: {  	_ =	shalt  }
0x51: {  	_ =	shalt  }
0x52: {  	_ =	shalt  }
0x53: {  	_ =	shalt  }
0x54: {  	_ =	shalt  }
0x55: {  	_ =	shalt  }
0x56: {  	_ =	shalt  }
0x57: {  	_ =	shalt  }
0x58: {  	_ =	shalt  }
0x59: {  	_ =	shalt  }
0x5a: {  	_ =	shalt  }
0x5b: {  	_ =	shalt  }
0x5c: {  	_ =	shalt  }
0x5d: {  	_ =	shalt  }
0x5e: {  	_ =	shalt  }
0x5f: {  	_ =	shalt  }
0x60: {  	_ =	shalt  }
0x61: {  	_ =	shalt  }
0x62: {  	_ =	shalt  }
0x63: {  	_ =	shalt  }
0x64: {  	_ =	shalt  }
0x65: {  	_ =	shalt  }
0x66: {  	_ =	shalt  }
0x67: {  	_ =	shalt  }
0x68: {  	_ =	shalt  }
0x69: {  	_ =	shalt  }
0x6a: {  	_ =	shalt  }
0x6b: {  	_ =	shalt  }
0x6c: {  	_ =	shalt  }
0x6d: {  	_ =	shalt  }
0x6e: {  	_ =	shalt  }
0x6f: {  	_ =	shalt  }
0x70: {  	_ =	shalt  }
0x71: {  	_ =	shalt  }
0x72: {  	_ =	shalt  }
0x73: {  	_ =	shalt  }
0x74: {  	_ =	shalt  }
0x75: {  	_ =	shalt  }
0x76: {  	_ =	shalt  }
0x77: {  	_ =	shalt  }
0x78: {  	_ =	shalt  }
0x79: {  	_ =	shalt  }
0x7a: {  	_ =	shalt  }
0x7b: {  	_ =	shalt  }
0x7c: {  	_ =	shalt  }
0x7d: {  	_ =	shalt  }
0x7e: {  	_ =	shalt  }
0x7f: {  	_ =	shalt  }
0x80: {  	_ =	shalt  }
0x81: {  	_ =	shalt  }
0x82: {  	_ =	shalt  }
0x83: {  	_ =	shalt  }
0x84: {  	_ =	shalt  }
0x85: {  	_ =	shalt  }
0x86: {  	_ =	shalt  }
0x87: {  	_ =	shalt  }
.Lfunc_end0:
.L_simem_size_0:
called_computation.1_lowered:
.L_overlay_start_0:
0x88: {  	s2 =	sld [smem:$0x3FD9]  }
0x89: {  	s3 =	sld [smem:$0x3FFE];
	_ =	sdelay $0x1  }
0x8a: {  	s1 =	srdreg.scid  }
0x8b: {  	s0 =	sand.u32 $0x1, s1  }
0x8c: {  	s17 =	sshll.u32 s0, $0xA;
	s2 =	sadd.s32 s3, s2  }
0x8d: {  	s2 =	sadd.s32 s2, s17  }
0x8e: {  	[smem:$0x3FC6] =	sst s2  }
0x8f: {  	_ = 	snop  }
0x90: {  	s2 =	sld [smem:$0x3FD0];
	(tm) =	ssettm $0x1  }
0x91: {  	s18 =	sld [smem:$0x3FFB];
	_ =	sdelay $0x3  }
0x92: {  	_ =	strace s18  }
0x93: {  	s3 =	sld [smem:$0x3FFC];
	_ =	sdelay $0x3  }
0x94: {  	_ =	strace s3  }
0x95: {  	s3 =	sld [smem:$0x3FFD];
	_ =	sdelay $0x3  }
0x96: {  	_ =	strace s3  }
0x97: {  	_ =	strace $0x8FFFFFFF  }
0x98: {  	s19 =	sld [smem:$0x3FDB];
	_ =	sdelay $0x1  }
0x99: {  	s4 =	simm.s32 $_scs_section_size  }
0x9a: {  	s5 =	simm.s32 $_size__tile_overlayer_lowered;
	s6 =	simm.s32 $_tile_overlayer_lowered  }
0x9b: {  	s22 =	simm.s32 $0x1BFF;
	s21 =	sshll.u32 s6, $0x1;
	s3 =	sadd.s32 s4, s19  }
0x9c: {  	s7 =	simm.s32 $0x0;
	s20 =	sshll.u32 s5, $0x1;
	s5 =	sadd.s32 s21, s3  }
0x9d: {  	[timem:s7], [sflag:s22] =	dma.local [hbm:s5], s20  }
0x9e: {  	_ =	swait.ge [sflag:s22], s20  }
0x9f: {  	s4 =	ssub.s32 $0x0, s20;
	[sflag:s22] =	ssyncset.done $0x0  }
0xa0: {  	[sflag:s22] =	ssyncadd.s32 s4;
	_ =	sdelay $0x1  }
0xa1: {  	s23 =	simm.s32 $0x1B8B  }
0xa2: {  	_ =	swait.ge [sflag:s23], $0x1  }
0xa3: {  	[sflag:s23] =	ssyncset.done $0x0  }
0xa4: {  	s25 =	simm.s32 $0x1B8E;
	s24 =	sld [smem:$0x3FFE];
	[sflag:s23] =	ssyncadd.s32 $0xFFFFFFFF  }
0xa5: {  	s26 =	simm.s32 $execute0_lowered;
	[smem:$0x3FD2] =	sst s25  }
0xa6: {  	s5 =	sshll.u32 s26, $0x1;
	_ =	strace $0x80000046;
	[dreg:$0x1] =	wrdreg $0xFFFFFFFF  }
0xa7: {  	s28 =	simm.s32 $_size_execute0_lowered;
	s3 =	sadd.s32 s3, s5;
	[dreg:$0x0] =	wrdreg $0x0  }
0xa8: {  	s5 =	sshll.u32 s28, $0x1;
	[dreg:$0x2] =	wrdreg s3  }
0xa9: {  	[dreg:$0x3] =	wrdreg s5  }
0xaa: {  	[dreg:$0x4] =	wrdreg $0xC0  }
0xab: {  	_ =	task [dreg:s7], $0x5FFFF  }
0xac: {  	[dreg:$0x1] =	wrdreg $0xFFFFFFFF  }
0xad: {  	[dreg:$0x0] =	wrdreg $0x60  }
0xae: {  	[dreg:$0x2] =	wrdreg s2  }
0xaf: {  	[dreg:$0x3] =	wrdreg s24  }
0xb0: {  	[dreg:$0x4] =	wrdreg $0x9  }
0xb1: {  	_ =	task.clear_ibuf [dreg:s7], $0x5FFFF;
	_ =	strace $0x90000046  }
0xb2: {  	s29 =	simm.s32 $0x9;
	_ =	strace $0x80000048  }
0xb3: {  	_ =	swait.ge [sflag:s29], $0x1  }
0xb4: {  	[sflag:s29] =	ssyncadd.s32 $0xFFFFFFFF  }
0xb5: {  	_ =	strace $0x90000048  }
0xb6: {  	_ =	sfence  }
0xb7: {  	s30 =	sld [smem:$0x0];
	_ =	sdelay $0x2  }
0xb8: {  	s31 =	sshll.u32 s1, $0xD;
	s1 =	sshrl.u32 s1, $0x2  }
0xb9: {  	s3 =	sand.u32 $0x4000, s31;
	s1 =	sadd.s32 s1, s30  }
0xba: {  	s0 =	sor.u32 s3, s0;
	s1 =	sshll.u32 s1, $0x11  }
0xbb: {  	s0 =	sor.u32 s1, s0  }
0xbc: {  	s0 =	sadd.s32 $0x8F2B, s0  }
0xbd: {  	[sflag:s0] =	ssyncadd.remote.s32 $0x1  }
0xbe: {  	_ =	sfence.sel $0xFFFF  }
0xbf: {  	[dreg:$0x0] =	wrdreg $0xFFFFFFFF;
	(pc) =	sbr.abs _section_cstart, $3  }
0xc0: {  	[dreg:$0x1] =	wrdreg $0xFFFFFFFF  }
0xc1: {  	_ =	task.clear_ibuf [dreg:s7], $0x2FFFF;
	_ =	strace $0x9FFFFFFF  }
0xc2: {  	(tm) =	ssettm $0x7FFFFFFF  }
0xc3: {  	_ =	shalt  }
tec
execute0_lowered:
.L_overlay_start_1:
0x0: {  	(tag) =	ssettag $0x1  }
0x1: {  	s0 =	srdreg.scid  }
0x2: {  	s1 =	stileid.u32;
	s3 =	rddreg [dreg:$0x1];
	s2 =	simm.s32 $0x0  }
0x3: {  	s24 =	simm.s32 $0x640;
	s29 =	simm.s32 $0x1;
	s31 =	simm.s32 $0xED80  }
0x4: {  	s22 =	simm.s32 $0x80;
	[smem:$0x7FF] =	sst s2;
	s4 =	sadd.s32 $0xA00, s3  }
0x5: {  	s28 =	simm.s32 $0x4;
	s5 =	sadd.s32 $0x9A3200, s3;
	s9 =	sadd.s32 $0xB8BB80, s3  }
0x6: {  	s19 =	simm.s32 $0x5;
	s10 =	sadd.s32 $0xB8BF00, s3;
	s11 =	sadd.s32 $0xB8C280, s3  }
0x7: {  	s0 =	sand.u32 $0x1, s0;
	s12 =	sadd.s32 $0xB8C600, s3;
	s13 =	sadd.s32 $0xB8C980, s3  }
0x8: {  	s1 =	sshll.u32 s1, $0x1;
	s14 =	sadd.s32 $0xB8CD00, s3;
	s15 =	sadd.s32 $0xB8D080, s3  }
0x9: {  	s16 =	sadd.s32 $0xB8D400, s3;
	s18 =	sadd.s32 $0xB8D780, s3;
	s1 =	sor.u32 s0, s1  }
0xa: {  	_ =	strace $0x80000047;
	s0 =	ssub.s32 $0x2, s0;
	s6 =	smul.u32 $0x6400, s1  }
0xb: {  	s8 =	sshrl.u32 s0, $0x1;
	s17 =	sshll.u32 s1, $0x9;
	s1 =	simm.s32 $0x3  }
0xc: {  	s0 =	ssub.s32 s0, s8;
	s20 =	sor.u32 $0x20, s17;
	s8 =	simm.s32 $0x20  }
.Ltmp0:
0xd: {  	s7 =	sshrl.u32 s6, $0x3;
	s30 =	sadd.s32 $0xC80, s6;
	(pc) =	sbr.rel .LBB2_1-.Ltmp0, $4  }
0xe: {  	s21 =	sadd.s32 $0x12C0, s6;
	s0 =	smax.u32 s0, $0x1;
	[dreg:$0x5] =	wrdreg s30  }
0xf: {  	s26 =	sadd.s32 s4, s7;
	s7 =	sadd.s32 $0xB8B800, s3;
	[dreg:$0x6] =	wrdreg s0  }
0x10: {  	s0 =	simm.s32 $0x2;
	[dreg:$0x3] =	wrdreg s26;
	s2 =	sadd.s32 $0xC8, s26  }
0x11: {  	s3 =	simm.s32 $0x0;
	s26 =	simm.s32 $0x2580;
	[dreg:$0x4] =	wrdreg s2  }
.LBB2_14:
0x12: {  	_ =	swait.ge [sflag:s28], $0x640  }
0x13: {  	[sflag:s28] =	ssyncset.done $0x0  }
0x14: {  	[sflag:s28] =	ssyncadd.s32 $0xFFFFF9C0  }
0x15: {  	_ =	swait.ge [sflag:s28], $0x640  }
0x16: {  	[sflag:s28] =	ssyncset.done $0x0  }
0x17: {  	[sflag:s28] =	ssyncadd.s32 $0xFFFFF9C0  }
0x18: {  	_ =	swait.ge [sflag:s28], $0x640  }
0x19: {  	[sflag:s28] =	ssyncset.done $0x0  }
0x1a: {  	[sflag:s28] =	ssyncadd.s32 $0xFFFFF9C0  }
0x1b: {  	_ =	swait.ge [sflag:s28], $0x640  }
0x1c: {  	[sflag:s28] =	ssyncset.done $0x0  }
0x1d: {  	[sflag:s28] =	ssyncadd.s32 $0xFFFFF9C0  }
0x1e: {  	_ =	swait.ge [sflag:s28], $0x640  }
0x1f: {  	[sflag:s28] =	ssyncset.done $0x0  }
0x20: {  	[sflag:s28] =	ssyncadd.s32 $0xFFFFF9C0  }
0x21: {  	_ =	swait.ge [sflag:s28], $0x640  }
0x22: {  	[sflag:s28] =	ssyncset.done $0x0  }
0x23: {  	[sflag:s28] =	ssyncadd.s32 $0xFFFFF9C0  }
0x24: {  	_ =	swait.ge [sflag:s28], $0x640  }
0x25: {  	[sflag:s28] =	ssyncset.done $0x0  }
0x26: {  	[sflag:s28] =	ssyncadd.s32 $0xFFFFF9C0  }
0x27: {  	_ =	swait.ge [sflag:s28], $0x640  }
0x28: {  	[sflag:s28] =	ssyncset.done $0x0  }
0x29: {  	[sflag:s28] =	ssyncadd.s32 $0xFFFFF9C0  }
0x2a: {  	_ =	swait.ge [sflag:s28], $0x640  }
0x2b: {  	[sflag:s28] =	ssyncset.done $0x0  }
0x2c: {  	[sflag:s28] =	ssyncadd.s32 $0xFFFFF9C0  }
0x2d: {  	_ =	swait.ge [sflag:s28], $0x640  }
0x2e: {  	[sflag:s28] =	ssyncset.done $0x0  }
0x2f: {  	[sflag:s28] =	ssyncadd.s32 $0xFFFFF9C0  }
0x30: {  	_ =	swait.ge [sflag:s28], $0x640  }
0x31: {  	[sflag:s28] =	ssyncset.done $0x0  }
0x32: {  	[sflag:s28] =	ssyncadd.s32 $0xFFFFF9C0  }
0x33: {  	_ =	swait.ge [sflag:s28], $0x640  }
0x34: {  	[sflag:s28] =	ssyncset.done $0x0  }
0x35: {  	[sflag:s28] =	ssyncadd.s32 $0xFFFFF9C0  }
0x36: {  	_ =	swait.ge [sflag:s28], $0x640  }
0x37: {  	[sflag:s28] =	ssyncset.done $0x0  }
0x38: {  	[sflag:s28] =	ssyncadd.s32 $0xFFFFF9C0  }
0x39: {  	_ =	swait.ge [sflag:s28], $0x640  }
0x3a: {  	[sflag:s28] =	ssyncset.done $0x0  }
0x3b: {  	[sflag:s28] =	ssyncadd.s32 $0xFFFFF9C0  }
0x3c: {  	_ =	swait.ge [sflag:s28], $0x640  }
0x3d: {  	[sflag:s28] =	ssyncset.done $0x0  }
0x3e: {  	[sflag:s28] =	ssyncadd.s32 $0xFFFFF9C0  }
0x3f: {  	_ =	swait.ge [sflag:s28], $0x640  }
0x40: {  	[sflag:s28] =	ssyncset.done $0x0  }
0x41: {  	[sflag:s28] =	ssyncadd.s32 $0xFFFFF9C0  }
0x42: {  	_ =	swait.ge [sflag:s28], $0x640  }
0x43: {  	[sflag:s28] =	ssyncset.done $0x0  }
0x44: {  	[sflag:s28] =	ssyncadd.s32 $0xFFFFF9C0  }
0x45: {  	_ =	swait.ge [sflag:s28], $0x640  }
0x46: {  	[sflag:s28] =	ssyncset.done $0x0  }
0x47: {  	[sflag:s28] =	ssyncadd.s32 $0xFFFFF9C0  }
0x48: {  	_ =	swait.ge [sflag:s28], $0x640  }
0x49: {  	[sflag:s28] =	ssyncset.done $0x0  }
0x4a: {  	[sflag:s28] =	ssyncadd.s32 $0xFFFFF9C0  }
0x4b: {  	_ =	swait.ge [sflag:s28], $0x640  }
0x4c: {  	[sflag:s28] =	ssyncset.done $0x0  }
0x4d: {  	[sflag:s28] =	ssyncadd.s32 $0xFFFFF9C0  }
0x4e: {  	_ =	swait.ge [sflag:s28], $0x640  }
0x4f: {  	[sflag:s28] =	ssyncset.done $0x0  }
0x50: {  	[sflag:s28] =	ssyncadd.s32 $0xFFFFF9C0  }
0x51: {  	_ =	swait.ge [sflag:s28], $0x640  }
0x52: {  	[sflag:s28] =	ssyncset.done $0x0  }
0x53: {  	[sflag:s28] =	ssyncadd.s32 $0xFFFFF9C0  }
0x54: {  	_ =	swait.ge [sflag:s28], $0x640  }
0x55: {  	[sflag:s28] =	ssyncset.done $0x0  }
0x56: {  	[sflag:s28] =	ssyncadd.s32 $0xFFFFF9C0  }
0x57: {  	_ =	swait.ge [sflag:s28], $0x640  }
0x58: {  	[sflag:s28] =	ssyncset.done $0x0  }
0x59: {  	[sflag:s28] =	ssyncadd.s32 $0xFFFFF9C0  }
0x5a: {  	_ =	swait.ge [sflag:s28], $0x640  }
0x5b: {  	[sflag:s28] =	ssyncset.done $0x0  }
0x5c: {  	[sflag:s28] =	ssyncadd.s32 $0xFFFFF9C0  }
0x5d: {  	_ =	swait.ge [sflag:s28], $0x640  }
0x5e: {  	[sflag:s28] =	ssyncset.done $0x0  }
0x5f: {  	[sflag:s28] =	ssyncadd.s32 $0xFFFFF9C0  }
0x60: {  	_ =	swait.ge [sflag:s28], $0x640  }
0x61: {  	[sflag:s28] =	ssyncset.done $0x0  }
0x62: {  	[sflag:s28] =	ssyncadd.s32 $0xFFFFF9C0  }
0x63: {  	_ =	swait.ge [sflag:s28], $0x640  }
0x64: {  	[sflag:s28] =	ssyncset.done $0x0  }
0x65: {  	[sflag:s28] =	ssyncadd.s32 $0xFFFFF9C0  }
0x66: {  	_ =	swait.ge [sflag:s28], $0x640  }
0x67: {  	[sflag:s28] =	ssyncset.done $0x0  }
0x68: {  	[sflag:s28] =	ssyncadd.s32 $0xFFFFF9C0  }
0x69: {  	_ =	swait.ge [sflag:s28], $0x640  }
0x6a: {  	[sflag:s28] =	ssyncset.done $0x0  }
0x6b: {  	[sflag:s28] =	ssyncadd.s32 $0xFFFFF9C0  }
0x6c: {  	_ =	swait.ge [sflag:s28], $0x640  }
0x6d: {  	[sflag:s28] =	ssyncset.done $0x0  }
0x6e: {  	[sflag:s28] =	ssyncadd.s32 $0xFFFFF9C0  }
0x6f: {  	_ =	swait.ge [sflag:s28], $0x640  }
0x70: {  	[sflag:s28] =	ssyncset.done $0x0  }
0x71: {  	[sflag:s28] =	ssyncadd.s32 $0xFFFFF9C0  }
0x72: {  	_ =	swait.ge [sflag:s19], $0x640  }
0x73: {  	[sflag:s19] =	ssyncset.done $0x0  }
0x74: {  	[sflag:s19] =	ssyncadd.s32 $0xFFFFF9C0  }
0x75: {  	_ =	swait.ge [sflag:s19], $0x640  }
0x76: {  	[sflag:s19] =	ssyncset.done $0x0  }
0x77: {  	[sflag:s19] =	ssyncadd.s32 $0xFFFFF9C0  }
0x78: {  	_ =	swait.ge [sflag:s19], $0x640  }
0x79: {  	[sflag:s19] =	ssyncset.done $0x0  }
0x7a: {  	[sflag:s19] =	ssyncadd.s32 $0xFFFFF9C0  }
0x7b: {  	_ =	swait.ge [sflag:s19], $0x640  }
0x7c: {  	[sflag:s19] =	ssyncset.done $0x0  }
0x7d: {  	[sflag:s19] =	ssyncadd.s32 $0xFFFFF9C0  }
0x7e: {  	_ =	swait.ge [sflag:s19], $0x640  }
0x7f: {  	[sflag:s19] =	ssyncset.done $0x0  }
0x80: {  	[sflag:s19] =	ssyncadd.s32 $0xFFFFF9C0  }
0x81: {  	_ =	swait.ge [sflag:s19], $0x640  }
0x82: {  	[sflag:s19] =	ssyncset.done $0x0  }
0x83: {  	[sflag:s19] =	ssyncadd.s32 $0xFFFFF9C0  }
0x84: {  	_ =	swait.ge [sflag:s19], $0x640  }
0x85: {  	[sflag:s19] =	ssyncset.done $0x0  }
0x86: {  	[sflag:s19] =	ssyncadd.s32 $0xFFFFF9C0  }
0x87: {  	_ =	swait.ge [sflag:s19], $0x640  }
0x88: {  	[sflag:s19] =	ssyncset.done $0x0  }
0x89: {  	[sflag:s19] =	ssyncadd.s32 $0xFFFFF9C0  }
0x8a: {  	_ =	swait.ge [sflag:s19], $0x640  }
0x8b: {  	[sflag:s19] =	ssyncset.done $0x0  }
0x8c: {  	[sflag:s19] =	ssyncadd.s32 $0xFFFFF9C0  }
0x8d: {  	_ =	swait.ge [sflag:s19], $0x640  }
0x8e: {  	[sflag:s19] =	ssyncset.done $0x0  }
0x8f: {  	[sflag:s19] =	ssyncadd.s32 $0xFFFFF9C0  }
0x90: {  	_ =	swait.ge [sflag:s19], $0x640  }
0x91: {  	[sflag:s19] =	ssyncset.done $0x0  }
0x92: {  	[sflag:s19] =	ssyncadd.s32 $0xFFFFF9C0  }
0x93: {  	_ =	swait.ge [sflag:s19], $0x640  }
0x94: {  	[sflag:s19] =	ssyncset.done $0x0  }
0x95: {  	[sflag:s19] =	ssyncadd.s32 $0xFFFFF9C0  }
0x96: {  	_ =	swait.ge [sflag:s19], $0x640  }
0x97: {  	[sflag:s19] =	ssyncset.done $0x0  }
0x98: {  	[sflag:s19] =	ssyncadd.s32 $0xFFFFF9C0  }
0x99: {  	_ =	swait.ge [sflag:s19], $0x640  }
0x9a: {  	[sflag:s19] =	ssyncset.done $0x0  }
0x9b: {  	[sflag:s19] =	ssyncadd.s32 $0xFFFFF9C0  }
0x9c: {  	_ =	swait.ge [sflag:s19], $0x640  }
0x9d: {  	[sflag:s19] =	ssyncset.done $0x0  }
0x9e: {  	[sflag:s19] =	ssyncadd.s32 $0xFFFFF9C0  }
0x9f: {  	_ =	swait.ge [sflag:s19], $0x640  }
0xa0: {  	[sflag:s19] =	ssyncset.done $0x0  }
0xa1: {  	[sflag:s19] =	ssyncadd.s32 $0xFFFFF9C0  }
0xa2: {  	_ =	swait.ge [sflag:s19], $0x640  }
0xa3: {  	[sflag:s19] =	ssyncset.done $0x0  }
0xa4: {  	[sflag:s19] =	ssyncadd.s32 $0xFFFFF9C0  }
0xa5: {  	_ =	swait.ge [sflag:s19], $0x640  }
0xa6: {  	[sflag:s19] =	ssyncset.done $0x0  }
0xa7: {  	[sflag:s19] =	ssyncadd.s32 $0xFFFFF9C0  }
0xa8: {  	_ =	swait.ge [sflag:s19], $0x640  }
0xa9: {  	[sflag:s19] =	ssyncset.done $0x0  }
0xaa: {  	[sflag:s19] =	ssyncadd.s32 $0xFFFFF9C0  }
0xab: {  	_ =	swait.ge [sflag:s19], $0x640  }
0xac: {  	[sflag:s19] =	ssyncset.done $0x0  }
0xad: {  	[sflag:s19] =	ssyncadd.s32 $0xFFFFF9C0  }
0xae: {  	_ =	swait.ge [sflag:s19], $0x640  }
0xaf: {  	[sflag:s19] =	ssyncset.done $0x0  }
0xb0: {  	[sflag:s19] =	ssyncadd.s32 $0xFFFFF9C0  }
0xb1: {  	_ =	swait.ge [sflag:s19], $0x640  }
0xb2: {  	[sflag:s19] =	ssyncset.done $0x0  }
0xb3: {  	[sflag:s19] =	ssyncadd.s32 $0xFFFFF9C0  }
0xb4: {  	_ =	swait.ge [sflag:s19], $0x640  }
0xb5: {  	[sflag:s19] =	ssyncset.done $0x0  }
0xb6: {  	[sflag:s19] =	ssyncadd.s32 $0xFFFFF9C0  }
0xb7: {  	_ =	swait.ge [sflag:s19], $0x640  }
0xb8: {  	[sflag:s19] =	ssyncset.done $0x0  }
0xb9: {  	[sflag:s19] =	ssyncadd.s32 $0xFFFFF9C0  }
0xba: {  	_ =	swait.ge [sflag:s19], $0x640  }
0xbb: {  	[sflag:s19] =	ssyncset.done $0x0  }
0xbc: {  	[sflag:s19] =	ssyncadd.s32 $0xFFFFF9C0  }
0xbd: {  	_ =	swait.ge [sflag:s19], $0x640  }
0xbe: {  	[sflag:s19] =	ssyncset.done $0x0  }
0xbf: {  	[sflag:s19] =	ssyncadd.s32 $0xFFFFF9C0  }
0xc0: {  	_ =	swait.ge [sflag:s19], $0x640  }
0xc1: {  	[sflag:s19] =	ssyncset.done $0x0  }
0xc2: {  	[sflag:s19] =	ssyncadd.s32 $0xFFFFF9C0  }
0xc3: {  	_ =	swait.ge [sflag:s19], $0x640  }
0xc4: {  	[sflag:s19] =	ssyncset.done $0x0  }
0xc5: {  	[sflag:s19] =	ssyncadd.s32 $0xFFFFF9C0  }
0xc6: {  	_ =	swait.ge [sflag:s19], $0x640  }
0xc7: {  	[sflag:s19] =	ssyncset.done $0x0  }
0xc8: {  	[sflag:s19] =	ssyncadd.s32 $0xFFFFF9C0  }
0xc9: {  	_ =	swait.ge [sflag:s19], $0x640  }
0xca: {  	[sflag:s19] =	ssyncset.done $0x0  }
0xcb: {  	[sflag:s19] =	ssyncadd.s32 $0xFFFFF9C0  }
0xcc: {  	_ =	swait.ge [sflag:s19], $0x640  }
0xcd: {  	[sflag:s19] =	ssyncset.done $0x0  }
0xce: {  	[sflag:s19] =	ssyncadd.s32 $0xFFFFF9C0  }
0xcf: {  	_ =	swait.ge [sflag:s19], $0x640  }
0xd0: {  	s3 =	rddreg [dreg:$0x7]  }
0xd1: {  	s2 =	rddreg [dreg:$0x6];
	s3 =	sadd.s32 $0x1, s3  }
0xd2: {  	p0 =	sne.s32 s3, s2  }
.Ltmp1:
0xd3: {  	_ = 	snop;
	(pc) =	sbr.rel @!p0 .LBB2_15-.Ltmp1, $3  }
0xd4: {  	_ =	sdelay $0x1  }
0xd5: {  	[sflag:s19] =	ssyncset.done $0x0  }
0xd6: {  	[sflag:s19] =	ssyncadd.s32 $0xFFFFF9C0  }
.LBB2_1:
0xd7: {  	[dreg:$0x7] =	wrdreg s3  }
0xd8: {  	s25 =	simm.s32 $0x0;
	s2 =	rddreg [dreg:$0x3];
	s30 =	simm.s32 $0x6  }
0xd9: {  	[tilespmem:s25], [sflag:$0x6] =	stream.linear.gather [hbm4b:s2+s25], $0x640, $0x38;
	[tilespmem:$0x1B580] =	vst v63  }
0xda: {  	_ =	swait.ge [sflag:s30], $0x640  }
0xdb: {  	[sflag:s30] =	ssyncset.done $0x0  }
0xdc: {  	s3 =	simm.s32 $0x0;
	s6 =	rddreg [dreg:$0x4];
	[sflag:s30] =	ssyncadd.s32 $0xFFFFF9C0  }
0xdd: {  	[tilespmem:s24], [sflag:$0x1] =	stream.linear.gather [hbm4b:s6+s25], $0x640, $0x38;
	[tilespmem:$0x1B580] =	vst v63  }
0xde: {  	v0 =	vld [tilespmem:s3+$0x0]  }
0xdf: {  	s6 =	simm.s32 $0x40  }
.LBB2_2:
0xe0: {  	_ = 	snop  }
0xe1: {  	p0 =	sne.s32 s6, $0x18C0  }
.Ltmp2:
0xe2: {  	_ = 	snop;
	(pc) =	sbr.rel @p0 .LBB2_2-.Ltmp2, $4  }
0xe3: {  	vm0 =	vgt.s32 v0, $0x7A11F  }
0xe4: {  	s23 =	sshra.s32 s6, $0x2;
	v1 =	vsel vm0, $0xFFFFFFFF, v0;
	v2 =	vnsel vm0, $0x7A11F, v0  }
0xe5: {  	v0 =	vld [tilespmem:s23+$0x0];
	[tilespmem:s3+$0xC80] =	vst v1;
	v1 =	vadd.s32 $0xFFF85EE0, v2  }
0xe6: {  	s6 =	sadd.s32 $0x40, s6;
	[tilespmem:s3+$0x12C0] =	vst v1;
	s3 =	smov.u32 s23  }
0xe7: {  	_ =	sdelay $0x2  }
0xe8: {  	vm0 =	vgt.s32 v0, $0x7A11F  }
0xe9: {  	v1 =	vsel vm0, $0xFFFFFFFF, v0;
	v63 =	vnsel vm0, $0x7A11F, v0  }
0xea: {  	[tilespmem:s3+$0xC80] =	vst v1;
	v0 =	vadd.s32 $0xFFF85EE0, v63  }
0xeb: {  	[tilespmem:s3+$0x12C0] =	vst v0;
	(ifvalue) =	ssetifvalue $0xFFFFFFFF  }
0xec: {  	s6 =	simm.s32 $0xC80;
	(ifvalue) =	ssetifvalue $0xFFFFFFFF;
	s25 =	rddreg [dreg:$0x0]  }
0xed: {  	[tilespmem:s26], [sflag:$0x2] =	stream.indirect.gather [hbm4b:s25+s24], $0x20, s6, s24, $0x40b8;
	[tilespmem:$0x1B580] =	vst v63  }
0xee: {  	(ifvalue) =	ssetifvalue $0xFFFFFFFF  }
0xef: {  	s30 =	simm.s32 $0x12C0;
	s3 =	simm.s32 $0x0;
	(ifvalue) =	ssetifvalue $0xFFFFFFFF  }
0xf0: {  	[tilespmem:s26], [sflag:$0x2] =	stream.indirect.gather [hbm4b:s5+s24], $0x20, s30, s24, $0x40b8;
	[tilespmem:$0x1B580] =	vst v63  }
.LBB2_4:
0xf1: {  	_ =	swait.ge [sflag:s29], $0x640  }
0xf2: {  	[sflag:s29] =	ssyncset.done $0x0  }
0xf3: {  	s30 =	simm.s32 $0x0;
	[sflag:s29] =	ssyncadd.s32 $0xFFFFF9C0  }
0xf4: {  	v0 =	vld [tilespmem:s30+$0x640]  }
0xf5: {  	s6 =	simm.s32 $0x40  }
.LBB2_5:
0xf6: {  	_ = 	snop  }
0xf7: {  	p0 =	sne.s32 s6, $0x18C0  }
.Ltmp3:
0xf8: {  	_ = 	snop;
	(pc) =	sbr.rel @p0 .LBB2_5-.Ltmp3, $4  }
0xf9: {  	vm0 =	vgt.s32 v0, $0x7A11F  }
0xfa: {  	s23 =	sshra.s32 s6, $0x2;
	v1 =	vsel vm0, $0xFFFFFFFF, v0;
	v2 =	vnsel vm0, $0x7A11F, v0  }
0xfb: {  	v0 =	vld [tilespmem:s23+$0x640];
	[tilespmem:s30+$0x1900] =	vst v1;
	v1 =	vadd.s32 $0xFFF85EE0, v2  }
0xfc: {  	s6 =	sadd.s32 $0x40, s6;
	[tilespmem:s30+$0x1F40] =	vst v1;
	s30 =	smov.u32 s23  }
0xfd: {  	_ = 	snop  }
0xfe: {  	p0 =	seq.s32 s3, $0x0  }
.Ltmp4:
0xff: {  	_ = 	snop;
	(pc) =	sbr.rel @p0 .LBB2_8-.Ltmp4, $4  }
0x100: {  	vm0 =	vgt.s32 v0, $0x7A11F  }
0x101: {  	v1 =	vsel vm0, $0xFFFFFFFF, v0;
	v63 =	vnsel vm0, $0x7A11F, v0  }
0x102: {  	[tilespmem:s30+$0x1900] =	vst v1;
	v0 =	vadd.s32 $0xFFF85EE0, v63  }
0x103: {  	[tilespmem:s30+$0x1F40] =	vst v0  }
0x104: {  	_ =	swait.ge [sflag:s19], $0x640  }
0x105: {  	[sflag:s19] =	ssyncset.done $0x0  }
0x106: {  	[sflag:s19] =	ssyncadd.s32 $0xFFFFF9C0  }
0x107: {  	_ =	swait.ge [sflag:s19], $0x640  }
0x108: {  	[sflag:s19] =	ssyncset.done $0x0  }
0x109: {  	[sflag:s19] =	ssyncadd.s32 $0xFFFFF9C0  }
0x10a: {  	_ =	swait.ge [sflag:s19], $0x640  }
0x10b: {  	[sflag:s19] =	ssyncset.done $0x0  }
0x10c: {  	[sflag:s19] =	ssyncadd.s32 $0xFFFFF9C0  }
0x10d: {  	_ =	swait.ge [sflag:s19], $0x640  }
0x10e: {  	[sflag:s19] =	ssyncset.done $0x0  }
0x10f: {  	[sflag:s19] =	ssyncadd.s32 $0xFFFFF9C0  }
0x110: {  	_ =	swait.ge [sflag:s19], $0x640  }
0x111: {  	[sflag:s19] =	ssyncset.done $0x0  }
0x112: {  	[sflag:s19] =	ssyncadd.s32 $0xFFFFF9C0  }
0x113: {  	_ =	swait.ge [sflag:s19], $0x640  }
0x114: {  	[sflag:s19] =	ssyncset.done $0x0  }
0x115: {  	[sflag:s19] =	ssyncadd.s32 $0xFFFFF9C0  }
0x116: {  	_ =	swait.ge [sflag:s19], $0x640  }
0x117: {  	[sflag:s19] =	ssyncset.done $0x0  }
0x118: {  	[sflag:s19] =	ssyncadd.s32 $0xFFFFF9C0  }
0x119: {  	_ =	swait.ge [sflag:s19], $0x640  }
0x11a: {  	[sflag:s19] =	ssyncset.done $0x0  }
0x11b: {  	[sflag:s19] =	ssyncadd.s32 $0xFFFFF9C0  }
0x11c: {  	_ =	swait.ge [sflag:s19], $0x640  }
0x11d: {  	[sflag:s19] =	ssyncset.done $0x0  }
0x11e: {  	[sflag:s19] =	ssyncadd.s32 $0xFFFFF9C0  }
0x11f: {  	_ =	swait.ge [sflag:s19], $0x640  }
0x120: {  	[sflag:s19] =	ssyncset.done $0x0  }
0x121: {  	[sflag:s19] =	ssyncadd.s32 $0xFFFFF9C0  }
0x122: {  	_ =	swait.ge [sflag:s19], $0x640  }
0x123: {  	[sflag:s19] =	ssyncset.done $0x0  }
0x124: {  	[sflag:s19] =	ssyncadd.s32 $0xFFFFF9C0  }
0x125: {  	_ =	swait.ge [sflag:s19], $0x640  }
0x126: {  	[sflag:s19] =	ssyncset.done $0x0  }
0x127: {  	[sflag:s19] =	ssyncadd.s32 $0xFFFFF9C0  }
0x128: {  	_ =	swait.ge [sflag:s19], $0x640  }
0x129: {  	[sflag:s19] =	ssyncset.done $0x0  }
0x12a: {  	[sflag:s19] =	ssyncadd.s32 $0xFFFFF9C0  }
0x12b: {  	_ =	swait.ge [sflag:s19], $0x640  }
0x12c: {  	[sflag:s19] =	ssyncset.done $0x0  }
0x12d: {  	[sflag:s19] =	ssyncadd.s32 $0xFFFFF9C0  }
0x12e: {  	_ =	swait.ge [sflag:s19], $0x640  }
0x12f: {  	[sflag:s19] =	ssyncset.done $0x0  }
0x130: {  	[sflag:s19] =	ssyncadd.s32 $0xFFFFF9C0  }
0x131: {  	_ =	swait.ge [sflag:s19], $0x640  }
0x132: {  	[sflag:s19] =	ssyncset.done $0x0  }
0x133: {  	[sflag:s19] =	ssyncadd.s32 $0xFFFFF9C0  }
0x134: {  	_ =	swait.ge [sflag:s19], $0x640  }
0x135: {  	[sflag:s19] =	ssyncset.done $0x0  }
0x136: {  	[sflag:s19] =	ssyncadd.s32 $0xFFFFF9C0  }
0x137: {  	_ =	swait.ge [sflag:s19], $0x640  }
0x138: {  	[sflag:s19] =	ssyncset.done $0x0  }
0x139: {  	[sflag:s19] =	ssyncadd.s32 $0xFFFFF9C0  }
0x13a: {  	_ =	swait.ge [sflag:s19], $0x640  }
0x13b: {  	[sflag:s19] =	ssyncset.done $0x0  }
0x13c: {  	[sflag:s19] =	ssyncadd.s32 $0xFFFFF9C0  }
0x13d: {  	_ =	swait.ge [sflag:s19], $0x640  }
0x13e: {  	[sflag:s19] =	ssyncset.done $0x0  }
0x13f: {  	[sflag:s19] =	ssyncadd.s32 $0xFFFFF9C0  }
0x140: {  	_ =	swait.ge [sflag:s19], $0x640  }
0x141: {  	[sflag:s19] =	ssyncset.done $0x0  }
0x142: {  	[sflag:s19] =	ssyncadd.s32 $0xFFFFF9C0  }
0x143: {  	_ =	swait.ge [sflag:s19], $0x640  }
0x144: {  	[sflag:s19] =	ssyncset.done $0x0  }
0x145: {  	[sflag:s19] =	ssyncadd.s32 $0xFFFFF9C0  }
0x146: {  	_ =	swait.ge [sflag:s19], $0x640  }
0x147: {  	[sflag:s19] =	ssyncset.done $0x0  }
0x148: {  	[sflag:s19] =	ssyncadd.s32 $0xFFFFF9C0  }
0x149: {  	_ =	swait.ge [sflag:s19], $0x640  }
0x14a: {  	[sflag:s19] =	ssyncset.done $0x0  }
0x14b: {  	[sflag:s19] =	ssyncadd.s32 $0xFFFFF9C0  }
0x14c: {  	_ =	swait.ge [sflag:s19], $0x640  }
0x14d: {  	[sflag:s19] =	ssyncset.done $0x0  }
0x14e: {  	[sflag:s19] =	ssyncadd.s32 $0xFFFFF9C0  }
0x14f: {  	_ =	swait.ge [sflag:s19], $0x640  }
0x150: {  	[sflag:s19] =	ssyncset.done $0x0  }
0x151: {  	[sflag:s19] =	ssyncadd.s32 $0xFFFFF9C0  }
0x152: {  	_ =	swait.ge [sflag:s19], $0x640  }
0x153: {  	[sflag:s19] =	ssyncset.done $0x0  }
0x154: {  	[sflag:s19] =	ssyncadd.s32 $0xFFFFF9C0  }
0x155: {  	_ =	swait.ge [sflag:s19], $0x640  }
0x156: {  	[sflag:s19] =	ssyncset.done $0x0  }
0x157: {  	[sflag:s19] =	ssyncadd.s32 $0xFFFFF9C0  }
0x158: {  	_ =	swait.ge [sflag:s19], $0x640  }
0x159: {  	[sflag:s19] =	ssyncset.done $0x0  }
0x15a: {  	[sflag:s19] =	ssyncadd.s32 $0xFFFFF9C0  }
0x15b: {  	_ =	swait.ge [sflag:s19], $0x640  }
0x15c: {  	[sflag:s19] =	ssyncset.done $0x0  }
0x15d: {  	[sflag:s19] =	ssyncadd.s32 $0xFFFFF9C0  }
0x15e: {  	_ =	swait.ge [sflag:s19], $0x640  }
0x15f: {  	[sflag:s19] =	ssyncset.done $0x0  }
0x160: {  	[sflag:s19] =	ssyncadd.s32 $0xFFFFF9C0  }
0x161: {  	_ =	swait.ge [sflag:s19], $0x640  }
0x162: {  	[sflag:s19] =	ssyncset.done $0x0  }
0x163: {  	[sflag:s19] =	ssyncadd.s32 $0xFFFFF9C0  }
.LBB2_8:
0x164: {  	(ifvalue) =	ssetifvalue $0xFFFFFFFF  }
0x165: {  	s23 =	simm.s32 $0x1900;
	(ifvalue) =	ssetifvalue $0xFFFFFFFF;
	s6 =	rddreg [dreg:$0x0]  }
0x166: {  	[tilespmem:s31], [sflag:$0x3] =	stream.indirect.gather [hbm4b:s6+s24], $0x20, s23, s24, $0x40b8;
	[tilespmem:$0x1B580] =	vst v63  }
0x167: {  	(ifvalue) =	ssetifvalue $0xFFFFFFFF  }
0x168: {  	s23 =	simm.s32 $0x1F40;
	(ifvalue) =	ssetifvalue $0xFFFFFFFF  }
0x169: {  	[tilespmem:s31], [sflag:$0x3] =	stream.indirect.gather [hbm4b:s5+s24], $0x20, s23, s24, $0x40b8;
	[tilespmem:$0x1B580] =	vst v63  }
0x16a: {  	_ =	swait.ge [sflag:s0], $0xC800  }
0x16b: {  	s30 =	sshll.u32 s3, $0x6;
	[sflag:s0] =	ssyncset.done $0x0  }
0x16c: {  	s6 =	sor.u32 s17, s30;
	[sflag:s0] =	ssyncadd.s32 $0xFFFF3800  }
0x16d: {  	s23 =	smul.u32 $0x380, s6;
	_ =	swait.ge [sflag:s0], $0xC800  }
0x16e: {  	[sflag:s0] =	ssyncset.done $0x0  }
0x16f: {  	s25 =	sadd.s32 s7, s23;
	[sflag:s0] =	ssyncadd.s32 $0xFFFF3800  }
0x170: {  	[hbm4b:s25+s8] =	stream.strided.scatter [tilespmem:s26], [sflag:$0x4], $0x640, s22, s8, $0x38;
	[tilespmem:$0x1B580] =	vst v63  }
0x171: {  	s2 =	simm.s32 $0x2BC0;
	s25 =	sadd.s32 s23, s9  }
0x172: {  	[hbm4b:s25+s8] =	stream.strided.scatter [tilespmem:s2], [sflag:$0x4], $0x640, s22, s8, $0x38;
	[tilespmem:$0x1B580] =	vst v63  }
0x173: {  	s25 =	sadd.s32 s23, s10;
	s2 =	simm.s32 $0x3200  }
0x174: {  	[hbm4b:s25+s8] =	stream.strided.scatter [tilespmem:s2], [sflag:$0x4], $0x640, s22, s8, $0x38;
	[tilespmem:$0x1B580] =	vst v63  }
0x175: {  	s25 =	sadd.s32 s23, s11;
	s2 =	simm.s32 $0x3840  }
0x176: {  	[hbm4b:s25+s8] =	stream.strided.scatter [tilespmem:s2], [sflag:$0x4], $0x640, s22, s8, $0x38;
	[tilespmem:$0x1B580] =	vst v63  }
0x177: {  	s25 =	sadd.s32 s23, s12;
	s2 =	simm.s32 $0x3E80  }
0x178: {  	[hbm4b:s25+s8] =	stream.strided.scatter [tilespmem:s2], [sflag:$0x4], $0x640, s22, s8, $0x38;
	[tilespmem:$0x1B580] =	vst v63  }
0x179: {  	s25 =	sadd.s32 s23, s13;
	s2 =	simm.s32 $0x44C0  }
0x17a: {  	[hbm4b:s25+s8] =	stream.strided.scatter [tilespmem:s2], [sflag:$0x4], $0x640, s22, s8, $0x38;
	[tilespmem:$0x1B580] =	vst v63  }
0x17b: {  	s25 =	sadd.s32 s23, s14;
	s2 =	simm.s32 $0x4B00  }
0x17c: {  	[hbm4b:s25+s8] =	stream.strided.scatter [tilespmem:s2], [sflag:$0x4], $0x640, s22, s8, $0x38;
	[tilespmem:$0x1B580] =	vst v63  }
0x17d: {  	s6 =	smul.u32 $0x1C00, s6;
	s25 =	sadd.s32 s23, s15;
	s2 =	simm.s32 $0x5140  }
0x17e: {  	[hbm4b:s25+s8] =	stream.strided.scatter [tilespmem:s2], [sflag:$0x4], $0x640, s22, s8, $0x38;
	[tilespmem:$0x1B580] =	vst v63  }
0x17f: {  	s6 =	sshrl.u32 s6, $0x3;
	s25 =	sadd.s32 s23, s16;
	s2 =	simm.s32 $0x5780  }
0x180: {  	[hbm4b:s25+s8] =	stream.strided.scatter [tilespmem:s2], [sflag:$0x4], $0x640, s22, s8, $0x38;
	[tilespmem:$0x1B580] =	vst v63  }
0x181: {  	s6 =	sadd.s32 s7, s6;
	s23 =	sadd.s32 s23, s18;
	s25 =	simm.s32 $0x5DC0  }
0x182: {  	[hbm4b:s23+s8] =	stream.strided.scatter [tilespmem:s25], [sflag:$0x4], $0x640, s22, s8, $0x38;
	[tilespmem:$0x1B580] =	vst v63  }
0x183: {  	s2 =	sadd.s32 $0x2300, s6;
	s25 =	simm.s32 $0x6400  }
0x184: {  	[hbm4b:s2+s8] =	stream.strided.scatter [tilespmem:s25], [sflag:$0x4], $0x640, s22, s8, $0x38;
	[tilespmem:$0x1B580] =	vst v63  }
0x185: {  	s2 =	sadd.s32 $0x2680, s6;
	s25 =	simm.s32 $0x6A40  }
0x186: {  	[hbm4b:s2+s8] =	stream.strided.scatter [tilespmem:s25], [sflag:$0x4], $0x640, s22, s8, $0x38;
	[tilespmem:$0x1B580] =	vst v63  }
0x187: {  	s2 =	sadd.s32 $0x2A00, s6;
	s25 =	simm.s32 $0x7080  }
0x188: {  	[hbm4b:s2+s8] =	stream.strided.scatter [tilespmem:s25], [sflag:$0x4], $0x640, s22, s8, $0x38;
	[tilespmem:$0x1B580] =	vst v63  }
0x189: {  	s2 =	sadd.s32 $0x2D80, s6;
	s25 =	simm.s32 $0x76C0  }
0x18a: {  	[hbm4b:s2+s8] =	stream.strided.scatter [tilespmem:s25], [sflag:$0x4], $0x640, s22, s8, $0x38;
	[tilespmem:$0x1B580] =	vst v63  }
0x18b: {  	s2 =	sadd.s32 $0x3100, s6;
	s25 =	simm.s32 $0x7D00  }
0x18c: {  	[hbm4b:s2+s8] =	stream.strided.scatter [tilespmem:s25], [sflag:$0x4], $0x640, s22, s8, $0x38;
	[tilespmem:$0x1B580] =	vst v63  }
0x18d: {  	s2 =	sadd.s32 $0x3480, s6;
	s25 =	simm.s32 $0x8340  }
0x18e: {  	[hbm4b:s2+s8] =	stream.strided.scatter [tilespmem:s25], [sflag:$0x4], $0x640, s22, s8, $0x38;
	[tilespmem:$0x1B580] =	vst v63  }
0x18f: {  	s2 =	sadd.s32 $0x3800, s6;
	s25 =	simm.s32 $0x8980  }
0x190: {  	[hbm4b:s2+s8] =	stream.strided.scatter [tilespmem:s25], [sflag:$0x4], $0x640, s22, s8, $0x38;
	[tilespmem:$0x1B580] =	vst v63  }
0x191: {  	s2 =	sadd.s32 $0x3B80, s6;
	s25 =	simm.s32 $0x8FC0  }
0x192: {  	[hbm4b:s2+s8] =	stream.strided.scatter [tilespmem:s25], [sflag:$0x4], $0x640, s22, s8, $0x38;
	[tilespmem:$0x1B580] =	vst v63  }
0x193: {  	s2 =	sadd.s32 $0x3F00, s6;
	s25 =	simm.s32 $0x9600  }
0x194: {  	[hbm4b:s2+s8] =	stream.strided.scatter [tilespmem:s25], [sflag:$0x4], $0x640, s22, s8, $0x38;
	[tilespmem:$0x1B580] =	vst v63  }
0x195: {  	s2 =	sadd.s32 $0x4280, s6;
	s25 =	simm.s32 $0x9C40  }
0x196: {  	[hbm4b:s2+s8] =	stream.strided.scatter [tilespmem:s25], [sflag:$0x4], $0x640, s22, s8, $0x38;
	[tilespmem:$0x1B580] =	vst v63  }
0x197: {  	s2 =	sadd.s32 $0x4600, s6;
	s25 =	simm.s32 $0xA280  }
0x198: {  	[hbm4b:s2+s8] =	stream.strided.scatter [tilespmem:s25], [sflag:$0x4], $0x640, s22, s8, $0x38;
	[tilespmem:$0x1B580] =	vst v63  }
0x199: {  	s2 =	sadd.s32 $0x4980, s6;
	s25 =	simm.s32 $0xA8C0  }
0x19a: {  	[hbm4b:s2+s8] =	stream.strided.scatter [tilespmem:s25], [sflag:$0x4], $0x640, s22, s8, $0x38;
	[tilespmem:$0x1B580] =	vst v63  }
0x19b: {  	s2 =	sadd.s32 $0x4D00, s6;
	s25 =	simm.s32 $0xAF00  }
0x19c: {  	[hbm4b:s2+s8] =	stream.strided.scatter [tilespmem:s25], [sflag:$0x4], $0x640, s22, s8, $0x38;
	[tilespmem:$0x1B580] =	vst v63  }
0x19d: {  	s2 =	sadd.s32 $0x5080, s6;
	s25 =	simm.s32 $0xB540  }
0x19e: {  	[hbm4b:s2+s8] =	stream.strided.scatter [tilespmem:s25], [sflag:$0x4], $0x640, s22, s8, $0x38;
	[tilespmem:$0x1B580] =	vst v63  }
0x19f: {  	s2 =	sadd.s32 $0x5400, s6;
	s25 =	simm.s32 $0xBB80  }
0x1a0: {  	[hbm4b:s2+s8] =	stream.strided.scatter [tilespmem:s25], [sflag:$0x4], $0x640, s22, s8, $0x38;
	[tilespmem:$0x1B580] =	vst v63  }
0x1a1: {  	s2 =	sadd.s32 $0x5780, s6;
	s25 =	simm.s32 $0xC1C0  }
0x1a2: {  	[hbm4b:s2+s8] =	stream.strided.scatter [tilespmem:s25], [sflag:$0x4], $0x640, s22, s8, $0x38;
	[tilespmem:$0x1B580] =	vst v63  }
0x1a3: {  	s2 =	sadd.s32 $0x5B00, s6;
	s25 =	simm.s32 $0xC800  }
0x1a4: {  	[hbm4b:s2+s8] =	stream.strided.scatter [tilespmem:s25], [sflag:$0x4], $0x640, s22, s8, $0x38;
	[tilespmem:$0x1B580] =	vst v63  }
0x1a5: {  	s2 =	sadd.s32 $0x5E80, s6;
	s25 =	simm.s32 $0xCE40  }
0x1a6: {  	[hbm4b:s2+s8] =	stream.strided.scatter [tilespmem:s25], [sflag:$0x4], $0x640, s22, s8, $0x38;
	[tilespmem:$0x1B580] =	vst v63  }
0x1a7: {  	s2 =	sadd.s32 $0x6200, s6;
	s25 =	simm.s32 $0xD480  }
0x1a8: {  	[hbm4b:s2+s8] =	stream.strided.scatter [tilespmem:s25], [sflag:$0x4], $0x640, s22, s8, $0x38;
	[tilespmem:$0x1B580] =	vst v63  }
0x1a9: {  	p0 =	seq.s32 s3, $0x7;
	s2 =	sadd.s32 $0x6580, s6;
	s25 =	simm.s32 $0xDAC0  }
0x1aa: {  	[hbm4b:s2+s8] =	stream.strided.scatter [tilespmem:s25], [sflag:$0x4], $0x640, s22, s8, $0x38;
	[tilespmem:$0x1B580] =	vst v63  }
.Ltmp5:
0x1ab: {  	_ = 	snop;
	(pc) =	sbr.rel @p0 .LBB2_12-.Ltmp5, $4  }
0x1ac: {  	s2 =	sadd.s32 $0x6900, s6;
	s25 =	simm.s32 $0xE100  }
0x1ad: {  	[hbm4b:s2+s8] =	stream.strided.scatter [tilespmem:s25], [sflag:$0x4], $0x640, s22, s8, $0x38;
	[tilespmem:$0x1B580] =	vst v63  }
0x1ae: {  	s6 =	sadd.s32 $0x6C80, s6;
	s25 =	simm.s32 $0xE740  }
0x1af: {  	[hbm4b:s6+s8] =	stream.strided.scatter [tilespmem:s25], [sflag:$0x4], $0x640, s22, s8, $0x38;
	[tilespmem:$0x1B580] =	vst v63  }
0x1b0: {  	s6 =	smul.u32 $0xC80, s3  }
0x1b1: {  	s23 =	rddreg [dreg:$0x5]  }
0x1b2: {  	s6 =	sadd.s32 s6, s23  }
0x1b3: {  	s6 =	sshrl.u32 s6, $0x3  }
0x1b4: {  	s25 =	simm.s32 $0x0;
	s6 =	sadd.s32 s4, s6  }
0x1b5: {  	[tilespmem:s25], [sflag:$0x1] =	stream.linear.gather [hbm4b:s6+s25], $0x640, $0x38;
	[tilespmem:$0x1B580] =	vst v63  }
0x1b6: {  	_ =	swait.ge [sflag:s29], $0x640  }
0x1b7: {  	[sflag:s29] =	ssyncset.done $0x0  }
0x1b8: {  	s6 =	simm.s32 $0x0;
	[sflag:s29] =	ssyncadd.s32 $0xFFFFF9C0  }
0x1b9: {  	v0 =	vld [tilespmem:s6+$0x0]  }
0x1ba: {  	s23 =	simm.s32 $0x40  }
.LBB2_10:
0x1bb: {  	_ = 	snop  }
0x1bc: {  	p1 =	sne.s32 s23, $0x18C0  }
.Ltmp6:
0x1bd: {  	_ = 	snop;
	(pc) =	sbr.rel @p1 .LBB2_10-.Ltmp6, $4  }
0x1be: {  	vm0 =	vgt.s32 v0, $0x7A11F  }
0x1bf: {  	s25 =	sshra.s32 s23, $0x2;
	v1 =	vsel vm0, $0xFFFFFFFF, v0;
	v2 =	vnsel vm0, $0x7A11F, v0  }
0x1c0: {  	v0 =	vld [tilespmem:s25+$0x0];
	[tilespmem:s6+$0xC80] =	vst v1;
	v1 =	vadd.s32 $0xFFF85EE0, v2  }
0x1c1: {  	s23 =	sadd.s32 $0x40, s23;
	[tilespmem:s6+$0x12C0] =	vst v1;
	s6 =	smov.u32 s25  }
0x1c2: {  	_ =	sdelay $0x2  }
0x1c3: {  	vm0 =	vgt.s32 v0, $0x7A11F  }
0x1c4: {  	v1 =	vsel vm0, $0xFFFFFFFF, v0;
	v63 =	vnsel vm0, $0x7A11F, v0  }
0x1c5: {  	[tilespmem:s6+$0xC80] =	vst v1;
	v0 =	vadd.s32 $0xFFF85EE0, v63  }
0x1c6: {  	[tilespmem:s6+$0x12C0] =	vst v0  }
0x1c7: {  	_ =	swait.ge [sflag:s28], $0x640  }
0x1c8: {  	[sflag:s28] =	ssyncset.done $0x0  }
0x1c9: {  	[sflag:s28] =	ssyncadd.s32 $0xFFFFF9C0  }
0x1ca: {  	_ =	swait.ge [sflag:s28], $0x640  }
0x1cb: {  	[sflag:s28] =	ssyncset.done $0x0  }
0x1cc: {  	[sflag:s28] =	ssyncadd.s32 $0xFFFFF9C0  }
0x1cd: {  	_ =	swait.ge [sflag:s28], $0x640  }
0x1ce: {  	[sflag:s28] =	ssyncset.done $0x0  }
0x1cf: {  	[sflag:s28] =	ssyncadd.s32 $0xFFFFF9C0  }
0x1d0: {  	_ =	swait.ge [sflag:s28], $0x640  }
0x1d1: {  	[sflag:s28] =	ssyncset.done $0x0  }
0x1d2: {  	[sflag:s28] =	ssyncadd.s32 $0xFFFFF9C0  }
0x1d3: {  	_ =	swait.ge [sflag:s28], $0x640  }
0x1d4: {  	[sflag:s28] =	ssyncset.done $0x0  }
0x1d5: {  	[sflag:s28] =	ssyncadd.s32 $0xFFFFF9C0  }
0x1d6: {  	_ =	swait.ge [sflag:s28], $0x640  }
0x1d7: {  	[sflag:s28] =	ssyncset.done $0x0  }
0x1d8: {  	[sflag:s28] =	ssyncadd.s32 $0xFFFFF9C0  }
0x1d9: {  	_ =	swait.ge [sflag:s28], $0x640  }
0x1da: {  	[sflag:s28] =	ssyncset.done $0x0  }
0x1db: {  	[sflag:s28] =	ssyncadd.s32 $0xFFFFF9C0  }
0x1dc: {  	_ =	swait.ge [sflag:s28], $0x640  }
0x1dd: {  	[sflag:s28] =	ssyncset.done $0x0  }
0x1de: {  	[sflag:s28] =	ssyncadd.s32 $0xFFFFF9C0  }
0x1df: {  	_ =	swait.ge [sflag:s28], $0x640  }
0x1e0: {  	[sflag:s28] =	ssyncset.done $0x0  }
0x1e1: {  	[sflag:s28] =	ssyncadd.s32 $0xFFFFF9C0  }
0x1e2: {  	_ =	swait.ge [sflag:s28], $0x640  }
0x1e3: {  	[sflag:s28] =	ssyncset.done $0x0  }
0x1e4: {  	[sflag:s28] =	ssyncadd.s32 $0xFFFFF9C0  }
0x1e5: {  	_ =	swait.ge [sflag:s28], $0x640  }
0x1e6: {  	[sflag:s28] =	ssyncset.done $0x0  }
0x1e7: {  	[sflag:s28] =	ssyncadd.s32 $0xFFFFF9C0  }
0x1e8: {  	_ =	swait.ge [sflag:s28], $0x640  }
0x1e9: {  	[sflag:s28] =	ssyncset.done $0x0  }
0x1ea: {  	[sflag:s28] =	ssyncadd.s32 $0xFFFFF9C0  }
0x1eb: {  	_ =	swait.ge [sflag:s28], $0x640  }
0x1ec: {  	[sflag:s28] =	ssyncset.done $0x0  }
0x1ed: {  	[sflag:s28] =	ssyncadd.s32 $0xFFFFF9C0  }
0x1ee: {  	_ =	swait.ge [sflag:s28], $0x640  }
0x1ef: {  	[sflag:s28] =	ssyncset.done $0x0  }
0x1f0: {  	[sflag:s28] =	ssyncadd.s32 $0xFFFFF9C0  }
0x1f1: {  	_ =	swait.ge [sflag:s28], $0x640  }
0x1f2: {  	[sflag:s28] =	ssyncset.done $0x0  }
0x1f3: {  	[sflag:s28] =	ssyncadd.s32 $0xFFFFF9C0  }
0x1f4: {  	_ =	swait.ge [sflag:s28], $0x640  }
0x1f5: {  	[sflag:s28] =	ssyncset.done $0x0  }
0x1f6: {  	[sflag:s28] =	ssyncadd.s32 $0xFFFFF9C0  }
0x1f7: {  	_ =	swait.ge [sflag:s28], $0x640  }
0x1f8: {  	[sflag:s28] =	ssyncset.done $0x0  }
0x1f9: {  	[sflag:s28] =	ssyncadd.s32 $0xFFFFF9C0  }
0x1fa: {  	_ =	swait.ge [sflag:s28], $0x640  }
0x1fb: {  	[sflag:s28] =	ssyncset.done $0x0  }
0x1fc: {  	[sflag:s28] =	ssyncadd.s32 $0xFFFFF9C0  }
0x1fd: {  	_ =	swait.ge [sflag:s28], $0x640  }
0x1fe: {  	[sflag:s28] =	ssyncset.done $0x0  }
0x1ff: {  	[sflag:s28] =	ssyncadd.s32 $0xFFFFF9C0  }
0x200: {  	_ =	swait.ge [sflag:s28], $0x640  }
0x201: {  	[sflag:s28] =	ssyncset.done $0x0  }
0x202: {  	[sflag:s28] =	ssyncadd.s32 $0xFFFFF9C0  }
0x203: {  	_ =	swait.ge [sflag:s28], $0x640  }
0x204: {  	[sflag:s28] =	ssyncset.done $0x0  }
0x205: {  	[sflag:s28] =	ssyncadd.s32 $0xFFFFF9C0  }
0x206: {  	_ =	swait.ge [sflag:s28], $0x640  }
0x207: {  	[sflag:s28] =	ssyncset.done $0x0  }
0x208: {  	[sflag:s28] =	ssyncadd.s32 $0xFFFFF9C0  }
0x209: {  	_ =	swait.ge [sflag:s28], $0x640  }
0x20a: {  	[sflag:s28] =	ssyncset.done $0x0  }
0x20b: {  	[sflag:s28] =	ssyncadd.s32 $0xFFFFF9C0  }
0x20c: {  	_ =	swait.ge [sflag:s28], $0x640  }
0x20d: {  	[sflag:s28] =	ssyncset.done $0x0  }
0x20e: {  	[sflag:s28] =	ssyncadd.s32 $0xFFFFF9C0  }
0x20f: {  	_ =	swait.ge [sflag:s28], $0x640  }
0x210: {  	[sflag:s28] =	ssyncset.done $0x0  }
0x211: {  	[sflag:s28] =	ssyncadd.s32 $0xFFFFF9C0  }
0x212: {  	_ =	swait.ge [sflag:s28], $0x640  }
0x213: {  	[sflag:s28] =	ssyncset.done $0x0  }
0x214: {  	[sflag:s28] =	ssyncadd.s32 $0xFFFFF9C0  }
0x215: {  	_ =	swait.ge [sflag:s28], $0x640  }
0x216: {  	[sflag:s28] =	ssyncset.done $0x0  }
0x217: {  	[sflag:s28] =	ssyncadd.s32 $0xFFFFF9C0  }
0x218: {  	_ =	swait.ge [sflag:s28], $0x640  }
0x219: {  	[sflag:s28] =	ssyncset.done $0x0  }
0x21a: {  	[sflag:s28] =	ssyncadd.s32 $0xFFFFF9C0  }
0x21b: {  	_ =	swait.ge [sflag:s28], $0x640  }
0x21c: {  	[sflag:s28] =	ssyncset.done $0x0  }
0x21d: {  	[sflag:s28] =	ssyncadd.s32 $0xFFFFF9C0  }
0x21e: {  	_ =	swait.ge [sflag:s28], $0x640  }
0x21f: {  	[sflag:s28] =	ssyncset.done $0x0  }
0x220: {  	[sflag:s28] =	ssyncadd.s32 $0xFFFFF9C0  }
0x221: {  	_ =	swait.ge [sflag:s28], $0x640  }
0x222: {  	[sflag:s28] =	ssyncset.done $0x0  }
0x223: {  	[sflag:s28] =	ssyncadd.s32 $0xFFFFF9C0  }
0x224: {  	_ =	swait.ge [sflag:s28], $0x640  }
0x225: {  	[sflag:s28] =	ssyncset.done $0x0  }
0x226: {  	[sflag:s28] =	ssyncadd.s32 $0xFFFFF9C0;
	(ifvalue) =	ssetifvalue $0xFFFFFFFF  }
0x227: {  	s23 =	simm.s32 $0xC80;
	(ifvalue) =	ssetifvalue $0xFFFFFFFF;
	s2 =	rddreg [dreg:$0x0]  }
0x228: {  	[tilespmem:s26], [sflag:$0x2] =	stream.indirect.gather [hbm4b:s2+s24], $0x20, s23, s24, $0x40b8;
	[tilespmem:$0x1B580] =	vst v63  }
0x229: {  	(ifvalue) =	ssetifvalue $0xFFFFFFFF  }
0x22a: {  	s25 =	simm.s32 $0x12C0;
	(ifvalue) =	ssetifvalue $0xFFFFFFFF  }
0x22b: {  	[tilespmem:s26], [sflag:$0x2] =	stream.indirect.gather [hbm4b:s5+s24], $0x20, s25, s24, $0x40b8;
	[tilespmem:$0x1B580] =	vst v63  }
.LBB2_12:
0x22c: {  	_ =	swait.ge [sflag:s1], $0xC800  }
0x22d: {  	[sflag:s1] =	ssyncset.done $0x0  }
0x22e: {  	s6 =	sor.u32 s20, s30;
	[sflag:s1] =	ssyncadd.s32 $0xFFFF3800  }
0x22f: {  	s23 =	smul.u32 $0x380, s6;
	_ =	swait.ge [sflag:s1], $0xC800  }
0x230: {  	[sflag:s1] =	ssyncset.done $0x0  }
0x231: {  	s25 =	sadd.s32 s7, s23;
	[sflag:s1] =	ssyncadd.s32 $0xFFFF3800  }
0x232: {  	[hbm4b:s25+s8] =	stream.strided.scatter [tilespmem:s31], [sflag:$0x5], $0x640, s22, s8, $0x38;
	[tilespmem:$0x1B580] =	vst v63  }
0x233: {  	s2 =	simm.s32 $0xF3C0;
	s30 =	sadd.s32 s23, s9  }
0x234: {  	[hbm4b:s30+s8] =	stream.strided.scatter [tilespmem:s2], [sflag:$0x5], $0x640, s22, s8, $0x38;
	[tilespmem:$0x1B580] =	vst v63  }
0x235: {  	s6 =	smul.u32 $0x1C00, s6;
	s2 =	sadd.s32 s23, s10;
	s30 =	simm.s32 $0xFA00  }
0x236: {  	[hbm4b:s2+s8] =	stream.strided.scatter [tilespmem:s30], [sflag:$0x5], $0x640, s22, s8, $0x38;
	[tilespmem:$0x1B580] =	vst v63  }
0x237: {  	s6 =	sshrl.u32 s6, $0x3;
	s2 =	sadd.s32 s23, s11;
	s30 =	simm.s32 $0x10040  }
0x238: {  	[hbm4b:s2+s8] =	stream.strided.scatter [tilespmem:s30], [sflag:$0x5], $0x640, s22, s8, $0x38;
	[tilespmem:$0x1B580] =	vst v63  }
0x239: {  	s6 =	sadd.s32 s7, s6;
	s23 =	sadd.s32 s23, s12;
	s30 =	simm.s32 $0x10680  }
0x23a: {  	[hbm4b:s23+s8] =	stream.strided.scatter [tilespmem:s30], [sflag:$0x5], $0x640, s22, s8, $0x38;
	[tilespmem:$0x1B580] =	vst v63  }
0x23b: {  	s25 =	sadd.s32 $0x1180, s6;
	s30 =	simm.s32 $0x10CC0  }
0x23c: {  	[hbm4b:s25+s8] =	stream.strided.scatter [tilespmem:s30], [sflag:$0x5], $0x640, s22, s8, $0x38;
	[tilespmem:$0x1B580] =	vst v63  }
0x23d: {  	s25 =	sadd.s32 $0x1500, s6;
	s30 =	simm.s32 $0x11300  }
0x23e: {  	[hbm4b:s25+s8] =	stream.strided.scatter [tilespmem:s30], [sflag:$0x5], $0x640, s22, s8, $0x38;
	[tilespmem:$0x1B580] =	vst v63  }
0x23f: {  	s25 =	sadd.s32 $0x1880, s6;
	s30 =	simm.s32 $0x11940  }
0x240: {  	[hbm4b:s25+s8] =	stream.strided.scatter [tilespmem:s30], [sflag:$0x5], $0x640, s22, s8, $0x38;
	[tilespmem:$0x1B580] =	vst v63  }
0x241: {  	s25 =	sadd.s32 $0x1C00, s6;
	s30 =	simm.s32 $0x11F80  }
0x242: {  	[hbm4b:s25+s8] =	stream.strided.scatter [tilespmem:s30], [sflag:$0x5], $0x640, s22, s8, $0x38;
	[tilespmem:$0x1B580] =	vst v63  }
0x243: {  	s25 =	sadd.s32 $0x1F80, s6;
	s30 =	simm.s32 $0x125C0  }
0x244: {  	[hbm4b:s25+s8] =	stream.strided.scatter [tilespmem:s30], [sflag:$0x5], $0x640, s22, s8, $0x38;
	[tilespmem:$0x1B580] =	vst v63  }
0x245: {  	s25 =	sadd.s32 $0x2300, s6;
	s30 =	simm.s32 $0x12C00  }
0x246: {  	[hbm4b:s25+s8] =	stream.strided.scatter [tilespmem:s30], [sflag:$0x5], $0x640, s22, s8, $0x38;
	[tilespmem:$0x1B580] =	vst v63  }
0x247: {  	s25 =	sadd.s32 $0x2680, s6;
	s30 =	simm.s32 $0x13240  }
0x248: {  	[hbm4b:s25+s8] =	stream.strided.scatter [tilespmem:s30], [sflag:$0x5], $0x640, s22, s8, $0x38;
	[tilespmem:$0x1B580] =	vst v63  }
0x249: {  	s25 =	sadd.s32 $0x2A00, s6;
	s30 =	simm.s32 $0x13880  }
0x24a: {  	[hbm4b:s25+s8] =	stream.strided.scatter [tilespmem:s30], [sflag:$0x5], $0x640, s22, s8, $0x38;
	[tilespmem:$0x1B580] =	vst v63  }
0x24b: {  	s25 =	sadd.s32 $0x2D80, s6;
	s30 =	simm.s32 $0x13EC0  }
0x24c: {  	[hbm4b:s25+s8] =	stream.strided.scatter [tilespmem:s30], [sflag:$0x5], $0x640, s22, s8, $0x38;
	[tilespmem:$0x1B580] =	vst v63  }
0x24d: {  	s25 =	sadd.s32 $0x3100, s6;
	s30 =	simm.s32 $0x14500  }
0x24e: {  	[hbm4b:s25+s8] =	stream.strided.scatter [tilespmem:s30], [sflag:$0x5], $0x640, s22, s8, $0x38;
	[tilespmem:$0x1B580] =	vst v63  }
0x24f: {  	s25 =	sadd.s32 $0x3480, s6;
	s30 =	simm.s32 $0x14B40  }
0x250: {  	[hbm4b:s25+s8] =	stream.strided.scatter [tilespmem:s30], [sflag:$0x5], $0x640, s22, s8, $0x38;
	[tilespmem:$0x1B580] =	vst v63  }
0x251: {  	s25 =	sadd.s32 $0x3800, s6;
	s30 =	simm.s32 $0x15180  }
0x252: {  	[hbm4b:s25+s8] =	stream.strided.scatter [tilespmem:s30], [sflag:$0x5], $0x640, s22, s8, $0x38;
	[tilespmem:$0x1B580] =	vst v63  }
0x253: {  	s25 =	sadd.s32 $0x3B80, s6;
	s30 =	simm.s32 $0x157C0  }
0x254: {  	[hbm4b:s25+s8] =	stream.strided.scatter [tilespmem:s30], [sflag:$0x5], $0x640, s22, s8, $0x38;
	[tilespmem:$0x1B580] =	vst v63  }
0x255: {  	s25 =	sadd.s32 $0x3F00, s6;
	s30 =	simm.s32 $0x15E00  }
0x256: {  	[hbm4b:s25+s8] =	stream.strided.scatter [tilespmem:s30], [sflag:$0x5], $0x640, s22, s8, $0x38;
	[tilespmem:$0x1B580] =	vst v63  }
0x257: {  	s25 =	sadd.s32 $0x4280, s6;
	s30 =	simm.s32 $0x16440  }
0x258: {  	[hbm4b:s25+s8] =	stream.strided.scatter [tilespmem:s30], [sflag:$0x5], $0x640, s22, s8, $0x38;
	[tilespmem:$0x1B580] =	vst v63  }
0x259: {  	s25 =	sadd.s32 $0x4600, s6;
	s30 =	simm.s32 $0x16A80  }
0x25a: {  	[hbm4b:s25+s8] =	stream.strided.scatter [tilespmem:s30], [sflag:$0x5], $0x640, s22, s8, $0x38;
	[tilespmem:$0x1B580] =	vst v63  }
0x25b: {  	s25 =	sadd.s32 $0x4980, s6;
	s30 =	simm.s32 $0x170C0  }
0x25c: {  	[hbm4b:s25+s8] =	stream.strided.scatter [tilespmem:s30], [sflag:$0x5], $0x640, s22, s8, $0x38;
	[tilespmem:$0x1B580] =	vst v63  }
0x25d: {  	s25 =	sadd.s32 $0x4D00, s6;
	s30 =	simm.s32 $0x17700  }
0x25e: {  	[hbm4b:s25+s8] =	stream.strided.scatter [tilespmem:s30], [sflag:$0x5], $0x640, s22, s8, $0x38;
	[tilespmem:$0x1B580] =	vst v63  }
0x25f: {  	s25 =	sadd.s32 $0x5080, s6;
	s30 =	simm.s32 $0x17D40  }
0x260: {  	[hbm4b:s25+s8] =	stream.strided.scatter [tilespmem:s30], [sflag:$0x5], $0x640, s22, s8, $0x38;
	[tilespmem:$0x1B580] =	vst v63  }
0x261: {  	s25 =	sadd.s32 $0x5400, s6;
	s30 =	simm.s32 $0x18380  }
0x262: {  	[hbm4b:s25+s8] =	stream.strided.scatter [tilespmem:s30], [sflag:$0x5], $0x640, s22, s8, $0x38;
	[tilespmem:$0x1B580] =	vst v63  }
0x263: {  	s25 =	sadd.s32 $0x5780, s6;
	s30 =	simm.s32 $0x189C0  }
0x264: {  	[hbm4b:s25+s8] =	stream.strided.scatter [tilespmem:s30], [sflag:$0x5], $0x640, s22, s8, $0x38;
	[tilespmem:$0x1B580] =	vst v63  }
0x265: {  	s25 =	sadd.s32 $0x5B00, s6;
	s30 =	simm.s32 $0x19000  }
0x266: {  	[hbm4b:s25+s8] =	stream.strided.scatter [tilespmem:s30], [sflag:$0x5], $0x640, s22, s8, $0x38;
	[tilespmem:$0x1B580] =	vst v63  }
0x267: {  	s25 =	sadd.s32 $0x5E80, s6;
	s30 =	simm.s32 $0x19640  }
0x268: {  	[hbm4b:s25+s8] =	stream.strided.scatter [tilespmem:s30], [sflag:$0x5], $0x640, s22, s8, $0x38;
	[tilespmem:$0x1B580] =	vst v63  }
0x269: {  	s25 =	sadd.s32 $0x6200, s6;
	s30 =	simm.s32 $0x19C80  }
0x26a: {  	[hbm4b:s25+s8] =	stream.strided.scatter [tilespmem:s30], [sflag:$0x5], $0x640, s22, s8, $0x38;
	[tilespmem:$0x1B580] =	vst v63  }
0x26b: {  	s25 =	sadd.s32 $0x6580, s6;
	s30 =	simm.s32 $0x1A2C0  }
0x26c: {  	[hbm4b:s25+s8] =	stream.strided.scatter [tilespmem:s30], [sflag:$0x5], $0x640, s22, s8, $0x38;
	[tilespmem:$0x1B580] =	vst v63  }
.Ltmp7:
0x26d: {  	_ = 	snop;
	(pc) =	sbr.rel @p0 .LBB2_14-.Ltmp7, $4  }
0x26e: {  	s2 =	sadd.s32 $0x6900, s6;
	s25 =	simm.s32 $0x1A900  }
0x26f: {  	[hbm4b:s2+s8] =	stream.strided.scatter [tilespmem:s25], [sflag:$0x5], $0x640, s22, s8, $0x38;
	[tilespmem:$0x1B580] =	vst v63  }
0x270: {  	s6 =	sadd.s32 $0x6C80, s6;
	s30 =	simm.s32 $0x1AF40  }
0x271: {  	[hbm4b:s6+s8] =	stream.strided.scatter [tilespmem:s30], [sflag:$0x5], $0x640, s22, s8, $0x38;
	[tilespmem:$0x1B580] =	vst v63  }
0x272: {  	s6 =	smul.u32 $0xC80, s3  }
.Ltmp8:
0x273: {  	_ = 	snop;
	(pc) =	sbr.rel .LBB2_4-.Ltmp8, $4  }
0x274: {  	s6 =	sadd.s32 s6, s21  }
0x275: {  	s6 =	sshrl.u32 s6, $0x3  }
0x276: {  	s2 =	simm.s32 $0x0;
	s3 =	sadd.s32 $0x1, s3;
	s6 =	sadd.s32 s4, s6  }
0x277: {  	[tilespmem:s24], [sflag:$0x1] =	stream.linear.gather [hbm4b:s6+s2], $0x640, $0x38;
	[tilespmem:$0x1B580] =	vst v63  }
.LBB2_15:
0x278: {  	_ =	sfence.sel $0x180000  }
0x279: {  	[bflag:$0x0] =	sbarrier.arrive $0xFFFF  }
0x27a: {  	_ =	strace $0x90000047  }
0x27b: {  	s0 =	stileid.u32;
	[bflag:$0x2] =	sbarrier.arrive $0xFFFF  }
0x27c: {  	p0 =	sne.s32 s0, $0x0;
	s0 =	rddreg [dreg:$0x2]  }
0x27d: {  	s0 =	sadd.s32 @!p0 $0x100000, s0  }
0x27e: {  	[sflag:s0] =	ssyncadd.tile.s32 @!p0 $0x1;
	_ =	shalt  }
.Lfunc_end2:
_tile_overlayer_lowered:
.L_overlay_start_2:
0x27f: {  	(tag) =	ssettag $0x2  }
0x280: {  	s0 =	rddreg [dreg:$0x0];
	s2 =	stileid.u32  }
0x281: {  	s1 =	rddreg [dreg:$0x1];
	p0 =	sne.s32 s2, $0x0  }
0x282: {  	s3 =	rddreg [dreg:$0x2];
	[bflag:$0x3] =	sbarrier.arrive $0xFFFF;
	s2 =	simm.s32 @!p0 $0x1C06  }
0x283: {  	[timem:s3], [sflag:s2] =	dma.local @!p0 [hbm:s0], s1  }
0x284: {  	s0 =	simm.s32 @!p0 $0x6  }
0x285: {  	_ =	swait.ge @!p0 [sflag:s0], s1  }
0x286: {  	s1 =	ssub.s32 @!p0 $0x0, s1;
	[sflag:s0] =	ssyncset.done @!p0 $0x0  }
0x287: {  	[sflag:s0] =	ssyncadd.s32 @!p0 s1  }
0x288: {  	[bflag:$0x3] =	sbarrier.arrive $0xFFFF  }
0x289: {  	_ =	shalt  }

// kernel: sparse-core-data-format-call.cloned.1.call-start
scs
called_computation_lowered:
.L_overlay_start_0:
0x0: {  	s2 =	sld [smem:$0x3FD9]  }
0x1: {  	s3 =	sld [smem:$0x3FFE];
	_ =	sdelay $0x1  }
0x2: {  	s1 =	srdreg.scid  }
0x3: {  	s0 =	sand.u32 $0x1, s1  }
0x4: {  	s18 =	sshll.u32 s0, $0xA;
	s2 =	sadd.s32 s3, s2  }
0x5: {  	s2 =	sadd.s32 s2, s18  }
0x6: {  	[smem:$0x3FC6] =	sst s2  }
0x7: {  	_ = 	snop  }
0x8: {  	s2 =	sld [smem:$0x3FD0];
	(tm) =	ssettm $0x1  }
0x9: {  	s19 =	sld [smem:$0x3FFB];
	_ =	sdelay $0x3  }
0xa: {  	_ =	strace s19  }
0xb: {  	s3 =	sld [smem:$0x3FFC];
	_ =	sdelay $0x3  }
0xc: {  	_ =	strace s3  }
0xd: {  	s3 =	sld [smem:$0x3FFD];
	_ =	sdelay $0x3  }
0xe: {  	_ =	strace s3  }
0xf: {  	_ =	strace $0x8FFFFFFF  }
0x10: {  	s20 =	sld [smem:$0x3FDB];
	_ =	sdelay $0x1  }
0x11: {  	s4 =	simm.s32 $_scs_section_size  }
0x12: {  	s5 =	simm.s32 $_size__tile_overlayer_lowered;
	s6 =	simm.s32 $_tile_overlayer_lowered  }
0x13: {  	s23 =	simm.s32 $0x1BFF;
	s22 =	sshll.u32 s6, $0x1;
	s3 =	sadd.s32 s4, s20  }
0x14: {  	s7 =	simm.s32 $0x0;
	s21 =	sshll.u32 s5, $0x1;
	s5 =	sadd.s32 s22, s3  }
0x15: {  	[timem:s7], [sflag:s23] =	dma.local [hbm:s5], s21  }
0x16: {  	_ =	swait.ge [sflag:s23], s21  }
0x17: {  	s4 =	ssub.s32 $0x0, s21;
	[sflag:s23] =	ssyncset.done $0x0  }
0x18: {  	[sflag:s23] =	ssyncadd.s32 s4;
	_ =	sdelay $0x1  }
0x19: {  	s24 =	simm.s32 $0x1B8B  }
0x1a: {  	_ =	swait.ge [sflag:s24], $0x1  }
0x1b: {  	[sflag:s24] =	ssyncset.done $0x0  }
0x1c: {  	s26 =	simm.s32 $0x1B8E;
	s25 =	sld [smem:$0x3FFE];
	[sflag:s24] =	ssyncadd.s32 $0xFFFFFFFF  }
0x1d: {  	s27 =	simm.s32 $execute0_lowered;
	[smem:$0x3FD2] =	sst s26  }
0x1e: {  	s5 =	sshll.u32 s27, $0x1;
	_ =	strace $0x80000049;
	[dreg:$0x1] =	wrdreg $0xFFFFFFFF  }
0x1f: {  	s28 =	simm.s32 $_size_execute0_lowered;
	s3 =	sadd.s32 s3, s5;
	[dreg:$0x0] =	wrdreg $0x0  }
0x20: {  	s5 =	sshll.u32 s28, $0x1;
	[dreg:$0x2] =	wrdreg s3  }
0x21: {  	[dreg:$0x3] =	wrdreg s5  }
0x22: {  	[dreg:$0x4] =	wrdreg $0xC0  }
0x23: {  	_ =	task [dreg:s7], $0x5FFFF  }
0x24: {  	[dreg:$0x1] =	wrdreg $0xFFFFFFFF  }
0x25: {  	[dreg:$0x0] =	wrdreg $0x60  }
0x26: {  	[dreg:$0x2] =	wrdreg s25  }
0x27: {  	[dreg:$0x3] =	wrdreg s2  }
0x28: {  	[dreg:$0x4] =	wrdreg $0x9  }
0x29: {  	_ =	task.clear_ibuf [dreg:s7], $0x5FFFF;
	_ =	strace $0x90000049  }
0x2a: {  	s29 =	simm.s32 $0x9;
	_ =	strace $0x8000004B  }
0x2b: {  	_ =	swait.ge [sflag:s29], $0x1  }
0x2c: {  	[sflag:s29] =	ssyncadd.s32 $0xFFFFFFFF  }
0x2d: {  	_ =	strace $0x9000004B  }
0x2e: {  	_ =	sfence  }
0x2f: {  	s30 =	sld [smem:$0x0];
	_ =	sdelay $0x2  }
0x30: {  	s31 =	sshll.u32 s1, $0xD;
	s1 =	sshrl.u32 s1, $0x2  }
0x31: {  	s3 =	sand.u32 $0x4000, s31;
	s1 =	sadd.s32 s1, s30  }
0x32: {  	s0 =	sor.u32 s3, s0;
	s1 =	sshll.u32 s1, $0x11  }
0x33: {  	s0 =	sor.u32 s1, s0  }
0x34: {  	s0 =	sadd.s32 $0x8F2B, s0  }
0x35: {  	[sflag:s0] =	ssyncadd.remote.s32 $0x1  }
0x36: {  	_ =	sfence.sel $0xFFFF  }
0x37: {  	[dreg:$0x0] =	wrdreg $0xFFFFFFFF;
	(pc) =	sbr.abs _section_cstart, $3  }
0x38: {  	[dreg:$0x1] =	wrdreg $0xFFFFFFFF  }
0x39: {  	_ =	task.clear_ibuf [dreg:s7], $0x2FFFF;
	_ =	strace $0x9FFFFFFF  }
0x3a: {  	(tm) =	ssettm $0x7FFFFFFF  }
0x3b: {  	_ =	shalt  }
tec
execute0_lowered:
.L_overlay_start_1:
0x0: {  	(tag) =	ssettag $0x1  }
0x1: {  	s0 =	srdreg.scid  }
0x2: {  	s1 =	sshll.u32 s0, $0x4  }
0x3: {  	s0 =	stileid.u32;
	s1 =	sand.u32 $0x10, s1  }
0x4: {  	s1 =	sor.u32 s0, s1  }
0x5: {  	s6 =	rddreg [dreg:$0x0];
	s4 =	simm.s32 $0x1;
	s2 =	sshll.u32 s1, $0x7  }
0x6: {  	s7 =	simm.s32 $0x2;
	s12 =	simm.s32 $0x0;
	s1 =	ssub.s32 $0x4000, s2  }
0x7: {  	s8 =	simm.s32 $0x20000;
	s13 =	simm.s32 $0x0;
	s3 =	sand.u32 $0xF80, s1  }
0x8: {  	s9 =	simm.s32 $0x0;
	s5 =	sshrl.u32 s1, $0xC;
	p0 =	sne.s32 s3, $0x0  }
.Ltmp0:
0x9: {  	s1 =	rddreg [dreg:$0x2];
	s4 =	simm.s32 @!p0 $0x0;
	(pc) =	sbr.rel .LBB1_1-.Ltmp0, $4  }
0xa: {  	s11 =	simm.s32 $0x0;
	s3 =	rddreg [dreg:$0x1];
	s5 =	sadd.s32 s4, s5  }
0xb: {  	_ =	strace $0x8000004A;
	s4 =	simm.s32 $0x1;
	s5 =	smul.u32 $0x32, s5  }
0xc: {  	s6 =	sadd.s32 $0xB8B800, s6;
	s10 =	smov.u32 s2;
	[sflag:s4] =	ssyncpa.u1 $0x0  }
0xd: {  	p0 =	por $0x0, $0x0;
	[sflag:s7] =	ssyncpa.u1 $0x0;
	s7 =	sor.u32 $0x1, s5  }
.LBB1_4:
0xe: {  	s16 =	sshll.u32 s13, $0x3;
	s17 =	sand.u32 $0x78, s13  }
0xf: {  	s30 =	sand.u32 $0xF800, s13;
	s12 =	sshll.u32 s12, $0x10;
	s16 =	sand.u32 $0x3C00, s16  }
0x10: {  	s31 =	sand.u32 $0x7, s13;
	s16 =	sor.u32 s17, s16;
	s17 =	sadd.s32 s3, s30  }
0x11: {  	s13 =	sshll.u32 s31, $0x12;
	s16 =	sshrl.u32 s16, $0x3;
	s12 =	sadd.s32 s12, s17  }
0x12: {  	[tilespmem:s15+$0x0 ss:$0x81] =	vst.msk $0xffff, v0;
	s13 =	sor.u32 $0x400, s13;
	s12 =	sadd.s32 s16, s12  }
0x13: {  	[hbm4b:s12+s13] =	stream.strided.scatter [tilespmem:s14], [sflag:$0x2], $0x1000, s8, s13, $0x20;
	[tilespmem:$0x4040] =	vst v63  }
.LBB1_5:
0x14: {  	s14 =	sadd.s32 $0x1, s9  }
0x15: {  	s12 =	sadd.s32 $0x1000, s10;
	s16 =	smov.u32 s10;
	p2 =	sgt.s32 s14, $0x31  }
0x16: {  	s16 =	smov.u32 @p2 s12  }
0x17: {  	s14 =	simm.s32 @p2 $0x0;
	p2 =	sgt.s32 s16, $0x3FFF  }
0x18: {  	s16 =	smov.u32 @p2 s2;
	p2 =	sne.s32 s11, s7  }
.Ltmp1:
0x19: {  	p1 =	slt.u32 s11, $0x2;
	(pc) =	sbr.rel @!p2 .LBB1_6-.Ltmp1, $4  }
0x1a: {  	s15 =	simm.s32 @!p1 $0x2  }
0x1b: {  	s13 =	smov.u32 s10;
	p0 =	por !p0, !p0;
	_ =	swait.ge @!p1 [sflag:s15], $0x1000  }
0x1c: {  	s12 =	smov.u32 s9;
	[sflag:s15] =	ssyncset.done @!p1 $0x0;
	s9 =	smov.u32 s14  }
0x1d: {  	s11 =	sadd.s32 $0x1, s11;
	[sflag:s15] =	ssyncadd.s32 @!p1 $0xFFFFF000;
	s10 =	smov.u32 s16  }
.LBB1_1:
0x1e: {  	p1 =	sge.u32 s11, s5  }
0x1f: {  	s14 =	sand.u32 @!p1 $0x1FFFFFF, s9  }
0x20: {  	s15 =	smulhi.u32 @!p1 $0x4924925, s14;
	_ =	sdelay $0x1  }
0x21: {  	s15 =	smul.u32 @!p1 $0x38, s15  }
0x22: {  	s16 =	sxor.u32 @!p1 $0xFFFFFFFF, s11;
	s17 =	smul.u32 @!p1 $0x380, s10  }
0x23: {  	s31 =	sadd.s32 $0xFFFFFFFF, s11;
	s16 =	sshll.u32 @!p1 s16, $0xC;
	s14 =	ssub.s32 @!p1 s14, s15  }
0x24: {  	s15 =	sand.u32 @!p1 $0x1000, s16;
	s16 =	sadd.s32 @!p1 s6, s17;
	s14 =	sshll.u32 @!p1 s14, $0x4  }
0x25: {  	s17 =	simm.s32 @!p1 $0x1C00;
	s14 =	sadd.s32 @!p1 s14, s16;
	s16 =	simm.s32 @!p1 $0x20  }
0x26: {  	[tilespmem:s15], [sflag:$0x1] =	stream.strided.gather @!p1 [hbm4b:s14+s16], $0x1000, s17, s16, $0x38;
	[tilespmem:$0x4040] =	vst v63  }
0x27: {  	p1 =	sge.u32 s31, s5  }
.Ltmp2:
0x28: {  	_ = 	snop;
	(pc) =	sbr.rel @p1 .LBB1_5-.Ltmp2, $1  }
0x29: {  	_ =	sdelay $0x3  }
0x2a: {  	s14 =	simm.s32 $0x1  }
0x2b: {  	_ =	swait.ge [sflag:s4], $0x1000;
	s14 =	simm.s32 @!p0 $0x0  }
0x2c: {  	[sflag:s4] =	ssyncset.done $0x0;
	s15 =	sshll.u32 s14, $0xC  }
0x2d: {  	[sflag:s4] =	ssyncadd.s32 $0xFFFFF000;
	s18 =	sor.u32 $0x10, s15  }
0x2e: {  	s14 =	smul.u32 $0x4080, s14;
	v1 =	vld [tilespmem:s18+$0x0]  }
0x2f: {  	s30 =	sand.u32 $0x1, s11;
	v0 =	vld [tilespmem:s18+$0xFFFFFFF0]  }
0x30: {  	s15 =	smul.u32 $0x4080, s30;
	s14 =	sshrl.u32 s14, $0x2  }
0x31: {  	s16 =	sor.u32 $0x2000, s14  }
0x32: {  	s31 =	sshrl.u32 s15, $0x2;
	s15 =	sadd.s32 $0x0, s16  }
0x33: {  	s17 =	simm.s32 $0x4;
	s18 =	sadd.s32 $0x20, s18;
	s14 =	sor.u32 $0x2000, s31;
	[tilespmem:s15+$0x810 ss:$0x81] =	vst.msk $0xffff, v1  }
.LBB1_3:
0x34: {  	v1 =	vld [tilespmem:s18+$0x0];
	p1 =	sne.s32 s17, $0x1FC;
	[tilespmem:s15+$0x0 ss:$0x81] =	vst.msk $0xffff, v0;
	s15 =	smov.u32 s17;
	s17 =	sadd.s32 $0x4, s17  }
.Ltmp3:
0x35: {  	v0 =	vld [tilespmem:s18+$0xFFFFFFF0];
	(pc) =	sbr.rel @p1 .LBB1_3-.Ltmp3, $4  }
0x36: {  	_ = 	snop  }
0x37: {  	s15 =	sshra.s32 s15, $0x2  }
0x38: {  	s15 =	sadd.s32 s15, s16  }
0x39: {  	s18 =	sadd.s32 $0x20, s18;
	[tilespmem:s15+$0x810 ss:$0x81] =	vst.msk $0xffff, v1  }
.Ltmp4:
0x3a: {  	_ = 	snop;
	(pc) =	sbr.rel .LBB1_4-.Ltmp4, $1  }
0x3b: {  	_ =	sdelay $0x3  }
.LBB1_6:
0x3c: {  	_ =	sfence.sel $0x180000  }
0x3d: {  	s2 =	simm.s32 $0x1;
	[bflag:$0x0] =	sbarrier.arrive $0xFFFF  }
0x3e: {  	s31 =	simm.s32 $0x2;
	[sflag:s2] =	ssyncpa.u1 $0x1  }
0x3f: {  	[sflag:s31] =	ssyncpa.u1 $0x1  }
0x40: {  	p0 =	sne.s32 s0, $0x0;
	_ =	strace $0x9000004A  }
0x41: {  	s0 =	sadd.s32 @!p0 $0x100000, s1;
	[bflag:$0x2] =	sbarrier.arrive $0xFFFF  }
0x42: {  	[sflag:s0] =	ssyncadd.tile.s32 @!p0 $0x1;
	_ =	shalt  }
.Lfunc_end1:
_tile_overlayer_lowered:
.L_overlay_start_2:
0x43: {  	(tag) =	ssettag $0x2  }
0x44: {  	s0 =	rddreg [dreg:$0x0];
	s2 =	stileid.u32  }
0x45: {  	s1 =	rddreg [dreg:$0x1];
	p0 =	sne.s32 s2, $0x0  }
0x46: {  	s3 =	rddreg [dreg:$0x2];
	[bflag:$0x3] =	sbarrier.arrive $0xFFFF;
	s2 =	simm.s32 @!p0 $0x1C01  }
0x47: {  	[timem:s3], [sflag:s2] =	dma.local @!p0 [hbm:s0], s1  }
0x48: {  	s0 =	simm.s32 @!p0 $0x1  }
0x49: {  	_ =	swait.ge @!p0 [sflag:s0], s1  }
0x4a: {  	s1 =	ssub.s32 @!p0 $0x0, s1;
	[sflag:s0] =	ssyncset.done @!p0 $0x0  }
0x4b: {  	[sflag:s0] =	ssyncadd.s32 @!p0 s1  }
0x4c: {  	[bflag:$0x3] =	sbarrier.arrive $0xFFFF  }
0x4d: {  	_ =	shalt  }

</sc_bundles>
